<compile_context>
chip_gen: v7x
topology: tpu7x:2x2x1
jax: 0.10.2.dev20260603
libtpu: 0.0.44.dev20260713+nightly
codegen_flags: <defaults>
</compile_context>

<pallas_src>
import jax
import jax.numpy as jnp
from jax import lax
from jax.experimental import pallas as pl
from jax.experimental.pallas import tpu as pltpu
from jax.experimental.pallas import tpu_sc as plsc

_N = 10000
_E = 320000
_D = 128
_HID = 256
_G = 64
_CH = 128
_NTILE = 16
_RT = 160
_EPAD = _RT * _CH * _NTILE
_NP = 10112
_RPT = _NP // _NTILE
_DUMMY = _N

_R = 1000
_NBLK = _N // _R



_GRP = 8


def _make_sc_agg():
    mesh = plsc.VectorSubcoreMesh(core_axis_name="c", subcore_axis_name="s")
    outs = (jax.ShapeDtypeStruct((_NP, _D), jnp.float32),
            jax.ShapeDtypeStruct((_NP, _D), jnp.float32))
    scratch = (
        pltpu.VMEM((_GRP, _CH), jnp.int32),
        pltpu.VMEM((_GRP, _CH), jnp.int32),
        pltpu.VMEM((_CH, _D), jnp.float32),
        pltpu.VMEM((_CH, _D), jnp.float32),
        pltpu.VMEM_SHARED((_NP, _D), jnp.float32),
        pltpu.SemaphoreType.DMA,
        pltpu.SemaphoreType.DMA,
        pltpu.SemaphoreType.DMA,
        pltpu.SemaphoreType.DMA,
    )

    def body(src2d, dst2d, tab_lo, tab_hi, zeros_np,
             agg_lo, agg_hi, src_v, dst_v, rowsA, rowsB, acc_sh,
             gsA, gsB, ssA, ssB):
        c = lax.axis_index("c")
        s = lax.axis_index("s")
        base = s * _RPT

        pltpu.sync_copy(zeros_np.at[pl.ds(base, _RPT)],
                        acc_sh.at[pl.ds(base, _RPT)])
        plsc.subcore_barrier()

        bufs = (rowsA, rowsB)
        gsems = (gsA, gsB)
        ssems = (ssA, ssB)

        def edge_loop(tab):
            def group(g, _):
                rbase = s * _RT + g * _GRP
                pltpu.sync_copy(src2d.at[pl.ds(rbase, _GRP)], src_v)
                pltpu.sync_copy(dst2d.at[pl.ds(rbase, _GRP)], dst_v)
                gd = [None, None]
                gd[0] = pltpu.async_copy(tab.at[src_v.at[0]], bufs[0],
                                         gsems[0])
                gd[1] = pltpu.async_copy(tab.at[src_v.at[1]], bufs[1],
                                         gsems[1])
                for r in range(_GRP):
                    p = r % 2
                    gd[p].wait()
                    sd = pltpu.async_copy(bufs[p], acc_sh.at[dst_v.at[r]],
                                          ssems[p], add=True)
                    sd.wait()
                    if r + 2 < _GRP:
                        gd[p] = pltpu.async_copy(tab.at[src_v.at[r + 2]],
                                                 bufs[p], gsems[p])
                return 0
            lax.fori_loop(0, _RT // _GRP, group, 0)

        @pl.when(c == 0)
        def _():
            edge_loop(tab_lo)

        @pl.when(c == 1)
        def _():
            edge_loop(tab_hi)

        plsc.subcore_barrier()

        @pl.when(c == 0)
        def _():
            pltpu.sync_copy(acc_sh.at[pl.ds(base, _RPT)],
                            agg_lo.at[pl.ds(base, _RPT)])

        @pl.when(c == 1)
        def _():
            pltpu.sync_copy(acc_sh.at[pl.ds(base, _RPT)],
                            agg_hi.at[pl.ds(base, _RPT)])

    return pl.kernel(body, out_type=outs, mesh=mesh, scratch_types=scratch)


def _make_sc_count():
    mesh = plsc.VectorSubcoreMesh(core_axis_name="c", subcore_axis_name="s")
    outs = (jax.ShapeDtypeStruct((_NP, _D), jnp.float32),
            jax.ShapeDtypeStruct((_NP, _D), jnp.float32))
    scratch = (
        pltpu.VMEM((_CH,), jnp.int32),
        pltpu.VMEM((_CH, _D), jnp.float32),
        pltpu.VMEM_SHARED((_NP, _D), jnp.float32),
    )
    half = _RT // 2

    def body(dst_flat, zeros_np, ones_hbm, cnt0, cnt1,
             dst_v, ones_v, acc_sh):
        c = lax.axis_index("c")
        s = lax.axis_index("s")
        base = s * _RPT
        pltpu.sync_copy(zeros_np.at[pl.ds(base, _RPT)],
                        acc_sh.at[pl.ds(base, _RPT)])
        pltpu.sync_copy(ones_hbm, ones_v)
        plsc.subcore_barrier()

        def chunk(i, _):
            ebase = (s * _RT + c * half + i) * _CH
            pltpu.sync_copy(dst_flat.at[pl.ds(ebase, _CH)], dst_v)
            pltpu.sync_copy(ones_v, acc_sh.at[dst_v], add=True)
            return 0
        lax.fori_loop(0, half, chunk, 0)
        plsc.subcore_barrier()

        @pl.when(c == 0)
        def _():
            pltpu.sync_copy(acc_sh.at[pl.ds(base, _RPT)],
                            cnt0.at[pl.ds(base, _RPT)])

        @pl.when(c == 1)
        def _():
            pltpu.sync_copy(acc_sh.at[pl.ds(base, _RPT)],
                            cnt1.at[pl.ds(base, _RPT)])

    return pl.kernel(body, out_type=outs, mesh=mesh, scratch_types=scratch)


import functools as _functools


@_functools.lru_cache(maxsize=None)
def _sc_agg_fn():
    return _make_sc_agg()


@_functools.lru_cache(maxsize=None)
def _sc_count_fn():
    return _make_sc_count()


def _sc_agg(srcp, dstp, tlo, thi):
    zeros_np = jnp.zeros((_NP, _D), jnp.float32)
    return _sc_agg_fn()(srcp, dstp, tlo, thi, zeros_np)


def _sc_count(dstp):
    zeros_np = jnp.zeros((_NP, _D), jnp.float32)
    ones128 = jnp.ones((_CH, _D), jnp.float32)
    return _sc_count_fn()(dstp, zeros_np, ones128)



def _ln(x, g, b):
    mu = jnp.mean(x, axis=-1, keepdims=True)
    var = jnp.mean((x - mu) ** 2, axis=-1, keepdims=True)
    return (x - mu) / jnp.sqrt(var + 1e-5) * g + b


def _dot(a, b):
    return jnp.dot(a, b, preferred_element_type=jnp.float32)


def _stage2_body(nref, eref, alref, ahref, c0ref, c1ref, wl, blr, wr, w1,
                 b1r, w2, b2r, gmr, bmr, wpm, bpmr, hlo, hhi, hmp):
    x = jnp.concatenate([nref[...], eref[...]], axis=1)
    inv = 1.0 / jnp.maximum(c0ref[...][:, 0:1] + c1ref[...][:, 0:1], 1.0)
    mean = jnp.concatenate([alref[...], ahref[...]], axis=1) * inv
    h = jnp.maximum(_dot(mean, wl[...]) + blr[...] + _dot(x, wr[...]), 0.0)
    hlo[...] = h[:, :_D]
    hhi[...] = h[:, _D:]
    m = _dot(jnp.maximum(_dot(x, w1[...]) + b1r[...], 0.0), w2[...]) + b2r[...]
    m = _ln(m, gmr[...], bmr[...])
    hmp[...] = _dot(m, wpm[...]) + bpmr[...]


def _row_spec(w):
    return pl.BlockSpec((_R, w), lambda i: (i, 0))


def _full_spec(shape):
    return pl.BlockSpec(shape, lambda i: tuple(0 for _ in shape))


def _stage2(normal, extreme, agg_lo, agg_hi, cnt0, cnt1, wl, bl, wr, w1, b1,
            w2, b2, gm, bm, wpm, bpm):
    in_specs = [
        _row_spec(_D), _row_spec(_D), _row_spec(_D), _row_spec(_D),
        _row_spec(_D), _row_spec(_D),
        _full_spec((_HID, _HID)), _full_spec((1, _HID)),
        _full_spec((_HID, _HID)),
        _full_spec((_HID, _HID)), _full_spec((1, _HID)),
        _full_spec((_HID, _HID)), _full_spec((1, _HID)),
        _full_spec((1, _HID)), _full_spec((1, _HID)),
        _full_spec((_HID, _HID)), _full_spec((1, _HID)),
    ]
    out_specs = [_row_spec(_D), _row_spec(_D), _row_spec(_HID)]
    return pl.pallas_call(
        _stage2_body,
        grid=(_NBLK,),
        in_specs=in_specs,
        out_specs=out_specs,
        out_shape=[jax.ShapeDtypeStruct((_N, _D), jnp.float32),
                   jax.ShapeDtypeStruct((_N, _D), jnp.float32),
                   jax.ShapeDtypeStruct((_N, _HID), jnp.float32)],
    )(normal, extreme, agg_lo, agg_hi, cnt0, cnt1, wl, bl, wr, w1, b1, w2,
      b2, gm, bm, wpm, bpm)


def _stage4_body(alref, ahref, c0ref, c1ref, hloref, hhiref, hmpref, bref,
                 wl, blr, wr, ggr, gbr, wpg, bpgr, wg, bgr, fcw, fcbr, out,
                 gs_acc, gc_acc):
    i = pl.program_id(0)

    @pl.when(i == 0)
    def _():
        gs_acc[...] = jnp.zeros_like(gs_acc)
        gc_acc[...] = jnp.zeros_like(gc_acc)

    inv = 1.0 / jnp.maximum(c0ref[...][:, 0:1] + c1ref[...][:, 0:1], 1.0)
    mean = jnp.concatenate([alref[...], ahref[...]], axis=1) * inv
    hg0 = jnp.concatenate([hloref[...], hhiref[...]], axis=1)
    h = jnp.maximum(_dot(mean, wl[...]) + blr[...] + _dot(hg0, wr[...]), 0.0)
    h = _ln(h, ggr[...], gbr[...])
    hgp = _dot(h, wpg[...]) + bpgr[...]
    hmp = hmpref[...]
    wgm = wg[...]
    a = jax.nn.sigmoid(_dot(hgp, wgm[:_HID]) + _dot(hmp, wgm[_HID:]) + bgr[...])
    hf = a * hgp + (1.0 - a) * hmp

    oh = (bref[...] == lax.broadcasted_iota(jnp.int32, (1, _G), 1))
    oh = oh.astype(jnp.float32)
    dn = (((0,), (0,)), ((), ()))
    gs_acc[...] += lax.dot_general(oh, hf, dn,
                                   preferred_element_type=jnp.float32)
    gc_acc[...] += lax.dot_general(oh, jnp.ones((_R, 128), jnp.float32), dn,
                                   preferred_element_type=jnp.float32)

    @pl.when(i == _NBLK - 1)
    def _():
        g = gs_acc[...] / jnp.maximum(gc_acc[...][:, 0:1], 1.0)
        out[...] = jax.nn.sigmoid(_dot(g, fcw[...]) + fcbr[...])


def _stage4(agg_lo, agg_hi, cnt0, cnt1, hlo, hhi, hmp, batch2d, wl, bl, wr,
            gg, gb, wpg, bpg, wg, bg, fcw, fcb):
    in_specs = [
        _row_spec(_D), _row_spec(_D), _row_spec(_D), _row_spec(_D),
        _row_spec(_D), _row_spec(_D), _row_spec(_HID),
        _row_spec(1),
        _full_spec((_HID, _HID)), _full_spec((1, _HID)),
        _full_spec((_HID, _HID)),
        _full_spec((1, _HID)), _full_spec((1, _HID)),
        _full_spec((_HID, _HID)), _full_spec((1, _HID)),
        _full_spec((2 * _HID, _HID)), _full_spec((1, _HID)),
        _full_spec((_HID, 128)), _full_spec((1, 128)),
    ]
    return pl.pallas_call(
        _stage4_body,
        grid=(_NBLK,),
        in_specs=in_specs,
        out_specs=_full_spec((_G, 128)),
        out_shape=jax.ShapeDtypeStruct((_G, 128), jnp.float32),
        scratch_shapes=[pltpu.VMEM((_G, _HID), jnp.float32),
                        pltpu.VMEM((_G, 128), jnp.float32)],
    )(agg_lo, agg_hi, cnt0, cnt1, hlo, hhi, hmp, batch2d, wl, bl, wr, gg,
      gb, wpg, bpg, wg, bg, fcw, fcb)



def kernel(normal_features, extreme_features, edge_index, batch, gnn0_Wl,
           gnn0_bl, gnn0_Wr, gnn1_Wl, gnn1_bl, gnn1_Wr, ln_g_gamma,
           ln_g_beta, mlp_W1, mlp_b1, mlp_W2, mlp_b2, ln_m_gamma, ln_m_beta,
           projg_W, projg_b, projm_W, projm_b, gate_W, gate_b, fc_W, fc_b):
    pad = _EPAD - _E
    srcp = jnp.concatenate(
        [edge_index[0], jnp.zeros((pad,), edge_index.dtype)])
    dstp = jnp.concatenate(
        [edge_index[1], jnp.full((pad,), _DUMMY, edge_index.dtype)])
    src2d = srcp.reshape(_EPAD // _CH, _CH)
    dst2d = dstp.reshape(_EPAD // _CH, _CH)

    r1 = lambda v: v.reshape(1, -1)

    cnt0, cnt1 = _sc_count(dstp)
    c0, c1 = cnt0[:_N], cnt1[:_N]
    agg0_lo, agg0_hi = _sc_agg(src2d, dst2d, normal_features,
                               extreme_features)
    hg_lo, hg_hi, hmp = _stage2(
        normal_features, extreme_features, agg0_lo[:_N], agg0_hi[:_N], c0, c1,
        gnn0_Wl, r1(gnn0_bl), gnn0_Wr, mlp_W1, r1(mlp_b1), mlp_W2, r1(mlp_b2),
        r1(ln_m_gamma), r1(ln_m_beta), projm_W, r1(projm_b))

    agg1_lo, agg1_hi = _sc_agg(src2d, dst2d, hg_lo, hg_hi)

    fcw = jnp.pad(fc_W, ((0, 0), (0, 128 - fc_W.shape[1])))
    fcb = jnp.broadcast_to(fc_b.reshape(1, 1), (1, 128))
    outp = _stage4(
        agg1_lo[:_N], agg1_hi[:_N], c0, c1, hg_lo, hg_hi, hmp,
        batch.reshape(_N, 1), gnn1_Wl, r1(gnn1_bl), gnn1_Wr,
        r1(ln_g_gamma), r1(ln_g_beta), projg_W, r1(projg_b), gate_W,
        r1(gate_b), fcw, fcb)
    return outp[:, :1]

# --- scband reference (transcript-rebuilt; emitter-appended) ---
"""Pipeline reference for scband-discriminator-36945308680837 (READ-ONLY COPY).

The authoritative reference and input builder live on the scoring server;
editing this copy changes nothing except your own understanding.
"""

import jax, jax.numpy as jnp
import numpy as np

N = 10000
E = 320000
IN_DIM = 128
HID = 256
PROJ = 256
G = 64

def _dense(k, fin, fout):
    return jax.random.normal(k, (fin, fout), jnp.float32) / jnp.sqrt(float(fin))

def setup_inputs(seed: int = 0):
    key = jax.random.key(seed)
    ks = jax.random.split(key, 32)
    inp = {}
    inp['normal_features'] = jax.random.normal(ks[0], (N, IN_DIM), jnp.float32)
    inp['extreme_features'] = jax.random.normal(ks[1], (N, IN_DIM), jnp.float32)
    inp['edge_index'] = jax.random.randint(ks[2], (2, E), 0, N)
    inp['batch'] = jnp.sort(jax.random.randint(ks[3], (N,), 0, G))
    d2 = 2 * IN_DIM
    inp['gnn0_Wl'] = _dense(ks[4], d2, HID); inp['gnn0_bl'] = jnp.zeros((HID,), jnp.float32); inp['gnn0_Wr'] = _dense(ks[5], d2, HID)
    inp['gnn1_Wl'] = _dense(ks[6], HID, HID); inp['gnn1_bl'] = jnp.zeros((HID,), jnp.float32); inp['gnn1_Wr'] = _dense(ks[7], HID, HID)
    inp['ln_g_gamma'] = jnp.ones((HID,), jnp.float32); inp['ln_g_beta'] = jnp.zeros((HID,), jnp.float32)
    inp['mlp_W1'] = _dense(ks[8], d2, HID); inp['mlp_b1'] = jnp.zeros((HID,), jnp.float32)
    inp['mlp_W2'] = _dense(ks[9], HID, HID); inp['mlp_b2'] = jnp.zeros((HID,), jnp.float32)
    inp['ln_m_gamma'] = jnp.ones((HID,), jnp.float32); inp['ln_m_beta'] = jnp.zeros((HID,), jnp.float32)
    inp['projg_W'] = _dense(ks[10], HID, PROJ); inp['projg_b'] = jnp.zeros((PROJ,), jnp.float32)
    inp['projm_W'] = _dense(ks[11], HID, PROJ); inp['projm_b'] = jnp.zeros((PROJ,), jnp.float32)
    inp['gate_W'] = _dense(ks[12], 2 * PROJ, PROJ); inp['gate_b'] = jnp.zeros((PROJ,), jnp.float32)
    inp['fc_W'] = _dense(ks[13], PROJ, 1); inp['fc_b'] = jnp.zeros((1,), jnp.float32)
    return inp

def _layer_norm(x, g, b):
    mu = jnp.mean(x, axis=-1, keepdims=True)
    var = jnp.var(x, axis=-1, keepdims=True)
    return (x - mu) / jnp.sqrt(var + 1e-5) * g + b

def _sage(x, src, dst, Wl, bl, Wr):
    msg = x[src]
    s = jax.ops.segment_sum(msg, dst, num_segments=N)
    cnt = jax.ops.segment_sum(jnp.ones((E,), x.dtype), dst, num_segments=N)
    mean = s / jnp.clip(cnt, 1.0)[:, None]
    return mean @ Wl + bl + x @ Wr

def reference(normal_features, extreme_features, edge_index, batch, gnn0_Wl, gnn0_bl, gnn0_Wr, gnn1_Wl, gnn1_bl, gnn1_Wr, ln_g_gamma, ln_g_beta, mlp_W1, mlp_b1, mlp_W2, mlp_b2, ln_m_gamma, ln_m_beta, projg_W, projg_b, projm_W, projm_b, gate_W, gate_b, fc_W, fc_b):
    src, dst = edge_index[0], edge_index[1]
    x = jnp.concatenate([normal_features, extreme_features], axis=1)
    hG = jax.nn.relu(_sage(x, src, dst, gnn0_Wl, gnn0_bl, gnn0_Wr))
    hG = jax.nn.relu(_sage(hG, src, dst, gnn1_Wl, gnn1_bl, gnn1_Wr))
    hG = _layer_norm(hG, ln_g_gamma, ln_g_beta)
    hG = hG @ projg_W + projg_b
    hM = jax.nn.relu(x @ mlp_W1 + mlp_b1) @ mlp_W2 + mlp_b2
    hM = _layer_norm(hM, ln_m_gamma, ln_m_beta)
    hM = hM @ projm_W + projm_b
    alpha = jax.nn.sigmoid(jnp.concatenate([hG, hM], axis=1) @ gate_W + gate_b)
    h_fuse = alpha * hG + (1.0 - alpha) * hM
    gs = jax.ops.segment_sum(h_fuse, batch, num_segments=G)
    gc = jax.ops.segment_sum(jnp.ones((N,), h_fuse.dtype), batch, num_segments=G)
    g = gs / jnp.clip(gc, 1.0)[:, None]
    return jax.nn.sigmoid(g @ fc_W + fc_b)

if __name__ == "__main__":
    import jax
    _d = setup_inputs()
    print(jax.jit(kernel)(*tuple(_d.values())))

</pallas_src>

<mosaic_0001>
#map = affine_map<(d0, d1) -> (0, 0)>
module attributes {stable_mosaic.version = 14 : i64} {
  func.func @body(%arg0: i32, %arg1: i32, %arg2: memref<2560x128xi32, #tpu.memory_space<hbm>>, %arg3: memref<2560x128xi32, #tpu.memory_space<hbm>>, %arg4: memref<10000x128xf32, #tpu.memory_space<hbm>>, %arg5: memref<10000x128xf32, #tpu.memory_space<hbm>>, %arg6: memref<10112x128xf32, #tpu.memory_space<hbm>>, %arg7: memref<10112x128xf32, #tpu.memory_space<hbm>>, %arg8: memref<10112x128xf32, #tpu.memory_space<hbm>>, %arg9: memref<8x128xi32, #tpu.memory_space<vmem>>, %arg10: memref<8x128xi32, #tpu.memory_space<vmem>>, %arg11: memref<128x128xf32, #tpu.memory_space<vmem>>, %arg12: memref<128x128xf32, #tpu.memory_space<vmem>>, %arg13: memref<10112x128xf32, #tpu.memory_space<vmem_shared>>, %arg14: memref<!tpu.dma_semaphore, #tpu.memory_space<semaphore_mem>>, %arg15: memref<!tpu.dma_semaphore, #tpu.memory_space<semaphore_mem>>, %arg16: memref<!tpu.dma_semaphore, #tpu.memory_space<semaphore_mem>>, %arg17: memref<!tpu.dma_semaphore, #tpu.memory_space<semaphore_mem>>) attributes {dimension_semantics = [#tpu.dimension_semantics<core_parallel>, #tpu.dimension_semantics<subcore_parallel>], iteration_bounds = array<i64: 2, 16>, scalar_prefetch = 0 : i64, scratch_operands = 9 : i64, tpu.core_type = #tpu.core_type<sc_vector_subcore>, window_params = [{transform_indices = #map}, {transform_indices = #map}, {transform_indices = #map}, {transform_indices = #map}, {transform_indices = #map}, {transform_indices = #map}, {transform_indices = #map}]} {
    %mul3A = arith.constant 632 : i32
    %mul3A_0 = arith.muli %arg1, %mul3A : i32
    "tpu.region"() ({
      %run_scoped3A = tpu.sem_alloc : memref<!tpu.dma_semaphore, #tpu.memory_space<semaphore_mem>>
      %dma_start3A = arith.constant 0 : i32
      %dma_start3A_19 = tpu.memref_slice %arg13[%mul3A_0, %dma_start3A] : memref<10112x128xf32, #tpu.memory_space<vmem_shared>> -> memref<632x128xf32, #tpu.memory_space<vmem_shared>>
      %dma_start3A_20 = arith.constant 0 : i32
      %dma_start3A_21 = tpu.memref_slice %arg6[%mul3A_0, %dma_start3A_20] : memref<10112x128xf32, #tpu.memory_space<hbm>> -> memref<632x128xf32, #tpu.memory_space<hbm>>
      tpu.enqueue_dma source(%dma_start3A_21 : memref<632x128xf32, #tpu.memory_space<hbm>>) target(%dma_start3A_19 : memref<632x128xf32, #tpu.memory_space<vmem_shared>>) target_semaphore(%run_scoped3A : memref<!tpu.dma_semaphore, #tpu.memory_space<semaphore_mem>>)
      %dma_wait3A = arith.constant 0 : i32
      %dma_wait3A_22 = tpu.memref_slice %arg13[%mul3A_0, %dma_wait3A] : memref<10112x128xf32, #tpu.memory_space<vmem_shared>> -> memref<632x128xf32, #tpu.memory_space<vmem_shared>>
      %dma_wait3A_23 = arith.constant 0 : i32
      %dma_wait3A_24 = tpu.memref_slice %arg6[%mul3A_0, %dma_wait3A_23] : memref<10112x128xf32, #tpu.memory_space<hbm>> -> memref<632x128xf32, #tpu.memory_space<hbm>>
      tpu.wait_dma2 semaphore(%run_scoped3A : memref<!tpu.dma_semaphore, #tpu.memory_space<semaphore_mem>>) src(%dma_wait3A_24 : memref<632x128xf32, #tpu.memory_space<hbm>>) dst(%dma_wait3A_22 : memref<632x128xf32, #tpu.memory_space<vmem_shared>>)
      tpu.yield
    }) : () -> ()
    %barrier3A = arith.constant 0 : index
    tpu.barrier barrier_id(%barrier3A)
    %eq3A = arith.constant 0 : i32
    %eq3A_1 = arith.cmpi eq, %arg0, %eq3A : i32
    %convert_element_type3A = arith.extui %eq3A_1 : i1 to i32
    %cond3A = arith.constant 0 : i32
    %cond3A_2 = arith.cmpi ne, %convert_element_type3A, %cond3A : i32
    scf.if %cond3A_2 {
      %scan3A = arith.constant 0 : i32
      %scan3A_19 = arith.constant 0 : i32
      %scan3A_20 = arith.constant 20 : i32
      %scan3A_21 = arith.addi %scan3A_19, %scan3A_20 : i32
      %scan3A_22 = arith.constant 1 : i32
      %scan3A_23 = scf.for %scan3A_25 = %scan3A_19 to %scan3A_21 step %scan3A_22 iter_args(%scan3A_26 = %scan3A) -> (i32)  : i32 {
        %mul3A_27 = arith.constant 160 : i32
        %mul3A_28 = arith.muli %arg1, %mul3A_27 : i32
        %mul3A_29 = arith.constant 8 : i32
        %mul3A_30 = arith.muli %scan3A_25, %mul3A_29 : i32
        %add3A = arith.addi %mul3A_28, %mul3A_30 : i32
        "tpu.region"() ({
          %run_scoped3A = tpu.sem_alloc : memref<!tpu.dma_semaphore, #tpu.memory_space<semaphore_mem>>
          %dma_start3A_254 = arith.constant 0 : i32
          %dma_start3A_255 = tpu.memref_slice %arg2[%add3A, %dma_start3A_254] : memref<2560x128xi32, #tpu.memory_space<hbm>> -> memref<8x128xi32, #tpu.memory_space<hbm>>
          %dma_start3A_256 = arith.constant 0 : i32
          %dma_start3A_257 = tpu.memref_slice %arg2[%add3A, %dma_start3A_256] : memref<2560x128xi32, #tpu.memory_space<hbm>> -> memref<8x128xi32, #tpu.memory_space<hbm>>
          tpu.enqueue_dma source(%dma_start3A_257 : memref<8x128xi32, #tpu.memory_space<hbm>>) target(%arg9 : memref<8x128xi32, #tpu.memory_space<vmem>>) target_semaphore(%run_scoped3A : memref<!tpu.dma_semaphore, #tpu.memory_space<semaphore_mem>>)
          %dma_wait3A_258 = arith.constant 0 : i32
          %dma_wait3A_259 = tpu.memref_slice %arg2[%add3A, %dma_wait3A_258] : memref<2560x128xi32, #tpu.memory_space<hbm>> -> memref<8x128xi32, #tpu.memory_space<hbm>>
          %dma_wait3A_260 = arith.constant 0 : i32
          %dma_wait3A_261 = tpu.memref_slice %arg2[%add3A, %dma_wait3A_260] : memref<2560x128xi32, #tpu.memory_space<hbm>> -> memref<8x128xi32, #tpu.memory_space<hbm>>
          tpu.wait_dma2 semaphore(%run_scoped3A : memref<!tpu.dma_semaphore, #tpu.memory_space<semaphore_mem>>) src(%dma_wait3A_261 : memref<8x128xi32, #tpu.memory_space<hbm>>) dst(%arg9 : memref<8x128xi32, #tpu.memory_space<vmem>>)
          tpu.yield
        }) : () -> ()
        "tpu.region"() ({
          %run_scoped3A = tpu.sem_alloc : memref<!tpu.dma_semaphore, #tpu.memory_space<semaphore_mem>>
          %dma_start3A_254 = arith.constant 0 : i32
          %dma_start3A_255 = tpu.memref_slice %arg3[%add3A, %dma_start3A_254] : memref<2560x128xi32, #tpu.memory_space<hbm>> -> memref<8x128xi32, #tpu.memory_space<hbm>>
          %dma_start3A_256 = arith.constant 0 : i32
          %dma_start3A_257 = tpu.memref_slice %arg3[%add3A, %dma_start3A_256] : memref<2560x128xi32, #tpu.memory_space<hbm>> -> memref<8x128xi32, #tpu.memory_space<hbm>>
          tpu.enqueue_dma source(%dma_start3A_257 : memref<8x128xi32, #tpu.memory_space<hbm>>) target(%arg10 : memref<8x128xi32, #tpu.memory_space<vmem>>) target_semaphore(%run_scoped3A : memref<!tpu.dma_semaphore, #tpu.memory_space<semaphore_mem>>)
          %dma_wait3A_258 = arith.constant 0 : i32
          %dma_wait3A_259 = tpu.memref_slice %arg3[%add3A, %dma_wait3A_258] : memref<2560x128xi32, #tpu.memory_space<hbm>> -> memref<8x128xi32, #tpu.memory_space<hbm>>
          %dma_wait3A_260 = arith.constant 0 : i32
          %dma_wait3A_261 = tpu.memref_slice %arg3[%add3A, %dma_wait3A_260] : memref<2560x128xi32, #tpu.memory_space<hbm>> -> memref<8x128xi32, #tpu.memory_space<hbm>>
          tpu.wait_dma2 semaphore(%run_scoped3A : memref<!tpu.dma_semaphore, #tpu.memory_space<semaphore_mem>>) src(%dma_wait3A_261 : memref<8x128xi32, #tpu.memory_space<hbm>>) dst(%arg10 : memref<8x128xi32, #tpu.memory_space<vmem>>)
          tpu.yield
        }) : () -> ()
        %dma_start3A = arith.constant 0 : i32
        %dma_start3A_31 = arith.constant 0 : i32
        %dma_start3A_32 = tpu.memref_slice %arg9[%dma_start3A, %dma_start3A_31] : memref<8x128xi32, #tpu.memory_space<vmem>> -> memref<1x128xi32, #tpu.memory_space<vmem>>
        %dma_start3A_33 = tpu.memref_squeeze %dma_start3A_32 : memref<1x128xi32, #tpu.memory_space<vmem>> -> memref<128xi32, #tpu.memory_space<vmem>>
        %dma_start3A_34 = arith.constant 0 : i32
        %dma_start3A_35 = arith.constant 0 : i32
        %dma_start3A_36 = tpu.memref_slice %arg4[%dma_start3A_34, %dma_start3A_35] : memref<10000x128xf32, #tpu.memory_space<hbm>> -> memref<10000x128xf32, #tpu.memory_space<hbm>>
        tpu.enqueue_indirect_dma source(%dma_start3A_36 : memref<10000x128xf32, #tpu.memory_space<hbm>>) target(%arg11 : memref<128x128xf32, #tpu.memory_space<vmem>>) offsets(%dma_start3A_33 : memref<128xi32, #tpu.memory_space<vmem>>) semaphore(%arg14 : memref<!tpu.dma_semaphore, #tpu.memory_space<semaphore_mem>>)
        %dma_start3A_37 = arith.constant 1 : i32
        %dma_start3A_38 = arith.constant 0 : i32
        %dma_start3A_39 = tpu.memref_slice %arg9[%dma_start3A_37, %dma_start3A_38] : memref<8x128xi32, #tpu.memory_space<vmem>> -> memref<1x128xi32, #tpu.memory_space<vmem>>
        %dma_start3A_40 = tpu.memref_squeeze %dma_start3A_39 : memref<1x128xi32, #tpu.memory_space<vmem>> -> memref<128xi32, #tpu.memory_space<vmem>>
        %dma_start3A_41 = arith.constant 0 : i32
        %dma_start3A_42 = arith.constant 0 : i32
        %dma_start3A_43 = tpu.memref_slice %arg4[%dma_start3A_41, %dma_start3A_42] : memref<10000x128xf32, #tpu.memory_space<hbm>> -> memref<10000x128xf32, #tpu.memory_space<hbm>>
        tpu.enqueue_indirect_dma source(%dma_start3A_43 : memref<10000x128xf32, #tpu.memory_space<hbm>>) target(%arg12 : memref<128x128xf32, #tpu.memory_space<vmem>>) offsets(%dma_start3A_40 : memref<128xi32, #tpu.memory_space<vmem>>) semaphore(%arg15 : memref<!tpu.dma_semaphore, #tpu.memory_space<semaphore_mem>>)
        %dma_wait3A = arith.constant 0 : i32
        %dma_wait3A_44 = arith.constant 0 : i32
        %dma_wait3A_45 = tpu.memref_slice %arg9[%dma_wait3A, %dma_wait3A_44] : memref<8x128xi32, #tpu.memory_space<vmem>> -> memref<1x128xi32, #tpu.memory_space<vmem>>
        %dma_wait3A_46 = tpu.memref_squeeze %dma_wait3A_45 : memref<1x128xi32, #tpu.memory_space<vmem>> -> memref<128xi32, #tpu.memory_space<vmem>>
        %dma_wait3A_47 = arith.constant 0 : i32
        %dma_wait3A_48 = arith.constant 0 : i32
        %dma_wait3A_49 = tpu.memref_slice %arg4[%dma_wait3A_47, %dma_wait3A_48] : memref<10000x128xf32, #tpu.memory_space<hbm>> -> memref<10000x128xf32, #tpu.memory_space<hbm>>
        tpu.wait_indirect_dma semaphore(%arg14 : memref<!tpu.dma_semaphore, #tpu.memory_space<semaphore_mem>>) src(%dma_wait3A_49 : memref<10000x128xf32, #tpu.memory_space<hbm>>) dst(%arg11 : memref<128x128xf32, #tpu.memory_space<vmem>>)
        %dma_start3A_50 = arith.constant 0 : i32
        %dma_start3A_51 = arith.constant 0 : i32
        %dma_start3A_52 = tpu.memref_slice %arg10[%dma_start3A_50, %dma_start3A_51] : memref<8x128xi32, #tpu.memory_space<vmem>> -> memref<1x128xi32, #tpu.memory_space<vmem>>
        %dma_start3A_53 = tpu.memref_squeeze %dma_start3A_52 : memref<1x128xi32, #tpu.memory_space<vmem>> -> memref<128xi32, #tpu.memory_space<vmem>>
        %dma_start3A_54 = arith.constant 0 : i32
        %dma_start3A_55 = arith.constant 0 : i32
        %dma_start3A_56 = tpu.memref_slice %arg13[%dma_start3A_54, %dma_start3A_55] : memref<10112x128xf32, #tpu.memory_space<vmem_shared>> -> memref<10112x128xf32, #tpu.memory_space<vmem_shared>>
        tpu.enqueue_indirect_dma source(%arg11 : memref<128x128xf32, #tpu.memory_space<vmem>>) target(%dma_start3A_56 : memref<10112x128xf32, #tpu.memory_space<vmem_shared>>) offsets(%dma_start3A_53 : memref<128xi32, #tpu.memory_space<vmem>>) semaphore(%arg16 : memref<!tpu.dma_semaphore, #tpu.memory_space<semaphore_mem>>) {add = true}
        %dma_wait3A_57 = arith.constant 0 : i32
        %dma_wait3A_58 = arith.constant 0 : i32
        %dma_wait3A_59 = tpu.memref_slice %arg10[%dma_wait3A_57, %dma_wait3A_58] : memref<8x128xi32, #tpu.memory_space<vmem>> -> memref<1x128xi32, #tpu.memory_space<vmem>>
        %dma_wait3A_60 = tpu.memref_squeeze %dma_wait3A_59 : memref<1x128xi32, #tpu.memory_space<vmem>> -> memref<128xi32, #tpu.memory_space<vmem>>
        %dma_wait3A_61 = arith.constant 0 : i32
        %dma_wait3A_62 = arith.constant 0 : i32
        %dma_wait3A_63 = tpu.memref_slice %arg13[%dma_wait3A_61, %dma_wait3A_62] : memref<10112x128xf32, #tpu.memory_space<vmem_shared>> -> memref<10112x128xf32, #tpu.memory_space<vmem_shared>>
        tpu.wait_indirect_dma semaphore(%arg16 : memref<!tpu.dma_semaphore, #tpu.memory_space<semaphore_mem>>) src(%arg11 : memref<128x128xf32, #tpu.memory_space<vmem>>) dst(%dma_wait3A_63 : memref<10112x128xf32, #tpu.memory_space<vmem_shared>>)
        %dma_start3A_64 = arith.constant 2 : i32
        %dma_start3A_65 = arith.constant 0 : i32
        %dma_start3A_66 = tpu.memref_slice %arg9[%dma_start3A_64, %dma_start3A_65] : memref<8x128xi32, #tpu.memory_space<vmem>> -> memref<1x128xi32, #tpu.memory_space<vmem>>
        %dma_start3A_67 = tpu.memref_squeeze %dma_start3A_66 : memref<1x128xi32, #tpu.memory_space<vmem>> -> memref<128xi32, #tpu.memory_space<vmem>>
        %dma_start3A_68 = arith.constant 0 : i32
        %dma_start3A_69 = arith.constant 0 : i32
        %dma_start3A_70 = tpu.memref_slice %arg4[%dma_start3A_68, %dma_start3A_69] : memref<10000x128xf32, #tpu.memory_space<hbm>> -> memref<10000x128xf32, #tpu.memory_space<hbm>>
        tpu.enqueue_indirect_dma source(%dma_start3A_70 : memref<10000x128xf32, #tpu.memory_space<hbm>>) target(%arg11 : memref<128x128xf32, #tpu.memory_space<vmem>>) offsets(%dma_start3A_67 : memref<128xi32, #tpu.memory_space<vmem>>) semaphore(%arg14 : memref<!tpu.dma_semaphore, #tpu.memory_space<semaphore_mem>>)
        %dma_wait3A_71 = arith.constant 1 : i32
        %dma_wait3A_72 = arith.constant 0 : i32
        %dma_wait3A_73 = tpu.memref_slice %arg9[%dma_wait3A_71, %dma_wait3A_72] : memref<8x128xi32, #tpu.memory_space<vmem>> -> memref<1x128xi32, #tpu.memory_space<vmem>>
        %dma_wait3A_74 = tpu.memref_squeeze %dma_wait3A_73 : memref<1x128xi32, #tpu.memory_space<vmem>> -> memref<128xi32, #tpu.memory_space<vmem>>
        %dma_wait3A_75 = arith.constant 0 : i32
        %dma_wait3A_76 = arith.constant 0 : i32
        %dma_wait3A_77 = tpu.memref_slice %arg4[%dma_wait3A_75, %dma_wait3A_76] : memref<10000x128xf32, #tpu.memory_space<hbm>> -> memref<10000x128xf32, #tpu.memory_space<hbm>>
        tpu.wait_indirect_dma semaphore(%arg15 : memref<!tpu.dma_semaphore, #tpu.memory_space<semaphore_mem>>) src(%dma_wait3A_77 : memref<10000x128xf32, #tpu.memory_space<hbm>>) dst(%arg12 : memref<128x128xf32, #tpu.memory_space<vmem>>)
        %dma_start3A_78 = arith.constant 1 : i32
        %dma_start3A_79 = arith.constant 0 : i32
        %dma_start3A_80 = tpu.memref_slice %arg10[%dma_start3A_78, %dma_start3A_79] : memref<8x128xi32, #tpu.memory_space<vmem>> -> memref<1x128xi32, #tpu.memory_space<vmem>>
        %dma_start3A_81 = tpu.memref_squeeze %dma_start3A_80 : memref<1x128xi32, #tpu.memory_space<vmem>> -> memref<128xi32, #tpu.memory_space<vmem>>
        %dma_start3A_82 = arith.constant 0 : i32
        %dma_start3A_83 = arith.constant 0 : i32
        %dma_start3A_84 = tpu.memref_slice %arg13[%dma_start3A_82, %dma_start3A_83] : memref<10112x128xf32, #tpu.memory_space<vmem_shared>> -> memref<10112x128xf32, #tpu.memory_space<vmem_shared>>
        tpu.enqueue_indirect_dma source(%arg12 : memref<128x128xf32, #tpu.memory_space<vmem>>) target(%dma_start3A_84 : memref<10112x128xf32, #tpu.memory_space<vmem_shared>>) offsets(%dma_start3A_81 : memref<128xi32, #tpu.memory_space<vmem>>) semaphore(%arg17 : memref<!tpu.dma_semaphore, #tpu.memory_space<semaphore_mem>>) {add = true}
        %dma_wait3A_85 = arith.constant 1 : i32
        %dma_wait3A_86 = arith.constant 0 : i32
        %dma_wait3A_87 = tpu.memref_slice %arg10[%dma_wait3A_85, %dma_wait3A_86] : memref<8x128xi32, #tpu.memory_space<vmem>> -> memref<1x128xi32, #tpu.memory_space<vmem>>
        %dma_wait3A_88 = tpu.memref_squeeze %dma_wait3A_87 : memref<1x128xi32, #tpu.memory_space<vmem>> -> memref<128xi32, #tpu.memory_space<vmem>>
        %dma_wait3A_89 = arith.constant 0 : i32
        %dma_wait3A_90 = arith.constant 0 : i32
        %dma_wait3A_91 = tpu.memref_slice %arg13[%dma_wait3A_89, %dma_wait3A_90] : memref<10112x128xf32, #tpu.memory_space<vmem_shared>> -> memref<10112x128xf32, #tpu.memory_space<vmem_shared>>
        tpu.wait_indirect_dma semaphore(%arg17 : memref<!tpu.dma_semaphore, #tpu.memory_space<semaphore_mem>>) src(%arg12 : memref<128x128xf32, #tpu.memory_space<vmem>>) dst(%dma_wait3A_91 : memref<10112x128xf32, #tpu.memory_space<vmem_shared>>)
        %dma_start3A_92 = arith.constant 3 : i32
        %dma_start3A_93 = arith.constant 0 : i32
        %dma_start3A_94 = tpu.memref_slice %arg9[%dma_start3A_92, %dma_start3A_93] : memref<8x128xi32, #tpu.memory_space<vmem>> -> memref<1x128xi32, #tpu.memory_space<vmem>>
        %dma_start3A_95 = tpu.memref_squeeze %dma_start3A_94 : memref<1x128xi32, #tpu.memory_space<vmem>> -> memref<128xi32, #tpu.memory_space<vmem>>
        %dma_start3A_96 = arith.constant 0 : i32
        %dma_start3A_97 = arith.constant 0 : i32
        %dma_start3A_98 = tpu.memref_slice %arg4[%dma_start3A_96, %dma_start3A_97] : memref<10000x128xf32, #tpu.memory_space<hbm>> -> memref<10000x128xf32, #tpu.memory_space<hbm>>
        tpu.enqueue_indirect_dma source(%dma_start3A_98 : memref<10000x128xf32, #tpu.memory_space<hbm>>) target(%arg12 : memref<128x128xf32, #tpu.memory_space<vmem>>) offsets(%dma_start3A_95 : memref<128xi32, #tpu.memory_space<vmem>>) semaphore(%arg15 : memref<!tpu.dma_semaphore, #tpu.memory_space<semaphore_mem>>)
        %dma_wait3A_99 = arith.constant 2 : i32
        %dma_wait3A_100 = arith.constant 0 : i32
        %dma_wait3A_101 = tpu.memref_slice %arg9[%dma_wait3A_99, %dma_wait3A_100] : memref<8x128xi32, #tpu.memory_space<vmem>> -> memref<1x128xi32, #tpu.memory_space<vmem>>
        %dma_wait3A_102 = tpu.memref_squeeze %dma_wait3A_101 : memref<1x128xi32, #tpu.memory_space<vmem>> -> memref<128xi32, #tpu.memory_space<vmem>>
        %dma_wait3A_103 = arith.constant 0 : i32
        %dma_wait3A_104 = arith.constant 0 : i32
        %dma_wait3A_105 = tpu.memref_slice %arg4[%dma_wait3A_103, %dma_wait3A_104] : memref<10000x128xf32, #tpu.memory_space<hbm>> -> memref<10000x128xf32, #tpu.memory_space<hbm>>
        tpu.wait_indirect_dma semaphore(%arg14 : memref<!tpu.dma_semaphore, #tpu.memory_space<semaphore_mem>>) src(%dma_wait3A_105 : memref<10000x128xf32, #tpu.memory_space<hbm>>) dst(%arg11 : memref<128x128xf32, #tpu.memory_space<vmem>>)
        %dma_start3A_106 = arith.constant 2 : i32
        %dma_start3A_107 = arith.constant 0 : i32
        %dma_start3A_108 = tpu.memref_slice %arg10[%dma_start3A_106, %dma_start3A_107] : memref<8x128xi32, #tpu.memory_space<vmem>> -> memref<1x128xi32, #tpu.memory_space<vmem>>
        %dma_start3A_109 = tpu.memref_squeeze %dma_start3A_108 : memref<1x128xi32, #tpu.memory_space<vmem>> -> memref<128xi32, #tpu.memory_space<vmem>>
        %dma_start3A_110 = arith.constant 0 : i32
        %dma_start3A_111 = arith.constant 0 : i32
        %dma_start3A_112 = tpu.memref_slice %arg13[%dma_start3A_110, %dma_start3A_111] : memref<10112x128xf32, #tpu.memory_space<vmem_shared>> -> memref<10112x128xf32, #tpu.memory_space<vmem_shared>>
        tpu.enqueue_indirect_dma source(%arg11 : memref<128x128xf32, #tpu.memory_space<vmem>>) target(%dma_start3A_112 : memref<10112x128xf32, #tpu.memory_space<vmem_shared>>) offsets(%dma_start3A_109 : memref<128xi32, #tpu.memory_space<vmem>>) semaphore(%arg16 : memref<!tpu.dma_semaphore, #tpu.memory_space<semaphore_mem>>) {add = true}
        %dma_wait3A_113 = arith.constant 2 : i32
        %dma_wait3A_114 = arith.constant 0 : i32
        %dma_wait3A_115 = tpu.memref_slice %arg10[%dma_wait3A_113, %dma_wait3A_114] : memref<8x128xi32, #tpu.memory_space<vmem>> -> memref<1x128xi32, #tpu.memory_space<vmem>>
        %dma_wait3A_116 = tpu.memref_squeeze %dma_wait3A_115 : memref<1x128xi32, #tpu.memory_space<vmem>> -> memref<128xi32, #tpu.memory_space<vmem>>
        %dma_wait3A_117 = arith.constant 0 : i32
        %dma_wait3A_118 = arith.constant 0 : i32
        %dma_wait3A_119 = tpu.memref_slice %arg13[%dma_wait3A_117, %dma_wait3A_118] : memref<10112x128xf32, #tpu.memory_space<vmem_shared>> -> memref<10112x128xf32, #tpu.memory_space<vmem_shared>>
        tpu.wait_indirect_dma semaphore(%arg16 : memref<!tpu.dma_semaphore, #tpu.memory_space<semaphore_mem>>) src(%arg11 : memref<128x128xf32, #tpu.memory_space<vmem>>) dst(%dma_wait3A_119 : memref<10112x128xf32, #tpu.memory_space<vmem_shared>>)
        %dma_start3A_120 = arith.constant 4 : i32
        %dma_start3A_121 = arith.constant 0 : i32
        %dma_start3A_122 = tpu.memref_slice %arg9[%dma_start3A_120, %dma_start3A_121] : memref<8x128xi32, #tpu.memory_space<vmem>> -> memref<1x128xi32, #tpu.memory_space<vmem>>
        %dma_start3A_123 = tpu.memref_squeeze %dma_start3A_122 : memref<1x128xi32, #tpu.memory_space<vmem>> -> memref<128xi32, #tpu.memory_space<vmem>>
        %dma_start3A_124 = arith.constant 0 : i32
        %dma_start3A_125 = arith.constant 0 : i32
        %dma_start3A_126 = tpu.memref_slice %arg4[%dma_start3A_124, %dma_start3A_125] : memref<10000x128xf32, #tpu.memory_space<hbm>> -> memref<10000x128xf32, #tpu.memory_space<hbm>>
        tpu.enqueue_indirect_dma source(%dma_start3A_126 : memref<10000x128xf32, #tpu.memory_space<hbm>>) target(%arg11 : memref<128x128xf32, #tpu.memory_space<vmem>>) offsets(%dma_start3A_123 : memref<128xi32, #tpu.memory_space<vmem>>) semaphore(%arg14 : memref<!tpu.dma_semaphore, #tpu.memory_space<semaphore_mem>>)
        %dma_wait3A_127 = arith.constant 3 : i32
        %dma_wait3A_128 = arith.constant 0 : i32
        %dma_wait3A_129 = tpu.memref_slice %arg9[%dma_wait3A_127, %dma_wait3A_128] : memref<8x128xi32, #tpu.memory_space<vmem>> -> memref<1x128xi32, #tpu.memory_space<vmem>>
        %dma_wait3A_130 = tpu.memref_squeeze %dma_wait3A_129 : memref<1x128xi32, #tpu.memory_space<vmem>> -> memref<128xi32, #tpu.memory_space<vmem>>
        %dma_wait3A_131 = arith.constant 0 : i32
        %dma_wait3A_132 = arith.constant 0 : i32
        %dma_wait3A_133 = tpu.memref_slice %arg4[%dma_wait3A_131, %dma_wait3A_132] : memref<10000x128xf32, #tpu.memory_space<hbm>> -> memref<10000x128xf32, #tpu.memory_space<hbm>>
        tpu.wait_indirect_dma semaphore(%arg15 : memref<!tpu.dma_semaphore, #tpu.memory_space<semaphore_mem>>) src(%dma_wait3A_133 : memref<10000x128xf32, #tpu.memory_space<hbm>>) dst(%arg12 : memref<128x128xf32, #tpu.memory_space<vmem>>)
        %dma_start3A_134 = arith.constant 3 : i32
        %dma_start3A_135 = arith.constant 0 : i32
        %dma_start3A_136 = tpu.memref_slice %arg10[%dma_start3A_134, %dma_start3A_135] : memref<8x128xi32, #tpu.memory_space<vmem>> -> memref<1x128xi32, #tpu.memory_space<vmem>>
        %dma_start3A_137 = tpu.memref_squeeze %dma_start3A_136 : memref<1x128xi32, #tpu.memory_space<vmem>> -> memref<128xi32, #tpu.memory_space<vmem>>
        %dma_start3A_138 = arith.constant 0 : i32
        %dma_start3A_139 = arith.constant 0 : i32
        %dma_start3A_140 = tpu.memref_slice %arg13[%dma_start3A_138, %dma_start3A_139] : memref<10112x128xf32, #tpu.memory_space<vmem_shared>> -> memref<10112x128xf32, #tpu.memory_space<vmem_shared>>
        tpu.enqueue_indirect_dma source(%arg12 : memref<128x128xf32, #tpu.memory_space<vmem>>) target(%dma_start3A_140 : memref<10112x128xf32, #tpu.memory_space<vmem_shared>>) offsets(%dma_start3A_137 : memref<128xi32, #tpu.memory_space<vmem>>) semaphore(%arg17 : memref<!tpu.dma_semaphore, #tpu.memory_space<semaphore_mem>>) {add = true}
        %dma_wait3A_141 = arith.constant 3 : i32
        %dma_wait3A_142 = arith.constant 0 : i32
        %dma_wait3A_143 = tpu.memref_slice %arg10[%dma_wait3A_141, %dma_wait3A_142] : memref<8x128xi32, #tpu.memory_space<vmem>> -> memref<1x128xi32, #tpu.memory_space<vmem>>
        %dma_wait3A_144 = tpu.memref_squeeze %dma_wait3A_143 : memref<1x128xi32, #tpu.memory_space<vmem>> -> memref<128xi32, #tpu.memory_space<vmem>>
        %dma_wait3A_145 = arith.constant 0 : i32
        %dma_wait3A_146 = arith.constant 0 : i32
        %dma_wait3A_147 = tpu.memref_slice %arg13[%dma_wait3A_145, %dma_wait3A_146] : memref<10112x128xf32, #tpu.memory_space<vmem_shared>> -> memref<10112x128xf32, #tpu.memory_space<vmem_shared>>
        tpu.wait_indirect_dma semaphore(%arg17 : memref<!tpu.dma_semaphore, #tpu.memory_space<semaphore_mem>>) src(%arg12 : memref<128x128xf32, #tpu.memory_space<vmem>>) dst(%dma_wait3A_147 : memref<10112x128xf32, #tpu.memory_space<vmem_shared>>)
        %dma_start3A_148 = arith.constant 5 : i32
        %dma_start3A_149 = arith.constant 0 : i32
        %dma_start3A_150 = tpu.memref_slice %arg9[%dma_start3A_148, %dma_start3A_149] : memref<8x128xi32, #tpu.memory_space<vmem>> -> memref<1x128xi32, #tpu.memory_space<vmem>>
        %dma_start3A_151 = tpu.memref_squeeze %dma_start3A_150 : memref<1x128xi32, #tpu.memory_space<vmem>> -> memref<128xi32, #tpu.memory_space<vmem>>
        %dma_start3A_152 = arith.constant 0 : i32
        %dma_start3A_153 = arith.constant 0 : i32
        %dma_start3A_154 = tpu.memref_slice %arg4[%dma_start3A_152, %dma_start3A_153] : memref<10000x128xf32, #tpu.memory_space<hbm>> -> memref<10000x128xf32, #tpu.memory_space<hbm>>
        tpu.enqueue_indirect_dma source(%dma_start3A_154 : memref<10000x128xf32, #tpu.memory_space<hbm>>) target(%arg12 : memref<128x128xf32, #tpu.memory_space<vmem>>) offsets(%dma_start3A_151 : memref<128xi32, #tpu.memory_space<vmem>>) semaphore(%arg15 : memref<!tpu.dma_semaphore, #tpu.memory_space<semaphore_mem>>)
        %dma_wait3A_155 = arith.constant 4 : i32
        %dma_wait3A_156 = arith.constant 0 : i32
        %dma_wait3A_157 = tpu.memref_slice %arg9[%dma_wait3A_155, %dma_wait3A_156] : memref<8x128xi32, #tpu.memory_space<vmem>> -> memref<1x128xi32, #tpu.memory_space<vmem>>
        %dma_wait3A_158 = tpu.memref_squeeze %dma_wait3A_157 : memref<1x128xi32, #tpu.memory_space<vmem>> -> memref<128xi32, #tpu.memory_space<vmem>>
        %dma_wait3A_159 = arith.constant 0 : i32
        %dma_wait3A_160 = arith.constant 0 : i32
        %dma_wait3A_161 = tpu.memref_slice %arg4[%dma_wait3A_159, %dma_wait3A_160] : memref<10000x128xf32, #tpu.memory_space<hbm>> -> memref<10000x128xf32, #tpu.memory_space<hbm>>
        tpu.wait_indirect_dma semaphore(%arg14 : memref<!tpu.dma_semaphore, #tpu.memory_space<semaphore_mem>>) src(%dma_wait3A_161 : memref<10000x128xf32, #tpu.memory_space<hbm>>) dst(%arg11 : memref<128x128xf32, #tpu.memory_space<vmem>>)
        %dma_start3A_162 = arith.constant 4 : i32
        %dma_start3A_163 = arith.constant 0 : i32
        %dma_start3A_164 = tpu.memref_slice %arg10[%dma_start3A_162, %dma_start3A_163] : memref<8x128xi32, #tpu.memory_space<vmem>> -> memref<1x128xi32, #tpu.memory_space<vmem>>
        %dma_start3A_165 = tpu.memref_squeeze %dma_start3A_164 : memref<1x128xi32, #tpu.memory_space<vmem>> -> memref<128xi32, #tpu.memory_space<vmem>>
        %dma_start3A_166 = arith.constant 0 : i32
        %dma_start3A_167 = arith.constant 0 : i32
        %dma_start3A_168 = tpu.memref_slice %arg13[%dma_start3A_166, %dma_start3A_167] : memref<10112x128xf32, #tpu.memory_space<vmem_shared>> -> memref<10112x128xf32, #tpu.memory_space<vmem_shared>>
        tpu.enqueue_indirect_dma source(%arg11 : memref<128x128xf32, #tpu.memory_space<vmem>>) target(%dma_start3A_168 : memref<10112x128xf32, #tpu.memory_space<vmem_shared>>) offsets(%dma_start3A_165 : memref<128xi32, #tpu.memory_space<vmem>>) semaphore(%arg16 : memref<!tpu.dma_semaphore, #tpu.memory_space<semaphore_mem>>) {add = true}
        %dma_wait3A_169 = arith.constant 4 : i32
        %dma_wait3A_170 = arith.constant 0 : i32
        %dma_wait3A_171 = tpu.memref_slice %arg10[%dma_wait3A_169, %dma_wait3A_170] : memref<8x128xi32, #tpu.memory_space<vmem>> -> memref<1x128xi32, #tpu.memory_space<vmem>>
        %dma_wait3A_172 = tpu.memref_squeeze %dma_wait3A_171 : memref<1x128xi32, #tpu.memory_space<vmem>> -> memref<128xi32, #tpu.memory_space<vmem>>
        %dma_wait3A_173 = arith.constant 0 : i32
        %dma_wait3A_174 = arith.constant 0 : i32
        %dma_wait3A_175 = tpu.memref_slice %arg13[%dma_wait3A_173, %dma_wait3A_174] : memref<10112x128xf32, #tpu.memory_space<vmem_shared>> -> memref<10112x128xf32, #tpu.memory_space<vmem_shared>>
        tpu.wait_indirect_dma semaphore(%arg16 : memref<!tpu.dma_semaphore, #tpu.memory_space<semaphore_mem>>) src(%arg11 : memref<128x128xf32, #tpu.memory_space<vmem>>) dst(%dma_wait3A_175 : memref<10112x128xf32, #tpu.memory_space<vmem_shared>>)
        %dma_start3A_176 = arith.constant 6 : i32
        %dma_start3A_177 = arith.constant 0 : i32
        %dma_start3A_178 = tpu.memref_slice %arg9[%dma_start3A_176, %dma_start3A_177] : memref<8x128xi32, #tpu.memory_space<vmem>> -> memref<1x128xi32, #tpu.memory_space<vmem>>
        %dma_start3A_179 = tpu.memref_squeeze %dma_start3A_178 : memref<1x128xi32, #tpu.memory_space<vmem>> -> memref<128xi32, #tpu.memory_space<vmem>>
        %dma_start3A_180 = arith.constant 0 : i32
        %dma_start3A_181 = arith.constant 0 : i32
        %dma_start3A_182 = tpu.memref_slice %arg4[%dma_start3A_180, %dma_start3A_181] : memref<10000x128xf32, #tpu.memory_space<hbm>> -> memref<10000x128xf32, #tpu.memory_space<hbm>>
        tpu.enqueue_indirect_dma source(%dma_start3A_182 : memref<10000x128xf32, #tpu.memory_space<hbm>>) target(%arg11 : memref<128x128xf32, #tpu.memory_space<vmem>>) offsets(%dma_start3A_179 : memref<128xi32, #tpu.memory_space<vmem>>) semaphore(%arg14 : memref<!tpu.dma_semaphore, #tpu.memory_space<semaphore_mem>>)
        %dma_wait3A_183 = arith.constant 5 : i32
        %dma_wait3A_184 = arith.constant 0 : i32
        %dma_wait3A_185 = tpu.memref_slice %arg9[%dma_wait3A_183, %dma_wait3A_184] : memref<8x128xi32, #tpu.memory_space<vmem>> -> memref<1x128xi32, #tpu.memory_space<vmem>>
        %dma_wait3A_186 = tpu.memref_squeeze %dma_wait3A_185 : memref<1x128xi32, #tpu.memory_space<vmem>> -> memref<128xi32, #tpu.memory_space<vmem>>
        %dma_wait3A_187 = arith.constant 0 : i32
        %dma_wait3A_188 = arith.constant 0 : i32
        %dma_wait3A_189 = tpu.memref_slice %arg4[%dma_wait3A_187, %dma_wait3A_188] : memref<10000x128xf32, #tpu.memory_space<hbm>> -> memref<10000x128xf32, #tpu.memory_space<hbm>>
        tpu.wait_indirect_dma semaphore(%arg15 : memref<!tpu.dma_semaphore, #tpu.memory_space<semaphore_mem>>) src(%dma_wait3A_189 : memref<10000x128xf32, #tpu.memory_space<hbm>>) dst(%arg12 : memref<128x128xf32, #tpu.memory_space<vmem>>)
        %dma_start3A_190 = arith.constant 5 : i32
        %dma_start3A_191 = arith.constant 0 : i32
        %dma_start3A_192 = tpu.memref_slice %arg10[%dma_start3A_190, %dma_start3A_191] : memref<8x128xi32, #tpu.memory_space<vmem>> -> memref<1x128xi32, #tpu.memory_space<vmem>>
        %dma_start3A_193 = tpu.memref_squeeze %dma_start3A_192 : memref<1x128xi32, #tpu.memory_space<vmem>> -> memref<128xi32, #tpu.memory_space<vmem>>
        %dma_start3A_194 = arith.constant 0 : i32
        %dma_start3A_195 = arith.constant 0 : i32
        %dma_start3A_196 = tpu.memref_slice %arg13[%dma_start3A_194, %dma_start3A_195] : memref<10112x128xf32, #tpu.memory_space<vmem_shared>> -> memref<10112x128xf32, #tpu.memory_space<vmem_shared>>
        tpu.enqueue_indirect_dma source(%arg12 : memref<128x128xf32, #tpu.memory_space<vmem>>) target(%dma_start3A_196 : memref<10112x128xf32, #tpu.memory_space<vmem_shared>>) offsets(%dma_start3A_193 : memref<128xi32, #tpu.memory_space<vmem>>) semaphore(%arg17 : memref<!tpu.dma_semaphore, #tpu.memory_space<semaphore_mem>>) {add = true}
        %dma_wait3A_197 = arith.constant 5 : i32
        %dma_wait3A_198 = arith.constant 0 : i32
        %dma_wait3A_199 = tpu.memref_slice %arg10[%dma_wait3A_197, %dma_wait3A_198] : memref<8x128xi32, #tpu.memory_space<vmem>> -> memref<1x128xi32, #tpu.memory_space<vmem>>
        %dma_wait3A_200 = tpu.memref_squeeze %dma_wait3A_199 : memref<1x128xi32, #tpu.memory_space<vmem>> -> memref<128xi32, #tpu.memory_space<vmem>>
        %dma_wait3A_201 = arith.constant 0 : i32
        %dma_wait3A_202 = arith.constant 0 : i32
        %dma_wait3A_203 = tpu.memref_slice %arg13[%dma_wait3A_201, %dma_wait3A_202] : memref<10112x128xf32, #tpu.memory_space<vmem_shared>> -> memref<10112x128xf32, #tpu.memory_space<vmem_shared>>
        tpu.wait_indirect_dma semaphore(%arg17 : memref<!tpu.dma_semaphore, #tpu.memory_space<semaphore_mem>>) src(%arg12 : memref<128x128xf32, #tpu.memory_space<vmem>>) dst(%dma_wait3A_203 : memref<10112x128xf32, #tpu.memory_space<vmem_shared>>)
        %dma_start3A_204 = arith.constant 7 : i32
        %dma_start3A_205 = arith.constant 0 : i32
        %dma_start3A_206 = tpu.memref_slice %arg9[%dma_start3A_204, %dma_start3A_205] : memref<8x128xi32, #tpu.memory_space<vmem>> -> memref<1x128xi32, #tpu.memory_space<vmem>>
        %dma_start3A_207 = tpu.memref_squeeze %dma_start3A_206 : memref<1x128xi32, #tpu.memory_space<vmem>> -> memref<128xi32, #tpu.memory_space<vmem>>
        %dma_start3A_208 = arith.constant 0 : i32
        %dma_start3A_209 = arith.constant 0 : i32
        %dma_start3A_210 = tpu.memref_slice %arg4[%dma_start3A_208, %dma_start3A_209] : memref<10000x128xf32, #tpu.memory_space<hbm>> -> memref<10000x128xf32, #tpu.memory_space<hbm>>
        tpu.enqueue_indirect_dma source(%dma_start3A_210 : memref<10000x128xf32, #tpu.memory_space<hbm>>) target(%arg12 : memref<128x128xf32, #tpu.memory_space<vmem>>) offsets(%dma_start3A_207 : memref<128xi32, #tpu.memory_space<vmem>>) semaphore(%arg15 : memref<!tpu.dma_semaphore, #tpu.memory_space<semaphore_mem>>)
        %dma_wait3A_211 = arith.constant 6 : i32
        %dma_wait3A_212 = arith.constant 0 : i32
        %dma_wait3A_213 = tpu.memref_slice %arg9[%dma_wait3A_211, %dma_wait3A_212] : memref<8x128xi32, #tpu.memory_space<vmem>> -> memref<1x128xi32, #tpu.memory_space<vmem>>
        %dma_wait3A_214 = tpu.memref_squeeze %dma_wait3A_213 : memref<1x128xi32, #tpu.memory_space<vmem>> -> memref<128xi32, #tpu.memory_space<vmem>>
        %dma_wait3A_215 = arith.constant 0 : i32
        %dma_wait3A_216 = arith.constant 0 : i32
        %dma_wait3A_217 = tpu.memref_slice %arg4[%dma_wait3A_215, %dma_wait3A_216] : memref<10000x128xf32, #tpu.memory_space<hbm>> -> memref<10000x128xf32, #tpu.memory_space<hbm>>
        tpu.wait_indirect_dma semaphore(%arg14 : memref<!tpu.dma_semaphore, #tpu.memory_space<semaphore_mem>>) src(%dma_wait3A_217 : memref<10000x128xf32, #tpu.memory_space<hbm>>) dst(%arg11 : memref<128x128xf32, #tpu.memory_space<vmem>>)
        %dma_start3A_218 = arith.constant 6 : i32
        %dma_start3A_219 = arith.constant 0 : i32
        %dma_start3A_220 = tpu.memref_slice %arg10[%dma_start3A_218, %dma_start3A_219] : memref<8x128xi32, #tpu.memory_space<vmem>> -> memref<1x128xi32, #tpu.memory_space<vmem>>
        %dma_start3A_221 = tpu.memref_squeeze %dma_start3A_220 : memref<1x128xi32, #tpu.memory_space<vmem>> -> memref<128xi32, #tpu.memory_space<vmem>>
        %dma_start3A_222 = arith.constant 0 : i32
        %dma_start3A_223 = arith.constant 0 : i32
        %dma_start3A_224 = tpu.memref_slice %arg13[%dma_start3A_222, %dma_start3A_223] : memref<10112x128xf32, #tpu.memory_space<vmem_shared>> -> memref<10112x128xf32, #tpu.memory_space<vmem_shared>>
        tpu.enqueue_indirect_dma source(%arg11 : memref<128x128xf32, #tpu.memory_space<vmem>>) target(%dma_start3A_224 : memref<10112x128xf32, #tpu.memory_space<vmem_shared>>) offsets(%dma_start3A_221 : memref<128xi32, #tpu.memory_space<vmem>>) semaphore(%arg16 : memref<!tpu.dma_semaphore, #tpu.memory_space<semaphore_mem>>) {add = true}
        %dma_wait3A_225 = arith.constant 6 : i32
        %dma_wait3A_226 = arith.constant 0 : i32
        %dma_wait3A_227 = tpu.memref_slice %arg10[%dma_wait3A_225, %dma_wait3A_226] : memref<8x128xi32, #tpu.memory_space<vmem>> -> memref<1x128xi32, #tpu.memory_space<vmem>>
        %dma_wait3A_228 = tpu.memref_squeeze %dma_wait3A_227 : memref<1x128xi32, #tpu.memory_space<vmem>> -> memref<128xi32, #tpu.memory_space<vmem>>
        %dma_wait3A_229 = arith.constant 0 : i32
        %dma_wait3A_230 = arith.constant 0 : i32
        %dma_wait3A_231 = tpu.memref_slice %arg13[%dma_wait3A_229, %dma_wait3A_230] : memref<10112x128xf32, #tpu.memory_space<vmem_shared>> -> memref<10112x128xf32, #tpu.memory_space<vmem_shared>>
        tpu.wait_indirect_dma semaphore(%arg16 : memref<!tpu.dma_semaphore, #tpu.memory_space<semaphore_mem>>) src(%arg11 : memref<128x128xf32, #tpu.memory_space<vmem>>) dst(%dma_wait3A_231 : memref<10112x128xf32, #tpu.memory_space<vmem_shared>>)
        %dma_wait3A_232 = arith.constant 7 : i32
        %dma_wait3A_233 = arith.constant 0 : i32
        %dma_wait3A_234 = tpu.memref_slice %arg9[%dma_wait3A_232, %dma_wait3A_233] : memref<8x128xi32, #tpu.memory_space<vmem>> -> memref<1x128xi32, #tpu.memory_space<vmem>>
        %dma_wait3A_235 = tpu.memref_squeeze %dma_wait3A_234 : memref<1x128xi32, #tpu.memory_space<vmem>> -> memref<128xi32, #tpu.memory_space<vmem>>
        %dma_wait3A_236 = arith.constant 0 : i32
        %dma_wait3A_237 = arith.constant 0 : i32
        %dma_wait3A_238 = tpu.memref_slice %arg4[%dma_wait3A_236, %dma_wait3A_237] : memref<10000x128xf32, #tpu.memory_space<hbm>> -> memref<10000x128xf32, #tpu.memory_space<hbm>>
        tpu.wait_indirect_dma semaphore(%arg15 : memref<!tpu.dma_semaphore, #tpu.memory_space<semaphore_mem>>) src(%dma_wait3A_238 : memref<10000x128xf32, #tpu.memory_space<hbm>>) dst(%arg12 : memref<128x128xf32, #tpu.memory_space<vmem>>)
        %dma_start3A_239 = arith.constant 7 : i32
        %dma_start3A_240 = arith.constant 0 : i32
        %dma_start3A_241 = tpu.memref_slice %arg10[%dma_start3A_239, %dma_start3A_240] : memref<8x128xi32, #tpu.memory_space<vmem>> -> memref<1x128xi32, #tpu.memory_space<vmem>>
        %dma_start3A_242 = tpu.memref_squeeze %dma_start3A_241 : memref<1x128xi32, #tpu.memory_space<vmem>> -> memref<128xi32, #tpu.memory_space<vmem>>
        %dma_start3A_243 = arith.constant 0 : i32
        %dma_start3A_244 = arith.constant 0 : i32
        %dma_start3A_245 = tpu.memref_slice %arg13[%dma_start3A_243, %dma_start3A_244] : memref<10112x128xf32, #tpu.memory_space<vmem_shared>> -> memref<10112x128xf32, #tpu.memory_space<vmem_shared>>
        tpu.enqueue_indirect_dma source(%arg12 : memref<128x128xf32, #tpu.memory_space<vmem>>) target(%dma_start3A_245 : memref<10112x128xf32, #tpu.memory_space<vmem_shared>>) offsets(%dma_start3A_242 : memref<128xi32, #tpu.memory_space<vmem>>) semaphore(%arg17 : memref<!tpu.dma_semaphore, #tpu.memory_space<semaphore_mem>>) {add = true}
        %dma_wait3A_246 = arith.constant 7 : i32
        %dma_wait3A_247 = arith.constant 0 : i32
        %dma_wait3A_248 = tpu.memref_slice %arg10[%dma_wait3A_246, %dma_wait3A_247] : memref<8x128xi32, #tpu.memory_space<vmem>> -> memref<1x128xi32, #tpu.memory_space<vmem>>
        %dma_wait3A_249 = tpu.memref_squeeze %dma_wait3A_248 : memref<1x128xi32, #tpu.memory_space<vmem>> -> memref<128xi32, #tpu.memory_space<vmem>>
        %dma_wait3A_250 = arith.constant 0 : i32
        %dma_wait3A_251 = arith.constant 0 : i32
        %dma_wait3A_252 = tpu.memref_slice %arg13[%dma_wait3A_250, %dma_wait3A_251] : memref<10112x128xf32, #tpu.memory_space<vmem_shared>> -> memref<10112x128xf32, #tpu.memory_space<vmem_shared>>
        tpu.wait_indirect_dma semaphore(%arg17 : memref<!tpu.dma_semaphore, #tpu.memory_space<semaphore_mem>>) src(%arg12 : memref<128x128xf32, #tpu.memory_space<vmem>>) dst(%dma_wait3A_252 : memref<10112x128xf32, #tpu.memory_space<vmem_shared>>)
        %scan3A_253 = arith.constant 0 : i32
        scf.yield %scan3A_253 : i32
      }
      %scan3A_24 = arith.constant 20 : i32
    } else {
    }
    %eq3A_3 = arith.constant 1 : i32
    %eq3A_4 = arith.cmpi eq, %arg0, %eq3A_3 : i32
    %convert_element_type3A_5 = arith.extui %eq3A_4 : i1 to i32
    %cond3A_6 = arith.constant 0 : i32
    %cond3A_7 = arith.cmpi ne, %convert_element_type3A_5, %cond3A_6 : i32
    scf.if %cond3A_7 {
      %scan3A = arith.constant 0 : i32
      %scan3A_19 = arith.constant 0 : i32
      %scan3A_20 = arith.constant 20 : i32
      %scan3A_21 = arith.addi %scan3A_19, %scan3A_20 : i32
      %scan3A_22 = arith.constant 1 : i32
      %scan3A_23 = scf.for %scan3A_25 = %scan3A_19 to %scan3A_21 step %scan3A_22 iter_args(%scan3A_26 = %scan3A) -> (i32)  : i32 {
        %mul3A_27 = arith.constant 160 : i32
        %mul3A_28 = arith.muli %arg1, %mul3A_27 : i32
        %mul3A_29 = arith.constant 8 : i32
        %mul3A_30 = arith.muli %scan3A_25, %mul3A_29 : i32
        %add3A = arith.addi %mul3A_28, %mul3A_30 : i32
        "tpu.region"() ({
          %run_scoped3A = tpu.sem_alloc : memref<!tpu.dma_semaphore, #tpu.memory_space<semaphore_mem>>
          %dma_start3A_254 = arith.constant 0 : i32
          %dma_start3A_255 = tpu.memref_slice %arg2[%add3A, %dma_start3A_254] : memref<2560x128xi32, #tpu.memory_space<hbm>> -> memref<8x128xi32, #tpu.memory_space<hbm>>
          %dma_start3A_256 = arith.constant 0 : i32
          %dma_start3A_257 = tpu.memref_slice %arg2[%add3A, %dma_start3A_256] : memref<2560x128xi32, #tpu.memory_space<hbm>> -> memref<8x128xi32, #tpu.memory_space<hbm>>
          tpu.enqueue_dma source(%dma_start3A_257 : memref<8x128xi32, #tpu.memory_space<hbm>>) target(%arg9 : memref<8x128xi32, #tpu.memory_space<vmem>>) target_semaphore(%run_scoped3A : memref<!tpu.dma_semaphore, #tpu.memory_space<semaphore_mem>>)
          %dma_wait3A_258 = arith.constant 0 : i32
          %dma_wait3A_259 = tpu.memref_slice %arg2[%add3A, %dma_wait3A_258] : memref<2560x128xi32, #tpu.memory_space<hbm>> -> memref<8x128xi32, #tpu.memory_space<hbm>>
          %dma_wait3A_260 = arith.constant 0 : i32
          %dma_wait3A_261 = tpu.memref_slice %arg2[%add3A, %dma_wait3A_260] : memref<2560x128xi32, #tpu.memory_space<hbm>> -> memref<8x128xi32, #tpu.memory_space<hbm>>
          tpu.wait_dma2 semaphore(%run_scoped3A : memref<!tpu.dma_semaphore, #tpu.memory_space<semaphore_mem>>) src(%dma_wait3A_261 : memref<8x128xi32, #tpu.memory_space<hbm>>) dst(%arg9 : memref<8x128xi32, #tpu.memory_space<vmem>>)
          tpu.yield
        }) : () -> ()
        "tpu.region"() ({
          %run_scoped3A = tpu.sem_alloc : memref<!tpu.dma_semaphore, #tpu.memory_space<semaphore_mem>>
          %dma_start3A_254 = arith.constant 0 : i32
          %dma_start3A_255 = tpu.memref_slice %arg3[%add3A, %dma_start3A_254] : memref<2560x128xi32, #tpu.memory_space<hbm>> -> memref<8x128xi32, #tpu.memory_space<hbm>>
          %dma_start3A_256 = arith.constant 0 : i32
          %dma_start3A_257 = tpu.memref_slice %arg3[%add3A, %dma_start3A_256] : memref<2560x128xi32, #tpu.memory_space<hbm>> -> memref<8x128xi32, #tpu.memory_space<hbm>>
          tpu.enqueue_dma source(%dma_start3A_257 : memref<8x128xi32, #tpu.memory_space<hbm>>) target(%arg10 : memref<8x128xi32, #tpu.memory_space<vmem>>) target_semaphore(%run_scoped3A : memref<!tpu.dma_semaphore, #tpu.memory_space<semaphore_mem>>)
          %dma_wait3A_258 = arith.constant 0 : i32
          %dma_wait3A_259 = tpu.memref_slice %arg3[%add3A, %dma_wait3A_258] : memref<2560x128xi32, #tpu.memory_space<hbm>> -> memref<8x128xi32, #tpu.memory_space<hbm>>
          %dma_wait3A_260 = arith.constant 0 : i32
          %dma_wait3A_261 = tpu.memref_slice %arg3[%add3A, %dma_wait3A_260] : memref<2560x128xi32, #tpu.memory_space<hbm>> -> memref<8x128xi32, #tpu.memory_space<hbm>>
          tpu.wait_dma2 semaphore(%run_scoped3A : memref<!tpu.dma_semaphore, #tpu.memory_space<semaphore_mem>>) src(%dma_wait3A_261 : memref<8x128xi32, #tpu.memory_space<hbm>>) dst(%arg10 : memref<8x128xi32, #tpu.memory_space<vmem>>)
          tpu.yield
        }) : () -> ()
        %dma_start3A = arith.constant 0 : i32
        %dma_start3A_31 = arith.constant 0 : i32
        %dma_start3A_32 = tpu.memref_slice %arg9[%dma_start3A, %dma_start3A_31] : memref<8x128xi32, #tpu.memory_space<vmem>> -> memref<1x128xi32, #tpu.memory_space<vmem>>
        %dma_start3A_33 = tpu.memref_squeeze %dma_start3A_32 : memref<1x128xi32, #tpu.memory_space<vmem>> -> memref<128xi32, #tpu.memory_space<vmem>>
        %dma_start3A_34 = arith.constant 0 : i32
        %dma_start3A_35 = arith.constant 0 : i32
        %dma_start3A_36 = tpu.memref_slice %arg5[%dma_start3A_34, %dma_start3A_35] : memref<10000x128xf32, #tpu.memory_space<hbm>> -> memref<10000x128xf32, #tpu.memory_space<hbm>>
        tpu.enqueue_indirect_dma source(%dma_start3A_36 : memref<10000x128xf32, #tpu.memory_space<hbm>>) target(%arg11 : memref<128x128xf32, #tpu.memory_space<vmem>>) offsets(%dma_start3A_33 : memref<128xi32, #tpu.memory_space<vmem>>) semaphore(%arg14 : memref<!tpu.dma_semaphore, #tpu.memory_space<semaphore_mem>>)
        %dma_start3A_37 = arith.constant 1 : i32
        %dma_start3A_38 = arith.constant 0 : i32
        %dma_start3A_39 = tpu.memref_slice %arg9[%dma_start3A_37, %dma_start3A_38] : memref<8x128xi32, #tpu.memory_space<vmem>> -> memref<1x128xi32, #tpu.memory_space<vmem>>
        %dma_start3A_40 = tpu.memref_squeeze %dma_start3A_39 : memref<1x128xi32, #tpu.memory_space<vmem>> -> memref<128xi32, #tpu.memory_space<vmem>>
        %dma_start3A_41 = arith.constant 0 : i32
        %dma_start3A_42 = arith.constant 0 : i32
        %dma_start3A_43 = tpu.memref_slice %arg5[%dma_start3A_41, %dma_start3A_42] : memref<10000x128xf32, #tpu.memory_space<hbm>> -> memref<10000x128xf32, #tpu.memory_space<hbm>>
        tpu.enqueue_indirect_dma source(%dma_start3A_43 : memref<10000x128xf32, #tpu.memory_space<hbm>>) target(%arg12 : memref<128x128xf32, #tpu.memory_space<vmem>>) offsets(%dma_start3A_40 : memref<128xi32, #tpu.memory_space<vmem>>) semaphore(%arg15 : memref<!tpu.dma_semaphore, #tpu.memory_space<semaphore_mem>>)
        %dma_wait3A = arith.constant 0 : i32
        %dma_wait3A_44 = arith.constant 0 : i32
        %dma_wait3A_45 = tpu.memref_slice %arg9[%dma_wait3A, %dma_wait3A_44] : memref<8x128xi32, #tpu.memory_space<vmem>> -> memref<1x128xi32, #tpu.memory_space<vmem>>
        %dma_wait3A_46 = tpu.memref_squeeze %dma_wait3A_45 : memref<1x128xi32, #tpu.memory_space<vmem>> -> memref<128xi32, #tpu.memory_space<vmem>>
        %dma_wait3A_47 = arith.constant 0 : i32
        %dma_wait3A_48 = arith.constant 0 : i32
        %dma_wait3A_49 = tpu.memref_slice %arg5[%dma_wait3A_47, %dma_wait3A_48] : memref<10000x128xf32, #tpu.memory_space<hbm>> -> memref<10000x128xf32, #tpu.memory_space<hbm>>
        tpu.wait_indirect_dma semaphore(%arg14 : memref<!tpu.dma_semaphore, #tpu.memory_space<semaphore_mem>>) src(%dma_wait3A_49 : memref<10000x128xf32, #tpu.memory_space<hbm>>) dst(%arg11 : memref<128x128xf32, #tpu.memory_space<vmem>>)
        %dma_start3A_50 = arith.constant 0 : i32
        %dma_start3A_51 = arith.constant 0 : i32
        %dma_start3A_52 = tpu.memref_slice %arg10[%dma_start3A_50, %dma_start3A_51] : memref<8x128xi32, #tpu.memory_space<vmem>> -> memref<1x128xi32, #tpu.memory_space<vmem>>
        %dma_start3A_53 = tpu.memref_squeeze %dma_start3A_52 : memref<1x128xi32, #tpu.memory_space<vmem>> -> memref<128xi32, #tpu.memory_space<vmem>>
        %dma_start3A_54 = arith.constant 0 : i32
        %dma_start3A_55 = arith.constant 0 : i32
        %dma_start3A_56 = tpu.memref_slice %arg13[%dma_start3A_54, %dma_start3A_55] : memref<10112x128xf32, #tpu.memory_space<vmem_shared>> -> memref<10112x128xf32, #tpu.memory_space<vmem_shared>>
        tpu.enqueue_indirect_dma source(%arg11 : memref<128x128xf32, #tpu.memory_space<vmem>>) target(%dma_start3A_56 : memref<10112x128xf32, #tpu.memory_space<vmem_shared>>) offsets(%dma_start3A_53 : memref<128xi32, #tpu.memory_space<vmem>>) semaphore(%arg16 : memref<!tpu.dma_semaphore, #tpu.memory_space<semaphore_mem>>) {add = true}
        %dma_wait3A_57 = arith.constant 0 : i32
        %dma_wait3A_58 = arith.constant 0 : i32
        %dma_wait3A_59 = tpu.memref_slice %arg10[%dma_wait3A_57, %dma_wait3A_58] : memref<8x128xi32, #tpu.memory_space<vmem>> -> memref<1x128xi32, #tpu.memory_space<vmem>>
        %dma_wait3A_60 = tpu.memref_squeeze %dma_wait3A_59 : memref<1x128xi32, #tpu.memory_space<vmem>> -> memref<128xi32, #tpu.memory_space<vmem>>
        %dma_wait3A_61 = arith.constant 0 : i32
        %dma_wait3A_62 = arith.constant 0 : i32
        %dma_wait3A_63 = tpu.memref_slice %arg13[%dma_wait3A_61, %dma_wait3A_62] : memref<10112x128xf32, #tpu.memory_space<vmem_shared>> -> memref<10112x128xf32, #tpu.memory_space<vmem_shared>>
        tpu.wait_indirect_dma semaphore(%arg16 : memref<!tpu.dma_semaphore, #tpu.memory_space<semaphore_mem>>) src(%arg11 : memref<128x128xf32, #tpu.memory_space<vmem>>) dst(%dma_wait3A_63 : memref<10112x128xf32, #tpu.memory_space<vmem_shared>>)
        %dma_start3A_64 = arith.constant 2 : i32
        %dma_start3A_65 = arith.constant 0 : i32
        %dma_start3A_66 = tpu.memref_slice %arg9[%dma_start3A_64, %dma_start3A_65] : memref<8x128xi32, #tpu.memory_space<vmem>> -> memref<1x128xi32, #tpu.memory_space<vmem>>
        %dma_start3A_67 = tpu.memref_squeeze %dma_start3A_66 : memref<1x128xi32, #tpu.memory_space<vmem>> -> memref<128xi32, #tpu.memory_space<vmem>>
        %dma_start3A_68 = arith.constant 0 : i32
        %dma_start3A_69 = arith.constant 0 : i32
        %dma_start3A_70 = tpu.memref_slice %arg5[%dma_start3A_68, %dma_start3A_69] : memref<10000x128xf32, #tpu.memory_space<hbm>> -> memref<10000x128xf32, #tpu.memory_space<hbm>>
        tpu.enqueue_indirect_dma source(%dma_start3A_70 : memref<10000x128xf32, #tpu.memory_space<hbm>>) target(%arg11 : memref<128x128xf32, #tpu.memory_space<vmem>>) offsets(%dma_start3A_67 : memref<128xi32, #tpu.memory_space<vmem>>) semaphore(%arg14 : memref<!tpu.dma_semaphore, #tpu.memory_space<semaphore_mem>>)
        %dma_wait3A_71 = arith.constant 1 : i32
        %dma_wait3A_72 = arith.constant 0 : i32
        %dma_wait3A_73 = tpu.memref_slice %arg9[%dma_wait3A_71, %dma_wait3A_72] : memref<8x128xi32, #tpu.memory_space<vmem>> -> memref<1x128xi32, #tpu.memory_space<vmem>>
        %dma_wait3A_74 = tpu.memref_squeeze %dma_wait3A_73 : memref<1x128xi32, #tpu.memory_space<vmem>> -> memref<128xi32, #tpu.memory_space<vmem>>
        %dma_wait3A_75 = arith.constant 0 : i32
        %dma_wait3A_76 = arith.constant 0 : i32
        %dma_wait3A_77 = tpu.memref_slice %arg5[%dma_wait3A_75, %dma_wait3A_76] : memref<10000x128xf32, #tpu.memory_space<hbm>> -> memref<10000x128xf32, #tpu.memory_space<hbm>>
        tpu.wait_indirect_dma semaphore(%arg15 : memref<!tpu.dma_semaphore, #tpu.memory_space<semaphore_mem>>) src(%dma_wait3A_77 : memref<10000x128xf32, #tpu.memory_space<hbm>>) dst(%arg12 : memref<128x128xf32, #tpu.memory_space<vmem>>)
        %dma_start3A_78 = arith.constant 1 : i32
        %dma_start3A_79 = arith.constant 0 : i32
        %dma_start3A_80 = tpu.memref_slice %arg10[%dma_start3A_78, %dma_start3A_79] : memref<8x128xi32, #tpu.memory_space<vmem>> -> memref<1x128xi32, #tpu.memory_space<vmem>>
        %dma_start3A_81 = tpu.memref_squeeze %dma_start3A_80 : memref<1x128xi32, #tpu.memory_space<vmem>> -> memref<128xi32, #tpu.memory_space<vmem>>
        %dma_start3A_82 = arith.constant 0 : i32
        %dma_start3A_83 = arith.constant 0 : i32
        %dma_start3A_84 = tpu.memref_slice %arg13[%dma_start3A_82, %dma_start3A_83] : memref<10112x128xf32, #tpu.memory_space<vmem_shared>> -> memref<10112x128xf32, #tpu.memory_space<vmem_shared>>
        tpu.enqueue_indirect_dma source(%arg12 : memref<128x128xf32, #tpu.memory_space<vmem>>) target(%dma_start3A_84 : memref<10112x128xf32, #tpu.memory_space<vmem_shared>>) offsets(%dma_start3A_81 : memref<128xi32, #tpu.memory_space<vmem>>) semaphore(%arg17 : memref<!tpu.dma_semaphore, #tpu.memory_space<semaphore_mem>>) {add = true}
        %dma_wait3A_85 = arith.constant 1 : i32
        %dma_wait3A_86 = arith.constant 0 : i32
        %dma_wait3A_87 = tpu.memref_slice %arg10[%dma_wait3A_85, %dma_wait3A_86] : memref<8x128xi32, #tpu.memory_space<vmem>> -> memref<1x128xi32, #tpu.memory_space<vmem>>
        %dma_wait3A_88 = tpu.memref_squeeze %dma_wait3A_87 : memref<1x128xi32, #tpu.memory_space<vmem>> -> memref<128xi32, #tpu.memory_space<vmem>>
        %dma_wait3A_89 = arith.constant 0 : i32
        %dma_wait3A_90 = arith.constant 0 : i32
        %dma_wait3A_91 = tpu.memref_slice %arg13[%dma_wait3A_89, %dma_wait3A_90] : memref<10112x128xf32, #tpu.memory_space<vmem_shared>> -> memref<10112x128xf32, #tpu.memory_space<vmem_shared>>
        tpu.wait_indirect_dma semaphore(%arg17 : memref<!tpu.dma_semaphore, #tpu.memory_space<semaphore_mem>>) src(%arg12 : memref<128x128xf32, #tpu.memory_space<vmem>>) dst(%dma_wait3A_91 : memref<10112x128xf32, #tpu.memory_space<vmem_shared>>)
        %dma_start3A_92 = arith.constant 3 : i32
        %dma_start3A_93 = arith.constant 0 : i32
        %dma_start3A_94 = tpu.memref_slice %arg9[%dma_start3A_92, %dma_start3A_93] : memref<8x128xi32, #tpu.memory_space<vmem>> -> memref<1x128xi32, #tpu.memory_space<vmem>>
        %dma_start3A_95 = tpu.memref_squeeze %dma_start3A_94 : memref<1x128xi32, #tpu.memory_space<vmem>> -> memref<128xi32, #tpu.memory_space<vmem>>
        %dma_start3A_96 = arith.constant 0 : i32
        %dma_start3A_97 = arith.constant 0 : i32
        %dma_start3A_98 = tpu.memref_slice %arg5[%dma_start3A_96, %dma_start3A_97] : memref<10000x128xf32, #tpu.memory_space<hbm>> -> memref<10000x128xf32, #tpu.memory_space<hbm>>
        tpu.enqueue_indirect_dma source(%dma_start3A_98 : memref<10000x128xf32, #tpu.memory_space<hbm>>) target(%arg12 : memref<128x128xf32, #tpu.memory_space<vmem>>) offsets(%dma_start3A_95 : memref<128xi32, #tpu.memory_space<vmem>>) semaphore(%arg15 : memref<!tpu.dma_semaphore, #tpu.memory_space<semaphore_mem>>)
        %dma_wait3A_99 = arith.constant 2 : i32
        %dma_wait3A_100 = arith.constant 0 : i32
        %dma_wait3A_101 = tpu.memref_slice %arg9[%dma_wait3A_99, %dma_wait3A_100] : memref<8x128xi32, #tpu.memory_space<vmem>> -> memref<1x128xi32, #tpu.memory_space<vmem>>
        %dma_wait3A_102 = tpu.memref_squeeze %dma_wait3A_101 : memref<1x128xi32, #tpu.memory_space<vmem>> -> memref<128xi32, #tpu.memory_space<vmem>>
        %dma_wait3A_103 = arith.constant 0 : i32
        %dma_wait3A_104 = arith.constant 0 : i32
        %dma_wait3A_105 = tpu.memref_slice %arg5[%dma_wait3A_103, %dma_wait3A_104] : memref<10000x128xf32, #tpu.memory_space<hbm>> -> memref<10000x128xf32, #tpu.memory_space<hbm>>
        tpu.wait_indirect_dma semaphore(%arg14 : memref<!tpu.dma_semaphore, #tpu.memory_space<semaphore_mem>>) src(%dma_wait3A_105 : memref<10000x128xf32, #tpu.memory_space<hbm>>) dst(%arg11 : memref<128x128xf32, #tpu.memory_space<vmem>>)
        %dma_start3A_106 = arith.constant 2 : i32
        %dma_start3A_107 = arith.constant 0 : i32
        %dma_start3A_108 = tpu.memref_slice %arg10[%dma_start3A_106, %dma_start3A_107] : memref<8x128xi32, #tpu.memory_space<vmem>> -> memref<1x128xi32, #tpu.memory_space<vmem>>
        %dma_start3A_109 = tpu.memref_squeeze %dma_start3A_108 : memref<1x128xi32, #tpu.memory_space<vmem>> -> memref<128xi32, #tpu.memory_space<vmem>>
        %dma_start3A_110 = arith.constant 0 : i32
        %dma_start3A_111 = arith.constant 0 : i32
        %dma_start3A_112 = tpu.memref_slice %arg13[%dma_start3A_110, %dma_start3A_111] : memref<10112x128xf32, #tpu.memory_space<vmem_shared>> -> memref<10112x128xf32, #tpu.memory_space<vmem_shared>>
        tpu.enqueue_indirect_dma source(%arg11 : memref<128x128xf32, #tpu.memory_space<vmem>>) target(%dma_start3A_112 : memref<10112x128xf32, #tpu.memory_space<vmem_shared>>) offsets(%dma_start3A_109 : memref<128xi32, #tpu.memory_space<vmem>>) semaphore(%arg16 : memref<!tpu.dma_semaphore, #tpu.memory_space<semaphore_mem>>) {add = true}
        %dma_wait3A_113 = arith.constant 2 : i32
        %dma_wait3A_114 = arith.constant 0 : i32
        %dma_wait3A_115 = tpu.memref_slice %arg10[%dma_wait3A_113, %dma_wait3A_114] : memref<8x128xi32, #tpu.memory_space<vmem>> -> memref<1x128xi32, #tpu.memory_space<vmem>>
        %dma_wait3A_116 = tpu.memref_squeeze %dma_wait3A_115 : memref<1x128xi32, #tpu.memory_space<vmem>> -> memref<128xi32, #tpu.memory_space<vmem>>
        %dma_wait3A_117 = arith.constant 0 : i32
        %dma_wait3A_118 = arith.constant 0 : i32
        %dma_wait3A_119 = tpu.memref_slice %arg13[%dma_wait3A_117, %dma_wait3A_118] : memref<10112x128xf32, #tpu.memory_space<vmem_shared>> -> memref<10112x128xf32, #tpu.memory_space<vmem_shared>>
        tpu.wait_indirect_dma semaphore(%arg16 : memref<!tpu.dma_semaphore, #tpu.memory_space<semaphore_mem>>) src(%arg11 : memref<128x128xf32, #tpu.memory_space<vmem>>) dst(%dma_wait3A_119 : memref<10112x128xf32, #tpu.memory_space<vmem_shared>>)
        %dma_start3A_120 = arith.constant 4 : i32
        %dma_start3A_121 = arith.constant 0 : i32
        %dma_start3A_122 = tpu.memref_slice %arg9[%dma_start3A_120, %dma_start3A_121] : memref<8x128xi32, #tpu.memory_space<vmem>> -> memref<1x128xi32, #tpu.memory_space<vmem>>
        %dma_start3A_123 = tpu.memref_squeeze %dma_start3A_122 : memref<1x128xi32, #tpu.memory_space<vmem>> -> memref<128xi32, #tpu.memory_space<vmem>>
        %dma_start3A_124 = arith.constant 0 : i32
        %dma_start3A_125 = arith.constant 0 : i32
        %dma_start3A_126 = tpu.memref_slice %arg5[%dma_start3A_124, %dma_start3A_125] : memref<10000x128xf32, #tpu.memory_space<hbm>> -> memref<10000x128xf32, #tpu.memory_space<hbm>>
        tpu.enqueue_indirect_dma source(%dma_start3A_126 : memref<10000x128xf32, #tpu.memory_space<hbm>>) target(%arg11 : memref<128x128xf32, #tpu.memory_space<vmem>>) offsets(%dma_start3A_123 : memref<128xi32, #tpu.memory_space<vmem>>) semaphore(%arg14 : memref<!tpu.dma_semaphore, #tpu.memory_space<semaphore_mem>>)
        %dma_wait3A_127 = arith.constant 3 : i32
        %dma_wait3A_128 = arith.constant 0 : i32
        %dma_wait3A_129 = tpu.memref_slice %arg9[%dma_wait3A_127, %dma_wait3A_128] : memref<8x128xi32, #tpu.memory_space<vmem>> -> memref<1x128xi32, #tpu.memory_space<vmem>>
        %dma_wait3A_130 = tpu.memref_squeeze %dma_wait3A_129 : memref<1x128xi32, #tpu.memory_space<vmem>> -> memref<128xi32, #tpu.memory_space<vmem>>
        %dma_wait3A_131 = arith.constant 0 : i32
        %dma_wait3A_132 = arith.constant 0 : i32
        %dma_wait3A_133 = tpu.memref_slice %arg5[%dma_wait3A_131, %dma_wait3A_132] : memref<10000x128xf32, #tpu.memory_space<hbm>> -> memref<10000x128xf32, #tpu.memory_space<hbm>>
        tpu.wait_indirect_dma semaphore(%arg15 : memref<!tpu.dma_semaphore, #tpu.memory_space<semaphore_mem>>) src(%dma_wait3A_133 : memref<10000x128xf32, #tpu.memory_space<hbm>>) dst(%arg12 : memref<128x128xf32, #tpu.memory_space<vmem>>)
        %dma_start3A_134 = arith.constant 3 : i32
        %dma_start3A_135 = arith.constant 0 : i32
        %dma_start3A_136 = tpu.memref_slice %arg10[%dma_start3A_134, %dma_start3A_135] : memref<8x128xi32, #tpu.memory_space<vmem>> -> memref<1x128xi32, #tpu.memory_space<vmem>>
        %dma_start3A_137 = tpu.memref_squeeze %dma_start3A_136 : memref<1x128xi32, #tpu.memory_space<vmem>> -> memref<128xi32, #tpu.memory_space<vmem>>
        %dma_start3A_138 = arith.constant 0 : i32
        %dma_start3A_139 = arith.constant 0 : i32
        %dma_start3A_140 = tpu.memref_slice %arg13[%dma_start3A_138, %dma_start3A_139] : memref<10112x128xf32, #tpu.memory_space<vmem_shared>> -> memref<10112x128xf32, #tpu.memory_space<vmem_shared>>
        tpu.enqueue_indirect_dma source(%arg12 : memref<128x128xf32, #tpu.memory_space<vmem>>) target(%dma_start3A_140 : memref<10112x128xf32, #tpu.memory_space<vmem_shared>>) offsets(%dma_start3A_137 : memref<128xi32, #tpu.memory_space<vmem>>) semaphore(%arg17 : memref<!tpu.dma_semaphore, #tpu.memory_space<semaphore_mem>>) {add = true}
        %dma_wait3A_141 = arith.constant 3 : i32
        %dma_wait3A_142 = arith.constant 0 : i32
        %dma_wait3A_143 = tpu.memref_slice %arg10[%dma_wait3A_141, %dma_wait3A_142] : memref<8x128xi32, #tpu.memory_space<vmem>> -> memref<1x128xi32, #tpu.memory_space<vmem>>
        %dma_wait3A_144 = tpu.memref_squeeze %dma_wait3A_143 : memref<1x128xi32, #tpu.memory_space<vmem>> -> memref<128xi32, #tpu.memory_space<vmem>>
        %dma_wait3A_145 = arith.constant 0 : i32
        %dma_wait3A_146 = arith.constant 0 : i32
        %dma_wait3A_147 = tpu.memref_slice %arg13[%dma_wait3A_145, %dma_wait3A_146] : memref<10112x128xf32, #tpu.memory_space<vmem_shared>> -> memref<10112x128xf32, #tpu.memory_space<vmem_shared>>
        tpu.wait_indirect_dma semaphore(%arg17 : memref<!tpu.dma_semaphore, #tpu.memory_space<semaphore_mem>>) src(%arg12 : memref<128x128xf32, #tpu.memory_space<vmem>>) dst(%dma_wait3A_147 : memref<10112x128xf32, #tpu.memory_space<vmem_shared>>)
        %dma_start3A_148 = arith.constant 5 : i32
        %dma_start3A_149 = arith.constant 0 : i32
        %dma_start3A_150 = tpu.memref_slice %arg9[%dma_start3A_148, %dma_start3A_149] : memref<8x128xi32, #tpu.memory_space<vmem>> -> memref<1x128xi32, #tpu.memory_space<vmem>>
        %dma_start3A_151 = tpu.memref_squeeze %dma_start3A_150 : memref<1x128xi32, #tpu.memory_space<vmem>> -> memref<128xi32, #tpu.memory_space<vmem>>
        %dma_start3A_152 = arith.constant 0 : i32
        %dma_start3A_153 = arith.constant 0 : i32
        %dma_start3A_154 = tpu.memref_slice %arg5[%dma_start3A_152, %dma_start3A_153] : memref<10000x128xf32, #tpu.memory_space<hbm>> -> memref<10000x128xf32, #tpu.memory_space<hbm>>
        tpu.enqueue_indirect_dma source(%dma_start3A_154 : memref<10000x128xf32, #tpu.memory_space<hbm>>) target(%arg12 : memref<128x128xf32, #tpu.memory_space<vmem>>) offsets(%dma_start3A_151 : memref<128xi32, #tpu.memory_space<vmem>>) semaphore(%arg15 : memref<!tpu.dma_semaphore, #tpu.memory_space<semaphore_mem>>)
        %dma_wait3A_155 = arith.constant 4 : i32
        %dma_wait3A_156 = arith.constant 0 : i32
        %dma_wait3A_157 = tpu.memref_slice %arg9[%dma_wait3A_155, %dma_wait3A_156] : memref<8x128xi32, #tpu.memory_space<vmem>> -> memref<1x128xi32, #tpu.memory_space<vmem>>
        %dma_wait3A_158 = tpu.memref_squeeze %dma_wait3A_157 : memref<1x128xi32, #tpu.memory_space<vmem>> -> memref<128xi32, #tpu.memory_space<vmem>>
        %dma_wait3A_159 = arith.constant 0 : i32
        %dma_wait3A_160 = arith.constant 0 : i32
        %dma_wait3A_161 = tpu.memref_slice %arg5[%dma_wait3A_159, %dma_wait3A_160] : memref<10000x128xf32, #tpu.memory_space<hbm>> -> memref<10000x128xf32, #tpu.memory_space<hbm>>
        tpu.wait_indirect_dma semaphore(%arg14 : memref<!tpu.dma_semaphore, #tpu.memory_space<semaphore_mem>>) src(%dma_wait3A_161 : memref<10000x128xf32, #tpu.memory_space<hbm>>) dst(%arg11 : memref<128x128xf32, #tpu.memory_space<vmem>>)
        %dma_start3A_162 = arith.constant 4 : i32
        %dma_start3A_163 = arith.constant 0 : i32
        %dma_start3A_164 = tpu.memref_slice %arg10[%dma_start3A_162, %dma_start3A_163] : memref<8x128xi32, #tpu.memory_space<vmem>> -> memref<1x128xi32, #tpu.memory_space<vmem>>
        %dma_start3A_165 = tpu.memref_squeeze %dma_start3A_164 : memref<1x128xi32, #tpu.memory_space<vmem>> -> memref<128xi32, #tpu.memory_space<vmem>>
        %dma_start3A_166 = arith.constant 0 : i32
        %dma_start3A_167 = arith.constant 0 : i32
        %dma_start3A_168 = tpu.memref_slice %arg13[%dma_start3A_166, %dma_start3A_167] : memref<10112x128xf32, #tpu.memory_space<vmem_shared>> -> memref<10112x128xf32, #tpu.memory_space<vmem_shared>>
        tpu.enqueue_indirect_dma source(%arg11 : memref<128x128xf32, #tpu.memory_space<vmem>>) target(%dma_start3A_168 : memref<10112x128xf32, #tpu.memory_space<vmem_shared>>) offsets(%dma_start3A_165 : memref<128xi32, #tpu.memory_space<vmem>>) semaphore(%arg16 : memref<!tpu.dma_semaphore, #tpu.memory_space<semaphore_mem>>) {add = true}
        %dma_wait3A_169 = arith.constant 4 : i32
        %dma_wait3A_170 = arith.constant 0 : i32
        %dma_wait3A_171 = tpu.memref_slice %arg10[%dma_wait3A_169, %dma_wait3A_170] : memref<8x128xi32, #tpu.memory_space<vmem>> -> memref<1x128xi32, #tpu.memory_space<vmem>>
        %dma_wait3A_172 = tpu.memref_squeeze %dma_wait3A_171 : memref<1x128xi32, #tpu.memory_space<vmem>> -> memref<128xi32, #tpu.memory_space<vmem>>
        %dma_wait3A_173 = arith.constant 0 : i32
        %dma_wait3A_174 = arith.constant 0 : i32
        %dma_wait3A_175 = tpu.memref_slice %arg13[%dma_wait3A_173, %dma_wait3A_174] : memref<10112x128xf32, #tpu.memory_space<vmem_shared>> -> memref<10112x128xf32, #tpu.memory_space<vmem_shared>>
        tpu.wait_indirect_dma semaphore(%arg16 : memref<!tpu.dma_semaphore, #tpu.memory_space<semaphore_mem>>) src(%arg11 : memref<128x128xf32, #tpu.memory_space<vmem>>) dst(%dma_wait3A_175 : memref<10112x128xf32, #tpu.memory_space<vmem_shared>>)
        %dma_start3A_176 = arith.constant 6 : i32
        %dma_start3A_177 = arith.constant 0 : i32
        %dma_start3A_178 = tpu.memref_slice %arg9[%dma_start3A_176, %dma_start3A_177] : memref<8x128xi32, #tpu.memory_space<vmem>> -> memref<1x128xi32, #tpu.memory_space<vmem>>
        %dma_start3A_179 = tpu.memref_squeeze %dma_start3A_178 : memref<1x128xi32, #tpu.memory_space<vmem>> -> memref<128xi32, #tpu.memory_space<vmem>>
        %dma_start3A_180 = arith.constant 0 : i32
        %dma_start3A_181 = arith.constant 0 : i32
        %dma_start3A_182 = tpu.memref_slice %arg5[%dma_start3A_180, %dma_start3A_181] : memref<10000x128xf32, #tpu.memory_space<hbm>> -> memref<10000x128xf32, #tpu.memory_space<hbm>>
        tpu.enqueue_indirect_dma source(%dma_start3A_182 : memref<10000x128xf32, #tpu.memory_space<hbm>>) target(%arg11 : memref<128x128xf32, #tpu.memory_space<vmem>>) offsets(%dma_start3A_179 : memref<128xi32, #tpu.memory_space<vmem>>) semaphore(%arg14 : memref<!tpu.dma_semaphore, #tpu.memory_space<semaphore_mem>>)
        %dma_wait3A_183 = arith.constant 5 : i32
        %dma_wait3A_184 = arith.constant 0 : i32
        %dma_wait3A_185 = tpu.memref_slice %arg9[%dma_wait3A_183, %dma_wait3A_184] : memref<8x128xi32, #tpu.memory_space<vmem>> -> memref<1x128xi32, #tpu.memory_space<vmem>>
        %dma_wait3A_186 = tpu.memref_squeeze %dma_wait3A_185 : memref<1x128xi32, #tpu.memory_space<vmem>> -> memref<128xi32, #tpu.memory_space<vmem>>
        %dma_wait3A_187 = arith.constant 0 : i32
        %dma_wait3A_188 = arith.constant 0 : i32
        %dma_wait3A_189 = tpu.memref_slice %arg5[%dma_wait3A_187, %dma_wait3A_188] : memref<10000x128xf32, #tpu.memory_space<hbm>> -> memref<10000x128xf32, #tpu.memory_space<hbm>>
        tpu.wait_indirect_dma semaphore(%arg15 : memref<!tpu.dma_semaphore, #tpu.memory_space<semaphore_mem>>) src(%dma_wait3A_189 : memref<10000x128xf32, #tpu.memory_space<hbm>>) dst(%arg12 : memref<128x128xf32, #tpu.memory_space<vmem>>)
        %dma_start3A_190 = arith.constant 5 : i32
        %dma_start3A_191 = arith.constant 0 : i32
        %dma_start3A_192 = tpu.memref_slice %arg10[%dma_start3A_190, %dma_start3A_191] : memref<8x128xi32, #tpu.memory_space<vmem>> -> memref<1x128xi32, #tpu.memory_space<vmem>>
        %dma_start3A_193 = tpu.memref_squeeze %dma_start3A_192 : memref<1x128xi32, #tpu.memory_space<vmem>> -> memref<128xi32, #tpu.memory_space<vmem>>
        %dma_start3A_194 = arith.constant 0 : i32
        %dma_start3A_195 = arith.constant 0 : i32
        %dma_start3A_196 = tpu.memref_slice %arg13[%dma_start3A_194, %dma_start3A_195] : memref<10112x128xf32, #tpu.memory_space<vmem_shared>> -> memref<10112x128xf32, #tpu.memory_space<vmem_shared>>
        tpu.enqueue_indirect_dma source(%arg12 : memref<128x128xf32, #tpu.memory_space<vmem>>) target(%dma_start3A_196 : memref<10112x128xf32, #tpu.memory_space<vmem_shared>>) offsets(%dma_start3A_193 : memref<128xi32, #tpu.memory_space<vmem>>) semaphore(%arg17 : memref<!tpu.dma_semaphore, #tpu.memory_space<semaphore_mem>>) {add = true}
        %dma_wait3A_197 = arith.constant 5 : i32
        %dma_wait3A_198 = arith.constant 0 : i32
        %dma_wait3A_199 = tpu.memref_slice %arg10[%dma_wait3A_197, %dma_wait3A_198] : memref<8x128xi32, #tpu.memory_space<vmem>> -> memref<1x128xi32, #tpu.memory_space<vmem>>
        %dma_wait3A_200 = tpu.memref_squeeze %dma_wait3A_199 : memref<1x128xi32, #tpu.memory_space<vmem>> -> memref<128xi32, #tpu.memory_space<vmem>>
        %dma_wait3A_201 = arith.constant 0 : i32
        %dma_wait3A_202 = arith.constant 0 : i32
        %dma_wait3A_203 = tpu.memref_slice %arg13[%dma_wait3A_201, %dma_wait3A_202] : memref<10112x128xf32, #tpu.memory_space<vmem_shared>> -> memref<10112x128xf32, #tpu.memory_space<vmem_shared>>
        tpu.wait_indirect_dma semaphore(%arg17 : memref<!tpu.dma_semaphore, #tpu.memory_space<semaphore_mem>>) src(%arg12 : memref<128x128xf32, #tpu.memory_space<vmem>>) dst(%dma_wait3A_203 : memref<10112x128xf32, #tpu.memory_space<vmem_shared>>)
        %dma_start3A_204 = arith.constant 7 : i32
        %dma_start3A_205 = arith.constant 0 : i32
        %dma_start3A_206 = tpu.memref_slice %arg9[%dma_start3A_204, %dma_start3A_205] : memref<8x128xi32, #tpu.memory_space<vmem>> -> memref<1x128xi32, #tpu.memory_space<vmem>>
        %dma_start3A_207 = tpu.memref_squeeze %dma_start3A_206 : memref<1x128xi32, #tpu.memory_space<vmem>> -> memref<128xi32, #tpu.memory_space<vmem>>
        %dma_start3A_208 = arith.constant 0 : i32
        %dma_start3A_209 = arith.constant 0 : i32
        %dma_start3A_210 = tpu.memref_slice %arg5[%dma_start3A_208, %dma_start3A_209] : memref<10000x128xf32, #tpu.memory_space<hbm>> -> memref<10000x128xf32, #tpu.memory_space<hbm>>
        tpu.enqueue_indirect_dma source(%dma_start3A_210 : memref<10000x128xf32, #tpu.memory_space<hbm>>) target(%arg12 : memref<128x128xf32, #tpu.memory_space<vmem>>) offsets(%dma_start3A_207 : memref<128xi32, #tpu.memory_space<vmem>>) semaphore(%arg15 : memref<!tpu.dma_semaphore, #tpu.memory_space<semaphore_mem>>)
        %dma_wait3A_211 = arith.constant 6 : i32
        %dma_wait3A_212 = arith.constant 0 : i32
        %dma_wait3A_213 = tpu.memref_slice %arg9[%dma_wait3A_211, %dma_wait3A_212] : memref<8x128xi32, #tpu.memory_space<vmem>> -> memref<1x128xi32, #tpu.memory_space<vmem>>
        %dma_wait3A_214 = tpu.memref_squeeze %dma_wait3A_213 : memref<1x128xi32, #tpu.memory_space<vmem>> -> memref<128xi32, #tpu.memory_space<vmem>>
        %dma_wait3A_215 = arith.constant 0 : i32
        %dma_wait3A_216 = arith.constant 0 : i32
        %dma_wait3A_217 = tpu.memref_slice %arg5[%dma_wait3A_215, %dma_wait3A_216] : memref<10000x128xf32, #tpu.memory_space<hbm>> -> memref<10000x128xf32, #tpu.memory_space<hbm>>
        tpu.wait_indirect_dma semaphore(%arg14 : memref<!tpu.dma_semaphore, #tpu.memory_space<semaphore_mem>>) src(%dma_wait3A_217 : memref<10000x128xf32, #tpu.memory_space<hbm>>) dst(%arg11 : memref<128x128xf32, #tpu.memory_space<vmem>>)
        %dma_start3A_218 = arith.constant 6 : i32
        %dma_start3A_219 = arith.constant 0 : i32
        %dma_start3A_220 = tpu.memref_slice %arg10[%dma_start3A_218, %dma_start3A_219] : memref<8x128xi32, #tpu.memory_space<vmem>> -> memref<1x128xi32, #tpu.memory_space<vmem>>
        %dma_start3A_221 = tpu.memref_squeeze %dma_start3A_220 : memref<1x128xi32, #tpu.memory_space<vmem>> -> memref<128xi32, #tpu.memory_space<vmem>>
        %dma_start3A_222 = arith.constant 0 : i32
        %dma_start3A_223 = arith.constant 0 : i32
        %dma_start3A_224 = tpu.memref_slice %arg13[%dma_start3A_222, %dma_start3A_223] : memref<10112x128xf32, #tpu.memory_space<vmem_shared>> -> memref<10112x128xf32, #tpu.memory_space<vmem_shared>>
        tpu.enqueue_indirect_dma source(%arg11 : memref<128x128xf32, #tpu.memory_space<vmem>>) target(%dma_start3A_224 : memref<10112x128xf32, #tpu.memory_space<vmem_shared>>) offsets(%dma_start3A_221 : memref<128xi32, #tpu.memory_space<vmem>>) semaphore(%arg16 : memref<!tpu.dma_semaphore, #tpu.memory_space<semaphore_mem>>) {add = true}
        %dma_wait3A_225 = arith.constant 6 : i32
        %dma_wait3A_226 = arith.constant 0 : i32
        %dma_wait3A_227 = tpu.memref_slice %arg10[%dma_wait3A_225, %dma_wait3A_226] : memref<8x128xi32, #tpu.memory_space<vmem>> -> memref<1x128xi32, #tpu.memory_space<vmem>>
        %dma_wait3A_228 = tpu.memref_squeeze %dma_wait3A_227 : memref<1x128xi32, #tpu.memory_space<vmem>> -> memref<128xi32, #tpu.memory_space<vmem>>
        %dma_wait3A_229 = arith.constant 0 : i32
        %dma_wait3A_230 = arith.constant 0 : i32
        %dma_wait3A_231 = tpu.memref_slice %arg13[%dma_wait3A_229, %dma_wait3A_230] : memref<10112x128xf32, #tpu.memory_space<vmem_shared>> -> memref<10112x128xf32, #tpu.memory_space<vmem_shared>>
        tpu.wait_indirect_dma semaphore(%arg16 : memref<!tpu.dma_semaphore, #tpu.memory_space<semaphore_mem>>) src(%arg11 : memref<128x128xf32, #tpu.memory_space<vmem>>) dst(%dma_wait3A_231 : memref<10112x128xf32, #tpu.memory_space<vmem_shared>>)
        %dma_wait3A_232 = arith.constant 7 : i32
        %dma_wait3A_233 = arith.constant 0 : i32
        %dma_wait3A_234 = tpu.memref_slice %arg9[%dma_wait3A_232, %dma_wait3A_233] : memref<8x128xi32, #tpu.memory_space<vmem>> -> memref<1x128xi32, #tpu.memory_space<vmem>>
        %dma_wait3A_235 = tpu.memref_squeeze %dma_wait3A_234 : memref<1x128xi32, #tpu.memory_space<vmem>> -> memref<128xi32, #tpu.memory_space<vmem>>
        %dma_wait3A_236 = arith.constant 0 : i32
        %dma_wait3A_237 = arith.constant 0 : i32
        %dma_wait3A_238 = tpu.memref_slice %arg5[%dma_wait3A_236, %dma_wait3A_237] : memref<10000x128xf32, #tpu.memory_space<hbm>> -> memref<10000x128xf32, #tpu.memory_space<hbm>>
        tpu.wait_indirect_dma semaphore(%arg15 : memref<!tpu.dma_semaphore, #tpu.memory_space<semaphore_mem>>) src(%dma_wait3A_238 : memref<10000x128xf32, #tpu.memory_space<hbm>>) dst(%arg12 : memref<128x128xf32, #tpu.memory_space<vmem>>)
        %dma_start3A_239 = arith.constant 7 : i32
        %dma_start3A_240 = arith.constant 0 : i32
        %dma_start3A_241 = tpu.memref_slice %arg10[%dma_start3A_239, %dma_start3A_240] : memref<8x128xi32, #tpu.memory_space<vmem>> -> memref<1x128xi32, #tpu.memory_space<vmem>>
        %dma_start3A_242 = tpu.memref_squeeze %dma_start3A_241 : memref<1x128xi32, #tpu.memory_space<vmem>> -> memref<128xi32, #tpu.memory_space<vmem>>
        %dma_start3A_243 = arith.constant 0 : i32
        %dma_start3A_244 = arith.constant 0 : i32
        %dma_start3A_245 = tpu.memref_slice %arg13[%dma_start3A_243, %dma_start3A_244] : memref<10112x128xf32, #tpu.memory_space<vmem_shared>> -> memref<10112x128xf32, #tpu.memory_space<vmem_shared>>
        tpu.enqueue_indirect_dma source(%arg12 : memref<128x128xf32, #tpu.memory_space<vmem>>) target(%dma_start3A_245 : memref<10112x128xf32, #tpu.memory_space<vmem_shared>>) offsets(%dma_start3A_242 : memref<128xi32, #tpu.memory_space<vmem>>) semaphore(%arg17 : memref<!tpu.dma_semaphore, #tpu.memory_space<semaphore_mem>>) {add = true}
        %dma_wait3A_246 = arith.constant 7 : i32
        %dma_wait3A_247 = arith.constant 0 : i32
        %dma_wait3A_248 = tpu.memref_slice %arg10[%dma_wait3A_246, %dma_wait3A_247] : memref<8x128xi32, #tpu.memory_space<vmem>> -> memref<1x128xi32, #tpu.memory_space<vmem>>
        %dma_wait3A_249 = tpu.memref_squeeze %dma_wait3A_248 : memref<1x128xi32, #tpu.memory_space<vmem>> -> memref<128xi32, #tpu.memory_space<vmem>>
        %dma_wait3A_250 = arith.constant 0 : i32
        %dma_wait3A_251 = arith.constant 0 : i32
        %dma_wait3A_252 = tpu.memref_slice %arg13[%dma_wait3A_250, %dma_wait3A_251] : memref<10112x128xf32, #tpu.memory_space<vmem_shared>> -> memref<10112x128xf32, #tpu.memory_space<vmem_shared>>
        tpu.wait_indirect_dma semaphore(%arg17 : memref<!tpu.dma_semaphore, #tpu.memory_space<semaphore_mem>>) src(%arg12 : memref<128x128xf32, #tpu.memory_space<vmem>>) dst(%dma_wait3A_252 : memref<10112x128xf32, #tpu.memory_space<vmem_shared>>)
        %scan3A_253 = arith.constant 0 : i32
        scf.yield %scan3A_253 : i32
      }
      %scan3A_24 = arith.constant 20 : i32
    } else {
    }
    %barrier3A_8 = arith.constant 0 : index
    tpu.barrier barrier_id(%barrier3A_8)
    %eq3A_9 = arith.constant 0 : i32
    %eq3A_10 = arith.cmpi eq, %arg0, %eq3A_9 : i32
    %convert_element_type3A_11 = arith.extui %eq3A_10 : i1 to i32
    %cond3A_12 = arith.constant 0 : i32
    %cond3A_13 = arith.cmpi ne, %convert_element_type3A_11, %cond3A_12 : i32
    scf.if %cond3A_13 {
      "tpu.region"() ({
        %run_scoped3A = tpu.sem_alloc : memref<!tpu.dma_semaphore, #tpu.memory_space<semaphore_mem>>
        %dma_start3A = arith.constant 0 : i32
        %dma_start3A_19 = tpu.memref_slice %arg7[%mul3A_0, %dma_start3A] : memref<10112x128xf32, #tpu.memory_space<hbm>> -> memref<632x128xf32, #tpu.memory_space<hbm>>
        %dma_start3A_20 = arith.constant 0 : i32
        %dma_start3A_21 = tpu.memref_slice %arg13[%mul3A_0, %dma_start3A_20] : memref<10112x128xf32, #tpu.memory_space<vmem_shared>> -> memref<632x128xf32, #tpu.memory_space<vmem_shared>>
        tpu.enqueue_dma source(%dma_start3A_21 : memref<632x128xf32, #tpu.memory_space<vmem_shared>>) target(%dma_start3A_19 : memref<632x128xf32, #tpu.memory_space<hbm>>) target_semaphore(%run_scoped3A : memref<!tpu.dma_semaphore, #tpu.memory_space<semaphore_mem>>)
        %dma_wait3A = arith.constant 0 : i32
        %dma_wait3A_22 = tpu.memref_slice %arg7[%mul3A_0, %dma_wait3A] : memref<10112x128xf32, #tpu.memory_space<hbm>> -> memref<632x128xf32, #tpu.memory_space<hbm>>
        %dma_wait3A_23 = arith.constant 0 : i32
        %dma_wait3A_24 = tpu.memref_slice %arg13[%mul3A_0, %dma_wait3A_23] : memref<10112x128xf32, #tpu.memory_space<vmem_shared>> -> memref<632x128xf32, #tpu.memory_space<vmem_shared>>
        tpu.wait_dma2 semaphore(%run_scoped3A : memref<!tpu.dma_semaphore, #tpu.memory_space<semaphore_mem>>) src(%dma_wait3A_24 : memref<632x128xf32, #tpu.memory_space<vmem_shared>>) dst(%dma_wait3A_22 : memref<632x128xf32, #tpu.memory_space<hbm>>)
        tpu.yield
      }) : () -> ()
    } else {
    }
    %eq3A_14 = arith.constant 1 : i32
    %eq3A_15 = arith.cmpi eq, %arg0, %eq3A_14 : i32
    %convert_element_type3A_16 = arith.extui %eq3A_15 : i1 to i32
    %cond3A_17 = arith.constant 0 : i32
    %cond3A_18 = arith.cmpi ne, %convert_element_type3A_16, %cond3A_17 : i32
    scf.if %cond3A_18 {
      "tpu.region"() ({
        %run_scoped3A = tpu.sem_alloc : memref<!tpu.dma_semaphore, #tpu.memory_space<semaphore_mem>>
        %dma_start3A = arith.constant 0 : i32
        %dma_start3A_19 = tpu.memref_slice %arg8[%mul3A_0, %dma_start3A] : memref<10112x128xf32, #tpu.memory_space<hbm>> -> memref<632x128xf32, #tpu.memory_space<hbm>>
        %dma_start3A_20 = arith.constant 0 : i32
        %dma_start3A_21 = tpu.memref_slice %arg13[%mul3A_0, %dma_start3A_20] : memref<10112x128xf32, #tpu.memory_space<vmem_shared>> -> memref<632x128xf32, #tpu.memory_space<vmem_shared>>
        tpu.enqueue_dma source(%dma_start3A_21 : memref<632x128xf32, #tpu.memory_space<vmem_shared>>) target(%dma_start3A_19 : memref<632x128xf32, #tpu.memory_space<hbm>>) target_semaphore(%run_scoped3A : memref<!tpu.dma_semaphore, #tpu.memory_space<semaphore_mem>>)
        %dma_wait3A = arith.constant 0 : i32
        %dma_wait3A_22 = tpu.memref_slice %arg8[%mul3A_0, %dma_wait3A] : memref<10112x128xf32, #tpu.memory_space<hbm>> -> memref<632x128xf32, #tpu.memory_space<hbm>>
        %dma_wait3A_23 = arith.constant 0 : i32
        %dma_wait3A_24 = tpu.memref_slice %arg13[%mul3A_0, %dma_wait3A_23] : memref<10112x128xf32, #tpu.memory_space<vmem_shared>> -> memref<632x128xf32, #tpu.memory_space<vmem_shared>>
        tpu.wait_dma2 semaphore(%run_scoped3A : memref<!tpu.dma_semaphore, #tpu.memory_space<semaphore_mem>>) src(%dma_wait3A_24 : memref<632x128xf32, #tpu.memory_space<vmem_shared>>) dst(%dma_wait3A_22 : memref<632x128xf32, #tpu.memory_space<hbm>>)
        tpu.yield
      }) : () -> ()
    } else {
    }
    return
  }
}

#map = affine_map<(d0, d1) -> (0)>
#map1 = affine_map<(d0, d1) -> (0, 0)>
module attributes {stable_mosaic.version = 14 : i64} {
  func.func @body(%arg0: i32, %arg1: i32, %arg2: memref<327680xi32, #tpu.memory_space<hbm>>, %arg3: memref<10112x128xf32, #tpu.memory_space<hbm>>, %arg4: memref<128x128xf32, #tpu.memory_space<hbm>>, %arg5: memref<10112x128xf32, #tpu.memory_space<hbm>>, %arg6: memref<10112x128xf32, #tpu.memory_space<hbm>>, %arg7: memref<128xi32, #tpu.memory_space<vmem>>, %arg8: memref<128x128xf32, #tpu.memory_space<vmem>>, %arg9: memref<10112x128xf32, #tpu.memory_space<vmem_shared>>) attributes {dimension_semantics = [#tpu.dimension_semantics<core_parallel>, #tpu.dimension_semantics<subcore_parallel>], iteration_bounds = array<i64: 2, 16>, scalar_prefetch = 0 : i64, scratch_operands = 3 : i64, tpu.core_type = #tpu.core_type<sc_vector_subcore>, window_params = [{transform_indices = #map}, {transform_indices = #map1}, {transform_indices = #map1}, {transform_indices = #map1}, {transform_indices = #map1}]} {
    %mul3A = arith.constant 632 : i32
    %mul3A_0 = arith.muli %arg1, %mul3A : i32
    "tpu.region"() ({
      %run_scoped3A = tpu.sem_alloc : memref<!tpu.dma_semaphore, #tpu.memory_space<semaphore_mem>>
      %dma_start3A = arith.constant 0 : i32
      %dma_start3A_15 = tpu.memref_slice %arg9[%mul3A_0, %dma_start3A] : memref<10112x128xf32, #tpu.memory_space<vmem_shared>> -> memref<632x128xf32, #tpu.memory_space<vmem_shared>>
      %dma_start3A_16 = arith.constant 0 : i32
      %dma_start3A_17 = tpu.memref_slice %arg3[%mul3A_0, %dma_start3A_16] : memref<10112x128xf32, #tpu.memory_space<hbm>> -> memref<632x128xf32, #tpu.memory_space<hbm>>
      tpu.enqueue_dma source(%dma_start3A_17 : memref<632x128xf32, #tpu.memory_space<hbm>>) target(%dma_start3A_15 : memref<632x128xf32, #tpu.memory_space<vmem_shared>>) target_semaphore(%run_scoped3A : memref<!tpu.dma_semaphore, #tpu.memory_space<semaphore_mem>>)
      %dma_wait3A = arith.constant 0 : i32
      %dma_wait3A_18 = tpu.memref_slice %arg9[%mul3A_0, %dma_wait3A] : memref<10112x128xf32, #tpu.memory_space<vmem_shared>> -> memref<632x128xf32, #tpu.memory_space<vmem_shared>>
      %dma_wait3A_19 = arith.constant 0 : i32
      %dma_wait3A_20 = tpu.memref_slice %arg3[%mul3A_0, %dma_wait3A_19] : memref<10112x128xf32, #tpu.memory_space<hbm>> -> memref<632x128xf32, #tpu.memory_space<hbm>>
      tpu.wait_dma2 semaphore(%run_scoped3A : memref<!tpu.dma_semaphore, #tpu.memory_space<semaphore_mem>>) src(%dma_wait3A_20 : memref<632x128xf32, #tpu.memory_space<hbm>>) dst(%dma_wait3A_18 : memref<632x128xf32, #tpu.memory_space<vmem_shared>>)
      tpu.yield
    }) : () -> ()
    "tpu.region"() ({
      %run_scoped3A = tpu.sem_alloc : memref<!tpu.dma_semaphore, #tpu.memory_space<semaphore_mem>>
      tpu.enqueue_dma source(%arg4 : memref<128x128xf32, #tpu.memory_space<hbm>>) target(%arg8 : memref<128x128xf32, #tpu.memory_space<vmem>>) target_semaphore(%run_scoped3A : memref<!tpu.dma_semaphore, #tpu.memory_space<semaphore_mem>>)
      tpu.wait_dma2 semaphore(%run_scoped3A : memref<!tpu.dma_semaphore, #tpu.memory_space<semaphore_mem>>) src(%arg4 : memref<128x128xf32, #tpu.memory_space<hbm>>) dst(%arg8 : memref<128x128xf32, #tpu.memory_space<vmem>>)
      tpu.yield
    }) : () -> ()
    %barrier3A = arith.constant 0 : index
    tpu.barrier barrier_id(%barrier3A)
    %scan3A = arith.constant 0 : i32
    %scan3A_1 = arith.constant 0 : i32
    %scan3A_2 = arith.constant 80 : i32
    %scan3A_3 = arith.addi %scan3A_1, %scan3A_2 : i32
    %scan3A_4 = arith.constant 1 : i32
    %scan3A_5 = scf.for %scan3A_15 = %scan3A_1 to %scan3A_3 step %scan3A_4 iter_args(%scan3A_16 = %scan3A) -> (i32)  : i32 {
      %mul3A_17 = arith.constant 160 : i32
      %mul3A_18 = arith.muli %arg1, %mul3A_17 : i32
      %mul3A_19 = arith.constant 80 : i32
      %mul3A_20 = arith.muli %arg0, %mul3A_19 : i32
      %add3A = arith.addi %mul3A_18, %mul3A_20 : i32
      %add3A_21 = arith.addi %add3A, %scan3A_15 : i32
      %mul3A_22 = arith.constant 128 : i32
      %mul3A_23 = arith.muli %add3A_21, %mul3A_22 : i32
      "tpu.region"() ({
        %run_scoped3A = tpu.sem_alloc : memref<!tpu.dma_semaphore, #tpu.memory_space<semaphore_mem>>
        %dma_start3A = tpu.memref_slice %arg2[%mul3A_23] : memref<327680xi32, #tpu.memory_space<hbm>> -> memref<128xi32, #tpu.memory_space<hbm>>
        %dma_start3A_25 = tpu.memref_slice %arg2[%mul3A_23] : memref<327680xi32, #tpu.memory_space<hbm>> -> memref<128xi32, #tpu.memory_space<hbm>>
        tpu.enqueue_dma source(%dma_start3A_25 : memref<128xi32, #tpu.memory_space<hbm>>) target(%arg7 : memref<128xi32, #tpu.memory_space<vmem>>) target_semaphore(%run_scoped3A : memref<!tpu.dma_semaphore, #tpu.memory_space<semaphore_mem>>)
        %dma_wait3A = tpu.memref_slice %arg2[%mul3A_23] : memref<327680xi32, #tpu.memory_space<hbm>> -> memref<128xi32, #tpu.memory_space<hbm>>
        %dma_wait3A_26 = tpu.memref_slice %arg2[%mul3A_23] : memref<327680xi32, #tpu.memory_space<hbm>> -> memref<128xi32, #tpu.memory_space<hbm>>
        tpu.wait_dma2 semaphore(%run_scoped3A : memref<!tpu.dma_semaphore, #tpu.memory_space<semaphore_mem>>) src(%dma_wait3A_26 : memref<128xi32, #tpu.memory_space<hbm>>) dst(%arg7 : memref<128xi32, #tpu.memory_space<vmem>>)
        tpu.yield
      }) : () -> ()
      "tpu.region"() ({
        %run_scoped3A = tpu.sem_alloc : memref<!tpu.dma_semaphore, #tpu.memory_space<semaphore_mem>>
        %dma_start3A = arith.constant 0 : i32
        %dma_start3A_25 = arith.constant 0 : i32
        %dma_start3A_26 = tpu.memref_slice %arg9[%dma_start3A, %dma_start3A_25] : memref<10112x128xf32, #tpu.memory_space<vmem_shared>> -> memref<10112x128xf32, #tpu.memory_space<vmem_shared>>
        tpu.enqueue_indirect_dma source(%arg8 : memref<128x128xf32, #tpu.memory_space<vmem>>) target(%dma_start3A_26 : memref<10112x128xf32, #tpu.memory_space<vmem_shared>>) offsets(%arg7 : memref<128xi32, #tpu.memory_space<vmem>>) semaphore(%run_scoped3A : memref<!tpu.dma_semaphore, #tpu.memory_space<semaphore_mem>>) {add = true}
        %dma_wait3A = arith.constant 0 : i32
        %dma_wait3A_27 = arith.constant 0 : i32
        %dma_wait3A_28 = tpu.memref_slice %arg9[%dma_wait3A, %dma_wait3A_27] : memref<10112x128xf32, #tpu.memory_space<vmem_shared>> -> memref<10112x128xf32, #tpu.memory_space<vmem_shared>>
        tpu.wait_indirect_dma semaphore(%run_scoped3A : memref<!tpu.dma_semaphore, #tpu.memory_space<semaphore_mem>>) src(%arg8 : memref<128x128xf32, #tpu.memory_space<vmem>>) dst(%dma_wait3A_28 : memref<10112x128xf32, #tpu.memory_space<vmem_shared>>)
        tpu.yield
      }) : () -> ()
      %scan3A_24 = arith.constant 0 : i32
      scf.yield %scan3A_24 : i32
    }
    %scan3A_6 = arith.constant 80 : i32
    %barrier3A_7 = arith.constant 0 : index
    tpu.barrier barrier_id(%barrier3A_7)
    %eq3A = arith.constant 0 : i32
    %eq3A_8 = arith.cmpi eq, %arg0, %eq3A : i32
    %convert_element_type3A = arith.extui %eq3A_8 : i1 to i32
    %cond3A = arith.constant 0 : i32
    %cond3A_9 = arith.cmpi ne, %convert_element_type3A, %cond3A : i32
    scf.if %cond3A_9 {
      "tpu.region"() ({
        %run_scoped3A = tpu.sem_alloc : memref<!tpu.dma_semaphore, #tpu.memory_space<semaphore_mem>>
        %dma_start3A = arith.constant 0 : i32
        %dma_start3A_15 = tpu.memref_slice %arg5[%mul3A_0, %dma_start3A] : memref<10112x128xf32, #tpu.memory_space<hbm>> -> memref<632x128xf32, #tpu.memory_space<hbm>>
        %dma_start3A_16 = arith.constant 0 : i32
        %dma_start3A_17 = tpu.memref_slice %arg9[%mul3A_0, %dma_start3A_16] : memref<10112x128xf32, #tpu.memory_space<vmem_shared>> -> memref<632x128xf32, #tpu.memory_space<vmem_shared>>
        tpu.enqueue_dma source(%dma_start3A_17 : memref<632x128xf32, #tpu.memory_space<vmem_shared>>) target(%dma_start3A_15 : memref<632x128xf32, #tpu.memory_space<hbm>>) target_semaphore(%run_scoped3A : memref<!tpu.dma_semaphore, #tpu.memory_space<semaphore_mem>>)
        %dma_wait3A = arith.constant 0 : i32
        %dma_wait3A_18 = tpu.memref_slice %arg5[%mul3A_0, %dma_wait3A] : memref<10112x128xf32, #tpu.memory_space<hbm>> -> memref<632x128xf32, #tpu.memory_space<hbm>>
        %dma_wait3A_19 = arith.constant 0 : i32
        %dma_wait3A_20 = tpu.memref_slice %arg9[%mul3A_0, %dma_wait3A_19] : memref<10112x128xf32, #tpu.memory_space<vmem_shared>> -> memref<632x128xf32, #tpu.memory_space<vmem_shared>>
        tpu.wait_dma2 semaphore(%run_scoped3A : memref<!tpu.dma_semaphore, #tpu.memory_space<semaphore_mem>>) src(%dma_wait3A_20 : memref<632x128xf32, #tpu.memory_space<vmem_shared>>) dst(%dma_wait3A_18 : memref<632x128xf32, #tpu.memory_space<hbm>>)
        tpu.yield
      }) : () -> ()
    } else {
    }
    %eq3A_10 = arith.constant 1 : i32
    %eq3A_11 = arith.cmpi eq, %arg0, %eq3A_10 : i32
    %convert_element_type3A_12 = arith.extui %eq3A_11 : i1 to i32
    %cond3A_13 = arith.constant 0 : i32
    %cond3A_14 = arith.cmpi ne, %convert_element_type3A_12, %cond3A_13 : i32
    scf.if %cond3A_14 {
      "tpu.region"() ({
        %run_scoped3A = tpu.sem_alloc : memref<!tpu.dma_semaphore, #tpu.memory_space<semaphore_mem>>
        %dma_start3A = arith.constant 0 : i32
        %dma_start3A_15 = tpu.memref_slice %arg6[%mul3A_0, %dma_start3A] : memref<10112x128xf32, #tpu.memory_space<hbm>> -> memref<632x128xf32, #tpu.memory_space<hbm>>
        %dma_start3A_16 = arith.constant 0 : i32
        %dma_start3A_17 = tpu.memref_slice %arg9[%mul3A_0, %dma_start3A_16] : memref<10112x128xf32, #tpu.memory_space<vmem_shared>> -> memref<632x128xf32, #tpu.memory_space<vmem_shared>>
        tpu.enqueue_dma source(%dma_start3A_17 : memref<632x128xf32, #tpu.memory_space<vmem_shared>>) target(%dma_start3A_15 : memref<632x128xf32, #tpu.memory_space<hbm>>) target_semaphore(%run_scoped3A : memref<!tpu.dma_semaphore, #tpu.memory_space<semaphore_mem>>)
        %dma_wait3A = arith.constant 0 : i32
        %dma_wait3A_18 = tpu.memref_slice %arg6[%mul3A_0, %dma_wait3A] : memref<10112x128xf32, #tpu.memory_space<hbm>> -> memref<632x128xf32, #tpu.memory_space<hbm>>
        %dma_wait3A_19 = arith.constant 0 : i32
        %dma_wait3A_20 = tpu.memref_slice %arg9[%mul3A_0, %dma_wait3A_19] : memref<10112x128xf32, #tpu.memory_space<vmem_shared>> -> memref<632x128xf32, #tpu.memory_space<vmem_shared>>
        tpu.wait_dma2 semaphore(%run_scoped3A : memref<!tpu.dma_semaphore, #tpu.memory_space<semaphore_mem>>) src(%dma_wait3A_20 : memref<632x128xf32, #tpu.memory_space<vmem_shared>>) dst(%dma_wait3A_18 : memref<632x128xf32, #tpu.memory_space<hbm>>)
        tpu.yield
      }) : () -> ()
    } else {
    }
    return
  }
}

#map = affine_map<(d0, d1) -> (0, 0)>
module attributes {stable_mosaic.version = 14 : i64} {
  func.func @body(%arg0: i32, %arg1: i32, %arg2: memref<2560x128xi32, #tpu.memory_space<hbm>>, %arg3: memref<2560x128xi32, #tpu.memory_space<hbm>>, %arg4: memref<10000x128xf32, #tpu.memory_space<hbm>>, %arg5: memref<10000x128xf32, #tpu.memory_space<hbm>>, %arg6: memref<10112x128xf32, #tpu.memory_space<hbm>>, %arg7: memref<10112x128xf32, #tpu.memory_space<hbm>>, %arg8: memref<10112x128xf32, #tpu.memory_space<hbm>>, %arg9: memref<8x128xi32, #tpu.memory_space<vmem>>, %arg10: memref<8x128xi32, #tpu.memory_space<vmem>>, %arg11: memref<128x128xf32, #tpu.memory_space<vmem>>, %arg12: memref<128x128xf32, #tpu.memory_space<vmem>>, %arg13: memref<10112x128xf32, #tpu.memory_space<vmem_shared>>, %arg14: memref<!tpu.dma_semaphore, #tpu.memory_space<semaphore_mem>>, %arg15: memref<!tpu.dma_semaphore, #tpu.memory_space<semaphore_mem>>, %arg16: memref<!tpu.dma_semaphore, #tpu.memory_space<semaphore_mem>>, %arg17: memref<!tpu.dma_semaphore, #tpu.memory_space<semaphore_mem>>) attributes {dimension_semantics = [#tpu.dimension_semantics<core_parallel>, #tpu.dimension_semantics<subcore_parallel>], iteration_bounds = array<i64: 2, 16>, scalar_prefetch = 0 : i64, scratch_operands = 9 : i64, tpu.core_type = #tpu.core_type<sc_vector_subcore>, window_params = [{transform_indices = #map}, {transform_indices = #map}, {transform_indices = #map}, {transform_indices = #map}, {transform_indices = #map}, {transform_indices = #map}, {transform_indices = #map}]} {
    %mul3A = arith.constant 632 : i32
    %mul3A_0 = arith.muli %arg1, %mul3A : i32
    "tpu.region"() ({
      %run_scoped3A = tpu.sem_alloc : memref<!tpu.dma_semaphore, #tpu.memory_space<semaphore_mem>>
      %dma_start3A = arith.constant 0 : i32
      %dma_start3A_19 = tpu.memref_slice %arg13[%mul3A_0, %dma_start3A] : memref<10112x128xf32, #tpu.memory_space<vmem_shared>> -> memref<632x128xf32, #tpu.memory_space<vmem_shared>>
      %dma_start3A_20 = arith.constant 0 : i32
      %dma_start3A_21 = tpu.memref_slice %arg6[%mul3A_0, %dma_start3A_20] : memref<10112x128xf32, #tpu.memory_space<hbm>> -> memref<632x128xf32, #tpu.memory_space<hbm>>
      tpu.enqueue_dma source(%dma_start3A_21 : memref<632x128xf32, #tpu.memory_space<hbm>>) target(%dma_start3A_19 : memref<632x128xf32, #tpu.memory_space<vmem_shared>>) target_semaphore(%run_scoped3A : memref<!tpu.dma_semaphore, #tpu.memory_space<semaphore_mem>>)
      %dma_wait3A = arith.constant 0 : i32
      %dma_wait3A_22 = tpu.memref_slice %arg13[%mul3A_0, %dma_wait3A] : memref<10112x128xf32, #tpu.memory_space<vmem_shared>> -> memref<632x128xf32, #tpu.memory_space<vmem_shared>>
      %dma_wait3A_23 = arith.constant 0 : i32
      %dma_wait3A_24 = tpu.memref_slice %arg6[%mul3A_0, %dma_wait3A_23] : memref<10112x128xf32, #tpu.memory_space<hbm>> -> memref<632x128xf32, #tpu.memory_space<hbm>>
      tpu.wait_dma2 semaphore(%run_scoped3A : memref<!tpu.dma_semaphore, #tpu.memory_space<semaphore_mem>>) src(%dma_wait3A_24 : memref<632x128xf32, #tpu.memory_space<hbm>>) dst(%dma_wait3A_22 : memref<632x128xf32, #tpu.memory_space<vmem_shared>>)
      tpu.yield
    }) : () -> ()
    %barrier3A = arith.constant 0 : index
    tpu.barrier barrier_id(%barrier3A)
    %eq3A = arith.constant 0 : i32
    %eq3A_1 = arith.cmpi eq, %arg0, %eq3A : i32
    %convert_element_type3A = arith.extui %eq3A_1 : i1 to i32
    %cond3A = arith.constant 0 : i32
    %cond3A_2 = arith.cmpi ne, %convert_element_type3A, %cond3A : i32
    scf.if %cond3A_2 {
      %scan3A = arith.constant 0 : i32
      %scan3A_19 = arith.constant 0 : i32
      %scan3A_20 = arith.constant 20 : i32
      %scan3A_21 = arith.addi %scan3A_19, %scan3A_20 : i32
      %scan3A_22 = arith.constant 1 : i32
      %scan3A_23 = scf.for %scan3A_25 = %scan3A_19 to %scan3A_21 step %scan3A_22 iter_args(%scan3A_26 = %scan3A) -> (i32)  : i32 {
        %mul3A_27 = arith.constant 160 : i32
        %mul3A_28 = arith.muli %arg1, %mul3A_27 : i32
        %mul3A_29 = arith.constant 8 : i32
        %mul3A_30 = arith.muli %scan3A_25, %mul3A_29 : i32
        %add3A = arith.addi %mul3A_28, %mul3A_30 : i32
        "tpu.region"() ({
          %run_scoped3A = tpu.sem_alloc : memref<!tpu.dma_semaphore, #tpu.memory_space<semaphore_mem>>
          %dma_start3A_254 = arith.constant 0 : i32
          %dma_start3A_255 = tpu.memref_slice %arg2[%add3A, %dma_start3A_254] : memref<2560x128xi32, #tpu.memory_space<hbm>> -> memref<8x128xi32, #tpu.memory_space<hbm>>
          %dma_start3A_256 = arith.constant 0 : i32
          %dma_start3A_257 = tpu.memref_slice %arg2[%add3A, %dma_start3A_256] : memref<2560x128xi32, #tpu.memory_space<hbm>> -> memref<8x128xi32, #tpu.memory_space<hbm>>
          tpu.enqueue_dma source(%dma_start3A_257 : memref<8x128xi32, #tpu.memory_space<hbm>>) target(%arg9 : memref<8x128xi32, #tpu.memory_space<vmem>>) target_semaphore(%run_scoped3A : memref<!tpu.dma_semaphore, #tpu.memory_space<semaphore_mem>>)
          %dma_wait3A_258 = arith.constant 0 : i32
          %dma_wait3A_259 = tpu.memref_slice %arg2[%add3A, %dma_wait3A_258] : memref<2560x128xi32, #tpu.memory_space<hbm>> -> memref<8x128xi32, #tpu.memory_space<hbm>>
          %dma_wait3A_260 = arith.constant 0 : i32
          %dma_wait3A_261 = tpu.memref_slice %arg2[%add3A, %dma_wait3A_260] : memref<2560x128xi32, #tpu.memory_space<hbm>> -> memref<8x128xi32, #tpu.memory_space<hbm>>
          tpu.wait_dma2 semaphore(%run_scoped3A : memref<!tpu.dma_semaphore, #tpu.memory_space<semaphore_mem>>) src(%dma_wait3A_261 : memref<8x128xi32, #tpu.memory_space<hbm>>) dst(%arg9 : memref<8x128xi32, #tpu.memory_space<vmem>>)
          tpu.yield
        }) : () -> ()
        "tpu.region"() ({
          %run_scoped3A = tpu.sem_alloc : memref<!tpu.dma_semaphore, #tpu.memory_space<semaphore_mem>>
          %dma_start3A_254 = arith.constant 0 : i32
          %dma_start3A_255 = tpu.memref_slice %arg3[%add3A, %dma_start3A_254] : memref<2560x128xi32, #tpu.memory_space<hbm>> -> memref<8x128xi32, #tpu.memory_space<hbm>>
          %dma_start3A_256 = arith.constant 0 : i32
          %dma_start3A_257 = tpu.memref_slice %arg3[%add3A, %dma_start3A_256] : memref<2560x128xi32, #tpu.memory_space<hbm>> -> memref<8x128xi32, #tpu.memory_space<hbm>>
          tpu.enqueue_dma source(%dma_start3A_257 : memref<8x128xi32, #tpu.memory_space<hbm>>) target(%arg10 : memref<8x128xi32, #tpu.memory_space<vmem>>) target_semaphore(%run_scoped3A : memref<!tpu.dma_semaphore, #tpu.memory_space<semaphore_mem>>)
          %dma_wait3A_258 = arith.constant 0 : i32
          %dma_wait3A_259 = tpu.memref_slice %arg3[%add3A, %dma_wait3A_258] : memref<2560x128xi32, #tpu.memory_space<hbm>> -> memref<8x128xi32, #tpu.memory_space<hbm>>
          %dma_wait3A_260 = arith.constant 0 : i32
          %dma_wait3A_261 = tpu.memref_slice %arg3[%add3A, %dma_wait3A_260] : memref<2560x128xi32, #tpu.memory_space<hbm>> -> memref<8x128xi32, #tpu.memory_space<hbm>>
          tpu.wait_dma2 semaphore(%run_scoped3A : memref<!tpu.dma_semaphore, #tpu.memory_space<semaphore_mem>>) src(%dma_wait3A_261 : memref<8x128xi32, #tpu.memory_space<hbm>>) dst(%arg10 : memref<8x128xi32, #tpu.memory_space<vmem>>)
          tpu.yield
        }) : () -> ()
        %dma_start3A = arith.constant 0 : i32
        %dma_start3A_31 = arith.constant 0 : i32
        %dma_start3A_32 = tpu.memref_slice %arg9[%dma_start3A, %dma_start3A_31] : memref<8x128xi32, #tpu.memory_space<vmem>> -> memref<1x128xi32, #tpu.memory_space<vmem>>
        %dma_start3A_33 = tpu.memref_squeeze %dma_start3A_32 : memref<1x128xi32, #tpu.memory_space<vmem>> -> memref<128xi32, #tpu.memory_space<vmem>>
        %dma_start3A_34 = arith.constant 0 : i32
        %dma_start3A_35 = arith.constant 0 : i32
        %dma_start3A_36 = tpu.memref_slice %arg4[%dma_start3A_34, %dma_start3A_35] : memref<10000x128xf32, #tpu.memory_space<hbm>> -> memref<10000x128xf32, #tpu.memory_space<hbm>>
        tpu.enqueue_indirect_dma source(%dma_start3A_36 : memref<10000x128xf32, #tpu.memory_space<hbm>>) target(%arg11 : memref<128x128xf32, #tpu.memory_space<vmem>>) offsets(%dma_start3A_33 : memref<128xi32, #tpu.memory_space<vmem>>) semaphore(%arg14 : memref<!tpu.dma_semaphore, #tpu.memory_space<semaphore_mem>>)
        %dma_start3A_37 = arith.constant 1 : i32
        %dma_start3A_38 = arith.constant 0 : i32
        %dma_start3A_39 = tpu.memref_slice %arg9[%dma_start3A_37, %dma_start3A_38] : memref<8x128xi32, #tpu.memory_space<vmem>> -> memref<1x128xi32, #tpu.memory_space<vmem>>
        %dma_start3A_40 = tpu.memref_squeeze %dma_start3A_39 : memref<1x128xi32, #tpu.memory_space<vmem>> -> memref<128xi32, #tpu.memory_space<vmem>>
        %dma_start3A_41 = arith.constant 0 : i32
        %dma_start3A_42 = arith.constant 0 : i32
        %dma_start3A_43 = tpu.memref_slice %arg4[%dma_start3A_41, %dma_start3A_42] : memref<10000x128xf32, #tpu.memory_space<hbm>> -> memref<10000x128xf32, #tpu.memory_space<hbm>>
        tpu.enqueue_indirect_dma source(%dma_start3A_43 : memref<10000x128xf32, #tpu.memory_space<hbm>>) target(%arg12 : memref<128x128xf32, #tpu.memory_space<vmem>>) offsets(%dma_start3A_40 : memref<128xi32, #tpu.memory_space<vmem>>) semaphore(%arg15 : memref<!tpu.dma_semaphore, #tpu.memory_space<semaphore_mem>>)
        %dma_wait3A = arith.constant 0 : i32
        %dma_wait3A_44 = arith.constant 0 : i32
        %dma_wait3A_45 = tpu.memref_slice %arg9[%dma_wait3A, %dma_wait3A_44] : memref<8x128xi32, #tpu.memory_space<vmem>> -> memref<1x128xi32, #tpu.memory_space<vmem>>
        %dma_wait3A_46 = tpu.memref_squeeze %dma_wait3A_45 : memref<1x128xi32, #tpu.memory_space<vmem>> -> memref<128xi32, #tpu.memory_space<vmem>>
        %dma_wait3A_47 = arith.constant 0 : i32
        %dma_wait3A_48 = arith.constant 0 : i32
        %dma_wait3A_49 = tpu.memref_slice %arg4[%dma_wait3A_47, %dma_wait3A_48] : memref<10000x128xf32, #tpu.memory_space<hbm>> -> memref<10000x128xf32, #tpu.memory_space<hbm>>
        tpu.wait_indirect_dma semaphore(%arg14 : memref<!tpu.dma_semaphore, #tpu.memory_space<semaphore_mem>>) src(%dma_wait3A_49 : memref<10000x128xf32, #tpu.memory_space<hbm>>) dst(%arg11 : memref<128x128xf32, #tpu.memory_space<vmem>>)
        %dma_start3A_50 = arith.constant 0 : i32
        %dma_start3A_51 = arith.constant 0 : i32
        %dma_start3A_52 = tpu.memref_slice %arg10[%dma_start3A_50, %dma_start3A_51] : memref<8x128xi32, #tpu.memory_space<vmem>> -> memref<1x128xi32, #tpu.memory_space<vmem>>
        %dma_start3A_53 = tpu.memref_squeeze %dma_start3A_52 : memref<1x128xi32, #tpu.memory_space<vmem>> -> memref<128xi32, #tpu.memory_space<vmem>>
        %dma_start3A_54 = arith.constant 0 : i32
        %dma_start3A_55 = arith.constant 0 : i32
        %dma_start3A_56 = tpu.memref_slice %arg13[%dma_start3A_54, %dma_start3A_55] : memref<10112x128xf32, #tpu.memory_space<vmem_shared>> -> memref<10112x128xf32, #tpu.memory_space<vmem_shared>>
        tpu.enqueue_indirect_dma source(%arg11 : memref<128x128xf32, #tpu.memory_space<vmem>>) target(%dma_start3A_56 : memref<10112x128xf32, #tpu.memory_space<vmem_shared>>) offsets(%dma_start3A_53 : memref<128xi32, #tpu.memory_space<vmem>>) semaphore(%arg16 : memref<!tpu.dma_semaphore, #tpu.memory_space<semaphore_mem>>) {add = true}
        %dma_wait3A_57 = arith.constant 0 : i32
        %dma_wait3A_58 = arith.constant 0 : i32
        %dma_wait3A_59 = tpu.memref_slice %arg10[%dma_wait3A_57, %dma_wait3A_58] : memref<8x128xi32, #tpu.memory_space<vmem>> -> memref<1x128xi32, #tpu.memory_space<vmem>>
        %dma_wait3A_60 = tpu.memref_squeeze %dma_wait3A_59 : memref<1x128xi32, #tpu.memory_space<vmem>> -> memref<128xi32, #tpu.memory_space<vmem>>
        %dma_wait3A_61 = arith.constant 0 : i32
        %dma_wait3A_62 = arith.constant 0 : i32
        %dma_wait3A_63 = tpu.memref_slice %arg13[%dma_wait3A_61, %dma_wait3A_62] : memref<10112x128xf32, #tpu.memory_space<vmem_shared>> -> memref<10112x128xf32, #tpu.memory_space<vmem_shared>>
        tpu.wait_indirect_dma semaphore(%arg16 : memref<!tpu.dma_semaphore, #tpu.memory_space<semaphore_mem>>) src(%arg11 : memref<128x128xf32, #tpu.memory_space<vmem>>) dst(%dma_wait3A_63 : memref<10112x128xf32, #tpu.memory_space<vmem_shared>>)
        %dma_start3A_64 = arith.constant 2 : i32
        %dma_start3A_65 = arith.constant 0 : i32
        %dma_start3A_66 = tpu.memref_slice %arg9[%dma_start3A_64, %dma_start3A_65] : memref<8x128xi32, #tpu.memory_space<vmem>> -> memref<1x128xi32, #tpu.memory_space<vmem>>
        %dma_start3A_67 = tpu.memref_squeeze %dma_start3A_66 : memref<1x128xi32, #tpu.memory_space<vmem>> -> memref<128xi32, #tpu.memory_space<vmem>>
        %dma_start3A_68 = arith.constant 0 : i32
        %dma_start3A_69 = arith.constant 0 : i32
        %dma_start3A_70 = tpu.memref_slice %arg4[%dma_start3A_68, %dma_start3A_69] : memref<10000x128xf32, #tpu.memory_space<hbm>> -> memref<10000x128xf32, #tpu.memory_space<hbm>>
        tpu.enqueue_indirect_dma source(%dma_start3A_70 : memref<10000x128xf32, #tpu.memory_space<hbm>>) target(%arg11 : memref<128x128xf32, #tpu.memory_space<vmem>>) offsets(%dma_start3A_67 : memref<128xi32, #tpu.memory_space<vmem>>) semaphore(%arg14 : memref<!tpu.dma_semaphore, #tpu.memory_space<semaphore_mem>>)
        %dma_wait3A_71 = arith.constant 1 : i32
        %dma_wait3A_72 = arith.constant 0 : i32
        %dma_wait3A_73 = tpu.memref_slice %arg9[%dma_wait3A_71, %dma_wait3A_72] : memref<8x128xi32, #tpu.memory_space<vmem>> -> memref<1x128xi32, #tpu.memory_space<vmem>>
        %dma_wait3A_74 = tpu.memref_squeeze %dma_wait3A_73 : memref<1x128xi32, #tpu.memory_space<vmem>> -> memref<128xi32, #tpu.memory_space<vmem>>
        %dma_wait3A_75 = arith.constant 0 : i32
        %dma_wait3A_76 = arith.constant 0 : i32
        %dma_wait3A_77 = tpu.memref_slice %arg4[%dma_wait3A_75, %dma_wait3A_76] : memref<10000x128xf32, #tpu.memory_space<hbm>> -> memref<10000x128xf32, #tpu.memory_space<hbm>>
        tpu.wait_indirect_dma semaphore(%arg15 : memref<!tpu.dma_semaphore, #tpu.memory_space<semaphore_mem>>) src(%dma_wait3A_77 : memref<10000x128xf32, #tpu.memory_space<hbm>>) dst(%arg12 : memref<128x128xf32, #tpu.memory_space<vmem>>)
        %dma_start3A_78 = arith.constant 1 : i32
        %dma_start3A_79 = arith.constant 0 : i32
        %dma_start3A_80 = tpu.memref_slice %arg10[%dma_start3A_78, %dma_start3A_79] : memref<8x128xi32, #tpu.memory_space<vmem>> -> memref<1x128xi32, #tpu.memory_space<vmem>>
        %dma_start3A_81 = tpu.memref_squeeze %dma_start3A_80 : memref<1x128xi32, #tpu.memory_space<vmem>> -> memref<128xi32, #tpu.memory_space<vmem>>
        %dma_start3A_82 = arith.constant 0 : i32
        %dma_start3A_83 = arith.constant 0 : i32
        %dma_start3A_84 = tpu.memref_slice %arg13[%dma_start3A_82, %dma_start3A_83] : memref<10112x128xf32, #tpu.memory_space<vmem_shared>> -> memref<10112x128xf32, #tpu.memory_space<vmem_shared>>
        tpu.enqueue_indirect_dma source(%arg12 : memref<128x128xf32, #tpu.memory_space<vmem>>) target(%dma_start3A_84 : memref<10112x128xf32, #tpu.memory_space<vmem_shared>>) offsets(%dma_start3A_81 : memref<128xi32, #tpu.memory_space<vmem>>) semaphore(%arg17 : memref<!tpu.dma_semaphore, #tpu.memory_space<semaphore_mem>>) {add = true}
        %dma_wait3A_85 = arith.constant 1 : i32
        %dma_wait3A_86 = arith.constant 0 : i32
        %dma_wait3A_87 = tpu.memref_slice %arg10[%dma_wait3A_85, %dma_wait3A_86] : memref<8x128xi32, #tpu.memory_space<vmem>> -> memref<1x128xi32, #tpu.memory_space<vmem>>
        %dma_wait3A_88 = tpu.memref_squeeze %dma_wait3A_87 : memref<1x128xi32, #tpu.memory_space<vmem>> -> memref<128xi32, #tpu.memory_space<vmem>>
        %dma_wait3A_89 = arith.constant 0 : i32
        %dma_wait3A_90 = arith.constant 0 : i32
        %dma_wait3A_91 = tpu.memref_slice %arg13[%dma_wait3A_89, %dma_wait3A_90] : memref<10112x128xf32, #tpu.memory_space<vmem_shared>> -> memref<10112x128xf32, #tpu.memory_space<vmem_shared>>
        tpu.wait_indirect_dma semaphore(%arg17 : memref<!tpu.dma_semaphore, #tpu.memory_space<semaphore_mem>>) src(%arg12 : memref<128x128xf32, #tpu.memory_space<vmem>>) dst(%dma_wait3A_91 : memref<10112x128xf32, #tpu.memory_space<vmem_shared>>)
        %dma_start3A_92 = arith.constant 3 : i32
        %dma_start3A_93 = arith.constant 0 : i32
        %dma_start3A_94 = tpu.memref_slice %arg9[%dma_start3A_92, %dma_start3A_93] : memref<8x128xi32, #tpu.memory_space<vmem>> -> memref<1x128xi32, #tpu.memory_space<vmem>>
        %dma_start3A_95 = tpu.memref_squeeze %dma_start3A_94 : memref<1x128xi32, #tpu.memory_space<vmem>> -> memref<128xi32, #tpu.memory_space<vmem>>
        %dma_start3A_96 = arith.constant 0 : i32
        %dma_start3A_97 = arith.constant 0 : i32
        %dma_start3A_98 = tpu.memref_slice %arg4[%dma_start3A_96, %dma_start3A_97] : memref<10000x128xf32, #tpu.memory_space<hbm>> -> memref<10000x128xf32, #tpu.memory_space<hbm>>
        tpu.enqueue_indirect_dma source(%dma_start3A_98 : memref<10000x128xf32, #tpu.memory_space<hbm>>) target(%arg12 : memref<128x128xf32, #tpu.memory_space<vmem>>) offsets(%dma_start3A_95 : memref<128xi32, #tpu.memory_space<vmem>>) semaphore(%arg15 : memref<!tpu.dma_semaphore, #tpu.memory_space<semaphore_mem>>)
        %dma_wait3A_99 = arith.constant 2 : i32
        %dma_wait3A_100 = arith.constant 0 : i32
        %dma_wait3A_101 = tpu.memref_slice %arg9[%dma_wait3A_99, %dma_wait3A_100] : memref<8x128xi32, #tpu.memory_space<vmem>> -> memref<1x128xi32, #tpu.memory_space<vmem>>
        %dma_wait3A_102 = tpu.memref_squeeze %dma_wait3A_101 : memref<1x128xi32, #tpu.memory_space<vmem>> -> memref<128xi32, #tpu.memory_space<vmem>>
        %dma_wait3A_103 = arith.constant 0 : i32
        %dma_wait3A_104 = arith.constant 0 : i32
        %dma_wait3A_105 = tpu.memref_slice %arg4[%dma_wait3A_103, %dma_wait3A_104] : memref<10000x128xf32, #tpu.memory_space<hbm>> -> memref<10000x128xf32, #tpu.memory_space<hbm>>
        tpu.wait_indirect_dma semaphore(%arg14 : memref<!tpu.dma_semaphore, #tpu.memory_space<semaphore_mem>>) src(%dma_wait3A_105 : memref<10000x128xf32, #tpu.memory_space<hbm>>) dst(%arg11 : memref<128x128xf32, #tpu.memory_space<vmem>>)
        %dma_start3A_106 = arith.constant 2 : i32
        %dma_start3A_107 = arith.constant 0 : i32
        %dma_start3A_108 = tpu.memref_slice %arg10[%dma_start3A_106, %dma_start3A_107] : memref<8x128xi32, #tpu.memory_space<vmem>> -> memref<1x128xi32, #tpu.memory_space<vmem>>
        %dma_start3A_109 = tpu.memref_squeeze %dma_start3A_108 : memref<1x128xi32, #tpu.memory_space<vmem>> -> memref<128xi32, #tpu.memory_space<vmem>>
        %dma_start3A_110 = arith.constant 0 : i32
        %dma_start3A_111 = arith.constant 0 : i32
        %dma_start3A_112 = tpu.memref_slice %arg13[%dma_start3A_110, %dma_start3A_111] : memref<10112x128xf32, #tpu.memory_space<vmem_shared>> -> memref<10112x128xf32, #tpu.memory_space<vmem_shared>>
        tpu.enqueue_indirect_dma source(%arg11 : memref<128x128xf32, #tpu.memory_space<vmem>>) target(%dma_start3A_112 : memref<10112x128xf32, #tpu.memory_space<vmem_shared>>) offsets(%dma_start3A_109 : memref<128xi32, #tpu.memory_space<vmem>>) semaphore(%arg16 : memref<!tpu.dma_semaphore, #tpu.memory_space<semaphore_mem>>) {add = true}
        %dma_wait3A_113 = arith.constant 2 : i32
        %dma_wait3A_114 = arith.constant 0 : i32
        %dma_wait3A_115 = tpu.memref_slice %arg10[%dma_wait3A_113, %dma_wait3A_114] : memref<8x128xi32, #tpu.memory_space<vmem>> -> memref<1x128xi32, #tpu.memory_space<vmem>>
        %dma_wait3A_116 = tpu.memref_squeeze %dma_wait3A_115 : memref<1x128xi32, #tpu.memory_space<vmem>> -> memref<128xi32, #tpu.memory_space<vmem>>
        %dma_wait3A_117 = arith.constant 0 : i32
        %dma_wait3A_118 = arith.constant 0 : i32
        %dma_wait3A_119 = tpu.memref_slice %arg13[%dma_wait3A_117, %dma_wait3A_118] : memref<10112x128xf32, #tpu.memory_space<vmem_shared>> -> memref<10112x128xf32, #tpu.memory_space<vmem_shared>>
        tpu.wait_indirect_dma semaphore(%arg16 : memref<!tpu.dma_semaphore, #tpu.memory_space<semaphore_mem>>) src(%arg11 : memref<128x128xf32, #tpu.memory_space<vmem>>) dst(%dma_wait3A_119 : memref<10112x128xf32, #tpu.memory_space<vmem_shared>>)
        %dma_start3A_120 = arith.constant 4 : i32
        %dma_start3A_121 = arith.constant 0 : i32
        %dma_start3A_122 = tpu.memref_slice %arg9[%dma_start3A_120, %dma_start3A_121] : memref<8x128xi32, #tpu.memory_space<vmem>> -> memref<1x128xi32, #tpu.memory_space<vmem>>
        %dma_start3A_123 = tpu.memref_squeeze %dma_start3A_122 : memref<1x128xi32, #tpu.memory_space<vmem>> -> memref<128xi32, #tpu.memory_space<vmem>>
        %dma_start3A_124 = arith.constant 0 : i32
        %dma_start3A_125 = arith.constant 0 : i32
        %dma_start3A_126 = tpu.memref_slice %arg4[%dma_start3A_124, %dma_start3A_125] : memref<10000x128xf32, #tpu.memory_space<hbm>> -> memref<10000x128xf32, #tpu.memory_space<hbm>>
        tpu.enqueue_indirect_dma source(%dma_start3A_126 : memref<10000x128xf32, #tpu.memory_space<hbm>>) target(%arg11 : memref<128x128xf32, #tpu.memory_space<vmem>>) offsets(%dma_start3A_123 : memref<128xi32, #tpu.memory_space<vmem>>) semaphore(%arg14 : memref<!tpu.dma_semaphore, #tpu.memory_space<semaphore_mem>>)
        %dma_wait3A_127 = arith.constant 3 : i32
        %dma_wait3A_128 = arith.constant 0 : i32
        %dma_wait3A_129 = tpu.memref_slice %arg9[%dma_wait3A_127, %dma_wait3A_128] : memref<8x128xi32, #tpu.memory_space<vmem>> -> memref<1x128xi32, #tpu.memory_space<vmem>>
        %dma_wait3A_130 = tpu.memref_squeeze %dma_wait3A_129 : memref<1x128xi32, #tpu.memory_space<vmem>> -> memref<128xi32, #tpu.memory_space<vmem>>
        %dma_wait3A_131 = arith.constant 0 : i32
        %dma_wait3A_132 = arith.constant 0 : i32
        %dma_wait3A_133 = tpu.memref_slice %arg4[%dma_wait3A_131, %dma_wait3A_132] : memref<10000x128xf32, #tpu.memory_space<hbm>> -> memref<10000x128xf32, #tpu.memory_space<hbm>>
        tpu.wait_indirect_dma semaphore(%arg15 : memref<!tpu.dma_semaphore, #tpu.memory_space<semaphore_mem>>) src(%dma_wait3A_133 : memref<10000x128xf32, #tpu.memory_space<hbm>>) dst(%arg12 : memref<128x128xf32, #tpu.memory_space<vmem>>)
        %dma_start3A_134 = arith.constant 3 : i32
        %dma_start3A_135 = arith.constant 0 : i32
        %dma_start3A_136 = tpu.memref_slice %arg10[%dma_start3A_134, %dma_start3A_135] : memref<8x128xi32, #tpu.memory_space<vmem>> -> memref<1x128xi32, #tpu.memory_space<vmem>>
        %dma_start3A_137 = tpu.memref_squeeze %dma_start3A_136 : memref<1x128xi32, #tpu.memory_space<vmem>> -> memref<128xi32, #tpu.memory_space<vmem>>
        %dma_start3A_138 = arith.constant 0 : i32
        %dma_start3A_139 = arith.constant 0 : i32
        %dma_start3A_140 = tpu.memref_slice %arg13[%dma_start3A_138, %dma_start3A_139] : memref<10112x128xf32, #tpu.memory_space<vmem_shared>> -> memref<10112x128xf32, #tpu.memory_space<vmem_shared>>
        tpu.enqueue_indirect_dma source(%arg12 : memref<128x128xf32, #tpu.memory_space<vmem>>) target(%dma_start3A_140 : memref<10112x128xf32, #tpu.memory_space<vmem_shared>>) offsets(%dma_start3A_137 : memref<128xi32, #tpu.memory_space<vmem>>) semaphore(%arg17 : memref<!tpu.dma_semaphore, #tpu.memory_space<semaphore_mem>>) {add = true}
        %dma_wait3A_141 = arith.constant 3 : i32
        %dma_wait3A_142 = arith.constant 0 : i32
        %dma_wait3A_143 = tpu.memref_slice %arg10[%dma_wait3A_141, %dma_wait3A_142] : memref<8x128xi32, #tpu.memory_space<vmem>> -> memref<1x128xi32, #tpu.memory_space<vmem>>
        %dma_wait3A_144 = tpu.memref_squeeze %dma_wait3A_143 : memref<1x128xi32, #tpu.memory_space<vmem>> -> memref<128xi32, #tpu.memory_space<vmem>>
        %dma_wait3A_145 = arith.constant 0 : i32
        %dma_wait3A_146 = arith.constant 0 : i32
        %dma_wait3A_147 = tpu.memref_slice %arg13[%dma_wait3A_145, %dma_wait3A_146] : memref<10112x128xf32, #tpu.memory_space<vmem_shared>> -> memref<10112x128xf32, #tpu.memory_space<vmem_shared>>
        tpu.wait_indirect_dma semaphore(%arg17 : memref<!tpu.dma_semaphore, #tpu.memory_space<semaphore_mem>>) src(%arg12 : memref<128x128xf32, #tpu.memory_space<vmem>>) dst(%dma_wait3A_147 : memref<10112x128xf32, #tpu.memory_space<vmem_shared>>)
        %dma_start3A_148 = arith.constant 5 : i32
        %dma_start3A_149 = arith.constant 0 : i32
        %dma_start3A_150 = tpu.memref_slice %arg9[%dma_start3A_148, %dma_start3A_149] : memref<8x128xi32, #tpu.memory_space<vmem>> -> memref<1x128xi32, #tpu.memory_space<vmem>>
        %dma_start3A_151 = tpu.memref_squeeze %dma_start3A_150 : memref<1x128xi32, #tpu.memory_space<vmem>> -> memref<128xi32, #tpu.memory_space<vmem>>
        %dma_start3A_152 = arith.constant 0 : i32
        %dma_start3A_153 = arith.constant 0 : i32
        %dma_start3A_154 = tpu.memref_slice %arg4[%dma_start3A_152, %dma_start3A_153] : memref<10000x128xf32, #tpu.memory_space<hbm>> -> memref<10000x128xf32, #tpu.memory_space<hbm>>
        tpu.enqueue_indirect_dma source(%dma_start3A_154 : memref<10000x128xf32, #tpu.memory_space<hbm>>) target(%arg12 : memref<128x128xf32, #tpu.memory_space<vmem>>) offsets(%dma_start3A_151 : memref<128xi32, #tpu.memory_space<vmem>>) semaphore(%arg15 : memref<!tpu.dma_semaphore, #tpu.memory_space<semaphore_mem>>)
        %dma_wait3A_155 = arith.constant 4 : i32
        %dma_wait3A_156 = arith.constant 0 : i32
        %dma_wait3A_157 = tpu.memref_slice %arg9[%dma_wait3A_155, %dma_wait3A_156] : memref<8x128xi32, #tpu.memory_space<vmem>> -> memref<1x128xi32, #tpu.memory_space<vmem>>
        %dma_wait3A_158 = tpu.memref_squeeze %dma_wait3A_157 : memref<1x128xi32, #tpu.memory_space<vmem>> -> memref<128xi32, #tpu.memory_space<vmem>>
        %dma_wait3A_159 = arith.constant 0 : i32
        %dma_wait3A_160 = arith.constant 0 : i32
        %dma_wait3A_161 = tpu.memref_slice %arg4[%dma_wait3A_159, %dma_wait3A_160] : memref<10000x128xf32, #tpu.memory_space<hbm>> -> memref<10000x128xf32, #tpu.memory_space<hbm>>
        tpu.wait_indirect_dma semaphore(%arg14 : memref<!tpu.dma_semaphore, #tpu.memory_space<semaphore_mem>>) src(%dma_wait3A_161 : memref<10000x128xf32, #tpu.memory_space<hbm>>) dst(%arg11 : memref<128x128xf32, #tpu.memory_space<vmem>>)
        %dma_start3A_162 = arith.constant 4 : i32
        %dma_start3A_163 = arith.constant 0 : i32
        %dma_start3A_164 = tpu.memref_slice %arg10[%dma_start3A_162, %dma_start3A_163] : memref<8x128xi32, #tpu.memory_space<vmem>> -> memref<1x128xi32, #tpu.memory_space<vmem>>
        %dma_start3A_165 = tpu.memref_squeeze %dma_start3A_164 : memref<1x128xi32, #tpu.memory_space<vmem>> -> memref<128xi32, #tpu.memory_space<vmem>>
        %dma_start3A_166 = arith.constant 0 : i32
        %dma_start3A_167 = arith.constant 0 : i32
        %dma_start3A_168 = tpu.memref_slice %arg13[%dma_start3A_166, %dma_start3A_167] : memref<10112x128xf32, #tpu.memory_space<vmem_shared>> -> memref<10112x128xf32, #tpu.memory_space<vmem_shared>>
        tpu.enqueue_indirect_dma source(%arg11 : memref<128x128xf32, #tpu.memory_space<vmem>>) target(%dma_start3A_168 : memref<10112x128xf32, #tpu.memory_space<vmem_shared>>) offsets(%dma_start3A_165 : memref<128xi32, #tpu.memory_space<vmem>>) semaphore(%arg16 : memref<!tpu.dma_semaphore, #tpu.memory_space<semaphore_mem>>) {add = true}
        %dma_wait3A_169 = arith.constant 4 : i32
        %dma_wait3A_170 = arith.constant 0 : i32
        %dma_wait3A_171 = tpu.memref_slice %arg10[%dma_wait3A_169, %dma_wait3A_170] : memref<8x128xi32, #tpu.memory_space<vmem>> -> memref<1x128xi32, #tpu.memory_space<vmem>>
        %dma_wait3A_172 = tpu.memref_squeeze %dma_wait3A_171 : memref<1x128xi32, #tpu.memory_space<vmem>> -> memref<128xi32, #tpu.memory_space<vmem>>
        %dma_wait3A_173 = arith.constant 0 : i32
        %dma_wait3A_174 = arith.constant 0 : i32
        %dma_wait3A_175 = tpu.memref_slice %arg13[%dma_wait3A_173, %dma_wait3A_174] : memref<10112x128xf32, #tpu.memory_space<vmem_shared>> -> memref<10112x128xf32, #tpu.memory_space<vmem_shared>>
        tpu.wait_indirect_dma semaphore(%arg16 : memref<!tpu.dma_semaphore, #tpu.memory_space<semaphore_mem>>) src(%arg11 : memref<128x128xf32, #tpu.memory_space<vmem>>) dst(%dma_wait3A_175 : memref<10112x128xf32, #tpu.memory_space<vmem_shared>>)
        %dma_start3A_176 = arith.constant 6 : i32
        %dma_start3A_177 = arith.constant 0 : i32
        %dma_start3A_178 = tpu.memref_slice %arg9[%dma_start3A_176, %dma_start3A_177] : memref<8x128xi32, #tpu.memory_space<vmem>> -> memref<1x128xi32, #tpu.memory_space<vmem>>
        %dma_start3A_179 = tpu.memref_squeeze %dma_start3A_178 : memref<1x128xi32, #tpu.memory_space<vmem>> -> memref<128xi32, #tpu.memory_space<vmem>>
        %dma_start3A_180 = arith.constant 0 : i32
        %dma_start3A_181 = arith.constant 0 : i32
        %dma_start3A_182 = tpu.memref_slice %arg4[%dma_start3A_180, %dma_start3A_181] : memref<10000x128xf32, #tpu.memory_space<hbm>> -> memref<10000x128xf32, #tpu.memory_space<hbm>>
        tpu.enqueue_indirect_dma source(%dma_start3A_182 : memref<10000x128xf32, #tpu.memory_space<hbm>>) target(%arg11 : memref<128x128xf32, #tpu.memory_space<vmem>>) offsets(%dma_start3A_179 : memref<128xi32, #tpu.memory_space<vmem>>) semaphore(%arg14 : memref<!tpu.dma_semaphore, #tpu.memory_space<semaphore_mem>>)
        %dma_wait3A_183 = arith.constant 5 : i32
        %dma_wait3A_184 = arith.constant 0 : i32
        %dma_wait3A_185 = tpu.memref_slice %arg9[%dma_wait3A_183, %dma_wait3A_184] : memref<8x128xi32, #tpu.memory_space<vmem>> -> memref<1x128xi32, #tpu.memory_space<vmem>>
        %dma_wait3A_186 = tpu.memref_squeeze %dma_wait3A_185 : memref<1x128xi32, #tpu.memory_space<vmem>> -> memref<128xi32, #tpu.memory_space<vmem>>
        %dma_wait3A_187 = arith.constant 0 : i32
        %dma_wait3A_188 = arith.constant 0 : i32
        %dma_wait3A_189 = tpu.memref_slice %arg4[%dma_wait3A_187, %dma_wait3A_188] : memref<10000x128xf32, #tpu.memory_space<hbm>> -> memref<10000x128xf32, #tpu.memory_space<hbm>>
        tpu.wait_indirect_dma semaphore(%arg15 : memref<!tpu.dma_semaphore, #tpu.memory_space<semaphore_mem>>) src(%dma_wait3A_189 : memref<10000x128xf32, #tpu.memory_space<hbm>>) dst(%arg12 : memref<128x128xf32, #tpu.memory_space<vmem>>)
        %dma_start3A_190 = arith.constant 5 : i32
        %dma_start3A_191 = arith.constant 0 : i32
        %dma_start3A_192 = tpu.memref_slice %arg10[%dma_start3A_190, %dma_start3A_191] : memref<8x128xi32, #tpu.memory_space<vmem>> -> memref<1x128xi32, #tpu.memory_space<vmem>>
        %dma_start3A_193 = tpu.memref_squeeze %dma_start3A_192 : memref<1x128xi32, #tpu.memory_space<vmem>> -> memref<128xi32, #tpu.memory_space<vmem>>
        %dma_start3A_194 = arith.constant 0 : i32
        %dma_start3A_195 = arith.constant 0 : i32
        %dma_start3A_196 = tpu.memref_slice %arg13[%dma_start3A_194, %dma_start3A_195] : memref<10112x128xf32, #tpu.memory_space<vmem_shared>> -> memref<10112x128xf32, #tpu.memory_space<vmem_shared>>
        tpu.enqueue_indirect_dma source(%arg12 : memref<128x128xf32, #tpu.memory_space<vmem>>) target(%dma_start3A_196 : memref<10112x128xf32, #tpu.memory_space<vmem_shared>>) offsets(%dma_start3A_193 : memref<128xi32, #tpu.memory_space<vmem>>) semaphore(%arg17 : memref<!tpu.dma_semaphore, #tpu.memory_space<semaphore_mem>>) {add = true}
        %dma_wait3A_197 = arith.constant 5 : i32
        %dma_wait3A_198 = arith.constant 0 : i32
        %dma_wait3A_199 = tpu.memref_slice %arg10[%dma_wait3A_197, %dma_wait3A_198] : memref<8x128xi32, #tpu.memory_space<vmem>> -> memref<1x128xi32, #tpu.memory_space<vmem>>
        %dma_wait3A_200 = tpu.memref_squeeze %dma_wait3A_199 : memref<1x128xi32, #tpu.memory_space<vmem>> -> memref<128xi32, #tpu.memory_space<vmem>>
        %dma_wait3A_201 = arith.constant 0 : i32
        %dma_wait3A_202 = arith.constant 0 : i32
        %dma_wait3A_203 = tpu.memref_slice %arg13[%dma_wait3A_201, %dma_wait3A_202] : memref<10112x128xf32, #tpu.memory_space<vmem_shared>> -> memref<10112x128xf32, #tpu.memory_space<vmem_shared>>
        tpu.wait_indirect_dma semaphore(%arg17 : memref<!tpu.dma_semaphore, #tpu.memory_space<semaphore_mem>>) src(%arg12 : memref<128x128xf32, #tpu.memory_space<vmem>>) dst(%dma_wait3A_203 : memref<10112x128xf32, #tpu.memory_space<vmem_shared>>)
        %dma_start3A_204 = arith.constant 7 : i32
        %dma_start3A_205 = arith.constant 0 : i32
        %dma_start3A_206 = tpu.memref_slice %arg9[%dma_start3A_204, %dma_start3A_205] : memref<8x128xi32, #tpu.memory_space<vmem>> -> memref<1x128xi32, #tpu.memory_space<vmem>>
        %dma_start3A_207 = tpu.memref_squeeze %dma_start3A_206 : memref<1x128xi32, #tpu.memory_space<vmem>> -> memref<128xi32, #tpu.memory_space<vmem>>
        %dma_start3A_208 = arith.constant 0 : i32
        %dma_start3A_209 = arith.constant 0 : i32
        %dma_start3A_210 = tpu.memref_slice %arg4[%dma_start3A_208, %dma_start3A_209] : memref<10000x128xf32, #tpu.memory_space<hbm>> -> memref<10000x128xf32, #tpu.memory_space<hbm>>
        tpu.enqueue_indirect_dma source(%dma_start3A_210 : memref<10000x128xf32, #tpu.memory_space<hbm>>) target(%arg12 : memref<128x128xf32, #tpu.memory_space<vmem>>) offsets(%dma_start3A_207 : memref<128xi32, #tpu.memory_space<vmem>>) semaphore(%arg15 : memref<!tpu.dma_semaphore, #tpu.memory_space<semaphore_mem>>)
        %dma_wait3A_211 = arith.constant 6 : i32
        %dma_wait3A_212 = arith.constant 0 : i32
        %dma_wait3A_213 = tpu.memref_slice %arg9[%dma_wait3A_211, %dma_wait3A_212] : memref<8x128xi32, #tpu.memory_space<vmem>> -> memref<1x128xi32, #tpu.memory_space<vmem>>
        %dma_wait3A_214 = tpu.memref_squeeze %dma_wait3A_213 : memref<1x128xi32, #tpu.memory_space<vmem>> -> memref<128xi32, #tpu.memory_space<vmem>>
        %dma_wait3A_215 = arith.constant 0 : i32
        %dma_wait3A_216 = arith.constant 0 : i32
        %dma_wait3A_217 = tpu.memref_slice %arg4[%dma_wait3A_215, %dma_wait3A_216] : memref<10000x128xf32, #tpu.memory_space<hbm>> -> memref<10000x128xf32, #tpu.memory_space<hbm>>
        tpu.wait_indirect_dma semaphore(%arg14 : memref<!tpu.dma_semaphore, #tpu.memory_space<semaphore_mem>>) src(%dma_wait3A_217 : memref<10000x128xf32, #tpu.memory_space<hbm>>) dst(%arg11 : memref<128x128xf32, #tpu.memory_space<vmem>>)
        %dma_start3A_218 = arith.constant 6 : i32
        %dma_start3A_219 = arith.constant 0 : i32
        %dma_start3A_220 = tpu.memref_slice %arg10[%dma_start3A_218, %dma_start3A_219] : memref<8x128xi32, #tpu.memory_space<vmem>> -> memref<1x128xi32, #tpu.memory_space<vmem>>
        %dma_start3A_221 = tpu.memref_squeeze %dma_start3A_220 : memref<1x128xi32, #tpu.memory_space<vmem>> -> memref<128xi32, #tpu.memory_space<vmem>>
        %dma_start3A_222 = arith.constant 0 : i32
        %dma_start3A_223 = arith.constant 0 : i32
        %dma_start3A_224 = tpu.memref_slice %arg13[%dma_start3A_222, %dma_start3A_223] : memref<10112x128xf32, #tpu.memory_space<vmem_shared>> -> memref<10112x128xf32, #tpu.memory_space<vmem_shared>>
        tpu.enqueue_indirect_dma source(%arg11 : memref<128x128xf32, #tpu.memory_space<vmem>>) target(%dma_start3A_224 : memref<10112x128xf32, #tpu.memory_space<vmem_shared>>) offsets(%dma_start3A_221 : memref<128xi32, #tpu.memory_space<vmem>>) semaphore(%arg16 : memref<!tpu.dma_semaphore, #tpu.memory_space<semaphore_mem>>) {add = true}
        %dma_wait3A_225 = arith.constant 6 : i32
        %dma_wait3A_226 = arith.constant 0 : i32
        %dma_wait3A_227 = tpu.memref_slice %arg10[%dma_wait3A_225, %dma_wait3A_226] : memref<8x128xi32, #tpu.memory_space<vmem>> -> memref<1x128xi32, #tpu.memory_space<vmem>>
        %dma_wait3A_228 = tpu.memref_squeeze %dma_wait3A_227 : memref<1x128xi32, #tpu.memory_space<vmem>> -> memref<128xi32, #tpu.memory_space<vmem>>
        %dma_wait3A_229 = arith.constant 0 : i32
        %dma_wait3A_230 = arith.constant 0 : i32
        %dma_wait3A_231 = tpu.memref_slice %arg13[%dma_wait3A_229, %dma_wait3A_230] : memref<10112x128xf32, #tpu.memory_space<vmem_shared>> -> memref<10112x128xf32, #tpu.memory_space<vmem_shared>>
        tpu.wait_indirect_dma semaphore(%arg16 : memref<!tpu.dma_semaphore, #tpu.memory_space<semaphore_mem>>) src(%arg11 : memref<128x128xf32, #tpu.memory_space<vmem>>) dst(%dma_wait3A_231 : memref<10112x128xf32, #tpu.memory_space<vmem_shared>>)
        %dma_wait3A_232 = arith.constant 7 : i32
        %dma_wait3A_233 = arith.constant 0 : i32
        %dma_wait3A_234 = tpu.memref_slice %arg9[%dma_wait3A_232, %dma_wait3A_233] : memref<8x128xi32, #tpu.memory_space<vmem>> -> memref<1x128xi32, #tpu.memory_space<vmem>>
        %dma_wait3A_235 = tpu.memref_squeeze %dma_wait3A_234 : memref<1x128xi32, #tpu.memory_space<vmem>> -> memref<128xi32, #tpu.memory_space<vmem>>
        %dma_wait3A_236 = arith.constant 0 : i32
        %dma_wait3A_237 = arith.constant 0 : i32
        %dma_wait3A_238 = tpu.memref_slice %arg4[%dma_wait3A_236, %dma_wait3A_237] : memref<10000x128xf32, #tpu.memory_space<hbm>> -> memref<10000x128xf32, #tpu.memory_space<hbm>>
        tpu.wait_indirect_dma semaphore(%arg15 : memref<!tpu.dma_semaphore, #tpu.memory_space<semaphore_mem>>) src(%dma_wait3A_238 : memref<10000x128xf32, #tpu.memory_space<hbm>>) dst(%arg12 : memref<128x128xf32, #tpu.memory_space<vmem>>)
        %dma_start3A_239 = arith.constant 7 : i32
        %dma_start3A_240 = arith.constant 0 : i32
        %dma_start3A_241 = tpu.memref_slice %arg10[%dma_start3A_239, %dma_start3A_240] : memref<8x128xi32, #tpu.memory_space<vmem>> -> memref<1x128xi32, #tpu.memory_space<vmem>>
        %dma_start3A_242 = tpu.memref_squeeze %dma_start3A_241 : memref<1x128xi32, #tpu.memory_space<vmem>> -> memref<128xi32, #tpu.memory_space<vmem>>
        %dma_start3A_243 = arith.constant 0 : i32
        %dma_start3A_244 = arith.constant 0 : i32
        %dma_start3A_245 = tpu.memref_slice %arg13[%dma_start3A_243, %dma_start3A_244] : memref<10112x128xf32, #tpu.memory_space<vmem_shared>> -> memref<10112x128xf32, #tpu.memory_space<vmem_shared>>
        tpu.enqueue_indirect_dma source(%arg12 : memref<128x128xf32, #tpu.memory_space<vmem>>) target(%dma_start3A_245 : memref<10112x128xf32, #tpu.memory_space<vmem_shared>>) offsets(%dma_start3A_242 : memref<128xi32, #tpu.memory_space<vmem>>) semaphore(%arg17 : memref<!tpu.dma_semaphore, #tpu.memory_space<semaphore_mem>>) {add = true}
        %dma_wait3A_246 = arith.constant 7 : i32
        %dma_wait3A_247 = arith.constant 0 : i32
        %dma_wait3A_248 = tpu.memref_slice %arg10[%dma_wait3A_246, %dma_wait3A_247] : memref<8x128xi32, #tpu.memory_space<vmem>> -> memref<1x128xi32, #tpu.memory_space<vmem>>
        %dma_wait3A_249 = tpu.memref_squeeze %dma_wait3A_248 : memref<1x128xi32, #tpu.memory_space<vmem>> -> memref<128xi32, #tpu.memory_space<vmem>>
        %dma_wait3A_250 = arith.constant 0 : i32
        %dma_wait3A_251 = arith.constant 0 : i32
        %dma_wait3A_252 = tpu.memref_slice %arg13[%dma_wait3A_250, %dma_wait3A_251] : memref<10112x128xf32, #tpu.memory_space<vmem_shared>> -> memref<10112x128xf32, #tpu.memory_space<vmem_shared>>
        tpu.wait_indirect_dma semaphore(%arg17 : memref<!tpu.dma_semaphore, #tpu.memory_space<semaphore_mem>>) src(%arg12 : memref<128x128xf32, #tpu.memory_space<vmem>>) dst(%dma_wait3A_252 : memref<10112x128xf32, #tpu.memory_space<vmem_shared>>)
        %scan3A_253 = arith.constant 0 : i32
        scf.yield %scan3A_253 : i32
      }
      %scan3A_24 = arith.constant 20 : i32
    } else {
    }
    %eq3A_3 = arith.constant 1 : i32
    %eq3A_4 = arith.cmpi eq, %arg0, %eq3A_3 : i32
    %convert_element_type3A_5 = arith.extui %eq3A_4 : i1 to i32
    %cond3A_6 = arith.constant 0 : i32
    %cond3A_7 = arith.cmpi ne, %convert_element_type3A_5, %cond3A_6 : i32
    scf.if %cond3A_7 {
      %scan3A = arith.constant 0 : i32
      %scan3A_19 = arith.constant 0 : i32
      %scan3A_20 = arith.constant 20 : i32
      %scan3A_21 = arith.addi %scan3A_19, %scan3A_20 : i32
      %scan3A_22 = arith.constant 1 : i32
      %scan3A_23 = scf.for %scan3A_25 = %scan3A_19 to %scan3A_21 step %scan3A_22 iter_args(%scan3A_26 = %scan3A) -> (i32)  : i32 {
        %mul3A_27 = arith.constant 160 : i32
        %mul3A_28 = arith.muli %arg1, %mul3A_27 : i32
        %mul3A_29 = arith.constant 8 : i32
        %mul3A_30 = arith.muli %scan3A_25, %mul3A_29 : i32
        %add3A = arith.addi %mul3A_28, %mul3A_30 : i32
        "tpu.region"() ({
          %run_scoped3A = tpu.sem_alloc : memref<!tpu.dma_semaphore, #tpu.memory_space<semaphore_mem>>
          %dma_start3A_254 = arith.constant 0 : i32
          %dma_start3A_255 = tpu.memref_slice %arg2[%add3A, %dma_start3A_254] : memref<2560x128xi32, #tpu.memory_space<hbm>> -> memref<8x128xi32, #tpu.memory_space<hbm>>
          %dma_start3A_256 = arith.constant 0 : i32
          %dma_start3A_257 = tpu.memref_slice %arg2[%add3A, %dma_start3A_256] : memref<2560x128xi32, #tpu.memory_space<hbm>> -> memref<8x128xi32, #tpu.memory_space<hbm>>
          tpu.enqueue_dma source(%dma_start3A_257 : memref<8x128xi32, #tpu.memory_space<hbm>>) target(%arg9 : memref<8x128xi32, #tpu.memory_space<vmem>>) target_semaphore(%run_scoped3A : memref<!tpu.dma_semaphore, #tpu.memory_space<semaphore_mem>>)
          %dma_wait3A_258 = arith.constant 0 : i32
          %dma_wait3A_259 = tpu.memref_slice %arg2[%add3A, %dma_wait3A_258] : memref<2560x128xi32, #tpu.memory_space<hbm>> -> memref<8x128xi32, #tpu.memory_space<hbm>>
          %dma_wait3A_260 = arith.constant 0 : i32
          %dma_wait3A_261 = tpu.memref_slice %arg2[%add3A, %dma_wait3A_260] : memref<2560x128xi32, #tpu.memory_space<hbm>> -> memref<8x128xi32, #tpu.memory_space<hbm>>
          tpu.wait_dma2 semaphore(%run_scoped3A : memref<!tpu.dma_semaphore, #tpu.memory_space<semaphore_mem>>) src(%dma_wait3A_261 : memref<8x128xi32, #tpu.memory_space<hbm>>) dst(%arg9 : memref<8x128xi32, #tpu.memory_space<vmem>>)
          tpu.yield
        }) : () -> ()
        "tpu.region"() ({
          %run_scoped3A = tpu.sem_alloc : memref<!tpu.dma_semaphore, #tpu.memory_space<semaphore_mem>>
          %dma_start3A_254 = arith.constant 0 : i32
          %dma_start3A_255 = tpu.memref_slice %arg3[%add3A, %dma_start3A_254] : memref<2560x128xi32, #tpu.memory_space<hbm>> -> memref<8x128xi32, #tpu.memory_space<hbm>>
          %dma_start3A_256 = arith.constant 0 : i32
          %dma_start3A_257 = tpu.memref_slice %arg3[%add3A, %dma_start3A_256] : memref<2560x128xi32, #tpu.memory_space<hbm>> -> memref<8x128xi32, #tpu.memory_space<hbm>>
          tpu.enqueue_dma source(%dma_start3A_257 : memref<8x128xi32, #tpu.memory_space<hbm>>) target(%arg10 : memref<8x128xi32, #tpu.memory_space<vmem>>) target_semaphore(%run_scoped3A : memref<!tpu.dma_semaphore, #tpu.memory_space<semaphore_mem>>)
          %dma_wait3A_258 = arith.constant 0 : i32
          %dma_wait3A_259 = tpu.memref_slice %arg3[%add3A, %dma_wait3A_258] : memref<2560x128xi32, #tpu.memory_space<hbm>> -> memref<8x128xi32, #tpu.memory_space<hbm>>
          %dma_wait3A_260 = arith.constant 0 : i32
          %dma_wait3A_261 = tpu.memref_slice %arg3[%add3A, %dma_wait3A_260] : memref<2560x128xi32, #tpu.memory_space<hbm>> -> memref<8x128xi32, #tpu.memory_space<hbm>>
          tpu.wait_dma2 semaphore(%run_scoped3A : memref<!tpu.dma_semaphore, #tpu.memory_space<semaphore_mem>>) src(%dma_wait3A_261 : memref<8x128xi32, #tpu.memory_space<hbm>>) dst(%arg10 : memref<8x128xi32, #tpu.memory_space<vmem>>)
          tpu.yield
        }) : () -> ()
        %dma_start3A = arith.constant 0 : i32
        %dma_start3A_31 = arith.constant 0 : i32
        %dma_start3A_32 = tpu.memref_slice %arg9[%dma_start3A, %dma_start3A_31] : memref<8x128xi32, #tpu.memory_space<vmem>> -> memref<1x128xi32, #tpu.memory_space<vmem>>
        %dma_start3A_33 = tpu.memref_squeeze %dma_start3A_32 : memref<1x128xi32, #tpu.memory_space<vmem>> -> memref<128xi32, #tpu.memory_space<vmem>>
        %dma_start3A_34 = arith.constant 0 : i32
        %dma_start3A_35 = arith.constant 0 : i32
        %dma_start3A_36 = tpu.memref_slice %arg5[%dma_start3A_34, %dma_start3A_35] : memref<10000x128xf32, #tpu.memory_space<hbm>> -> memref<10000x128xf32, #tpu.memory_space<hbm>>
        tpu.enqueue_indirect_dma source(%dma_start3A_36 : memref<10000x128xf32, #tpu.memory_space<hbm>>) target(%arg11 : memref<128x128xf32, #tpu.memory_space<vmem>>) offsets(%dma_start3A_33 : memref<128xi32, #tpu.memory_space<vmem>>) semaphore(%arg14 : memref<!tpu.dma_semaphore, #tpu.memory_space<semaphore_mem>>)
        %dma_start3A_37 = arith.constant 1 : i32
        %dma_start3A_38 = arith.constant 0 : i32
        %dma_start3A_39 = tpu.memref_slice %arg9[%dma_start3A_37, %dma_start3A_38] : memref<8x128xi32, #tpu.memory_space<vmem>> -> memref<1x128xi32, #tpu.memory_space<vmem>>
        %dma_start3A_40 = tpu.memref_squeeze %dma_start3A_39 : memref<1x128xi32, #tpu.memory_space<vmem>> -> memref<128xi32, #tpu.memory_space<vmem>>
        %dma_start3A_41 = arith.constant 0 : i32
        %dma_start3A_42 = arith.constant 0 : i32
        %dma_start3A_43 = tpu.memref_slice %arg5[%dma_start3A_41, %dma_start3A_42] : memref<10000x128xf32, #tpu.memory_space<hbm>> -> memref<10000x128xf32, #tpu.memory_space<hbm>>
        tpu.enqueue_indirect_dma source(%dma_start3A_43 : memref<10000x128xf32, #tpu.memory_space<hbm>>) target(%arg12 : memref<128x128xf32, #tpu.memory_space<vmem>>) offsets(%dma_start3A_40 : memref<128xi32, #tpu.memory_space<vmem>>) semaphore(%arg15 : memref<!tpu.dma_semaphore, #tpu.memory_space<semaphore_mem>>)
        %dma_wait3A = arith.constant 0 : i32
        %dma_wait3A_44 = arith.constant 0 : i32
        %dma_wait3A_45 = tpu.memref_slice %arg9[%dma_wait3A, %dma_wait3A_44] : memref<8x128xi32, #tpu.memory_space<vmem>> -> memref<1x128xi32, #tpu.memory_space<vmem>>
        %dma_wait3A_46 = tpu.memref_squeeze %dma_wait3A_45 : memref<1x128xi32, #tpu.memory_space<vmem>> -> memref<128xi32, #tpu.memory_space<vmem>>
        %dma_wait3A_47 = arith.constant 0 : i32
        %dma_wait3A_48 = arith.constant 0 : i32
        %dma_wait3A_49 = tpu.memref_slice %arg5[%dma_wait3A_47, %dma_wait3A_48] : memref<10000x128xf32, #tpu.memory_space<hbm>> -> memref<10000x128xf32, #tpu.memory_space<hbm>>
        tpu.wait_indirect_dma semaphore(%arg14 : memref<!tpu.dma_semaphore, #tpu.memory_space<semaphore_mem>>) src(%dma_wait3A_49 : memref<10000x128xf32, #tpu.memory_space<hbm>>) dst(%arg11 : memref<128x128xf32, #tpu.memory_space<vmem>>)
        %dma_start3A_50 = arith.constant 0 : i32
        %dma_start3A_51 = arith.constant 0 : i32
        %dma_start3A_52 = tpu.memref_slice %arg10[%dma_start3A_50, %dma_start3A_51] : memref<8x128xi32, #tpu.memory_space<vmem>> -> memref<1x128xi32, #tpu.memory_space<vmem>>
        %dma_start3A_53 = tpu.memref_squeeze %dma_start3A_52 : memref<1x128xi32, #tpu.memory_space<vmem>> -> memref<128xi32, #tpu.memory_space<vmem>>
        %dma_start3A_54 = arith.constant 0 : i32
        %dma_start3A_55 = arith.constant 0 : i32
        %dma_start3A_56 = tpu.memref_slice %arg13[%dma_start3A_54, %dma_start3A_55] : memref<10112x128xf32, #tpu.memory_space<vmem_shared>> -> memref<10112x128xf32, #tpu.memory_space<vmem_shared>>
        tpu.enqueue_indirect_dma source(%arg11 : memref<128x128xf32, #tpu.memory_space<vmem>>) target(%dma_start3A_56 : memref<10112x128xf32, #tpu.memory_space<vmem_shared>>) offsets(%dma_start3A_53 : memref<128xi32, #tpu.memory_space<vmem>>) semaphore(%arg16 : memref<!tpu.dma_semaphore, #tpu.memory_space<semaphore_mem>>) {add = true}
        %dma_wait3A_57 = arith.constant 0 : i32
        %dma_wait3A_58 = arith.constant 0 : i32
        %dma_wait3A_59 = tpu.memref_slice %arg10[%dma_wait3A_57, %dma_wait3A_58] : memref<8x128xi32, #tpu.memory_space<vmem>> -> memref<1x128xi32, #tpu.memory_space<vmem>>
        %dma_wait3A_60 = tpu.memref_squeeze %dma_wait3A_59 : memref<1x128xi32, #tpu.memory_space<vmem>> -> memref<128xi32, #tpu.memory_space<vmem>>
        %dma_wait3A_61 = arith.constant 0 : i32
        %dma_wait3A_62 = arith.constant 0 : i32
        %dma_wait3A_63 = tpu.memref_slice %arg13[%dma_wait3A_61, %dma_wait3A_62] : memref<10112x128xf32, #tpu.memory_space<vmem_shared>> -> memref<10112x128xf32, #tpu.memory_space<vmem_shared>>
        tpu.wait_indirect_dma semaphore(%arg16 : memref<!tpu.dma_semaphore, #tpu.memory_space<semaphore_mem>>) src(%arg11 : memref<128x128xf32, #tpu.memory_space<vmem>>) dst(%dma_wait3A_63 : memref<10112x128xf32, #tpu.memory_space<vmem_shared>>)
        %dma_start3A_64 = arith.constant 2 : i32
        %dma_start3A_65 = arith.constant 0 : i32
        %dma_start3A_66 = tpu.memref_slice %arg9[%dma_start3A_64, %dma_start3A_65] : memref<8x128xi32, #tpu.memory_space<vmem>> -> memref<1x128xi32, #tpu.memory_space<vmem>>
        %dma_start3A_67 = tpu.memref_squeeze %dma_start3A_66 : memref<1x128xi32, #tpu.memory_space<vmem>> -> memref<128xi32, #tpu.memory_space<vmem>>
        %dma_start3A_68 = arith.constant 0 : i32
        %dma_start3A_69 = arith.constant 0 : i32
        %dma_start3A_70 = tpu.memref_slice %arg5[%dma_start3A_68, %dma_start3A_69] : memref<10000x128xf32, #tpu.memory_space<hbm>> -> memref<10000x128xf32, #tpu.memory_space<hbm>>
        tpu.enqueue_indirect_dma source(%dma_start3A_70 : memref<10000x128xf32, #tpu.memory_space<hbm>>) target(%arg11 : memref<128x128xf32, #tpu.memory_space<vmem>>) offsets(%dma_start3A_67 : memref<128xi32, #tpu.memory_space<vmem>>) semaphore(%arg14 : memref<!tpu.dma_semaphore, #tpu.memory_space<semaphore_mem>>)
        %dma_wait3A_71 = arith.constant 1 : i32
        %dma_wait3A_72 = arith.constant 0 : i32
        %dma_wait3A_73 = tpu.memref_slice %arg9[%dma_wait3A_71, %dma_wait3A_72] : memref<8x128xi32, #tpu.memory_space<vmem>> -> memref<1x128xi32, #tpu.memory_space<vmem>>
        %dma_wait3A_74 = tpu.memref_squeeze %dma_wait3A_73 : memref<1x128xi32, #tpu.memory_space<vmem>> -> memref<128xi32, #tpu.memory_space<vmem>>
        %dma_wait3A_75 = arith.constant 0 : i32
        %dma_wait3A_76 = arith.constant 0 : i32
        %dma_wait3A_77 = tpu.memref_slice %arg5[%dma_wait3A_75, %dma_wait3A_76] : memref<10000x128xf32, #tpu.memory_space<hbm>> -> memref<10000x128xf32, #tpu.memory_space<hbm>>
        tpu.wait_indirect_dma semaphore(%arg15 : memref<!tpu.dma_semaphore, #tpu.memory_space<semaphore_mem>>) src(%dma_wait3A_77 : memref<10000x128xf32, #tpu.memory_space<hbm>>) dst(%arg12 : memref<128x128xf32, #tpu.memory_space<vmem>>)
        %dma_start3A_78 = arith.constant 1 : i32
        %dma_start3A_79 = arith.constant 0 : i32
        %dma_start3A_80 = tpu.memref_slice %arg10[%dma_start3A_78, %dma_start3A_79] : memref<8x128xi32, #tpu.memory_space<vmem>> -> memref<1x128xi32, #tpu.memory_space<vmem>>
        %dma_start3A_81 = tpu.memref_squeeze %dma_start3A_80 : memref<1x128xi32, #tpu.memory_space<vmem>> -> memref<128xi32, #tpu.memory_space<vmem>>
        %dma_start3A_82 = arith.constant 0 : i32
        %dma_start3A_83 = arith.constant 0 : i32
        %dma_start3A_84 = tpu.memref_slice %arg13[%dma_start3A_82, %dma_start3A_83] : memref<10112x128xf32, #tpu.memory_space<vmem_shared>> -> memref<10112x128xf32, #tpu.memory_space<vmem_shared>>
        tpu.enqueue_indirect_dma source(%arg12 : memref<128x128xf32, #tpu.memory_space<vmem>>) target(%dma_start3A_84 : memref<10112x128xf32, #tpu.memory_space<vmem_shared>>) offsets(%dma_start3A_81 : memref<128xi32, #tpu.memory_space<vmem>>) semaphore(%arg17 : memref<!tpu.dma_semaphore, #tpu.memory_space<semaphore_mem>>) {add = true}
        %dma_wait3A_85 = arith.constant 1 : i32
        %dma_wait3A_86 = arith.constant 0 : i32
        %dma_wait3A_87 = tpu.memref_slice %arg10[%dma_wait3A_85, %dma_wait3A_86] : memref<8x128xi32, #tpu.memory_space<vmem>> -> memref<1x128xi32, #tpu.memory_space<vmem>>
        %dma_wait3A_88 = tpu.memref_squeeze %dma_wait3A_87 : memref<1x128xi32, #tpu.memory_space<vmem>> -> memref<128xi32, #tpu.memory_space<vmem>>
        %dma_wait3A_89 = arith.constant 0 : i32
        %dma_wait3A_90 = arith.constant 0 : i32
        %dma_wait3A_91 = tpu.memref_slice %arg13[%dma_wait3A_89, %dma_wait3A_90] : memref<10112x128xf32, #tpu.memory_space<vmem_shared>> -> memref<10112x128xf32, #tpu.memory_space<vmem_shared>>
        tpu.wait_indirect_dma semaphore(%arg17 : memref<!tpu.dma_semaphore, #tpu.memory_space<semaphore_mem>>) src(%arg12 : memref<128x128xf32, #tpu.memory_space<vmem>>) dst(%dma_wait3A_91 : memref<10112x128xf32, #tpu.memory_space<vmem_shared>>)
        %dma_start3A_92 = arith.constant 3 : i32
        %dma_start3A_93 = arith.constant 0 : i32
        %dma_start3A_94 = tpu.memref_slice %arg9[%dma_start3A_92, %dma_start3A_93] : memref<8x128xi32, #tpu.memory_space<vmem>> -> memref<1x128xi32, #tpu.memory_space<vmem>>
        %dma_start3A_95 = tpu.memref_squeeze %dma_start3A_94 : memref<1x128xi32, #tpu.memory_space<vmem>> -> memref<128xi32, #tpu.memory_space<vmem>>
        %dma_start3A_96 = arith.constant 0 : i32
        %dma_start3A_97 = arith.constant 0 : i32
        %dma_start3A_98 = tpu.memref_slice %arg5[%dma_start3A_96, %dma_start3A_97] : memref<10000x128xf32, #tpu.memory_space<hbm>> -> memref<10000x128xf32, #tpu.memory_space<hbm>>
        tpu.enqueue_indirect_dma source(%dma_start3A_98 : memref<10000x128xf32, #tpu.memory_space<hbm>>) target(%arg12 : memref<128x128xf32, #tpu.memory_space<vmem>>) offsets(%dma_start3A_95 : memref<128xi32, #tpu.memory_space<vmem>>) semaphore(%arg15 : memref<!tpu.dma_semaphore, #tpu.memory_space<semaphore_mem>>)
        %dma_wait3A_99 = arith.constant 2 : i32
        %dma_wait3A_100 = arith.constant 0 : i32
        %dma_wait3A_101 = tpu.memref_slice %arg9[%dma_wait3A_99, %dma_wait3A_100] : memref<8x128xi32, #tpu.memory_space<vmem>> -> memref<1x128xi32, #tpu.memory_space<vmem>>
        %dma_wait3A_102 = tpu.memref_squeeze %dma_wait3A_101 : memref<1x128xi32, #tpu.memory_space<vmem>> -> memref<128xi32, #tpu.memory_space<vmem>>
        %dma_wait3A_103 = arith.constant 0 : i32
        %dma_wait3A_104 = arith.constant 0 : i32
        %dma_wait3A_105 = tpu.memref_slice %arg5[%dma_wait3A_103, %dma_wait3A_104] : memref<10000x128xf32, #tpu.memory_space<hbm>> -> memref<10000x128xf32, #tpu.memory_space<hbm>>
        tpu.wait_indirect_dma semaphore(%arg14 : memref<!tpu.dma_semaphore, #tpu.memory_space<semaphore_mem>>) src(%dma_wait3A_105 : memref<10000x128xf32, #tpu.memory_space<hbm>>) dst(%arg11 : memref<128x128xf32, #tpu.memory_space<vmem>>)
        %dma_start3A_106 = arith.constant 2 : i32
        %dma_start3A_107 = arith.constant 0 : i32
        %dma_start3A_108 = tpu.memref_slice %arg10[%dma_start3A_106, %dma_start3A_107] : memref<8x128xi32, #tpu.memory_space<vmem>> -> memref<1x128xi32, #tpu.memory_space<vmem>>
        %dma_start3A_109 = tpu.memref_squeeze %dma_start3A_108 : memref<1x128xi32, #tpu.memory_space<vmem>> -> memref<128xi32, #tpu.memory_space<vmem>>
        %dma_start3A_110 = arith.constant 0 : i32
        %dma_start3A_111 = arith.constant 0 : i32
        %dma_start3A_112 = tpu.memref_slice %arg13[%dma_start3A_110, %dma_start3A_111] : memref<10112x128xf32, #tpu.memory_space<vmem_shared>> -> memref<10112x128xf32, #tpu.memory_space<vmem_shared>>
        tpu.enqueue_indirect_dma source(%arg11 : memref<128x128xf32, #tpu.memory_space<vmem>>) target(%dma_start3A_112 : memref<10112x128xf32, #tpu.memory_space<vmem_shared>>) offsets(%dma_start3A_109 : memref<128xi32, #tpu.memory_space<vmem>>) semaphore(%arg16 : memref<!tpu.dma_semaphore, #tpu.memory_space<semaphore_mem>>) {add = true}
        %dma_wait3A_113 = arith.constant 2 : i32
        %dma_wait3A_114 = arith.constant 0 : i32
        %dma_wait3A_115 = tpu.memref_slice %arg10[%dma_wait3A_113, %dma_wait3A_114] : memref<8x128xi32, #tpu.memory_space<vmem>> -> memref<1x128xi32, #tpu.memory_space<vmem>>
        %dma_wait3A_116 = tpu.memref_squeeze %dma_wait3A_115 : memref<1x128xi32, #tpu.memory_space<vmem>> -> memref<128xi32, #tpu.memory_space<vmem>>
        %dma_wait3A_117 = arith.constant 0 : i32
        %dma_wait3A_118 = arith.constant 0 : i32
        %dma_wait3A_119 = tpu.memref_slice %arg13[%dma_wait3A_117, %dma_wait3A_118] : memref<10112x128xf32, #tpu.memory_space<vmem_shared>> -> memref<10112x128xf32, #tpu.memory_space<vmem_shared>>
        tpu.wait_indirect_dma semaphore(%arg16 : memref<!tpu.dma_semaphore, #tpu.memory_space<semaphore_mem>>) src(%arg11 : memref<128x128xf32, #tpu.memory_space<vmem>>) dst(%dma_wait3A_119 : memref<10112x128xf32, #tpu.memory_space<vmem_shared>>)
        %dma_start3A_120 = arith.constant 4 : i32
        %dma_start3A_121 = arith.constant 0 : i32
        %dma_start3A_122 = tpu.memref_slice %arg9[%dma_start3A_120, %dma_start3A_121] : memref<8x128xi32, #tpu.memory_space<vmem>> -> memref<1x128xi32, #tpu.memory_space<vmem>>
        %dma_start3A_123 = tpu.memref_squeeze %dma_start3A_122 : memref<1x128xi32, #tpu.memory_space<vmem>> -> memref<128xi32, #tpu.memory_space<vmem>>
        %dma_start3A_124 = arith.constant 0 : i32
        %dma_start3A_125 = arith.constant 0 : i32
        %dma_start3A_126 = tpu.memref_slice %arg5[%dma_start3A_124, %dma_start3A_125] : memref<10000x128xf32, #tpu.memory_space<hbm>> -> memref<10000x128xf32, #tpu.memory_space<hbm>>
        tpu.enqueue_indirect_dma source(%dma_start3A_126 : memref<10000x128xf32, #tpu.memory_space<hbm>>) target(%arg11 : memref<128x128xf32, #tpu.memory_space<vmem>>) offsets(%dma_start3A_123 : memref<128xi32, #tpu.memory_space<vmem>>) semaphore(%arg14 : memref<!tpu.dma_semaphore, #tpu.memory_space<semaphore_mem>>)
        %dma_wait3A_127 = arith.constant 3 : i32
        %dma_wait3A_128 = arith.constant 0 : i32
        %dma_wait3A_129 = tpu.memref_slice %arg9[%dma_wait3A_127, %dma_wait3A_128] : memref<8x128xi32, #tpu.memory_space<vmem>> -> memref<1x128xi32, #tpu.memory_space<vmem>>
        %dma_wait3A_130 = tpu.memref_squeeze %dma_wait3A_129 : memref<1x128xi32, #tpu.memory_space<vmem>> -> memref<128xi32, #tpu.memory_space<vmem>>
        %dma_wait3A_131 = arith.constant 0 : i32
        %dma_wait3A_132 = arith.constant 0 : i32
        %dma_wait3A_133 = tpu.memref_slice %arg5[%dma_wait3A_131, %dma_wait3A_132] : memref<10000x128xf32, #tpu.memory_space<hbm>> -> memref<10000x128xf32, #tpu.memory_space<hbm>>
        tpu.wait_indirect_dma semaphore(%arg15 : memref<!tpu.dma_semaphore, #tpu.memory_space<semaphore_mem>>) src(%dma_wait3A_133 : memref<10000x128xf32, #tpu.memory_space<hbm>>) dst(%arg12 : memref<128x128xf32, #tpu.memory_space<vmem>>)
        %dma_start3A_134 = arith.constant 3 : i32
        %dma_start3A_135 = arith.constant 0 : i32
        %dma_start3A_136 = tpu.memref_slice %arg10[%dma_start3A_134, %dma_start3A_135] : memref<8x128xi32, #tpu.memory_space<vmem>> -> memref<1x128xi32, #tpu.memory_space<vmem>>
        %dma_start3A_137 = tpu.memref_squeeze %dma_start3A_136 : memref<1x128xi32, #tpu.memory_space<vmem>> -> memref<128xi32, #tpu.memory_space<vmem>>
        %dma_start3A_138 = arith.constant 0 : i32
        %dma_start3A_139 = arith.constant 0 : i32
        %dma_start3A_140 = tpu.memref_slice %arg13[%dma_start3A_138, %dma_start3A_139] : memref<10112x128xf32, #tpu.memory_space<vmem_shared>> -> memref<10112x128xf32, #tpu.memory_space<vmem_shared>>
        tpu.enqueue_indirect_dma source(%arg12 : memref<128x128xf32, #tpu.memory_space<vmem>>) target(%dma_start3A_140 : memref<10112x128xf32, #tpu.memory_space<vmem_shared>>) offsets(%dma_start3A_137 : memref<128xi32, #tpu.memory_space<vmem>>) semaphore(%arg17 : memref<!tpu.dma_semaphore, #tpu.memory_space<semaphore_mem>>) {add = true}
        %dma_wait3A_141 = arith.constant 3 : i32
        %dma_wait3A_142 = arith.constant 0 : i32
        %dma_wait3A_143 = tpu.memref_slice %arg10[%dma_wait3A_141, %dma_wait3A_142] : memref<8x128xi32, #tpu.memory_space<vmem>> -> memref<1x128xi32, #tpu.memory_space<vmem>>
        %dma_wait3A_144 = tpu.memref_squeeze %dma_wait3A_143 : memref<1x128xi32, #tpu.memory_space<vmem>> -> memref<128xi32, #tpu.memory_space<vmem>>
        %dma_wait3A_145 = arith.constant 0 : i32
        %dma_wait3A_146 = arith.constant 0 : i32
        %dma_wait3A_147 = tpu.memref_slice %arg13[%dma_wait3A_145, %dma_wait3A_146] : memref<10112x128xf32, #tpu.memory_space<vmem_shared>> -> memref<10112x128xf32, #tpu.memory_space<vmem_shared>>
        tpu.wait_indirect_dma semaphore(%arg17 : memref<!tpu.dma_semaphore, #tpu.memory_space<semaphore_mem>>) src(%arg12 : memref<128x128xf32, #tpu.memory_space<vmem>>) dst(%dma_wait3A_147 : memref<10112x128xf32, #tpu.memory_space<vmem_shared>>)
        %dma_start3A_148 = arith.constant 5 : i32
        %dma_start3A_149 = arith.constant 0 : i32
        %dma_start3A_150 = tpu.memref_slice %arg9[%dma_start3A_148, %dma_start3A_149] : memref<8x128xi32, #tpu.memory_space<vmem>> -> memref<1x128xi32, #tpu.memory_space<vmem>>
        %dma_start3A_151 = tpu.memref_squeeze %dma_start3A_150 : memref<1x128xi32, #tpu.memory_space<vmem>> -> memref<128xi32, #tpu.memory_space<vmem>>
        %dma_start3A_152 = arith.constant 0 : i32
        %dma_start3A_153 = arith.constant 0 : i32
        %dma_start3A_154 = tpu.memref_slice %arg5[%dma_start3A_152, %dma_start3A_153] : memref<10000x128xf32, #tpu.memory_space<hbm>> -> memref<10000x128xf32, #tpu.memory_space<hbm>>
        tpu.enqueue_indirect_dma source(%dma_start3A_154 : memref<10000x128xf32, #tpu.memory_space<hbm>>) target(%arg12 : memref<128x128xf32, #tpu.memory_space<vmem>>) offsets(%dma_start3A_151 : memref<128xi32, #tpu.memory_space<vmem>>) semaphore(%arg15 : memref<!tpu.dma_semaphore, #tpu.memory_space<semaphore_mem>>)
        %dma_wait3A_155 = arith.constant 4 : i32
        %dma_wait3A_156 = arith.constant 0 : i32
        %dma_wait3A_157 = tpu.memref_slice %arg9[%dma_wait3A_155, %dma_wait3A_156] : memref<8x128xi32, #tpu.memory_space<vmem>> -> memref<1x128xi32, #tpu.memory_space<vmem>>
        %dma_wait3A_158 = tpu.memref_squeeze %dma_wait3A_157 : memref<1x128xi32, #tpu.memory_space<vmem>> -> memref<128xi32, #tpu.memory_space<vmem>>
        %dma_wait3A_159 = arith.constant 0 : i32
        %dma_wait3A_160 = arith.constant 0 : i32
        %dma_wait3A_161 = tpu.memref_slice %arg5[%dma_wait3A_159, %dma_wait3A_160] : memref<10000x128xf32, #tpu.memory_space<hbm>> -> memref<10000x128xf32, #tpu.memory_space<hbm>>
        tpu.wait_indirect_dma semaphore(%arg14 : memref<!tpu.dma_semaphore, #tpu.memory_space<semaphore_mem>>) src(%dma_wait3A_161 : memref<10000x128xf32, #tpu.memory_space<hbm>>) dst(%arg11 : memref<128x128xf32, #tpu.memory_space<vmem>>)
        %dma_start3A_162 = arith.constant 4 : i32
        %dma_start3A_163 = arith.constant 0 : i32
        %dma_start3A_164 = tpu.memref_slice %arg10[%dma_start3A_162, %dma_start3A_163] : memref<8x128xi32, #tpu.memory_space<vmem>> -> memref<1x128xi32, #tpu.memory_space<vmem>>
        %dma_start3A_165 = tpu.memref_squeeze %dma_start3A_164 : memref<1x128xi32, #tpu.memory_space<vmem>> -> memref<128xi32, #tpu.memory_space<vmem>>
        %dma_start3A_166 = arith.constant 0 : i32
        %dma_start3A_167 = arith.constant 0 : i32
        %dma_start3A_168 = tpu.memref_slice %arg13[%dma_start3A_166, %dma_start3A_167] : memref<10112x128xf32, #tpu.memory_space<vmem_shared>> -> memref<10112x128xf32, #tpu.memory_space<vmem_shared>>
        tpu.enqueue_indirect_dma source(%arg11 : memref<128x128xf32, #tpu.memory_space<vmem>>) target(%dma_start3A_168 : memref<10112x128xf32, #tpu.memory_space<vmem_shared>>) offsets(%dma_start3A_165 : memref<128xi32, #tpu.memory_space<vmem>>) semaphore(%arg16 : memref<!tpu.dma_semaphore, #tpu.memory_space<semaphore_mem>>) {add = true}
        %dma_wait3A_169 = arith.constant 4 : i32
        %dma_wait3A_170 = arith.constant 0 : i32
        %dma_wait3A_171 = tpu.memref_slice %arg10[%dma_wait3A_169, %dma_wait3A_170] : memref<8x128xi32, #tpu.memory_space<vmem>> -> memref<1x128xi32, #tpu.memory_space<vmem>>
        %dma_wait3A_172 = tpu.memref_squeeze %dma_wait3A_171 : memref<1x128xi32, #tpu.memory_space<vmem>> -> memref<128xi32, #tpu.memory_space<vmem>>
        %dma_wait3A_173 = arith.constant 0 : i32
        %dma_wait3A_174 = arith.constant 0 : i32
        %dma_wait3A_175 = tpu.memref_slice %arg13[%dma_wait3A_173, %dma_wait3A_174] : memref<10112x128xf32, #tpu.memory_space<vmem_shared>> -> memref<10112x128xf32, #tpu.memory_space<vmem_shared>>
        tpu.wait_indirect_dma semaphore(%arg16 : memref<!tpu.dma_semaphore, #tpu.memory_space<semaphore_mem>>) src(%arg11 : memref<128x128xf32, #tpu.memory_space<vmem>>) dst(%dma_wait3A_175 : memref<10112x128xf32, #tpu.memory_space<vmem_shared>>)
        %dma_start3A_176 = arith.constant 6 : i32
        %dma_start3A_177 = arith.constant 0 : i32
        %dma_start3A_178 = tpu.memref_slice %arg9[%dma_start3A_176, %dma_start3A_177] : memref<8x128xi32, #tpu.memory_space<vmem>> -> memref<1x128xi32, #tpu.memory_space<vmem>>
        %dma_start3A_179 = tpu.memref_squeeze %dma_start3A_178 : memref<1x128xi32, #tpu.memory_space<vmem>> -> memref<128xi32, #tpu.memory_space<vmem>>
        %dma_start3A_180 = arith.constant 0 : i32
        %dma_start3A_181 = arith.constant 0 : i32
        %dma_start3A_182 = tpu.memref_slice %arg5[%dma_start3A_180, %dma_start3A_181] : memref<10000x128xf32, #tpu.memory_space<hbm>> -> memref<10000x128xf32, #tpu.memory_space<hbm>>
        tpu.enqueue_indirect_dma source(%dma_start3A_182 : memref<10000x128xf32, #tpu.memory_space<hbm>>) target(%arg11 : memref<128x128xf32, #tpu.memory_space<vmem>>) offsets(%dma_start3A_179 : memref<128xi32, #tpu.memory_space<vmem>>) semaphore(%arg14 : memref<!tpu.dma_semaphore, #tpu.memory_space<semaphore_mem>>)
        %dma_wait3A_183 = arith.constant 5 : i32
        %dma_wait3A_184 = arith.constant 0 : i32
        %dma_wait3A_185 = tpu.memref_slice %arg9[%dma_wait3A_183, %dma_wait3A_184] : memref<8x128xi32, #tpu.memory_space<vmem>> -> memref<1x128xi32, #tpu.memory_space<vmem>>
        %dma_wait3A_186 = tpu.memref_squeeze %dma_wait3A_185 : memref<1x128xi32, #tpu.memory_space<vmem>> -> memref<128xi32, #tpu.memory_space<vmem>>
        %dma_wait3A_187 = arith.constant 0 : i32
        %dma_wait3A_188 = arith.constant 0 : i32
        %dma_wait3A_189 = tpu.memref_slice %arg5[%dma_wait3A_187, %dma_wait3A_188] : memref<10000x128xf32, #tpu.memory_space<hbm>> -> memref<10000x128xf32, #tpu.memory_space<hbm>>
        tpu.wait_indirect_dma semaphore(%arg15 : memref<!tpu.dma_semaphore, #tpu.memory_space<semaphore_mem>>) src(%dma_wait3A_189 : memref<10000x128xf32, #tpu.memory_space<hbm>>) dst(%arg12 : memref<128x128xf32, #tpu.memory_space<vmem>>)
        %dma_start3A_190 = arith.constant 5 : i32
        %dma_start3A_191 = arith.constant 0 : i32
        %dma_start3A_192 = tpu.memref_slice %arg10[%dma_start3A_190, %dma_start3A_191] : memref<8x128xi32, #tpu.memory_space<vmem>> -> memref<1x128xi32, #tpu.memory_space<vmem>>
        %dma_start3A_193 = tpu.memref_squeeze %dma_start3A_192 : memref<1x128xi32, #tpu.memory_space<vmem>> -> memref<128xi32, #tpu.memory_space<vmem>>
        %dma_start3A_194 = arith.constant 0 : i32
        %dma_start3A_195 = arith.constant 0 : i32
        %dma_start3A_196 = tpu.memref_slice %arg13[%dma_start3A_194, %dma_start3A_195] : memref<10112x128xf32, #tpu.memory_space<vmem_shared>> -> memref<10112x128xf32, #tpu.memory_space<vmem_shared>>
        tpu.enqueue_indirect_dma source(%arg12 : memref<128x128xf32, #tpu.memory_space<vmem>>) target(%dma_start3A_196 : memref<10112x128xf32, #tpu.memory_space<vmem_shared>>) offsets(%dma_start3A_193 : memref<128xi32, #tpu.memory_space<vmem>>) semaphore(%arg17 : memref<!tpu.dma_semaphore, #tpu.memory_space<semaphore_mem>>) {add = true}
        %dma_wait3A_197 = arith.constant 5 : i32
        %dma_wait3A_198 = arith.constant 0 : i32
        %dma_wait3A_199 = tpu.memref_slice %arg10[%dma_wait3A_197, %dma_wait3A_198] : memref<8x128xi32, #tpu.memory_space<vmem>> -> memref<1x128xi32, #tpu.memory_space<vmem>>
        %dma_wait3A_200 = tpu.memref_squeeze %dma_wait3A_199 : memref<1x128xi32, #tpu.memory_space<vmem>> -> memref<128xi32, #tpu.memory_space<vmem>>
        %dma_wait3A_201 = arith.constant 0 : i32
        %dma_wait3A_202 = arith.constant 0 : i32
        %dma_wait3A_203 = tpu.memref_slice %arg13[%dma_wait3A_201, %dma_wait3A_202] : memref<10112x128xf32, #tpu.memory_space<vmem_shared>> -> memref<10112x128xf32, #tpu.memory_space<vmem_shared>>
        tpu.wait_indirect_dma semaphore(%arg17 : memref<!tpu.dma_semaphore, #tpu.memory_space<semaphore_mem>>) src(%arg12 : memref<128x128xf32, #tpu.memory_space<vmem>>) dst(%dma_wait3A_203 : memref<10112x128xf32, #tpu.memory_space<vmem_shared>>)
        %dma_start3A_204 = arith.constant 7 : i32
        %dma_start3A_205 = arith.constant 0 : i32
        %dma_start3A_206 = tpu.memref_slice %arg9[%dma_start3A_204, %dma_start3A_205] : memref<8x128xi32, #tpu.memory_space<vmem>> -> memref<1x128xi32, #tpu.memory_space<vmem>>
        %dma_start3A_207 = tpu.memref_squeeze %dma_start3A_206 : memref<1x128xi32, #tpu.memory_space<vmem>> -> memref<128xi32, #tpu.memory_space<vmem>>
        %dma_start3A_208 = arith.constant 0 : i32
        %dma_start3A_209 = arith.constant 0 : i32
        %dma_start3A_210 = tpu.memref_slice %arg5[%dma_start3A_208, %dma_start3A_209] : memref<10000x128xf32, #tpu.memory_space<hbm>> -> memref<10000x128xf32, #tpu.memory_space<hbm>>
        tpu.enqueue_indirect_dma source(%dma_start3A_210 : memref<10000x128xf32, #tpu.memory_space<hbm>>) target(%arg12 : memref<128x128xf32, #tpu.memory_space<vmem>>) offsets(%dma_start3A_207 : memref<128xi32, #tpu.memory_space<vmem>>) semaphore(%arg15 : memref<!tpu.dma_semaphore, #tpu.memory_space<semaphore_mem>>)
        %dma_wait3A_211 = arith.constant 6 : i32
        %dma_wait3A_212 = arith.constant 0 : i32
        %dma_wait3A_213 = tpu.memref_slice %arg9[%dma_wait3A_211, %dma_wait3A_212] : memref<8x128xi32, #tpu.memory_space<vmem>> -> memref<1x128xi32, #tpu.memory_space<vmem>>
        %dma_wait3A_214 = tpu.memref_squeeze %dma_wait3A_213 : memref<1x128xi32, #tpu.memory_space<vmem>> -> memref<128xi32, #tpu.memory_space<vmem>>
        %dma_wait3A_215 = arith.constant 0 : i32
        %dma_wait3A_216 = arith.constant 0 : i32
        %dma_wait3A_217 = tpu.memref_slice %arg5[%dma_wait3A_215, %dma_wait3A_216] : memref<10000x128xf32, #tpu.memory_space<hbm>> -> memref<10000x128xf32, #tpu.memory_space<hbm>>
        tpu.wait_indirect_dma semaphore(%arg14 : memref<!tpu.dma_semaphore, #tpu.memory_space<semaphore_mem>>) src(%dma_wait3A_217 : memref<10000x128xf32, #tpu.memory_space<hbm>>) dst(%arg11 : memref<128x128xf32, #tpu.memory_space<vmem>>)
        %dma_start3A_218 = arith.constant 6 : i32
        %dma_start3A_219 = arith.constant 0 : i32
        %dma_start3A_220 = tpu.memref_slice %arg10[%dma_start3A_218, %dma_start3A_219] : memref<8x128xi32, #tpu.memory_space<vmem>> -> memref<1x128xi32, #tpu.memory_space<vmem>>
        %dma_start3A_221 = tpu.memref_squeeze %dma_start3A_220 : memref<1x128xi32, #tpu.memory_space<vmem>> -> memref<128xi32, #tpu.memory_space<vmem>>
        %dma_start3A_222 = arith.constant 0 : i32
        %dma_start3A_223 = arith.constant 0 : i32
        %dma_start3A_224 = tpu.memref_slice %arg13[%dma_start3A_222, %dma_start3A_223] : memref<10112x128xf32, #tpu.memory_space<vmem_shared>> -> memref<10112x128xf32, #tpu.memory_space<vmem_shared>>
        tpu.enqueue_indirect_dma source(%arg11 : memref<128x128xf32, #tpu.memory_space<vmem>>) target(%dma_start3A_224 : memref<10112x128xf32, #tpu.memory_space<vmem_shared>>) offsets(%dma_start3A_221 : memref<128xi32, #tpu.memory_space<vmem>>) semaphore(%arg16 : memref<!tpu.dma_semaphore, #tpu.memory_space<semaphore_mem>>) {add = true}
        %dma_wait3A_225 = arith.constant 6 : i32
        %dma_wait3A_226 = arith.constant 0 : i32
        %dma_wait3A_227 = tpu.memref_slice %arg10[%dma_wait3A_225, %dma_wait3A_226] : memref<8x128xi32, #tpu.memory_space<vmem>> -> memref<1x128xi32, #tpu.memory_space<vmem>>
        %dma_wait3A_228 = tpu.memref_squeeze %dma_wait3A_227 : memref<1x128xi32, #tpu.memory_space<vmem>> -> memref<128xi32, #tpu.memory_space<vmem>>
        %dma_wait3A_229 = arith.constant 0 : i32
        %dma_wait3A_230 = arith.constant 0 : i32
        %dma_wait3A_231 = tpu.memref_slice %arg13[%dma_wait3A_229, %dma_wait3A_230] : memref<10112x128xf32, #tpu.memory_space<vmem_shared>> -> memref<10112x128xf32, #tpu.memory_space<vmem_shared>>
        tpu.wait_indirect_dma semaphore(%arg16 : memref<!tpu.dma_semaphore, #tpu.memory_space<semaphore_mem>>) src(%arg11 : memref<128x128xf32, #tpu.memory_space<vmem>>) dst(%dma_wait3A_231 : memref<10112x128xf32, #tpu.memory_space<vmem_shared>>)
        %dma_wait3A_232 = arith.constant 7 : i32
        %dma_wait3A_233 = arith.constant 0 : i32
        %dma_wait3A_234 = tpu.memref_slice %arg9[%dma_wait3A_232, %dma_wait3A_233] : memref<8x128xi32, #tpu.memory_space<vmem>> -> memref<1x128xi32, #tpu.memory_space<vmem>>
        %dma_wait3A_235 = tpu.memref_squeeze %dma_wait3A_234 : memref<1x128xi32, #tpu.memory_space<vmem>> -> memref<128xi32, #tpu.memory_space<vmem>>
        %dma_wait3A_236 = arith.constant 0 : i32
        %dma_wait3A_237 = arith.constant 0 : i32
        %dma_wait3A_238 = tpu.memref_slice %arg5[%dma_wait3A_236, %dma_wait3A_237] : memref<10000x128xf32, #tpu.memory_space<hbm>> -> memref<10000x128xf32, #tpu.memory_space<hbm>>
        tpu.wait_indirect_dma semaphore(%arg15 : memref<!tpu.dma_semaphore, #tpu.memory_space<semaphore_mem>>) src(%dma_wait3A_238 : memref<10000x128xf32, #tpu.memory_space<hbm>>) dst(%arg12 : memref<128x128xf32, #tpu.memory_space<vmem>>)
        %dma_start3A_239 = arith.constant 7 : i32
        %dma_start3A_240 = arith.constant 0 : i32
        %dma_start3A_241 = tpu.memref_slice %arg10[%dma_start3A_239, %dma_start3A_240] : memref<8x128xi32, #tpu.memory_space<vmem>> -> memref<1x128xi32, #tpu.memory_space<vmem>>
        %dma_start3A_242 = tpu.memref_squeeze %dma_start3A_241 : memref<1x128xi32, #tpu.memory_space<vmem>> -> memref<128xi32, #tpu.memory_space<vmem>>
        %dma_start3A_243 = arith.constant 0 : i32
        %dma_start3A_244 = arith.constant 0 : i32
        %dma_start3A_245 = tpu.memref_slice %arg13[%dma_start3A_243, %dma_start3A_244] : memref<10112x128xf32, #tpu.memory_space<vmem_shared>> -> memref<10112x128xf32, #tpu.memory_space<vmem_shared>>
        tpu.enqueue_indirect_dma source(%arg12 : memref<128x128xf32, #tpu.memory_space<vmem>>) target(%dma_start3A_245 : memref<10112x128xf32, #tpu.memory_space<vmem_shared>>) offsets(%dma_start3A_242 : memref<128xi32, #tpu.memory_space<vmem>>) semaphore(%arg17 : memref<!tpu.dma_semaphore, #tpu.memory_space<semaphore_mem>>) {add = true}
        %dma_wait3A_246 = arith.constant 7 : i32
        %dma_wait3A_247 = arith.constant 0 : i32
        %dma_wait3A_248 = tpu.memref_slice %arg10[%dma_wait3A_246, %dma_wait3A_247] : memref<8x128xi32, #tpu.memory_space<vmem>> -> memref<1x128xi32, #tpu.memory_space<vmem>>
        %dma_wait3A_249 = tpu.memref_squeeze %dma_wait3A_248 : memref<1x128xi32, #tpu.memory_space<vmem>> -> memref<128xi32, #tpu.memory_space<vmem>>
        %dma_wait3A_250 = arith.constant 0 : i32
        %dma_wait3A_251 = arith.constant 0 : i32
        %dma_wait3A_252 = tpu.memref_slice %arg13[%dma_wait3A_250, %dma_wait3A_251] : memref<10112x128xf32, #tpu.memory_space<vmem_shared>> -> memref<10112x128xf32, #tpu.memory_space<vmem_shared>>
        tpu.wait_indirect_dma semaphore(%arg17 : memref<!tpu.dma_semaphore, #tpu.memory_space<semaphore_mem>>) src(%arg12 : memref<128x128xf32, #tpu.memory_space<vmem>>) dst(%dma_wait3A_252 : memref<10112x128xf32, #tpu.memory_space<vmem_shared>>)
        %scan3A_253 = arith.constant 0 : i32
        scf.yield %scan3A_253 : i32
      }
      %scan3A_24 = arith.constant 20 : i32
    } else {
    }
    %barrier3A_8 = arith.constant 0 : index
    tpu.barrier barrier_id(%barrier3A_8)
    %eq3A_9 = arith.constant 0 : i32
    %eq3A_10 = arith.cmpi eq, %arg0, %eq3A_9 : i32
    %convert_element_type3A_11 = arith.extui %eq3A_10 : i1 to i32
    %cond3A_12 = arith.constant 0 : i32
    %cond3A_13 = arith.cmpi ne, %convert_element_type3A_11, %cond3A_12 : i32
    scf.if %cond3A_13 {
      "tpu.region"() ({
        %run_scoped3A = tpu.sem_alloc : memref<!tpu.dma_semaphore, #tpu.memory_space<semaphore_mem>>
        %dma_start3A = arith.constant 0 : i32
        %dma_start3A_19 = tpu.memref_slice %arg7[%mul3A_0, %dma_start3A] : memref<10112x128xf32, #tpu.memory_space<hbm>> -> memref<632x128xf32, #tpu.memory_space<hbm>>
        %dma_start3A_20 = arith.constant 0 : i32
        %dma_start3A_21 = tpu.memref_slice %arg13[%mul3A_0, %dma_start3A_20] : memref<10112x128xf32, #tpu.memory_space<vmem_shared>> -> memref<632x128xf32, #tpu.memory_space<vmem_shared>>
        tpu.enqueue_dma source(%dma_start3A_21 : memref<632x128xf32, #tpu.memory_space<vmem_shared>>) target(%dma_start3A_19 : memref<632x128xf32, #tpu.memory_space<hbm>>) target_semaphore(%run_scoped3A : memref<!tpu.dma_semaphore, #tpu.memory_space<semaphore_mem>>)
        %dma_wait3A = arith.constant 0 : i32
        %dma_wait3A_22 = tpu.memref_slice %arg7[%mul3A_0, %dma_wait3A] : memref<10112x128xf32, #tpu.memory_space<hbm>> -> memref<632x128xf32, #tpu.memory_space<hbm>>
        %dma_wait3A_23 = arith.constant 0 : i32
        %dma_wait3A_24 = tpu.memref_slice %arg13[%mul3A_0, %dma_wait3A_23] : memref<10112x128xf32, #tpu.memory_space<vmem_shared>> -> memref<632x128xf32, #tpu.memory_space<vmem_shared>>
        tpu.wait_dma2 semaphore(%run_scoped3A : memref<!tpu.dma_semaphore, #tpu.memory_space<semaphore_mem>>) src(%dma_wait3A_24 : memref<632x128xf32, #tpu.memory_space<vmem_shared>>) dst(%dma_wait3A_22 : memref<632x128xf32, #tpu.memory_space<hbm>>)
        tpu.yield
      }) : () -> ()
    } else {
    }
    %eq3A_14 = arith.constant 1 : i32
    %eq3A_15 = arith.cmpi eq, %arg0, %eq3A_14 : i32
    %convert_element_type3A_16 = arith.extui %eq3A_15 : i1 to i32
    %cond3A_17 = arith.constant 0 : i32
    %cond3A_18 = arith.cmpi ne, %convert_element_type3A_16, %cond3A_17 : i32
    scf.if %cond3A_18 {
      "tpu.region"() ({
        %run_scoped3A = tpu.sem_alloc : memref<!tpu.dma_semaphore, #tpu.memory_space<semaphore_mem>>
        %dma_start3A = arith.constant 0 : i32
        %dma_start3A_19 = tpu.memref_slice %arg8[%mul3A_0, %dma_start3A] : memref<10112x128xf32, #tpu.memory_space<hbm>> -> memref<632x128xf32, #tpu.memory_space<hbm>>
        %dma_start3A_20 = arith.constant 0 : i32
        %dma_start3A_21 = tpu.memref_slice %arg13[%mul3A_0, %dma_start3A_20] : memref<10112x128xf32, #tpu.memory_space<vmem_shared>> -> memref<632x128xf32, #tpu.memory_space<vmem_shared>>
        tpu.enqueue_dma source(%dma_start3A_21 : memref<632x128xf32, #tpu.memory_space<vmem_shared>>) target(%dma_start3A_19 : memref<632x128xf32, #tpu.memory_space<hbm>>) target_semaphore(%run_scoped3A : memref<!tpu.dma_semaphore, #tpu.memory_space<semaphore_mem>>)
        %dma_wait3A = arith.constant 0 : i32
        %dma_wait3A_22 = tpu.memref_slice %arg8[%mul3A_0, %dma_wait3A] : memref<10112x128xf32, #tpu.memory_space<hbm>> -> memref<632x128xf32, #tpu.memory_space<hbm>>
        %dma_wait3A_23 = arith.constant 0 : i32
        %dma_wait3A_24 = tpu.memref_slice %arg13[%mul3A_0, %dma_wait3A_23] : memref<10112x128xf32, #tpu.memory_space<vmem_shared>> -> memref<632x128xf32, #tpu.memory_space<vmem_shared>>
        tpu.wait_dma2 semaphore(%run_scoped3A : memref<!tpu.dma_semaphore, #tpu.memory_space<semaphore_mem>>) src(%dma_wait3A_24 : memref<632x128xf32, #tpu.memory_space<vmem_shared>>) dst(%dma_wait3A_22 : memref<632x128xf32, #tpu.memory_space<hbm>>)
        tpu.yield
      }) : () -> ()
    } else {
    }
    return
  }
}

module attributes {stable_mosaic.version = 14 : i64} {
  func.func @_stage2_body(%arg0: i32, %arg1: memref<1000x128xf32, #tpu.memory_space<vmem>>, %arg2: memref<1000x128xf32, #tpu.memory_space<vmem>>, %arg3: memref<1000x128xf32, #tpu.memory_space<vmem>>, %arg4: memref<1000x128xf32, #tpu.memory_space<vmem>>, %arg5: memref<1000x128xf32, #tpu.memory_space<vmem>>, %arg6: memref<1000x128xf32, #tpu.memory_space<vmem>>, %arg7: memref<256x256xf32, #tpu.memory_space<vmem>>, %arg8: memref<1x256xf32, #tpu.memory_space<vmem>>, %arg9: memref<256x256xf32, #tpu.memory_space<vmem>>, %arg10: memref<256x256xf32, #tpu.memory_space<vmem>>, %arg11: memref<1x256xf32, #tpu.memory_space<vmem>>, %arg12: memref<256x256xf32, #tpu.memory_space<vmem>>, %arg13: memref<1x256xf32, #tpu.memory_space<vmem>>, %arg14: memref<1x256xf32, #tpu.memory_space<vmem>>, %arg15: memref<1x256xf32, #tpu.memory_space<vmem>>, %arg16: memref<256x256xf32, #tpu.memory_space<vmem>>, %arg17: memref<1x256xf32, #tpu.memory_space<vmem>>, %arg18: memref<1000x128xf32, #tpu.memory_space<vmem>>, %arg19: memref<1000x128xf32, #tpu.memory_space<vmem>>, %arg20: memref<1000x256xf32, #tpu.memory_space<vmem>>) attributes {dimension_semantics = [#tpu.dimension_semantics<arbitrary>], iteration_bounds = array<i64: 10>, scalar_prefetch = 0 : i64, scratch_operands = 0 : i64, tpu.core_type = #tpu.core_type<tc>, window_params = [{transform_indices = @transform_0, window_bounds = array<i64: 1000, 128>}, {transform_indices = @transform_1, window_bounds = array<i64: 1000, 128>}, {transform_indices = @transform_2, window_bounds = array<i64: 1000, 128>}, {transform_indices = @transform_3, window_bounds = array<i64: 1000, 128>}, {transform_indices = @transform_4, window_bounds = array<i64: 1000, 128>}, {transform_indices = @transform_5, window_bounds = array<i64: 1000, 128>}, {pipeline_mode = #tpu.pipeline_mode<synchronous>, transform_indices = @transform_6, window_bounds = array<i64: 256, 256>}, {pipeline_mode = #tpu.pipeline_mode<synchronous>, transform_indices = @transform_7, window_bounds = array<i64: 1, 256>}, {pipeline_mode = #tpu.pipeline_mode<synchronous>, transform_indices = @transform_8, window_bounds = array<i64: 256, 256>}, {pipeline_mode = #tpu.pipeline_mode<synchronous>, transform_indices = @transform_9, window_bounds = array<i64: 256, 256>}, {pipeline_mode = #tpu.pipeline_mode<synchronous>, transform_indices = @transform_10, window_bounds = array<i64: 1, 256>}, {pipeline_mode = #tpu.pipeline_mode<synchronous>, transform_indices = @transform_11, window_bounds = array<i64: 256, 256>}, {pipeline_mode = #tpu.pipeline_mode<synchronous>, transform_indices = @transform_12, window_bounds = array<i64: 1, 256>}, {pipeline_mode = #tpu.pipeline_mode<synchronous>, transform_indices = @transform_13, window_bounds = array<i64: 1, 256>}, {pipeline_mode = #tpu.pipeline_mode<synchronous>, transform_indices = @transform_14, window_bounds = array<i64: 1, 256>}, {pipeline_mode = #tpu.pipeline_mode<synchronous>, transform_indices = @transform_15, window_bounds = array<i64: 256, 256>}, {pipeline_mode = #tpu.pipeline_mode<synchronous>, transform_indices = @transform_16, window_bounds = array<i64: 1, 256>}, {transform_indices = @transform_17, window_bounds = array<i64: 1000, 128>}, {transform_indices = @transform_18, window_bounds = array<i64: 1000, 128>}, {transform_indices = @transform_19, window_bounds = array<i64: 1000, 256>}]} {
    %get3A = arith.constant 0 : index
    %get3A_0 = arith.constant 0 : index
    %get3A_1 = vector.load %arg1[%get3A, %get3A_0] : memref<1000x128xf32, #tpu.memory_space<vmem>>, vector<1000x128xf32>
    %get3A_2 = arith.constant 0 : index
    %get3A_3 = arith.constant 0 : index
    %get3A_4 = vector.load %arg2[%get3A_2, %get3A_3] : memref<1000x128xf32, #tpu.memory_space<vmem>>, vector<1000x128xf32>
    %concatenate3A = tpu.concatenate %get3A_1, %get3A_4 in 1 : vector<1000x128xf32>, vector<1000x128xf32> -> vector<1000x256xf32>
    %get3A_5 = arith.constant 0 : index
    %get3A_6 = arith.constant 0 : index
    %get3A_7 = vector.load %arg5[%get3A_5, %get3A_6] : memref<1000x128xf32, #tpu.memory_space<vmem>>, vector<1000x128xf32>
    %slice3A = vector.extract_strided_slice %get3A_7 {offsets = [0, 0], sizes = [1000, 1], strides = [1, 1]} : vector<1000x128xf32> to vector<1000x1xf32>
    %get3A_8 = arith.constant 0 : index
    %get3A_9 = arith.constant 0 : index
    %get3A_10 = vector.load %arg6[%get3A_8, %get3A_9] : memref<1000x128xf32, #tpu.memory_space<vmem>>, vector<1000x128xf32>
    %slice3A_11 = vector.extract_strided_slice %get3A_10 {offsets = [0, 0], sizes = [1000, 1], strides = [1, 1]} : vector<1000x128xf32> to vector<1000x1xf32>
    %add3A = arith.addf %slice3A, %slice3A_11 : vector<1000x1xf32>
    %max3A = arith.constant 1.000000e+00 : f32
    %max3A_12 = vector.broadcast %max3A : f32 to vector<1000x1xf32>
    %max3A_13 = arith.maximumf %add3A, %max3A_12 : vector<1000x1xf32>
    %div3A = arith.constant 1.000000e+00 : f32
    %div3A_14 = vector.broadcast %div3A : f32 to vector<1000x1xf32>
    %div3A_15 = arith.divf %div3A_14, %max3A_13 : vector<1000x1xf32>
    %get3A_16 = arith.constant 0 : index
    %get3A_17 = arith.constant 0 : index
    %get3A_18 = vector.load %arg3[%get3A_16, %get3A_17] : memref<1000x128xf32, #tpu.memory_space<vmem>>, vector<1000x128xf32>
    %get3A_19 = arith.constant 0 : index
    %get3A_20 = arith.constant 0 : index
    %get3A_21 = vector.load %arg4[%get3A_19, %get3A_20] : memref<1000x128xf32, #tpu.memory_space<vmem>>, vector<1000x128xf32>
    %concatenate3A_22 = tpu.concatenate %get3A_18, %get3A_21 in 1 : vector<1000x128xf32>, vector<1000x128xf32> -> vector<1000x256xf32>
    %mul3A = vector.broadcast %div3A_15 : vector<1000x1xf32> to vector<1000x256xf32>
    %mul3A_23 = arith.mulf %concatenate3A_22, %mul3A : vector<1000x256xf32>
    %get3A_24 = arith.constant 0 : index
    %get3A_25 = arith.constant 0 : index
    %get3A_26 = vector.load %arg7[%get3A_24, %get3A_25] : memref<256x256xf32, #tpu.memory_space<vmem>>, vector<256x256xf32>
    %dot_general3A = arith.constant dense<0.000000e+00> : vector<1000x256xf32>
    %dot_general3A_27 = tpu.matmul %mul3A_23, %get3A_26, %dot_general3A {dimension_numbers = #tpu.dot_dimension_numbers<[1], [0], [0], [1], [0, 0, 1, 1], [], []>, transpose_lhs_hint = false} : vector<1000x256xf32>, vector<256x256xf32>, vector<1000x256xf32> -> vector<1000x256xf32>
    %get3A_28 = arith.constant 0 : index
    %get3A_29 = arith.constant 0 : index
    %get3A_30 = vector.load %arg8[%get3A_28, %get3A_29] : memref<1x256xf32, #tpu.memory_space<vmem>>, vector<1x256xf32>
    %add3A_31 = vector.broadcast %get3A_30 : vector<1x256xf32> to vector<1000x256xf32>
    %add3A_32 = arith.addf %dot_general3A_27, %add3A_31 : vector<1000x256xf32>
    %get3A_33 = arith.constant 0 : index
    %get3A_34 = arith.constant 0 : index
    %get3A_35 = vector.load %arg9[%get3A_33, %get3A_34] : memref<256x256xf32, #tpu.memory_space<vmem>>, vector<256x256xf32>
    %dot_general3A_36 = arith.constant dense<0.000000e+00> : vector<1000x256xf32>
    %dot_general3A_37 = tpu.matmul %concatenate3A, %get3A_35, %dot_general3A_36 {dimension_numbers = #tpu.dot_dimension_numbers<[1], [0], [0], [1], [0, 0, 1, 1], [], []>, transpose_lhs_hint = false} : vector<1000x256xf32>, vector<256x256xf32>, vector<1000x256xf32> -> vector<1000x256xf32>
    %add3A_38 = arith.addf %add3A_32, %dot_general3A_37 : vector<1000x256xf32>
    %max3A_39 = arith.constant 0.000000e+00 : f32
    %max3A_40 = vector.broadcast %max3A_39 : f32 to vector<1000x256xf32>
    %max3A_41 = arith.maximumf %add3A_38, %max3A_40 : vector<1000x256xf32>
    %slice3A_42 = vector.extract_strided_slice %max3A_41 {offsets = [0, 0], sizes = [1000, 128], strides = [1, 1]} : vector<1000x256xf32> to vector<1000x128xf32>
    %swap3A = arith.constant 0 : index
    %swap3A_43 = arith.constant 0 : index
    %swap3A_44 = vector.load %arg18[%swap3A, %swap3A_43] : memref<1000x128xf32, #tpu.memory_space<vmem>>, vector<1000x128xf32>
    tpu.vector_store %arg18[%swap3A, %swap3A_43], %slice3A_42 {strides = array<i32>} : memref<1000x128xf32, #tpu.memory_space<vmem>>, vector<1000x128xf32>,
    %slice3A_45 = vector.extract_strided_slice %max3A_41 {offsets = [0, 128], sizes = [1000, 128], strides = [1, 1]} : vector<1000x256xf32> to vector<1000x128xf32>
    %swap3A_46 = arith.constant 0 : index
    %swap3A_47 = arith.constant 0 : index
    %swap3A_48 = vector.load %arg19[%swap3A_46, %swap3A_47] : memref<1000x128xf32, #tpu.memory_space<vmem>>, vector<1000x128xf32>
    tpu.vector_store %arg19[%swap3A_46, %swap3A_47], %slice3A_45 {strides = array<i32>} : memref<1000x128xf32, #tpu.memory_space<vmem>>, vector<1000x128xf32>,
    %get3A_49 = arith.constant 0 : index
    %get3A_50 = arith.constant 0 : index
    %get3A_51 = vector.load %arg10[%get3A_49, %get3A_50] : memref<256x256xf32, #tpu.memory_space<vmem>>, vector<256x256xf32>
    %dot_general3A_52 = arith.constant dense<0.000000e+00> : vector<1000x256xf32>
    %dot_general3A_53 = tpu.matmul %concatenate3A, %get3A_51, %dot_general3A_52 {dimension_numbers = #tpu.dot_dimension_numbers<[1], [0], [0], [1], [0, 0, 1, 1], [], []>, transpose_lhs_hint = false} : vector<1000x256xf32>, vector<256x256xf32>, vector<1000x256xf32> -> vector<1000x256xf32>
    %get3A_54 = arith.constant 0 : index
    %get3A_55 = arith.constant 0 : index
    %get3A_56 = vector.load %arg11[%get3A_54, %get3A_55] : memref<1x256xf32, #tpu.memory_space<vmem>>, vector<1x256xf32>
    %add3A_57 = vector.broadcast %get3A_56 : vector<1x256xf32> to vector<1000x256xf32>
    %add3A_58 = arith.addf %dot_general3A_53, %add3A_57 : vector<1000x256xf32>
    %max3A_59 = arith.constant 0.000000e+00 : f32
    %max3A_60 = vector.broadcast %max3A_59 : f32 to vector<1000x256xf32>
    %max3A_61 = arith.maximumf %add3A_58, %max3A_60 : vector<1000x256xf32>
    %get3A_62 = arith.constant 0 : index
    %get3A_63 = arith.constant 0 : index
    %get3A_64 = vector.load %arg12[%get3A_62, %get3A_63] : memref<256x256xf32, #tpu.memory_space<vmem>>, vector<256x256xf32>
    %dot_general3A_65 = arith.constant dense<0.000000e+00> : vector<1000x256xf32>
    %dot_general3A_66 = tpu.matmul %max3A_61, %get3A_64, %dot_general3A_65 {dimension_numbers = #tpu.dot_dimension_numbers<[1], [0], [0], [1], [0, 0, 1, 1], [], []>, transpose_lhs_hint = false} : vector<1000x256xf32>, vector<256x256xf32>, vector<1000x256xf32> -> vector<1000x256xf32>
    %get3A_67 = arith.constant 0 : index
    %get3A_68 = arith.constant 0 : index
    %get3A_69 = vector.load %arg13[%get3A_67, %get3A_68] : memref<1x256xf32, #tpu.memory_space<vmem>>, vector<1x256xf32>
    %add3A_70 = vector.broadcast %get3A_69 : vector<1x256xf32> to vector<1000x256xf32>
    %add3A_71 = arith.addf %dot_general3A_66, %add3A_70 : vector<1000x256xf32>
    %get3A_72 = arith.constant 0 : index
    %get3A_73 = arith.constant 0 : index
    %get3A_74 = vector.load %arg14[%get3A_72, %get3A_73] : memref<1x256xf32, #tpu.memory_space<vmem>>, vector<1x256xf32>
    %get3A_75 = arith.constant 0 : index
    %get3A_76 = arith.constant 0 : index
    %get3A_77 = vector.load %arg15[%get3A_75, %get3A_76] : memref<1x256xf32, #tpu.memory_space<vmem>>, vector<1x256xf32>
    %reduce_sum3A = arith.constant dense<0.000000e+00> : vector<1000xf32>
    %reduce_sum3A_78 = vector.multi_reduction <add>, %add3A_71, %reduce_sum3A [1] : vector<1000x256xf32> to vector<1000xf32>
    %broadcast_in_dim3A = vector.shape_cast %reduce_sum3A_78 : vector<1000xf32> to vector<1000x1xf32>
    %div3A_79 = arith.constant 2.560000e+02 : f32
    %div3A_80 = vector.broadcast %div3A_79 : f32 to vector<1000x1xf32>
    %div3A_81 = arith.divf %broadcast_in_dim3A, %div3A_80 : vector<1000x1xf32>
    %sub3A = vector.broadcast %div3A_81 : vector<1000x1xf32> to vector<1000x256xf32>
    %sub3A_82 = arith.subf %add3A_71, %sub3A : vector<1000x256xf32>
    %integer_pow3A = arith.mulf %sub3A_82, %sub3A_82 : vector<1000x256xf32>
    %reduce_sum3A_83 = arith.constant dense<0.000000e+00> : vector<1000xf32>
    %reduce_sum3A_84 = vector.multi_reduction <add>, %integer_pow3A, %reduce_sum3A_83 [1] : vector<1000x256xf32> to vector<1000xf32>
    %broadcast_in_dim3A_85 = vector.shape_cast %reduce_sum3A_84 : vector<1000xf32> to vector<1000x1xf32>
    %div3A_86 = arith.constant 2.560000e+02 : f32
    %div3A_87 = vector.broadcast %div3A_86 : f32 to vector<1000x1xf32>
    %div3A_88 = arith.divf %broadcast_in_dim3A_85, %div3A_87 : vector<1000x1xf32>
    %sub3A_89 = vector.broadcast %div3A_81 : vector<1000x1xf32> to vector<1000x256xf32>
    %sub3A_90 = arith.subf %add3A_71, %sub3A_89 : vector<1000x256xf32>
    %add3A_91 = arith.constant 9.99999974E-6 : f32
    %add3A_92 = vector.broadcast %add3A_91 : f32 to vector<1000x1xf32>
    %add3A_93 = arith.addf %div3A_88, %add3A_92 : vector<1000x1xf32>
    %sqrt3A = math.sqrt %add3A_93 : vector<1000x1xf32>
    %div3A_94 = vector.broadcast %sqrt3A : vector<1000x1xf32> to vector<1000x256xf32>
    %div3A_95 = arith.divf %sub3A_90, %div3A_94 : vector<1000x256xf32>
    %mul3A_96 = vector.broadcast %get3A_74 : vector<1x256xf32> to vector<1000x256xf32>
    %mul3A_97 = arith.mulf %div3A_95, %mul3A_96 : vector<1000x256xf32>
    %add3A_98 = vector.broadcast %get3A_77 : vector<1x256xf32> to vector<1000x256xf32>
    %add3A_99 = arith.addf %mul3A_97, %add3A_98 : vector<1000x256xf32>
    %get3A_100 = arith.constant 0 : index
    %get3A_101 = arith.constant 0 : index
    %get3A_102 = vector.load %arg16[%get3A_100, %get3A_101] : memref<256x256xf32, #tpu.memory_space<vmem>>, vector<256x256xf32>
    %dot_general3A_103 = arith.constant dense<0.000000e+00> : vector<1000x256xf32>
    %dot_general3A_104 = tpu.matmul %add3A_99, %get3A_102, %dot_general3A_103 {dimension_numbers = #tpu.dot_dimension_numbers<[1], [0], [0], [1], [0, 0, 1, 1], [], []>, transpose_lhs_hint = false} : vector<1000x256xf32>, vector<256x256xf32>, vector<1000x256xf32> -> vector<1000x256xf32>
    %get3A_105 = arith.constant 0 : index
    %get3A_106 = arith.constant 0 : index
    %get3A_107 = vector.load %arg17[%get3A_105, %get3A_106] : memref<1x256xf32, #tpu.memory_space<vmem>>, vector<1x256xf32>
    %add3A_108 = vector.broadcast %get3A_107 : vector<1x256xf32> to vector<1000x256xf32>
    %add3A_109 = arith.addf %dot_general3A_104, %add3A_108 : vector<1000x256xf32>
    %swap3A_110 = arith.constant 0 : index
    %swap3A_111 = arith.constant 0 : index
    %swap3A_112 = vector.load %arg20[%swap3A_110, %swap3A_111] : memref<1000x256xf32, #tpu.memory_space<vmem>>, vector<1000x256xf32>
    tpu.vector_store %arg20[%swap3A_110, %swap3A_111], %add3A_109 {strides = array<i32>} : memref<1000x256xf32, #tpu.memory_space<vmem>>, vector<1000x256xf32>,
    return
  }
  func.func @transform_0(%arg0: i32) -> (i32, i32) {
    %c0_i32 = arith.constant 0 : i32
    %c0_i32_0 = arith.constant 0 : i32
    return %arg0, %c0_i32 : i32, i32
  }
  func.func @transform_1(%arg0: i32) -> (i32, i32) {
    %c0_i32 = arith.constant 0 : i32
    %c0_i32_0 = arith.constant 0 : i32
    return %arg0, %c0_i32 : i32, i32
  }
  func.func @transform_2(%arg0: i32) -> (i32, i32) {
    %c0_i32 = arith.constant 0 : i32
    %c0_i32_0 = arith.constant 0 : i32
    return %arg0, %c0_i32 : i32, i32
  }
  func.func @transform_3(%arg0: i32) -> (i32, i32) {
    %c0_i32 = arith.constant 0 : i32
    %c0_i32_0 = arith.constant 0 : i32
    return %arg0, %c0_i32 : i32, i32
  }
  func.func @transform_4(%arg0: i32) -> (i32, i32) {
    %c0_i32 = arith.constant 0 : i32
    %c0_i32_0 = arith.constant 0 : i32
    return %arg0, %c0_i32 : i32, i32
  }
  func.func @transform_5(%arg0: i32) -> (i32, i32) {
    %c0_i32 = arith.constant 0 : i32
    %c0_i32_0 = arith.constant 0 : i32
    return %arg0, %c0_i32 : i32, i32
  }
  func.func @transform_6(%arg0: i32) -> (i32, i32) {
    %c0_i32 = arith.constant 0 : i32
    %c0_i32_0 = arith.constant 0 : i32
    %c0_i32_1 = arith.constant 0 : i32
    return %c0_i32, %c0_i32_0 : i32, i32
  }
  func.func @transform_7(%arg0: i32) -> (i32, i32) {
    %c0_i32 = arith.constant 0 : i32
    %c0_i32_0 = arith.constant 0 : i32
    %c0_i32_1 = arith.constant 0 : i32
    return %c0_i32, %c0_i32_0 : i32, i32
  }
  func.func @transform_8(%arg0: i32) -> (i32, i32) {
    %c0_i32 = arith.constant 0 : i32
    %c0_i32_0 = arith.constant 0 : i32
    %c0_i32_1 = arith.constant 0 : i32
    return %c0_i32, %c0_i32_0 : i32, i32
  }
  func.func @transform_9(%arg0: i32) -> (i32, i32) {
    %c0_i32 = arith.constant 0 : i32
    %c0_i32_0 = arith.constant 0 : i32
    %c0_i32_1 = arith.constant 0 : i32
    return %c0_i32, %c0_i32_0 : i32, i32
  }
  func.func @transform_10(%arg0: i32) -> (i32, i32) {
    %c0_i32 = arith.constant 0 : i32
    %c0_i32_0 = arith.constant 0 : i32
    %c0_i32_1 = arith.constant 0 : i32
    return %c0_i32, %c0_i32_0 : i32, i32
  }
  func.func @transform_11(%arg0: i32) -> (i32, i32) {
    %c0_i32 = arith.constant 0 : i32
    %c0_i32_0 = arith.constant 0 : i32
    %c0_i32_1 = arith.constant 0 : i32
    return %c0_i32, %c0_i32_0 : i32, i32
  }
  func.func @transform_12(%arg0: i32) -> (i32, i32) {
    %c0_i32 = arith.constant 0 : i32
    %c0_i32_0 = arith.constant 0 : i32
    %c0_i32_1 = arith.constant 0 : i32
    return %c0_i32, %c0_i32_0 : i32, i32
  }
  func.func @transform_13(%arg0: i32) -> (i32, i32) {
    %c0_i32 = arith.constant 0 : i32
    %c0_i32_0 = arith.constant 0 : i32
    %c0_i32_1 = arith.constant 0 : i32
    return %c0_i32, %c0_i32_0 : i32, i32
  }
  func.func @transform_14(%arg0: i32) -> (i32, i32) {
    %c0_i32 = arith.constant 0 : i32
    %c0_i32_0 = arith.constant 0 : i32
    %c0_i32_1 = arith.constant 0 : i32
    return %c0_i32, %c0_i32_0 : i32, i32
  }
  func.func @transform_15(%arg0: i32) -> (i32, i32) {
    %c0_i32 = arith.constant 0 : i32
    %c0_i32_0 = arith.constant 0 : i32
    %c0_i32_1 = arith.constant 0 : i32
    return %c0_i32, %c0_i32_0 : i32, i32
  }
  func.func @transform_16(%arg0: i32) -> (i32, i32) {
    %c0_i32 = arith.constant 0 : i32
    %c0_i32_0 = arith.constant 0 : i32
    %c0_i32_1 = arith.constant 0 : i32
    return %c0_i32, %c0_i32_0 : i32, i32
  }
  func.func @transform_17(%arg0: i32) -> (i32, i32) {
    %c0_i32 = arith.constant 0 : i32
    %c0_i32_0 = arith.constant 0 : i32
    return %arg0, %c0_i32 : i32, i32
  }
  func.func @transform_18(%arg0: i32) -> (i32, i32) {
    %c0_i32 = arith.constant 0 : i32
    %c0_i32_0 = arith.constant 0 : i32
    return %arg0, %c0_i32 : i32, i32
  }
  func.func @transform_19(%arg0: i32) -> (i32, i32) {
    %c0_i32 = arith.constant 0 : i32
    %c0_i32_0 = arith.constant 0 : i32
    return %arg0, %c0_i32 : i32, i32
  }
}

module attributes {stable_mosaic.version = 14 : i64} {
  func.func @_stage4_body(%arg0: i32, %arg1: memref<1000x128xf32, #tpu.memory_space<vmem>>, %arg2: memref<1000x128xf32, #tpu.memory_space<vmem>>, %arg3: memref<1000x128xf32, #tpu.memory_space<vmem>>, %arg4: memref<1000x128xf32, #tpu.memory_space<vmem>>, %arg5: memref<1000x128xf32, #tpu.memory_space<vmem>>, %arg6: memref<1000x128xf32, #tpu.memory_space<vmem>>, %arg7: memref<1000x256xf32, #tpu.memory_space<vmem>>, %arg8: memref<1000x1xi32, #tpu.memory_space<vmem>>, %arg9: memref<256x256xf32, #tpu.memory_space<vmem>>, %arg10: memref<1x256xf32, #tpu.memory_space<vmem>>, %arg11: memref<256x256xf32, #tpu.memory_space<vmem>>, %arg12: memref<1x256xf32, #tpu.memory_space<vmem>>, %arg13: memref<1x256xf32, #tpu.memory_space<vmem>>, %arg14: memref<256x256xf32, #tpu.memory_space<vmem>>, %arg15: memref<1x256xf32, #tpu.memory_space<vmem>>, %arg16: memref<512x256xf32, #tpu.memory_space<vmem>>, %arg17: memref<1x256xf32, #tpu.memory_space<vmem>>, %arg18: memref<256x128xf32, #tpu.memory_space<vmem>>, %arg19: memref<1x128xf32, #tpu.memory_space<vmem>>, %arg20: memref<64x128xf32, #tpu.memory_space<vmem>>, %arg21: memref<64x256xf32, #tpu.memory_space<vmem>>, %arg22: memref<64x128xf32, #tpu.memory_space<vmem>>) attributes {dimension_semantics = [#tpu.dimension_semantics<arbitrary>], iteration_bounds = array<i64: 10>, scalar_prefetch = 0 : i64, scratch_operands = 2 : i64, tpu.core_type = #tpu.core_type<tc>, window_params = [{transform_indices = @transform_0, window_bounds = array<i64: 1000, 128>}, {transform_indices = @transform_1, window_bounds = array<i64: 1000, 128>}, {transform_indices = @transform_2, window_bounds = array<i64: 1000, 128>}, {transform_indices = @transform_3, window_bounds = array<i64: 1000, 128>}, {transform_indices = @transform_4, window_bounds = array<i64: 1000, 128>}, {transform_indices = @transform_5, window_bounds = array<i64: 1000, 128>}, {transform_indices = @transform_6, window_bounds = array<i64: 1000, 256>}, {transform_indices = @transform_7, window_bounds = array<i64: 1000, 1>}, {pipeline_mode = #tpu.pipeline_mode<synchronous>, transform_indices = @transform_8, window_bounds = array<i64: 256, 256>}, {pipeline_mode = #tpu.pipeline_mode<synchronous>, transform_indices = @transform_9, window_bounds = array<i64: 1, 256>}, {pipeline_mode = #tpu.pipeline_mode<synchronous>, transform_indices = @transform_10, window_bounds = array<i64: 256, 256>}, {pipeline_mode = #tpu.pipeline_mode<synchronous>, transform_indices = @transform_11, window_bounds = array<i64: 1, 256>}, {pipeline_mode = #tpu.pipeline_mode<synchronous>, transform_indices = @transform_12, window_bounds = array<i64: 1, 256>}, {pipeline_mode = #tpu.pipeline_mode<synchronous>, transform_indices = @transform_13, window_bounds = array<i64: 256, 256>}, {pipeline_mode = #tpu.pipeline_mode<synchronous>, transform_indices = @transform_14, window_bounds = array<i64: 1, 256>}, {pipeline_mode = #tpu.pipeline_mode<synchronous>, transform_indices = @transform_15, window_bounds = array<i64: 512, 256>}, {pipeline_mode = #tpu.pipeline_mode<synchronous>, transform_indices = @transform_16, window_bounds = array<i64: 1, 256>}, {pipeline_mode = #tpu.pipeline_mode<synchronous>, transform_indices = @transform_17, window_bounds = array<i64: 256, 128>}, {pipeline_mode = #tpu.pipeline_mode<synchronous>, transform_indices = @transform_18, window_bounds = array<i64: 1, 128>}, {pipeline_mode = #tpu.pipeline_mode<synchronous>, transform_indices = @transform_19, window_bounds = array<i64: 64, 128>}]} {
    %eq3A = arith.constant 0 : i32
    %eq3A_0 = arith.cmpi eq, %arg0, %eq3A : i32
    %convert_element_type3A = arith.extui %eq3A_0 : i1 to i32
    %cond3A = arith.constant 0 : i32
    %cond3A_1 = arith.cmpi ne, %convert_element_type3A, %cond3A : i32
    scf.if %cond3A_1 {
      %broadcast_in_dim3A_143 = arith.constant 0.000000e+00 : f32
      %broadcast_in_dim3A_144 = vector.broadcast %broadcast_in_dim3A_143 : f32 to vector<64x256xf32>
      %swap3A_145 = arith.constant 0 : index
      %swap3A_146 = arith.constant 0 : index
      %swap3A_147 = vector.load %arg21[%swap3A_145, %swap3A_146] : memref<64x256xf32, #tpu.memory_space<vmem>>, vector<64x256xf32>
      tpu.vector_store %arg21[%swap3A_145, %swap3A_146], %broadcast_in_dim3A_144 {strides = array<i32>} : memref<64x256xf32, #tpu.memory_space<vmem>>, vector<64x256xf32>,
      %broadcast_in_dim3A_148 = arith.constant 0.000000e+00 : f32
      %broadcast_in_dim3A_149 = vector.broadcast %broadcast_in_dim3A_148 : f32 to vector<64x128xf32>
      %swap3A_150 = arith.constant 0 : index
      %swap3A_151 = arith.constant 0 : index
      %swap3A_152 = vector.load %arg22[%swap3A_150, %swap3A_151] : memref<64x128xf32, #tpu.memory_space<vmem>>, vector<64x128xf32>
      tpu.vector_store %arg22[%swap3A_150, %swap3A_151], %broadcast_in_dim3A_149 {strides = array<i32>} : memref<64x128xf32, #tpu.memory_space<vmem>>, vector<64x128xf32>,
    } else {
    }
    %get3A = arith.constant 0 : index
    %get3A_2 = arith.constant 0 : index
    %get3A_3 = vector.load %arg3[%get3A, %get3A_2] : memref<1000x128xf32, #tpu.memory_space<vmem>>, vector<1000x128xf32>
    %slice3A = vector.extract_strided_slice %get3A_3 {offsets = [0, 0], sizes = [1000, 1], strides = [1, 1]} : vector<1000x128xf32> to vector<1000x1xf32>
    %get3A_4 = arith.constant 0 : index
    %get3A_5 = arith.constant 0 : index
    %get3A_6 = vector.load %arg4[%get3A_4, %get3A_5] : memref<1000x128xf32, #tpu.memory_space<vmem>>, vector<1000x128xf32>
    %slice3A_7 = vector.extract_strided_slice %get3A_6 {offsets = [0, 0], sizes = [1000, 1], strides = [1, 1]} : vector<1000x128xf32> to vector<1000x1xf32>
    %add3A = arith.addf %slice3A, %slice3A_7 : vector<1000x1xf32>
    %max3A = arith.constant 1.000000e+00 : f32
    %max3A_8 = vector.broadcast %max3A : f32 to vector<1000x1xf32>
    %max3A_9 = arith.maximumf %add3A, %max3A_8 : vector<1000x1xf32>
    %div3A = arith.constant 1.000000e+00 : f32
    %div3A_10 = vector.broadcast %div3A : f32 to vector<1000x1xf32>
    %div3A_11 = arith.divf %div3A_10, %max3A_9 : vector<1000x1xf32>
    %get3A_12 = arith.constant 0 : index
    %get3A_13 = arith.constant 0 : index
    %get3A_14 = vector.load %arg1[%get3A_12, %get3A_13] : memref<1000x128xf32, #tpu.memory_space<vmem>>, vector<1000x128xf32>
    %get3A_15 = arith.constant 0 : index
    %get3A_16 = arith.constant 0 : index
    %get3A_17 = vector.load %arg2[%get3A_15, %get3A_16] : memref<1000x128xf32, #tpu.memory_space<vmem>>, vector<1000x128xf32>
    %concatenate3A = tpu.concatenate %get3A_14, %get3A_17 in 1 : vector<1000x128xf32>, vector<1000x128xf32> -> vector<1000x256xf32>
    %mul3A = vector.broadcast %div3A_11 : vector<1000x1xf32> to vector<1000x256xf32>
    %mul3A_18 = arith.mulf %concatenate3A, %mul3A : vector<1000x256xf32>
    %get3A_19 = arith.constant 0 : index
    %get3A_20 = arith.constant 0 : index
    %get3A_21 = vector.load %arg5[%get3A_19, %get3A_20] : memref<1000x128xf32, #tpu.memory_space<vmem>>, vector<1000x128xf32>
    %get3A_22 = arith.constant 0 : index
    %get3A_23 = arith.constant 0 : index
    %get3A_24 = vector.load %arg6[%get3A_22, %get3A_23] : memref<1000x128xf32, #tpu.memory_space<vmem>>, vector<1000x128xf32>
    %concatenate3A_25 = tpu.concatenate %get3A_21, %get3A_24 in 1 : vector<1000x128xf32>, vector<1000x128xf32> -> vector<1000x256xf32>
    %get3A_26 = arith.constant 0 : index
    %get3A_27 = arith.constant 0 : index
    %get3A_28 = vector.load %arg9[%get3A_26, %get3A_27] : memref<256x256xf32, #tpu.memory_space<vmem>>, vector<256x256xf32>
    %dot_general3A = arith.constant dense<0.000000e+00> : vector<1000x256xf32>
    %dot_general3A_29 = tpu.matmul %mul3A_18, %get3A_28, %dot_general3A {dimension_numbers = #tpu.dot_dimension_numbers<[1], [0], [0], [1], [0, 0, 1, 1], [], []>, transpose_lhs_hint = false} : vector<1000x256xf32>, vector<256x256xf32>, vector<1000x256xf32> -> vector<1000x256xf32>
    %get3A_30 = arith.constant 0 : index
    %get3A_31 = arith.constant 0 : index
    %get3A_32 = vector.load %arg10[%get3A_30, %get3A_31] : memref<1x256xf32, #tpu.memory_space<vmem>>, vector<1x256xf32>
    %add3A_33 = vector.broadcast %get3A_32 : vector<1x256xf32> to vector<1000x256xf32>
    %add3A_34 = arith.addf %dot_general3A_29, %add3A_33 : vector<1000x256xf32>
    %get3A_35 = arith.constant 0 : index
    %get3A_36 = arith.constant 0 : index
    %get3A_37 = vector.load %arg11[%get3A_35, %get3A_36] : memref<256x256xf32, #tpu.memory_space<vmem>>, vector<256x256xf32>
    %dot_general3A_38 = arith.constant dense<0.000000e+00> : vector<1000x256xf32>
    %dot_general3A_39 = tpu.matmul %concatenate3A_25, %get3A_37, %dot_general3A_38 {dimension_numbers = #tpu.dot_dimension_numbers<[1], [0], [0], [1], [0, 0, 1, 1], [], []>, transpose_lhs_hint = false} : vector<1000x256xf32>, vector<256x256xf32>, vector<1000x256xf32> -> vector<1000x256xf32>
    %add3A_40 = arith.addf %add3A_34, %dot_general3A_39 : vector<1000x256xf32>
    %max3A_41 = arith.constant 0.000000e+00 : f32
    %max3A_42 = vector.broadcast %max3A_41 : f32 to vector<1000x256xf32>
    %max3A_43 = arith.maximumf %add3A_40, %max3A_42 : vector<1000x256xf32>
    %get3A_44 = arith.constant 0 : index
    %get3A_45 = arith.constant 0 : index
    %get3A_46 = vector.load %arg12[%get3A_44, %get3A_45] : memref<1x256xf32, #tpu.memory_space<vmem>>, vector<1x256xf32>
    %get3A_47 = arith.constant 0 : index
    %get3A_48 = arith.constant 0 : index
    %get3A_49 = vector.load %arg13[%get3A_47, %get3A_48] : memref<1x256xf32, #tpu.memory_space<vmem>>, vector<1x256xf32>
    %reduce_sum3A = arith.constant dense<0.000000e+00> : vector<1000xf32>
    %reduce_sum3A_50 = vector.multi_reduction <add>, %max3A_43, %reduce_sum3A [1] : vector<1000x256xf32> to vector<1000xf32>
    %broadcast_in_dim3A = vector.shape_cast %reduce_sum3A_50 : vector<1000xf32> to vector<1000x1xf32>
    %div3A_51 = arith.constant 2.560000e+02 : f32
    %div3A_52 = vector.broadcast %div3A_51 : f32 to vector<1000x1xf32>
    %div3A_53 = arith.divf %broadcast_in_dim3A, %div3A_52 : vector<1000x1xf32>
    %sub3A = vector.broadcast %div3A_53 : vector<1000x1xf32> to vector<1000x256xf32>
    %sub3A_54 = arith.subf %max3A_43, %sub3A : vector<1000x256xf32>
    %integer_pow3A = arith.mulf %sub3A_54, %sub3A_54 : vector<1000x256xf32>
    %reduce_sum3A_55 = arith.constant dense<0.000000e+00> : vector<1000xf32>
    %reduce_sum3A_56 = vector.multi_reduction <add>, %integer_pow3A, %reduce_sum3A_55 [1] : vector<1000x256xf32> to vector<1000xf32>
    %broadcast_in_dim3A_57 = vector.shape_cast %reduce_sum3A_56 : vector<1000xf32> to vector<1000x1xf32>
    %div3A_58 = arith.constant 2.560000e+02 : f32
    %div3A_59 = vector.broadcast %div3A_58 : f32 to vector<1000x1xf32>
    %div3A_60 = arith.divf %broadcast_in_dim3A_57, %div3A_59 : vector<1000x1xf32>
    %sub3A_61 = vector.broadcast %div3A_53 : vector<1000x1xf32> to vector<1000x256xf32>
    %sub3A_62 = arith.subf %max3A_43, %sub3A_61 : vector<1000x256xf32>
    %add3A_63 = arith.constant 9.99999974E-6 : f32
    %add3A_64 = vector.broadcast %add3A_63 : f32 to vector<1000x1xf32>
    %add3A_65 = arith.addf %div3A_60, %add3A_64 : vector<1000x1xf32>
    %sqrt3A = math.sqrt %add3A_65 : vector<1000x1xf32>
    %div3A_66 = vector.broadcast %sqrt3A : vector<1000x1xf32> to vector<1000x256xf32>
    %div3A_67 = arith.divf %sub3A_62, %div3A_66 : vector<1000x256xf32>
    %mul3A_68 = vector.broadcast %get3A_46 : vector<1x256xf32> to vector<1000x256xf32>
    %mul3A_69 = arith.mulf %div3A_67, %mul3A_68 : vector<1000x256xf32>
    %add3A_70 = vector.broadcast %get3A_49 : vector<1x256xf32> to vector<1000x256xf32>
    %add3A_71 = arith.addf %mul3A_69, %add3A_70 : vector<1000x256xf32>
    %get3A_72 = arith.constant 0 : index
    %get3A_73 = arith.constant 0 : index
    %get3A_74 = vector.load %arg14[%get3A_72, %get3A_73] : memref<256x256xf32, #tpu.memory_space<vmem>>, vector<256x256xf32>
    %dot_general3A_75 = arith.constant dense<0.000000e+00> : vector<1000x256xf32>
    %dot_general3A_76 = tpu.matmul %add3A_71, %get3A_74, %dot_general3A_75 {dimension_numbers = #tpu.dot_dimension_numbers<[1], [0], [0], [1], [0, 0, 1, 1], [], []>, transpose_lhs_hint = false} : vector<1000x256xf32>, vector<256x256xf32>, vector<1000x256xf32> -> vector<1000x256xf32>
    %get3A_77 = arith.constant 0 : index
    %get3A_78 = arith.constant 0 : index
    %get3A_79 = vector.load %arg15[%get3A_77, %get3A_78] : memref<1x256xf32, #tpu.memory_space<vmem>>, vector<1x256xf32>
    %add3A_80 = vector.broadcast %get3A_79 : vector<1x256xf32> to vector<1000x256xf32>
    %add3A_81 = arith.addf %dot_general3A_76, %add3A_80 : vector<1000x256xf32>
    %get3A_82 = arith.constant 0 : index
    %get3A_83 = arith.constant 0 : index
    %get3A_84 = vector.load %arg7[%get3A_82, %get3A_83] : memref<1000x256xf32, #tpu.memory_space<vmem>>, vector<1000x256xf32>
    %get3A_85 = arith.constant 0 : index
    %get3A_86 = arith.constant 0 : index
    %get3A_87 = vector.load %arg16[%get3A_85, %get3A_86] : memref<512x256xf32, #tpu.memory_space<vmem>>, vector<512x256xf32>
    %slice3A_88 = vector.extract_strided_slice %get3A_87 {offsets = [0, 0], sizes = [256, 256], strides = [1, 1]} : vector<512x256xf32> to vector<256x256xf32>
    %dot_general3A_89 = arith.constant dense<0.000000e+00> : vector<1000x256xf32>
    %dot_general3A_90 = tpu.matmul %add3A_81, %slice3A_88, %dot_general3A_89 {dimension_numbers = #tpu.dot_dimension_numbers<[1], [0], [0], [1], [0, 0, 1, 1], [], []>, transpose_lhs_hint = false} : vector<1000x256xf32>, vector<256x256xf32>, vector<1000x256xf32> -> vector<1000x256xf32>
    %slice3A_91 = vector.extract_strided_slice %get3A_87 {offsets = [256, 0], sizes = [256, 256], strides = [1, 1]} : vector<512x256xf32> to vector<256x256xf32>
    %dot_general3A_92 = arith.constant dense<0.000000e+00> : vector<1000x256xf32>
    %dot_general3A_93 = tpu.matmul %get3A_84, %slice3A_91, %dot_general3A_92 {dimension_numbers = #tpu.dot_dimension_numbers<[1], [0], [0], [1], [0, 0, 1, 1], [], []>, transpose_lhs_hint = false} : vector<1000x256xf32>, vector<256x256xf32>, vector<1000x256xf32> -> vector<1000x256xf32>
    %add3A_94 = arith.addf %dot_general3A_90, %dot_general3A_93 : vector<1000x256xf32>
    %get3A_95 = arith.constant 0 : index
    %get3A_96 = arith.constant 0 : index
    %get3A_97 = vector.load %arg17[%get3A_95, %get3A_96] : memref<1x256xf32, #tpu.memory_space<vmem>>, vector<1x256xf32>
    %add3A_98 = vector.broadcast %get3A_97 : vector<1x256xf32> to vector<1000x256xf32>
    %add3A_99 = arith.addf %add3A_94, %add3A_98 : vector<1000x256xf32>
    %logistic3A = arith.negf %add3A_99 : vector<1000x256xf32>
    %logistic3A_100 = math.exp %logistic3A : vector<1000x256xf32>
    %logistic3A_101 = arith.constant 1.000000e+00 : f32
    %logistic3A_102 = vector.broadcast %logistic3A_101 : f32 to vector<1000x256xf32>
    %logistic3A_103 = arith.addf %logistic3A_102, %logistic3A_100 : vector<1000x256xf32>
    %logistic3A_104 = arith.divf %logistic3A_102, %logistic3A_103 : vector<1000x256xf32>
    %mul3A_105 = arith.mulf %logistic3A_104, %add3A_81 : vector<1000x256xf32>
    %sub3A_106 = arith.constant 1.000000e+00 : f32
    %sub3A_107 = vector.broadcast %sub3A_106 : f32 to vector<1000x256xf32>
    %sub3A_108 = arith.subf %sub3A_107, %logistic3A_104 : vector<1000x256xf32>
    %mul3A_109 = arith.mulf %sub3A_108, %get3A_84 : vector<1000x256xf32>
    %add3A_110 = arith.addf %mul3A_105, %mul3A_109 : vector<1000x256xf32>
    %get3A_111 = arith.constant 0 : index
    %get3A_112 = arith.constant 0 : index
    %get3A_113 = vector.load %arg8[%get3A_111, %get3A_112] : memref<1000x1xi32, #tpu.memory_space<vmem>>, vector<1000x1xi32>
    %iota3A = tpu.iota {dimensions = array<i32: 1>} : vector<1x64xi32>
    %eq3A_114 = vector.broadcast %get3A_113 : vector<1000x1xi32> to vector<1000x64xi32>
    %eq3A_115 = vector.broadcast %iota3A : vector<1x64xi32> to vector<1000x64xi32>
    %eq3A_116 = arith.cmpi eq, %eq3A_114, %eq3A_115 : vector<1000x64xi32>
    %convert_element_type3A_117 = arith.extui %eq3A_116 : vector<1000x64xi1> to vector<1000x64xi32>
    %convert_element_type3A_118 = arith.sitofp %convert_element_type3A_117 : vector<1000x64xi32> to vector<1000x64xf32>
    %get3A_119 = arith.constant 0 : index
    %get3A_120 = arith.constant 0 : index
    %get3A_121 = vector.load %arg21[%get3A_119, %get3A_120] : memref<64x256xf32, #tpu.memory_space<vmem>>, vector<64x256xf32>
    %dot_general3A_122 = arith.constant dense<0.000000e+00> : vector<64x256xf32>
    %dot_general3A_123 = tpu.matmul %convert_element_type3A_118, %add3A_110, %dot_general3A_122 {dimension_numbers = #tpu.dot_dimension_numbers<[0], [0], [1], [1], [0, 1, 1, 1], [], []>, transpose_lhs_hint = false} : vector<1000x64xf32>, vector<1000x256xf32>, vector<64x256xf32> -> vector<64x256xf32>
    %add3A_124 = arith.addf %get3A_121, %dot_general3A_123 : vector<64x256xf32>
    %swap3A = arith.constant 0 : index
    %swap3A_125 = arith.constant 0 : index
    %swap3A_126 = vector.load %arg21[%swap3A, %swap3A_125] : memref<64x256xf32, #tpu.memory_space<vmem>>, vector<64x256xf32>
    tpu.vector_store %arg21[%swap3A, %swap3A_125], %add3A_124 {strides = array<i32>} : memref<64x256xf32, #tpu.memory_space<vmem>>, vector<64x256xf32>,
    %get3A_127 = arith.constant 0 : index
    %get3A_128 = arith.constant 0 : index
    %get3A_129 = vector.load %arg22[%get3A_127, %get3A_128] : memref<64x128xf32, #tpu.memory_space<vmem>>, vector<64x128xf32>
    %broadcast_in_dim3A_130 = arith.constant 1.000000e+00 : f32
    %broadcast_in_dim3A_131 = vector.broadcast %broadcast_in_dim3A_130 : f32 to vector<1000x128xf32>
    %dot_general3A_132 = arith.constant dense<0.000000e+00> : vector<64x128xf32>
    %dot_general3A_133 = tpu.matmul %convert_element_type3A_118, %broadcast_in_dim3A_131, %dot_general3A_132 {dimension_numbers = #tpu.dot_dimension_numbers<[0], [0], [1], [1], [0, 1, 1, 1], [], []>, transpose_lhs_hint = false} : vector<1000x64xf32>, vector<1000x128xf32>, vector<64x128xf32> -> vector<64x128xf32>
    %add3A_134 = arith.addf %get3A_129, %dot_general3A_133 : vector<64x128xf32>
    %swap3A_135 = arith.constant 0 : index
    %swap3A_136 = arith.constant 0 : index
    %swap3A_137 = vector.load %arg22[%swap3A_135, %swap3A_136] : memref<64x128xf32, #tpu.memory_space<vmem>>, vector<64x128xf32>
    tpu.vector_store %arg22[%swap3A_135, %swap3A_136], %add3A_134 {strides = array<i32>} : memref<64x128xf32, #tpu.memory_space<vmem>>, vector<64x128xf32>,
    %eq3A_138 = arith.constant 9 : i32
    %eq3A_139 = arith.cmpi eq, %arg0, %eq3A_138 : i32
    %convert_element_type3A_140 = arith.extui %eq3A_139 : i1 to i32
    %cond3A_141 = arith.constant 0 : i32
    %cond3A_142 = arith.cmpi ne, %convert_element_type3A_140, %cond3A_141 : i32
    scf.if %cond3A_142 {
      %get3A_143 = arith.constant 0 : index
      %get3A_144 = arith.constant 0 : index
      %get3A_145 = vector.load %arg21[%get3A_143, %get3A_144] : memref<64x256xf32, #tpu.memory_space<vmem>>, vector<64x256xf32>
      %get3A_146 = arith.constant 0 : index
      %get3A_147 = arith.constant 0 : index
      %get3A_148 = vector.load %arg22[%get3A_146, %get3A_147] : memref<64x128xf32, #tpu.memory_space<vmem>>, vector<64x128xf32>
      %slice3A_149 = vector.extract_strided_slice %get3A_148 {offsets = [0, 0], sizes = [64, 1], strides = [1, 1]} : vector<64x128xf32> to vector<64x1xf32>
      %max3A_150 = arith.constant 1.000000e+00 : f32
      %max3A_151 = vector.broadcast %max3A_150 : f32 to vector<64x1xf32>
      %max3A_152 = arith.maximumf %slice3A_149, %max3A_151 : vector<64x1xf32>
      %div3A_153 = vector.broadcast %max3A_152 : vector<64x1xf32> to vector<64x256xf32>
      %div3A_154 = arith.divf %get3A_145, %div3A_153 : vector<64x256xf32>
      %get3A_155 = arith.constant 0 : index
      %get3A_156 = arith.constant 0 : index
      %get3A_157 = vector.load %arg18[%get3A_155, %get3A_156] : memref<256x128xf32, #tpu.memory_space<vmem>>, vector<256x128xf32>
      %dot_general3A_158 = arith.constant dense<0.000000e+00> : vector<64x128xf32>
      %dot_general3A_159 = tpu.matmul %div3A_154, %get3A_157, %dot_general3A_158 {dimension_numbers = #tpu.dot_dimension_numbers<[1], [0], [0], [1], [0, 0, 1, 1], [], []>, transpose_lhs_hint = false} : vector<64x256xf32>, vector<256x128xf32>, vector<64x128xf32> -> vector<64x128xf32>
      %get3A_160 = arith.constant 0 : index
      %get3A_161 = arith.constant 0 : index
      %get3A_162 = vector.load %arg19[%get3A_160, %get3A_161] : memref<1x128xf32, #tpu.memory_space<vmem>>, vector<1x128xf32>
      %add3A_163 = vector.broadcast %get3A_162 : vector<1x128xf32> to vector<64x128xf32>
      %add3A_164 = arith.addf %dot_general3A_159, %add3A_163 : vector<64x128xf32>
      %logistic3A_165 = arith.negf %add3A_164 : vector<64x128xf32>
      %logistic3A_166 = math.exp %logistic3A_165 : vector<64x128xf32>
      %logistic3A_167 = arith.constant 1.000000e+00 : f32
      %logistic3A_168 = vector.broadcast %logistic3A_167 : f32 to vector<64x128xf32>
      %logistic3A_169 = arith.addf %logistic3A_168, %logistic3A_166 : vector<64x128xf32>
      %logistic3A_170 = arith.divf %logistic3A_168, %logistic3A_169 : vector<64x128xf32>
      %swap3A_171 = arith.constant 0 : index
      %swap3A_172 = arith.constant 0 : index
      %swap3A_173 = vector.load %arg20[%swap3A_171, %swap3A_172] : memref<64x128xf32, #tpu.memory_space<vmem>>, vector<64x128xf32>
      tpu.vector_store %arg20[%swap3A_171, %swap3A_172], %logistic3A_170 {strides = array<i32>} : memref<64x128xf32, #tpu.memory_space<vmem>>, vector<64x128xf32>,
    } else {
    }
    return
  }
  func.func @transform_0(%arg0: i32) -> (i32, i32) {
    %c0_i32 = arith.constant 0 : i32
    %c0_i32_0 = arith.constant 0 : i32
    return %arg0, %c0_i32 : i32, i32
  }
  func.func @transform_1(%arg0: i32) -> (i32, i32) {
    %c0_i32 = arith.constant 0 : i32
    %c0_i32_0 = arith.constant 0 : i32
    return %arg0, %c0_i32 : i32, i32
  }
  func.func @transform_2(%arg0: i32) -> (i32, i32) {
    %c0_i32 = arith.constant 0 : i32
    %c0_i32_0 = arith.constant 0 : i32
    return %arg0, %c0_i32 : i32, i32
  }
  func.func @transform_3(%arg0: i32) -> (i32, i32) {
    %c0_i32 = arith.constant 0 : i32
    %c0_i32_0 = arith.constant 0 : i32
    return %arg0, %c0_i32 : i32, i32
  }
  func.func @transform_4(%arg0: i32) -> (i32, i32) {
    %c0_i32 = arith.constant 0 : i32
    %c0_i32_0 = arith.constant 0 : i32
    return %arg0, %c0_i32 : i32, i32
  }
  func.func @transform_5(%arg0: i32) -> (i32, i32) {
    %c0_i32 = arith.constant 0 : i32
    %c0_i32_0 = arith.constant 0 : i32
    return %arg0, %c0_i32 : i32, i32
  }
  func.func @transform_6(%arg0: i32) -> (i32, i32) {
    %c0_i32 = arith.constant 0 : i32
    %c0_i32_0 = arith.constant 0 : i32
    return %arg0, %c0_i32 : i32, i32
  }
  func.func @transform_7(%arg0: i32) -> (i32, i32) {
    %c0_i32 = arith.constant 0 : i32
    %c0_i32_0 = arith.constant 0 : i32
    return %arg0, %c0_i32 : i32, i32
  }
  func.func @transform_8(%arg0: i32) -> (i32, i32) {
    %c0_i32 = arith.constant 0 : i32
    %c0_i32_0 = arith.constant 0 : i32
    %c0_i32_1 = arith.constant 0 : i32
    return %c0_i32, %c0_i32_0 : i32, i32
  }
  func.func @transform_9(%arg0: i32) -> (i32, i32) {
    %c0_i32 = arith.constant 0 : i32
    %c0_i32_0 = arith.constant 0 : i32
    %c0_i32_1 = arith.constant 0 : i32
    return %c0_i32, %c0_i32_0 : i32, i32
  }
  func.func @transform_10(%arg0: i32) -> (i32, i32) {
    %c0_i32 = arith.constant 0 : i32
    %c0_i32_0 = arith.constant 0 : i32
    %c0_i32_1 = arith.constant 0 : i32
    return %c0_i32, %c0_i32_0 : i32, i32
  }
  func.func @transform_11(%arg0: i32) -> (i32, i32) {
    %c0_i32 = arith.constant 0 : i32
    %c0_i32_0 = arith.constant 0 : i32
    %c0_i32_1 = arith.constant 0 : i32
    return %c0_i32, %c0_i32_0 : i32, i32
  }
  func.func @transform_12(%arg0: i32) -> (i32, i32) {
    %c0_i32 = arith.constant 0 : i32
    %c0_i32_0 = arith.constant 0 : i32
    %c0_i32_1 = arith.constant 0 : i32
    return %c0_i32, %c0_i32_0 : i32, i32
  }
  func.func @transform_13(%arg0: i32) -> (i32, i32) {
    %c0_i32 = arith.constant 0 : i32
    %c0_i32_0 = arith.constant 0 : i32
    %c0_i32_1 = arith.constant 0 : i32
    return %c0_i32, %c0_i32_0 : i32, i32
  }
  func.func @transform_14(%arg0: i32) -> (i32, i32) {
    %c0_i32 = arith.constant 0 : i32
    %c0_i32_0 = arith.constant 0 : i32
    %c0_i32_1 = arith.constant 0 : i32
    return %c0_i32, %c0_i32_0 : i32, i32
  }
  func.func @transform_15(%arg0: i32) -> (i32, i32) {
    %c0_i32 = arith.constant 0 : i32
    %c0_i32_0 = arith.constant 0 : i32
    %c0_i32_1 = arith.constant 0 : i32
    return %c0_i32, %c0_i32_0 : i32, i32
  }
  func.func @transform_16(%arg0: i32) -> (i32, i32) {
    %c0_i32 = arith.constant 0 : i32
    %c0_i32_0 = arith.constant 0 : i32
    %c0_i32_1 = arith.constant 0 : i32
    return %c0_i32, %c0_i32_0 : i32, i32
  }
  func.func @transform_17(%arg0: i32) -> (i32, i32) {
    %c0_i32 = arith.constant 0 : i32
    %c0_i32_0 = arith.constant 0 : i32
    %c0_i32_1 = arith.constant 0 : i32
    return %c0_i32, %c0_i32_0 : i32, i32
  }
  func.func @transform_18(%arg0: i32) -> (i32, i32) {
    %c0_i32 = arith.constant 0 : i32
    %c0_i32_0 = arith.constant 0 : i32
    %c0_i32_1 = arith.constant 0 : i32
    return %c0_i32, %c0_i32_0 : i32, i32
  }
  func.func @transform_19(%arg0: i32) -> (i32, i32) {
    %c0_i32 = arith.constant 0 : i32
    %c0_i32_0 = arith.constant 0 : i32
    %c0_i32_1 = arith.constant 0 : i32
    return %c0_i32, %c0_i32_0 : i32, i32
  }
}

</mosaic_0001>

<sc_bundles>
// kernel: kernel.10.cloned.1.call-start
scs
__scs_entry_jumppad:
0x0: {  	(pc) =	sbr.rel $0x88, $3  }
0x1: {  	(tag) =	ssettag $0x0;
	lr =	simm.s32 $0x1  }
0x2: {  	[smem:$0x3F87] =	sst lr;
	_ =	strace $0xD0000000  }
0x3: {  	_ = 	snop  }
0x4: {  	_ = 	snop  }
0x5: {  	_ = 	snop  }
0x6: {  	_ = 	snop  }
0x7: {  	_ = 	snop  }
__scs_overlays_trampoline_lowered:
0x8: {  	[smem:$0x3F96] =	sst s0  }
0x9: {  	[smem:$0x3F97] =	sst s1  }
0xa: {  	[smem:$0x3F98] =	sst s2  }
0xb: {  	[smem:$0x3F99] =	sst s3  }
0xc: {  	[smem:$0x3F9A] =	sst s4  }
0xd: {  	[smem:$0x3F9B] =	sst s5  }
0xe: {  	[smem:$0x3F9C] =	sst s6  }
0xf: {  	[smem:$0x3F9D] =	sst s7  }
0x10: {  	[smem:$0x3F9E] =	sst s8  }
0x11: {  	[smem:$0x3F9F] =	sst s9;
	s0 =	simm.s32 @!p0 $0x0  }
0x12: {  	s1 =	sld [smem:$0x3F85];
	s0 =	simm.s32 @p0 $0x1  }
0x13: {  	[smem:$0x3FA0] =	sst s0;
	s0 =	simm.s32 @!p1 $0x0  }
0x14: {  	s2 =	sld [smem:$0x3F84];
	s0 =	simm.s32 @p1 $0x1  }
0x15: {  	[smem:$0x3FA1] =	sst s0;
	s0 =	simm.s32 @!p2 $0x0  }
0x16: {  	s3 =	sld [smem:$0x3FDB];
	s0 =	simm.s32 @p2 $0x1  }
0x17: {  	s4 =	simm.s32 $0x1BF5;
	[smem:$0x3FA3] =	sst s0  }
0x18: {  	s0 =	sld [smem:$0x3F86];
	_ =	swait.ge [sflag:s4], $0x0  }
0x19: {  	s7 =	sld [smem:$0x3F87]  }
0x1a: {  	s8 =	sadd.s32 $0xFFFFE003, lr  }
0x1b: {  	s9 =	sadd.s32 $0xFFFFFEF7, lr;
	s5 =	simm.s32 $0xFFFFFFFF;
	p2 =	slt.u32 s8, $0xFFFFF086  }
0x1c: {  	p1 =	slt.u32 s9, $0xF7A;
	s5 =	simm.s32 @!p2 $0x0  }
0x1d: {  	s5 =	simm.s32 @p1 $0x1;
	p0 =	seq.s32 s7, s2  }
0x1e: {  	s7 =	smul.u32 @!p0 $0xF7A, s2;
	p2 =	seq.s32 @!p0 s5, $0x0  }
0x1f: {  	s9 =	smul.u32 $0xF7A, s1;
	s8 =	simm.s32 @!p0 $0x1BF5;
	p2 =	por !p2, p0  }
0x20: {  	[sflag:s8] =	ssyncset.s32 @!p0 $0xFFFFF086;
	s6 =	sadd.s32 @!p0 s3, s7;
	s7 =	simm.s32 @!p0 $0x108  }
0x21: {  	s3 =	sadd.s32 s3, s9;
	s6 =	sadd.s32 @!p0 $0x88, s6;
	s7 =	simm.s32 @p2 $0x1082  }
0x22: {  	[simem:s7], [sflag:s8] =	dma.local @!p0 [hbm:s6], $0xF7A  }
0x23: {  	s9 =	sor.u32 $0xD0000000, s2;
	s6 =	simm.s32 $0x108;
	_ =	swait.ge @!p0 [sflag:s8], $0x0  }
0x24: {  	s3 =	sadd.s32 $0x88, s3;
	s6 =	simm.s32 @!p1 $0x1082;
	[sflag:s4] =	ssyncset.s32 $0xFFFFF086  }
0x25: {  	[simem:s6], [sflag:s4] =	dma.local [hbm:s3], $0xF7A  }
0x26: {  	[smem:$0x3F87] =	sst s1;
	(tag) =	ssettag s2;
	_ =	strace s9  }
0x27: {  	s1 =	sld [smem:$0x3F97]  }
0x28: {  	s2 =	sld [smem:$0x3F98]  }
0x29: {  	s4 =	sld [smem:$0x3F9A]  }
0x2a: {  	p0 =	seq.s32 s5, $0x0;
	s5 =	sld [smem:$0x3F9B]  }
0x2b: {  	s6 =	sld [smem:$0x3F9C]  }
0x2c: {  	s7 =	sld [smem:$0x3F9D]  }
0x2d: {  	s3 =	simm.s32 $0x108;
	s8 =	sld [smem:$0x3F9E]  }
0x2e: {  	s3 =	simm.s32 @!p0 $0x1082;
	s9 =	sld [smem:$0x3F9F]  }
0x2f: {  	lr =	sadd.s32 s0, s3;
	s0 =	sld [smem:$0x3F96]  }
0x30: {  	s3 =	sld [smem:$0x3F99]  }
0x31: {  	[smem:$0x3FA2] =	sst s10  }
0x32: {  	s10 =	sld [smem:$0x3FA0];
	_ =	sdelay $0x3  }
0x33: {  	p0 =	seq.s32 s10, $0x1;
	s10 =	sld [smem:$0x3FA2];
	_ =	sdelay $0x3  }
0x34: {  	[smem:$0x3FA2] =	sst s10  }
0x35: {  	s10 =	sld [smem:$0x3FA1];
	_ =	sdelay $0x3  }
0x36: {  	p1 =	seq.s32 s10, $0x1;
	s10 =	sld [smem:$0x3FA2];
	_ =	sdelay $0x3  }
0x37: {  	[smem:$0x3FA2] =	sst s10  }
0x38: {  	s10 =	sld [smem:$0x3FA3]  }
0x39: {  	_ = 	snop;
	(pc) =	sbr.ind lr, $3  }
0x3a: {  	_ = 	snop  }
0x3b: {  	_ = 	snop  }
0x3c: {  	p2 =	seq.s32 s10, $0x1;
	s10 =	sld [smem:$0x3FA2]  }
0x3d: {  	_ =	shalt  }
0x3e: {  	_ =	shalt  }
0x3f: {  	_ =	shalt  }
0x40: {  	_ =	shalt  }
0x41: {  	_ =	shalt  }
0x42: {  	_ =	shalt  }
0x43: {  	_ =	shalt  }
0x44: {  	_ =	shalt  }
0x45: {  	_ =	shalt  }
0x46: {  	_ =	shalt  }
0x47: {  	_ =	shalt  }
0x48: {  	_ =	shalt  }
0x49: {  	_ =	shalt  }
0x4a: {  	_ =	shalt  }
0x4b: {  	_ =	shalt  }
0x4c: {  	_ =	shalt  }
0x4d: {  	_ =	shalt  }
0x4e: {  	_ =	shalt  }
0x4f: {  	_ =	shalt  }
0x50: {  	_ =	shalt  }
0x51: {  	_ =	shalt  }
0x52: {  	_ =	shalt  }
0x53: {  	_ =	shalt  }
0x54: {  	_ =	shalt  }
0x55: {  	_ =	shalt  }
0x56: {  	_ =	shalt  }
0x57: {  	_ =	shalt  }
0x58: {  	_ =	shalt  }
0x59: {  	_ =	shalt  }
0x5a: {  	_ =	shalt  }
0x5b: {  	_ =	shalt  }
0x5c: {  	_ =	shalt  }
0x5d: {  	_ =	shalt  }
0x5e: {  	_ =	shalt  }
0x5f: {  	_ =	shalt  }
0x60: {  	_ =	shalt  }
0x61: {  	_ =	shalt  }
0x62: {  	_ =	shalt  }
0x63: {  	_ =	shalt  }
0x64: {  	_ =	shalt  }
0x65: {  	_ =	shalt  }
0x66: {  	_ =	shalt  }
0x67: {  	_ =	shalt  }
0x68: {  	_ =	shalt  }
0x69: {  	_ =	shalt  }
0x6a: {  	_ =	shalt  }
0x6b: {  	_ =	shalt  }
0x6c: {  	_ =	shalt  }
0x6d: {  	_ =	shalt  }
0x6e: {  	_ =	shalt  }
0x6f: {  	_ =	shalt  }
0x70: {  	_ =	shalt  }
0x71: {  	_ =	shalt  }
0x72: {  	_ =	shalt  }
0x73: {  	_ =	shalt  }
0x74: {  	_ =	shalt  }
0x75: {  	_ =	shalt  }
0x76: {  	_ =	shalt  }
0x77: {  	_ =	shalt  }
0x78: {  	_ =	shalt  }
0x79: {  	_ =	shalt  }
0x7a: {  	_ =	shalt  }
0x7b: {  	_ =	shalt  }
0x7c: {  	_ =	shalt  }
0x7d: {  	_ =	shalt  }
0x7e: {  	_ =	shalt  }
0x7f: {  	_ =	shalt  }
0x80: {  	_ =	shalt  }
0x81: {  	_ =	shalt  }
0x82: {  	_ =	shalt  }
0x83: {  	_ =	shalt  }
0x84: {  	_ =	shalt  }
0x85: {  	_ =	shalt  }
0x86: {  	_ =	shalt  }
0x87: {  	_ =	shalt  }
.Lfunc_end0:
.L_simem_size_0:
called_computation.1_lowered:
.L_overlay_start_0:
0x88: {  	s2 =	sld [smem:$0x3FD9]  }
0x89: {  	s3 =	sld [smem:$0x3FFE];
	_ =	sdelay $0x1  }
0x8a: {  	s1 =	srdreg.scid  }
0x8b: {  	s0 =	sand.u32 $0x1, s1  }
0x8c: {  	s17 =	sshll.u32 s0, $0xA;
	s2 =	sadd.s32 s3, s2  }
0x8d: {  	s2 =	sadd.s32 s2, s17  }
0x8e: {  	[smem:$0x3FAE] =	sst s2  }
0x8f: {  	_ = 	snop  }
0x90: {  	s2 =	sld [smem:$0x3FC9]  }
0x91: {  	s18 =	sld [smem:$0x3FC8];
	(tm) =	ssettm $0x1  }
0x92: {  	s4 =	sld [smem:$0x3FFB];
	_ =	sdelay $0x3  }
0x93: {  	_ =	strace s4  }
0x94: {  	s4 =	sld [smem:$0x3FFC];
	_ =	sdelay $0x3  }
0x95: {  	_ =	strace s4  }
0x96: {  	s4 =	sld [smem:$0x3FFD];
	_ =	sdelay $0x3  }
0x97: {  	_ =	strace s4  }
0x98: {  	_ =	strace $0x8FFFFFFF  }
0x99: {  	s19 =	sld [smem:$0x3FDB];
	_ =	sdelay $0x1  }
0x9a: {  	s5 =	simm.s32 $_scs_section_size  }
0x9b: {  	s6 =	simm.s32 $_size__tile_overlayer_lowered;
	s7 =	simm.s32 $_tile_overlayer_lowered  }
0x9c: {  	s22 =	simm.s32 $0x1BFF;
	s21 =	sshll.u32 s7, $0x1;
	s4 =	sadd.s32 s5, s19  }
0x9d: {  	s8 =	simm.s32 $0x0;
	s20 =	sshll.u32 s6, $0x1;
	s6 =	sadd.s32 s21, s4  }
0x9e: {  	[timem:s8], [sflag:s22] =	dma.local [hbm:s6], s20  }
0x9f: {  	_ =	swait.ge [sflag:s22], s20  }
0xa0: {  	s5 =	ssub.s32 $0x0, s20;
	[sflag:s22] =	ssyncset.done $0x0  }
0xa1: {  	[sflag:s22] =	ssyncadd.s32 s5;
	_ =	sdelay $0x1  }
0xa2: {  	s23 =	simm.s32 $0x1B8B  }
0xa3: {  	_ =	swait.ge [sflag:s23], $0x1  }
0xa4: {  	[sflag:s23] =	ssyncset.done $0x0  }
0xa5: {  	s25 =	simm.s32 $0x1B8E;
	s24 =	sld [smem:$0x3FFE];
	[sflag:s23] =	ssyncadd.s32 $0xFFFFFFFF  }
0xa6: {  	s26 =	simm.s32 $execute0_lowered;
	[smem:$0x3FD2] =	sst s25  }
0xa7: {  	s6 =	sshll.u32 s26, $0x1;
	_ =	strace $0x80000046;
	[dreg:$0x1] =	wrdreg $0xFFFFFFFF  }
0xa8: {  	s28 =	simm.s32 $_size_execute0_lowered;
	s4 =	sadd.s32 s4, s6;
	[dreg:$0x0] =	wrdreg $0x0  }
0xa9: {  	s6 =	sshll.u32 s28, $0x1;
	[dreg:$0x2] =	wrdreg s4  }
0xaa: {  	[dreg:$0x3] =	wrdreg s6  }
0xab: {  	[dreg:$0x4] =	wrdreg $0xC0  }
0xac: {  	_ =	task [dreg:s8], $0x5FFFF  }
0xad: {  	[dreg:$0x1] =	wrdreg $0xFFFFFFFF  }
0xae: {  	[dreg:$0x0] =	wrdreg $0x60  }
0xaf: {  	[dreg:$0x2] =	wrdreg s24  }
0xb0: {  	[dreg:$0x3] =	wrdreg s2  }
0xb1: {  	[dreg:$0x4] =	wrdreg s18  }
0xb2: {  	[dreg:$0x5] =	wrdreg $0x88000  }
0xb3: {  	[dreg:$0x6] =	wrdreg $0xA  }
0xb4: {  	_ =	task.clear_ibuf [dreg:s8], $0x7FFFF;
	_ =	strace $0x90000046  }
0xb5: {  	s29 =	simm.s32 $0xA;
	_ =	strace $0x80000048  }
0xb6: {  	_ =	swait.ge [sflag:s29], $0x1  }
0xb7: {  	[sflag:s29] =	ssyncadd.s32 $0xFFFFFFFF  }
0xb8: {  	_ =	strace $0x90000048  }
0xb9: {  	_ =	sfence  }
0xba: {  	s30 =	sld [smem:$0x0];
	_ =	sdelay $0x2  }
0xbb: {  	s31 =	sshll.u32 s1, $0xD;
	s1 =	sshrl.u32 s1, $0x2  }
0xbc: {  	s3 =	sand.u32 $0x4000, s31;
	s1 =	sadd.s32 s1, s30  }
0xbd: {  	s0 =	sor.u32 s3, s0;
	s1 =	sshll.u32 s1, $0x11  }
0xbe: {  	s0 =	sor.u32 s1, s0  }
0xbf: {  	s0 =	sadd.s32 $0x8F2B, s0  }
0xc0: {  	[sflag:s0] =	ssyncadd.remote.s32 $0x1  }
0xc1: {  	_ =	sfence.sel $0xFFFF  }
0xc2: {  	[dreg:$0x0] =	wrdreg $0xFFFFFFFF;
	(pc) =	sbr.abs _section_cstart, $3  }
0xc3: {  	[dreg:$0x1] =	wrdreg $0xFFFFFFFF  }
0xc4: {  	_ =	task.clear_ibuf [dreg:s8], $0x2FFFF;
	_ =	strace $0x9FFFFFFF  }
0xc5: {  	(tm) =	ssettm $0x7FFFFFFF  }
tec
execute0_lowered:
.L_overlay_start_1:
0x0: {  	(tag) =	ssettag $0x1  }
0x1: {  	s0 =	rddreg [dreg:$0x0]  }
0x2: {  	s1 =	rddreg [dreg:$0x1]  }
0x3: {  	s3 =	rddreg [dreg:$0x2]  }
0x4: {  	s4 =	rddreg [dreg:$0x3]  }
0x5: {  	s5 =	simm.s32 $0x0;
	s10 =	stileid.u32;
	s6 =	srdreg.scid  }
0x6: {  	s15 =	simm.s32 $0x5;
	s16 =	simm.s32 $0x400;
	s17 =	simm.s32 $0x80  }
0x7: {  	s18 =	simm.s32 $0x800;
	s19 =	simm.s32 $0x4800;
	s20 =	simm.s32 $0x1  }
0x8: {  	s21 =	simm.s32 $0x3;
	s22 =	simm.s32 $0x100;
	s28 =	simm.s32 $0x500  }
0x9: {  	s29 =	simm.s32 $0x200;
	s30 =	simm.s32 $0x580;
	s31 =	simm.s32 $0x280  }
0xa: {  	s11 =	simm.s32 $0x780;
	s14 =	simm.s32 $0x0;
	s2 =	smul.u32 $0xA00, s10  }
0xb: {  	[smem:$0x7FF] =	sst s5;
	s8 =	smul.u32 $0x2780, s10;
	s6 =	sand.u32 $0x1, s6  }
0xc: {  	s7 =	smul.u32 $0x4F000, s10;
	s9 =	sadd.s32 $0x4BE00, s0;
	s25 =	sshll.u32 s10, $0x6  }
0xd: {  	_ =	strace $0x80000047;
	[dreg:$0x6] =	wrdreg s9;
	s23 =	ssub.s32 $0x2, s6  }
0xe: {  	s26 =	sor.u32 $0x1C05, s25;
	p0 =	sne.s32 s6, $0x0;
	s25 =	simm.s32 $0x4  }
0xf: {  	s9 =	simm.s32 $0x700;
	s2 =	sadd.s32 s2, s0;
	[dreg:$0x5] =	wrdreg s8  }
0x10: {  	s8 =	sadd.s32 s8, s0;
	s0 =	sadd.s32 $0x73600, s0;
	s24 =	sshrl.u32 s23, $0x1  }
0x11: {  	s7 =	sshrl.u32 s7, $0x2;
	[dreg:$0x9] =	wrdreg s26;
	s26 =	simm.s32 $0x180  }
0x12: {  	[dreg:$0x7] =	wrdreg s0;
	s0 =	ssub.s32 s23, s24;
	s7 =	sadd.s32 s7, s4  }
.Ltmp0:
0x13: {  	s8 =	sadd.s32 $0x24600, s8;
	s12 =	sadd.s32 $0x10600, s2;
	(pc) =	sbr.rel .LBB2_1-.Ltmp0, $4  }
0x14: {  	s13 =	sadd.s32 $0x1A600, s2;
	s23 =	simm.s32 $0x2;
	s24 =	simm.s32 $0x480  }
0x15: {  	s2 =	simm.s32 $0x300;
	[dreg:$0x8] =	wrdreg s8;
	s0 =	smax.u32 s0, $0x1  }
0x16: {  	s10 =	sshrl.u32 s7, $0x3;
	s7 =	simm.s32 $0x680;
	[dreg:$0xa] =	wrdreg s0  }
0x17: {  	s8 =	simm.s32 $0x380;
	s0 =	simm.s32 $0x600;
	[dreg:$0xb] =	wrdreg s10  }
.LBB2_7:
0x18: {  	s6 =	sadd.s32 s10, s13;
	[sflag:s25] =	ssyncadd.s32 $0xFFFFC000  }
0x19: {  	[tilespmem:s5], [sflag:$0x5] =	stream.linear.gather [hbm4b:s6+s5], $0x400, $0x38;
	[tilespmem:$0x1C400] =	vst v63  }
0x1a: {  	_ =	swait.ge [sflag:s15], $0x400  }
0x1b: {  	[sflag:s15] =	ssyncset.done $0x0  }
0x1c: {  	s14 =	sadd.s32 s10, s12;
	[sflag:s15] =	ssyncadd.s32 $0xFFFFFC00  }
0x1d: {  	[tilespmem:s16], [sflag:$0x5] =	stream.linear.gather [hbm4b:s14+s5], $0x400, $0x38;
	[tilespmem:$0x1C400] =	vst v63  }
0x1e: {  	_ =	swait.ge [sflag:s15], $0x400  }
0x1f: {  	[sflag:s15] =	ssyncset.done $0x0  }
0x20: {  	[sflag:s15] =	ssyncadd.s32 $0xFFFFFC00  }
0x21: {  	[tilespmem:s18], [sflag:$0x1] =	stream.indirect.gather [hbm4b:s3+s17], $0x80, s5, s17, $0xb8;
	[tilespmem:$0x1C400] =	vst v63  }
0x22: {  	_ = 	snop  }
0x23: {  	[tilespmem:s19], [sflag:$0x2] =	stream.indirect.gather [hbm4b:s3+s17], $0x80, s17, s17, $0xb8;
	[tilespmem:$0x1C400] =	vst v63  }
0x24: {  	_ =	swait.ge [sflag:s20], $0x4000  }
0x25: {  	[sflag:s20] =	ssyncset.done $0x0  }
0x26: {  	[sflag:s20] =	ssyncadd.s32 $0xFFFFC000  }
0x27: {  	[spmem:s4] =	stream.indirect.scatter.add.f32 [tilespmem:s18], [sflag:$0x3], $0x80, s16, s17, $0xb8;
	[tilespmem:$0x1C400] =	vst v63  }
0x28: {  	_ =	swait.ge [sflag:s21], $0x4000  }
0x29: {  	[sflag:s21] =	ssyncset.done $0x0  }
0x2a: {  	[sflag:s21] =	ssyncadd.s32 $0xFFFFC000  }
0x2b: {  	[tilespmem:s18], [sflag:$0x1] =	stream.indirect.gather [hbm4b:s3+s17], $0x80, s22, s17, $0xb8;
	[tilespmem:$0x1C400] =	vst v63  }
0x2c: {  	_ =	swait.ge [sflag:s23], $0x4000  }
0x2d: {  	[sflag:s23] =	ssyncset.done $0x0  }
0x2e: {  	[sflag:s23] =	ssyncadd.s32 $0xFFFFC000  }
0x2f: {  	[spmem:s4] =	stream.indirect.scatter.add.f32 [tilespmem:s19], [sflag:$0x4], $0x80, s24, s17, $0xb8;
	[tilespmem:$0x1C400] =	vst v63  }
0x30: {  	_ =	swait.ge [sflag:s25], $0x4000  }
0x31: {  	[sflag:s25] =	ssyncset.done $0x0  }
0x32: {  	[sflag:s25] =	ssyncadd.s32 $0xFFFFC000  }
0x33: {  	[tilespmem:s19], [sflag:$0x2] =	stream.indirect.gather [hbm4b:s3+s17], $0x80, s26, s17, $0xb8;
	[tilespmem:$0x1C400] =	vst v63  }
0x34: {  	_ =	swait.ge [sflag:s20], $0x4000  }
0x35: {  	[sflag:s20] =	ssyncset.done $0x0  }
0x36: {  	[sflag:s20] =	ssyncadd.s32 $0xFFFFC000  }
0x37: {  	[spmem:s4] =	stream.indirect.scatter.add.f32 [tilespmem:s18], [sflag:$0x3], $0x80, s28, s17, $0xb8;
	[tilespmem:$0x1C400] =	vst v63  }
0x38: {  	_ =	swait.ge [sflag:s21], $0x4000  }
0x39: {  	[sflag:s21] =	ssyncset.done $0x0  }
0x3a: {  	[sflag:s21] =	ssyncadd.s32 $0xFFFFC000  }
0x3b: {  	[tilespmem:s18], [sflag:$0x1] =	stream.indirect.gather [hbm4b:s3+s17], $0x80, s29, s17, $0xb8;
	[tilespmem:$0x1C400] =	vst v63  }
0x3c: {  	_ =	swait.ge [sflag:s23], $0x4000  }
0x3d: {  	[sflag:s23] =	ssyncset.done $0x0  }
0x3e: {  	[sflag:s23] =	ssyncadd.s32 $0xFFFFC000  }
0x3f: {  	[spmem:s4] =	stream.indirect.scatter.add.f32 [tilespmem:s19], [sflag:$0x4], $0x80, s30, s17, $0xb8;
	[tilespmem:$0x1C400] =	vst v63  }
0x40: {  	_ =	swait.ge [sflag:s25], $0x4000  }
0x41: {  	[sflag:s25] =	ssyncset.done $0x0  }
0x42: {  	[sflag:s25] =	ssyncadd.s32 $0xFFFFC000  }
0x43: {  	[tilespmem:s19], [sflag:$0x2] =	stream.indirect.gather [hbm4b:s3+s17], $0x80, s31, s17, $0xb8;
	[tilespmem:$0x1C400] =	vst v63  }
0x44: {  	_ =	swait.ge [sflag:s20], $0x4000  }
0x45: {  	[sflag:s20] =	ssyncset.done $0x0  }
0x46: {  	[sflag:s20] =	ssyncadd.s32 $0xFFFFC000  }
0x47: {  	[spmem:s4] =	stream.indirect.scatter.add.f32 [tilespmem:s18], [sflag:$0x3], $0x80, s0, s17, $0xb8;
	[tilespmem:$0x1C400] =	vst v63  }
0x48: {  	_ =	swait.ge [sflag:s21], $0x4000  }
0x49: {  	[sflag:s21] =	ssyncset.done $0x0  }
0x4a: {  	[sflag:s21] =	ssyncadd.s32 $0xFFFFC000  }
0x4b: {  	[tilespmem:s18], [sflag:$0x1] =	stream.indirect.gather [hbm4b:s3+s17], $0x80, s2, s17, $0xb8;
	[tilespmem:$0x1C400] =	vst v63  }
0x4c: {  	_ =	swait.ge [sflag:s23], $0x4000  }
0x4d: {  	[sflag:s23] =	ssyncset.done $0x0  }
0x4e: {  	[sflag:s23] =	ssyncadd.s32 $0xFFFFC000  }
0x4f: {  	[spmem:s4] =	stream.indirect.scatter.add.f32 [tilespmem:s19], [sflag:$0x4], $0x80, s7, s17, $0xb8;
	[tilespmem:$0x1C400] =	vst v63  }
0x50: {  	_ =	swait.ge [sflag:s25], $0x4000  }
0x51: {  	[sflag:s25] =	ssyncset.done $0x0  }
0x52: {  	[sflag:s25] =	ssyncadd.s32 $0xFFFFC000  }
0x53: {  	[tilespmem:s19], [sflag:$0x2] =	stream.indirect.gather [hbm4b:s3+s17], $0x80, s8, s17, $0xb8;
	[tilespmem:$0x1C400] =	vst v63  }
0x54: {  	_ =	swait.ge [sflag:s20], $0x4000  }
0x55: {  	[sflag:s20] =	ssyncset.done $0x0  }
0x56: {  	[sflag:s20] =	ssyncadd.s32 $0xFFFFC000  }
0x57: {  	[spmem:s4] =	stream.indirect.scatter.add.f32 [tilespmem:s18], [sflag:$0x3], $0x80, s9, s17, $0xb8;
	[tilespmem:$0x1C400] =	vst v63  }
0x58: {  	_ =	swait.ge [sflag:s21], $0x4000  }
0x59: {  	[sflag:s21] =	ssyncset.done $0x0  }
0x5a: {  	[sflag:s21] =	ssyncadd.s32 $0xFFFFC000  }
0x5b: {  	_ =	swait.ge [sflag:s23], $0x4000  }
0x5c: {  	[sflag:s23] =	ssyncset.done $0x0  }
0x5d: {  	[sflag:s23] =	ssyncadd.s32 $0xFFFFC000  }
0x5e: {  	[spmem:s4] =	stream.indirect.scatter.add.f32 [tilespmem:s19], [sflag:$0x4], $0x80, s11, s17, $0xb8;
	[tilespmem:$0x1C400] =	vst v63  }
0x5f: {  	_ =	swait.ge [sflag:s25], $0x4000  }
0x60: {  	[sflag:s25] =	ssyncset.done $0x0  }
0x61: {  	s6 =	rddreg [dreg:$0x7];
	[sflag:s25] =	ssyncadd.s32 $0xFFFFC000  }
.LBB2_8:
0x62: {  	s10 =	rddreg [dreg:$0x5]  }
0x63: {  	s6 =	sadd.s32 s6, s10  }
0x64: {  	[dreg:$0xd] =	wrdreg s6  }
0x65: {  	[bflag:$0x0] =	sbarrier.arrive $0xFFFF  }
0x66: {  	s10 =	rddreg [dreg:$0xd]  }
0x67: {  	s6 =	rddreg [dreg:$0xb]  }
0x68: {  	s14 =	rddreg [dreg:$0x9]  }
0x69: {  	[hbm:s10], [sflag:s14] =	dma.local [spmem:s6], $0x2780  }
0x6a: {  	s10 =	rddreg [dreg:$0xb];
	_ =	swait.ge [sflag:s15], $0x2780  }
0x6b: {  	s6 =	rddreg [dreg:$0xc]  }
0x6c: {  	s14 =	sadd.s32 $0x1, s6;
	s6 =	rddreg [dreg:$0xa]  }
0x6d: {  	p1 =	sne.s32 s14, s6  }
.Ltmp1:
0x6e: {  	_ = 	snop;
	(pc) =	sbr.rel @!p1 .LBB2_9-.Ltmp1, $3  }
0x6f: {  	_ =	sdelay $0x1  }
0x70: {  	[sflag:s15] =	ssyncset.done $0x0  }
0x71: {  	[sflag:s15] =	ssyncadd.s32 $0xFFFFD880  }
.LBB2_1:
0x72: {  	[dreg:$0xc] =	wrdreg s14  }
0x73: {  	s6 =	rddreg [dreg:$0x8]  }
0x74: {  	s14 =	rddreg [dreg:$0x9]  }
0x75: {  	[spmem:s10], [sflag:s14] =	dma.local [hbm:s6], $0x2780  }
.Ltmp2:
0x76: {  	_ =	swait.ge [sflag:s15], $0x2780;
	(pc) =	sbr.rel @p0 .LBB2_5-.Ltmp2, $4  }
0x77: {  	[sflag:s15] =	ssyncset.done $0x0  }
0x78: {  	[sflag:s15] =	ssyncadd.s32 $0xFFFFD880  }
0x79: {  	[bflag:$0x0] =	sbarrier.arrive $0xFFFF  }
0x7a: {  	s6 =	sadd.s32 $0x0, s13  }
0x7b: {  	[tilespmem:s5], [sflag:$0x5] =	stream.linear.gather [hbm4b:s6+s5], $0x400, $0x38;
	[tilespmem:$0x1C400] =	vst v63  }
0x7c: {  	_ =	swait.ge [sflag:s15], $0x400  }
0x7d: {  	[sflag:s15] =	ssyncset.done $0x0  }
0x7e: {  	s14 =	sadd.s32 $0x0, s12;
	[sflag:s15] =	ssyncadd.s32 $0xFFFFFC00  }
0x7f: {  	[tilespmem:s16], [sflag:$0x5] =	stream.linear.gather [hbm4b:s14+s5], $0x400, $0x38;
	[tilespmem:$0x1C400] =	vst v63  }
0x80: {  	_ =	swait.ge [sflag:s15], $0x400  }
0x81: {  	[sflag:s15] =	ssyncset.done $0x0  }
0x82: {  	[sflag:s15] =	ssyncadd.s32 $0xFFFFFC00  }
0x83: {  	[tilespmem:s18], [sflag:$0x1] =	stream.indirect.gather [hbm4b:s1+s17], $0x80, s5, s17, $0xb8;
	[tilespmem:$0x1C400] =	vst v63  }
0x84: {  	_ = 	snop  }
0x85: {  	[tilespmem:s19], [sflag:$0x2] =	stream.indirect.gather [hbm4b:s1+s17], $0x80, s17, s17, $0xb8;
	[tilespmem:$0x1C400] =	vst v63  }
0x86: {  	_ =	swait.ge [sflag:s20], $0x4000  }
0x87: {  	[sflag:s20] =	ssyncset.done $0x0  }
0x88: {  	[sflag:s20] =	ssyncadd.s32 $0xFFFFC000  }
0x89: {  	[spmem:s4] =	stream.indirect.scatter.add.f32 [tilespmem:s18], [sflag:$0x3], $0x80, s16, s17, $0xb8;
	[tilespmem:$0x1C400] =	vst v63  }
0x8a: {  	_ =	swait.ge [sflag:s21], $0x4000  }
0x8b: {  	[sflag:s21] =	ssyncset.done $0x0  }
0x8c: {  	[sflag:s21] =	ssyncadd.s32 $0xFFFFC000  }
0x8d: {  	[tilespmem:s18], [sflag:$0x1] =	stream.indirect.gather [hbm4b:s1+s17], $0x80, s22, s17, $0xb8;
	[tilespmem:$0x1C400] =	vst v63  }
0x8e: {  	_ =	swait.ge [sflag:s23], $0x4000  }
0x8f: {  	[sflag:s23] =	ssyncset.done $0x0  }
0x90: {  	[sflag:s23] =	ssyncadd.s32 $0xFFFFC000  }
0x91: {  	[spmem:s4] =	stream.indirect.scatter.add.f32 [tilespmem:s19], [sflag:$0x4], $0x80, s24, s17, $0xb8;
	[tilespmem:$0x1C400] =	vst v63  }
0x92: {  	_ =	swait.ge [sflag:s25], $0x4000  }
0x93: {  	[sflag:s25] =	ssyncset.done $0x0  }
0x94: {  	[sflag:s25] =	ssyncadd.s32 $0xFFFFC000  }
0x95: {  	[tilespmem:s19], [sflag:$0x2] =	stream.indirect.gather [hbm4b:s1+s17], $0x80, s26, s17, $0xb8;
	[tilespmem:$0x1C400] =	vst v63  }
0x96: {  	_ =	swait.ge [sflag:s20], $0x4000  }
0x97: {  	[sflag:s20] =	ssyncset.done $0x0  }
0x98: {  	[sflag:s20] =	ssyncadd.s32 $0xFFFFC000  }
0x99: {  	[spmem:s4] =	stream.indirect.scatter.add.f32 [tilespmem:s18], [sflag:$0x3], $0x80, s28, s17, $0xb8;
	[tilespmem:$0x1C400] =	vst v63  }
0x9a: {  	_ =	swait.ge [sflag:s21], $0x4000  }
0x9b: {  	[sflag:s21] =	ssyncset.done $0x0  }
0x9c: {  	[sflag:s21] =	ssyncadd.s32 $0xFFFFC000  }
0x9d: {  	[tilespmem:s18], [sflag:$0x1] =	stream.indirect.gather [hbm4b:s1+s17], $0x80, s29, s17, $0xb8;
	[tilespmem:$0x1C400] =	vst v63  }
0x9e: {  	_ =	swait.ge [sflag:s23], $0x4000  }
0x9f: {  	[sflag:s23] =	ssyncset.done $0x0  }
0xa0: {  	[sflag:s23] =	ssyncadd.s32 $0xFFFFC000  }
0xa1: {  	[spmem:s4] =	stream.indirect.scatter.add.f32 [tilespmem:s19], [sflag:$0x4], $0x80, s30, s17, $0xb8;
	[tilespmem:$0x1C400] =	vst v63  }
0xa2: {  	_ =	swait.ge [sflag:s25], $0x4000  }
0xa3: {  	[sflag:s25] =	ssyncset.done $0x0  }
0xa4: {  	[sflag:s25] =	ssyncadd.s32 $0xFFFFC000  }
0xa5: {  	[tilespmem:s19], [sflag:$0x2] =	stream.indirect.gather [hbm4b:s1+s17], $0x80, s31, s17, $0xb8;
	[tilespmem:$0x1C400] =	vst v63  }
0xa6: {  	_ =	swait.ge [sflag:s20], $0x4000  }
0xa7: {  	[sflag:s20] =	ssyncset.done $0x0  }
0xa8: {  	[sflag:s20] =	ssyncadd.s32 $0xFFFFC000  }
0xa9: {  	[spmem:s4] =	stream.indirect.scatter.add.f32 [tilespmem:s18], [sflag:$0x3], $0x80, s0, s17, $0xb8;
	[tilespmem:$0x1C400] =	vst v63  }
0xaa: {  	_ =	swait.ge [sflag:s21], $0x4000  }
0xab: {  	[sflag:s21] =	ssyncset.done $0x0  }
0xac: {  	[sflag:s21] =	ssyncadd.s32 $0xFFFFC000  }
0xad: {  	[tilespmem:s18], [sflag:$0x1] =	stream.indirect.gather [hbm4b:s1+s17], $0x80, s2, s17, $0xb8;
	[tilespmem:$0x1C400] =	vst v63  }
0xae: {  	_ =	swait.ge [sflag:s23], $0x4000  }
0xaf: {  	[sflag:s23] =	ssyncset.done $0x0  }
0xb0: {  	[sflag:s23] =	ssyncadd.s32 $0xFFFFC000  }
0xb1: {  	[spmem:s4] =	stream.indirect.scatter.add.f32 [tilespmem:s19], [sflag:$0x4], $0x80, s7, s17, $0xb8;
	[tilespmem:$0x1C400] =	vst v63  }
0xb2: {  	_ =	swait.ge [sflag:s25], $0x4000  }
0xb3: {  	[sflag:s25] =	ssyncset.done $0x0  }
0xb4: {  	[sflag:s25] =	ssyncadd.s32 $0xFFFFC000  }
0xb5: {  	[tilespmem:s19], [sflag:$0x2] =	stream.indirect.gather [hbm4b:s1+s17], $0x80, s8, s17, $0xb8;
	[tilespmem:$0x1C400] =	vst v63  }
0xb6: {  	_ =	swait.ge [sflag:s20], $0x4000  }
0xb7: {  	[sflag:s20] =	ssyncset.done $0x0  }
0xb8: {  	[sflag:s20] =	ssyncadd.s32 $0xFFFFC000  }
0xb9: {  	[spmem:s4] =	stream.indirect.scatter.add.f32 [tilespmem:s18], [sflag:$0x3], $0x80, s9, s17, $0xb8;
	[tilespmem:$0x1C400] =	vst v63  }
0xba: {  	_ =	swait.ge [sflag:s21], $0x4000  }
0xbb: {  	[sflag:s21] =	ssyncset.done $0x0  }
0xbc: {  	[sflag:s21] =	ssyncadd.s32 $0xFFFFC000  }
0xbd: {  	_ =	swait.ge [sflag:s23], $0x4000  }
0xbe: {  	[sflag:s23] =	ssyncset.done $0x0  }
0xbf: {  	[sflag:s23] =	ssyncadd.s32 $0xFFFFC000  }
0xc0: {  	[spmem:s4] =	stream.indirect.scatter.add.f32 [tilespmem:s19], [sflag:$0x4], $0x80, s11, s17, $0xb8;
	[tilespmem:$0x1C400] =	vst v63  }
0xc1: {  	_ =	swait.ge [sflag:s25], $0x4000  }
0xc2: {  	s10 =	simm.s32 $0x80;
	s14 =	simm.s32 $0x100;
	[sflag:s25] =	ssyncset.done $0x0  }
.LBB2_3:
0xc3: {  	s22 =	sadd.s32 s10, s13  }
0xc4: {  	[sflag:s25] =	ssyncadd.s32 $0xFFFFC000;
	s24 =	smov.u32 s14;
	s6 =	sadd.s32 $0x80, s14  }
0xc5: {  	[tilespmem:s5], [sflag:$0x5] =	stream.linear.gather [hbm4b:s22+s5], $0x400, $0x38;
	[tilespmem:$0x1C400] =	vst v63  }
0xc6: {  	s22 =	simm.s32 $0x100  }
0xc7: {  	p1 =	seq.s32 s14, $0x980;
	_ =	swait.ge [sflag:s15], $0x400  }
0xc8: {  	s14 =	sadd.s32 s10, s12;
	[sflag:s15] =	ssyncset.done $0x0  }
0xc9: {  	s10 =	smov.u32 s24;
	s24 =	simm.s32 $0x480;
	[sflag:s15] =	ssyncadd.s32 $0xFFFFFC00  }
0xca: {  	[tilespmem:s16], [sflag:$0x5] =	stream.linear.gather [hbm4b:s14+s5], $0x400, $0x38;
	[tilespmem:$0x1C400] =	vst v63  }
0xcb: {  	_ =	swait.ge [sflag:s15], $0x400  }
0xcc: {  	[sflag:s15] =	ssyncset.done $0x0  }
0xcd: {  	[sflag:s15] =	ssyncadd.s32 $0xFFFFFC00  }
0xce: {  	[tilespmem:s18], [sflag:$0x1] =	stream.indirect.gather [hbm4b:s1+s17], $0x80, s5, s17, $0xb8;
	[tilespmem:$0x1C400] =	vst v63  }
0xcf: {  	_ = 	snop  }
0xd0: {  	[tilespmem:s19], [sflag:$0x2] =	stream.indirect.gather [hbm4b:s1+s17], $0x80, s17, s17, $0xb8;
	[tilespmem:$0x1C400] =	vst v63  }
0xd1: {  	_ =	swait.ge [sflag:s20], $0x4000  }
0xd2: {  	[sflag:s20] =	ssyncset.done $0x0  }
0xd3: {  	[sflag:s20] =	ssyncadd.s32 $0xFFFFC000  }
0xd4: {  	[spmem:s4] =	stream.indirect.scatter.add.f32 [tilespmem:s18], [sflag:$0x3], $0x80, s16, s17, $0xb8;
	[tilespmem:$0x1C400] =	vst v63  }
0xd5: {  	_ =	swait.ge [sflag:s21], $0x4000  }
0xd6: {  	[sflag:s21] =	ssyncset.done $0x0  }
0xd7: {  	[sflag:s21] =	ssyncadd.s32 $0xFFFFC000  }
0xd8: {  	[tilespmem:s18], [sflag:$0x1] =	stream.indirect.gather [hbm4b:s1+s17], $0x80, s22, s17, $0xb8;
	[tilespmem:$0x1C400] =	vst v63  }
0xd9: {  	_ =	swait.ge [sflag:s23], $0x4000  }
0xda: {  	[sflag:s23] =	ssyncset.done $0x0  }
0xdb: {  	[sflag:s23] =	ssyncadd.s32 $0xFFFFC000  }
0xdc: {  	[spmem:s4] =	stream.indirect.scatter.add.f32 [tilespmem:s19], [sflag:$0x4], $0x80, s24, s17, $0xb8;
	[tilespmem:$0x1C400] =	vst v63  }
0xdd: {  	_ =	swait.ge [sflag:s25], $0x4000  }
0xde: {  	[sflag:s25] =	ssyncset.done $0x0  }
0xdf: {  	[sflag:s25] =	ssyncadd.s32 $0xFFFFC000  }
0xe0: {  	[tilespmem:s19], [sflag:$0x2] =	stream.indirect.gather [hbm4b:s1+s17], $0x80, s26, s17, $0xb8;
	[tilespmem:$0x1C400] =	vst v63  }
0xe1: {  	_ =	swait.ge [sflag:s20], $0x4000  }
0xe2: {  	[sflag:s20] =	ssyncset.done $0x0  }
0xe3: {  	[sflag:s20] =	ssyncadd.s32 $0xFFFFC000  }
0xe4: {  	[spmem:s4] =	stream.indirect.scatter.add.f32 [tilespmem:s18], [sflag:$0x3], $0x80, s28, s17, $0xb8;
	[tilespmem:$0x1C400] =	vst v63  }
0xe5: {  	_ =	swait.ge [sflag:s21], $0x4000  }
0xe6: {  	[sflag:s21] =	ssyncset.done $0x0  }
0xe7: {  	[sflag:s21] =	ssyncadd.s32 $0xFFFFC000  }
0xe8: {  	[tilespmem:s18], [sflag:$0x1] =	stream.indirect.gather [hbm4b:s1+s17], $0x80, s29, s17, $0xb8;
	[tilespmem:$0x1C400] =	vst v63  }
0xe9: {  	_ =	swait.ge [sflag:s23], $0x4000  }
0xea: {  	[sflag:s23] =	ssyncset.done $0x0  }
0xeb: {  	[sflag:s23] =	ssyncadd.s32 $0xFFFFC000  }
0xec: {  	[spmem:s4] =	stream.indirect.scatter.add.f32 [tilespmem:s19], [sflag:$0x4], $0x80, s30, s17, $0xb8;
	[tilespmem:$0x1C400] =	vst v63  }
0xed: {  	_ =	swait.ge [sflag:s25], $0x4000  }
0xee: {  	[sflag:s25] =	ssyncset.done $0x0  }
0xef: {  	[sflag:s25] =	ssyncadd.s32 $0xFFFFC000  }
0xf0: {  	[tilespmem:s19], [sflag:$0x2] =	stream.indirect.gather [hbm4b:s1+s17], $0x80, s31, s17, $0xb8;
	[tilespmem:$0x1C400] =	vst v63  }
0xf1: {  	_ =	swait.ge [sflag:s20], $0x4000  }
0xf2: {  	[sflag:s20] =	ssyncset.done $0x0  }
0xf3: {  	[sflag:s20] =	ssyncadd.s32 $0xFFFFC000  }
0xf4: {  	[spmem:s4] =	stream.indirect.scatter.add.f32 [tilespmem:s18], [sflag:$0x3], $0x80, s0, s17, $0xb8;
	[tilespmem:$0x1C400] =	vst v63  }
0xf5: {  	_ =	swait.ge [sflag:s21], $0x4000  }
0xf6: {  	[sflag:s21] =	ssyncset.done $0x0  }
0xf7: {  	[sflag:s21] =	ssyncadd.s32 $0xFFFFC000  }
0xf8: {  	[tilespmem:s18], [sflag:$0x1] =	stream.indirect.gather [hbm4b:s1+s17], $0x80, s2, s17, $0xb8;
	[tilespmem:$0x1C400] =	vst v63  }
0xf9: {  	_ =	swait.ge [sflag:s23], $0x4000  }
0xfa: {  	[sflag:s23] =	ssyncset.done $0x0  }
0xfb: {  	[sflag:s23] =	ssyncadd.s32 $0xFFFFC000  }
0xfc: {  	[spmem:s4] =	stream.indirect.scatter.add.f32 [tilespmem:s19], [sflag:$0x4], $0x80, s7, s17, $0xb8;
	[tilespmem:$0x1C400] =	vst v63  }
0xfd: {  	_ =	swait.ge [sflag:s25], $0x4000  }
0xfe: {  	[sflag:s25] =	ssyncset.done $0x0  }
0xff: {  	[sflag:s25] =	ssyncadd.s32 $0xFFFFC000  }
0x100: {  	[tilespmem:s19], [sflag:$0x2] =	stream.indirect.gather [hbm4b:s1+s17], $0x80, s8, s17, $0xb8;
	[tilespmem:$0x1C400] =	vst v63  }
0x101: {  	_ =	swait.ge [sflag:s20], $0x4000  }
0x102: {  	[sflag:s20] =	ssyncset.done $0x0  }
0x103: {  	[sflag:s20] =	ssyncadd.s32 $0xFFFFC000  }
0x104: {  	[spmem:s4] =	stream.indirect.scatter.add.f32 [tilespmem:s18], [sflag:$0x3], $0x80, s9, s17, $0xb8;
	[tilespmem:$0x1C400] =	vst v63  }
0x105: {  	_ =	swait.ge [sflag:s21], $0x4000  }
0x106: {  	[sflag:s21] =	ssyncset.done $0x0  }
0x107: {  	[sflag:s21] =	ssyncadd.s32 $0xFFFFC000  }
0x108: {  	_ =	swait.ge [sflag:s23], $0x4000  }
.Ltmp3:
0x109: {  	[sflag:s23] =	ssyncset.done $0x0;
	(pc) =	sbr.rel @!p1 .LBB2_3-.Ltmp3, $4  }
0x10a: {  	[sflag:s23] =	ssyncadd.s32 $0xFFFFC000  }
0x10b: {  	[spmem:s4] =	stream.indirect.scatter.add.f32 [tilespmem:s19], [sflag:$0x4], $0x80, s11, s17, $0xb8;
	[tilespmem:$0x1C400] =	vst v63  }
0x10c: {  	_ =	swait.ge [sflag:s25], $0x4000  }
0x10d: {  	s14 =	smov.u32 s6;
	[sflag:s25] =	ssyncset.done $0x0  }
0x10e: {  	s6 =	sadd.s32 s10, s13;
	[sflag:s25] =	ssyncadd.s32 $0xFFFFC000  }
0x10f: {  	[tilespmem:s5], [sflag:$0x5] =	stream.linear.gather [hbm4b:s6+s5], $0x400, $0x38;
	[tilespmem:$0x1C400] =	vst v63  }
0x110: {  	_ =	swait.ge [sflag:s15], $0x400  }
0x111: {  	[sflag:s15] =	ssyncset.done $0x0  }
0x112: {  	s14 =	sadd.s32 s10, s12;
	[sflag:s15] =	ssyncadd.s32 $0xFFFFFC00  }
0x113: {  	[tilespmem:s16], [sflag:$0x5] =	stream.linear.gather [hbm4b:s14+s5], $0x400, $0x38;
	[tilespmem:$0x1C400] =	vst v63  }
0x114: {  	_ =	swait.ge [sflag:s15], $0x400  }
0x115: {  	[sflag:s15] =	ssyncset.done $0x0  }
0x116: {  	[sflag:s15] =	ssyncadd.s32 $0xFFFFFC00  }
0x117: {  	[tilespmem:s18], [sflag:$0x1] =	stream.indirect.gather [hbm4b:s1+s17], $0x80, s5, s17, $0xb8;
	[tilespmem:$0x1C400] =	vst v63  }
0x118: {  	_ = 	snop  }
0x119: {  	[tilespmem:s19], [sflag:$0x2] =	stream.indirect.gather [hbm4b:s1+s17], $0x80, s17, s17, $0xb8;
	[tilespmem:$0x1C400] =	vst v63  }
0x11a: {  	_ =	swait.ge [sflag:s20], $0x4000  }
0x11b: {  	[sflag:s20] =	ssyncset.done $0x0  }
0x11c: {  	[sflag:s20] =	ssyncadd.s32 $0xFFFFC000  }
0x11d: {  	[spmem:s4] =	stream.indirect.scatter.add.f32 [tilespmem:s18], [sflag:$0x3], $0x80, s16, s17, $0xb8;
	[tilespmem:$0x1C400] =	vst v63  }
0x11e: {  	_ =	swait.ge [sflag:s21], $0x4000  }
0x11f: {  	[sflag:s21] =	ssyncset.done $0x0  }
0x120: {  	[sflag:s21] =	ssyncadd.s32 $0xFFFFC000  }
0x121: {  	[tilespmem:s18], [sflag:$0x1] =	stream.indirect.gather [hbm4b:s1+s17], $0x80, s22, s17, $0xb8;
	[tilespmem:$0x1C400] =	vst v63  }
0x122: {  	_ =	swait.ge [sflag:s23], $0x4000  }
0x123: {  	[sflag:s23] =	ssyncset.done $0x0  }
0x124: {  	[sflag:s23] =	ssyncadd.s32 $0xFFFFC000  }
0x125: {  	[spmem:s4] =	stream.indirect.scatter.add.f32 [tilespmem:s19], [sflag:$0x4], $0x80, s24, s17, $0xb8;
	[tilespmem:$0x1C400] =	vst v63  }
0x126: {  	_ =	swait.ge [sflag:s25], $0x4000  }
0x127: {  	[sflag:s25] =	ssyncset.done $0x0  }
0x128: {  	[sflag:s25] =	ssyncadd.s32 $0xFFFFC000  }
0x129: {  	[tilespmem:s19], [sflag:$0x2] =	stream.indirect.gather [hbm4b:s1+s17], $0x80, s26, s17, $0xb8;
	[tilespmem:$0x1C400] =	vst v63  }
0x12a: {  	_ =	swait.ge [sflag:s20], $0x4000  }
0x12b: {  	[sflag:s20] =	ssyncset.done $0x0  }
0x12c: {  	[sflag:s20] =	ssyncadd.s32 $0xFFFFC000  }
0x12d: {  	[spmem:s4] =	stream.indirect.scatter.add.f32 [tilespmem:s18], [sflag:$0x3], $0x80, s28, s17, $0xb8;
	[tilespmem:$0x1C400] =	vst v63  }
0x12e: {  	_ =	swait.ge [sflag:s21], $0x4000  }
0x12f: {  	[sflag:s21] =	ssyncset.done $0x0  }
0x130: {  	[sflag:s21] =	ssyncadd.s32 $0xFFFFC000  }
0x131: {  	[tilespmem:s18], [sflag:$0x1] =	stream.indirect.gather [hbm4b:s1+s17], $0x80, s29, s17, $0xb8;
	[tilespmem:$0x1C400] =	vst v63  }
0x132: {  	_ =	swait.ge [sflag:s23], $0x4000  }
0x133: {  	[sflag:s23] =	ssyncset.done $0x0  }
0x134: {  	[sflag:s23] =	ssyncadd.s32 $0xFFFFC000  }
0x135: {  	[spmem:s4] =	stream.indirect.scatter.add.f32 [tilespmem:s19], [sflag:$0x4], $0x80, s30, s17, $0xb8;
	[tilespmem:$0x1C400] =	vst v63  }
0x136: {  	_ =	swait.ge [sflag:s25], $0x4000  }
0x137: {  	[sflag:s25] =	ssyncset.done $0x0  }
0x138: {  	[sflag:s25] =	ssyncadd.s32 $0xFFFFC000  }
0x139: {  	[tilespmem:s19], [sflag:$0x2] =	stream.indirect.gather [hbm4b:s1+s17], $0x80, s31, s17, $0xb8;
	[tilespmem:$0x1C400] =	vst v63  }
0x13a: {  	_ =	swait.ge [sflag:s20], $0x4000  }
0x13b: {  	[sflag:s20] =	ssyncset.done $0x0  }
0x13c: {  	[sflag:s20] =	ssyncadd.s32 $0xFFFFC000  }
0x13d: {  	[spmem:s4] =	stream.indirect.scatter.add.f32 [tilespmem:s18], [sflag:$0x3], $0x80, s0, s17, $0xb8;
	[tilespmem:$0x1C400] =	vst v63  }
0x13e: {  	_ =	swait.ge [sflag:s21], $0x4000  }
0x13f: {  	[sflag:s21] =	ssyncset.done $0x0  }
0x140: {  	[sflag:s21] =	ssyncadd.s32 $0xFFFFC000  }
0x141: {  	[tilespmem:s18], [sflag:$0x1] =	stream.indirect.gather [hbm4b:s1+s17], $0x80, s2, s17, $0xb8;
	[tilespmem:$0x1C400] =	vst v63  }
0x142: {  	_ =	swait.ge [sflag:s23], $0x4000  }
0x143: {  	[sflag:s23] =	ssyncset.done $0x0  }
0x144: {  	[sflag:s23] =	ssyncadd.s32 $0xFFFFC000  }
0x145: {  	[spmem:s4] =	stream.indirect.scatter.add.f32 [tilespmem:s19], [sflag:$0x4], $0x80, s7, s17, $0xb8;
	[tilespmem:$0x1C400] =	vst v63  }
0x146: {  	_ =	swait.ge [sflag:s25], $0x4000  }
0x147: {  	[sflag:s25] =	ssyncset.done $0x0  }
0x148: {  	[sflag:s25] =	ssyncadd.s32 $0xFFFFC000  }
0x149: {  	[tilespmem:s19], [sflag:$0x2] =	stream.indirect.gather [hbm4b:s1+s17], $0x80, s8, s17, $0xb8;
	[tilespmem:$0x1C400] =	vst v63  }
0x14a: {  	_ =	swait.ge [sflag:s20], $0x4000  }
0x14b: {  	[sflag:s20] =	ssyncset.done $0x0  }
0x14c: {  	[sflag:s20] =	ssyncadd.s32 $0xFFFFC000  }
0x14d: {  	[spmem:s4] =	stream.indirect.scatter.add.f32 [tilespmem:s18], [sflag:$0x3], $0x80, s9, s17, $0xb8;
	[tilespmem:$0x1C400] =	vst v63  }
0x14e: {  	_ =	swait.ge [sflag:s21], $0x4000  }
0x14f: {  	[sflag:s21] =	ssyncset.done $0x0  }
0x150: {  	[sflag:s21] =	ssyncadd.s32 $0xFFFFC000  }
0x151: {  	_ =	swait.ge [sflag:s23], $0x4000  }
0x152: {  	[sflag:s23] =	ssyncset.done $0x0  }
.Ltmp4:
0x153: {  	[sflag:s23] =	ssyncadd.s32 $0xFFFFC000;
	(pc) =	sbr.rel .LBB2_8-.Ltmp4, $4  }
0x154: {  	[spmem:s4] =	stream.indirect.scatter.add.f32 [tilespmem:s19], [sflag:$0x4], $0x80, s11, s17, $0xb8;
	[tilespmem:$0x1C400] =	vst v63  }
0x155: {  	_ =	swait.ge [sflag:s25], $0x4000  }
0x156: {  	[sflag:s25] =	ssyncset.done $0x0  }
0x157: {  	s6 =	rddreg [dreg:$0x6];
	[sflag:s25] =	ssyncadd.s32 $0xFFFFC000  }
.LBB2_5:
0x158: {  	[tilespmem:s5], [sflag:$0x5] =	stream.linear.gather [hbm4b:s6+s5], $0x400, $0x38;
	[tilespmem:$0x1C400] =	vst v63  }
0x159: {  	_ =	swait.ge [sflag:s15], $0x400  }
0x15a: {  	[sflag:s15] =	ssyncset.done $0x0  }
0x15b: {  	s14 =	sadd.s32 $0x0, s12;
	[sflag:s15] =	ssyncadd.s32 $0xFFFFFC00  }
0x15c: {  	[tilespmem:s16], [sflag:$0x5] =	stream.linear.gather [hbm4b:s14+s5], $0x400, $0x38;
	[tilespmem:$0x1C400] =	vst v63  }
0x15d: {  	_ =	swait.ge [sflag:s15], $0x400  }
0x15e: {  	[sflag:s15] =	ssyncset.done $0x0  }
0x15f: {  	[sflag:s15] =	ssyncadd.s32 $0xFFFFFC00  }
0x160: {  	[tilespmem:s18], [sflag:$0x1] =	stream.indirect.gather [hbm4b:s3+s17], $0x80, s5, s17, $0xb8;
	[tilespmem:$0x1C400] =	vst v63  }
0x161: {  	_ = 	snop  }
0x162: {  	[tilespmem:s19], [sflag:$0x2] =	stream.indirect.gather [hbm4b:s3+s17], $0x80, s17, s17, $0xb8;
	[tilespmem:$0x1C400] =	vst v63  }
0x163: {  	_ =	swait.ge [sflag:s20], $0x4000  }
0x164: {  	[sflag:s20] =	ssyncset.done $0x0  }
0x165: {  	[sflag:s20] =	ssyncadd.s32 $0xFFFFC000  }
0x166: {  	[spmem:s4] =	stream.indirect.scatter.add.f32 [tilespmem:s18], [sflag:$0x3], $0x80, s16, s17, $0xb8;
	[tilespmem:$0x1C400] =	vst v63  }
0x167: {  	_ =	swait.ge [sflag:s21], $0x4000  }
0x168: {  	[sflag:s21] =	ssyncset.done $0x0  }
0x169: {  	[sflag:s21] =	ssyncadd.s32 $0xFFFFC000  }
0x16a: {  	[tilespmem:s18], [sflag:$0x1] =	stream.indirect.gather [hbm4b:s3+s17], $0x80, s22, s17, $0xb8;
	[tilespmem:$0x1C400] =	vst v63  }
0x16b: {  	_ =	swait.ge [sflag:s23], $0x4000  }
0x16c: {  	[sflag:s23] =	ssyncset.done $0x0  }
0x16d: {  	[sflag:s23] =	ssyncadd.s32 $0xFFFFC000  }
0x16e: {  	[spmem:s4] =	stream.indirect.scatter.add.f32 [tilespmem:s19], [sflag:$0x4], $0x80, s24, s17, $0xb8;
	[tilespmem:$0x1C400] =	vst v63  }
0x16f: {  	_ =	swait.ge [sflag:s25], $0x4000  }
0x170: {  	[sflag:s25] =	ssyncset.done $0x0  }
0x171: {  	[sflag:s25] =	ssyncadd.s32 $0xFFFFC000  }
0x172: {  	[tilespmem:s19], [sflag:$0x2] =	stream.indirect.gather [hbm4b:s3+s17], $0x80, s26, s17, $0xb8;
	[tilespmem:$0x1C400] =	vst v63  }
0x173: {  	_ =	swait.ge [sflag:s20], $0x4000  }
0x174: {  	[sflag:s20] =	ssyncset.done $0x0  }
0x175: {  	[sflag:s20] =	ssyncadd.s32 $0xFFFFC000  }
0x176: {  	[spmem:s4] =	stream.indirect.scatter.add.f32 [tilespmem:s18], [sflag:$0x3], $0x80, s28, s17, $0xb8;
	[tilespmem:$0x1C400] =	vst v63  }
0x177: {  	_ =	swait.ge [sflag:s21], $0x4000  }
0x178: {  	[sflag:s21] =	ssyncset.done $0x0  }
0x179: {  	[sflag:s21] =	ssyncadd.s32 $0xFFFFC000  }
0x17a: {  	[tilespmem:s18], [sflag:$0x1] =	stream.indirect.gather [hbm4b:s3+s17], $0x80, s29, s17, $0xb8;
	[tilespmem:$0x1C400] =	vst v63  }
0x17b: {  	_ =	swait.ge [sflag:s23], $0x4000  }
0x17c: {  	[sflag:s23] =	ssyncset.done $0x0  }
0x17d: {  	[sflag:s23] =	ssyncadd.s32 $0xFFFFC000  }
0x17e: {  	[spmem:s4] =	stream.indirect.scatter.add.f32 [tilespmem:s19], [sflag:$0x4], $0x80, s30, s17, $0xb8;
	[tilespmem:$0x1C400] =	vst v63  }
0x17f: {  	_ =	swait.ge [sflag:s25], $0x4000  }
0x180: {  	[sflag:s25] =	ssyncset.done $0x0  }
0x181: {  	[sflag:s25] =	ssyncadd.s32 $0xFFFFC000  }
0x182: {  	[tilespmem:s19], [sflag:$0x2] =	stream.indirect.gather [hbm4b:s3+s17], $0x80, s31, s17, $0xb8;
	[tilespmem:$0x1C400] =	vst v63  }
0x183: {  	_ =	swait.ge [sflag:s20], $0x4000  }
0x184: {  	[sflag:s20] =	ssyncset.done $0x0  }
0x185: {  	[sflag:s20] =	ssyncadd.s32 $0xFFFFC000  }
0x186: {  	[spmem:s4] =	stream.indirect.scatter.add.f32 [tilespmem:s18], [sflag:$0x3], $0x80, s0, s17, $0xb8;
	[tilespmem:$0x1C400] =	vst v63  }
0x187: {  	_ =	swait.ge [sflag:s21], $0x4000  }
0x188: {  	[sflag:s21] =	ssyncset.done $0x0  }
0x189: {  	[sflag:s21] =	ssyncadd.s32 $0xFFFFC000  }
0x18a: {  	[tilespmem:s18], [sflag:$0x1] =	stream.indirect.gather [hbm4b:s3+s17], $0x80, s2, s17, $0xb8;
	[tilespmem:$0x1C400] =	vst v63  }
0x18b: {  	_ =	swait.ge [sflag:s23], $0x4000  }
0x18c: {  	[sflag:s23] =	ssyncset.done $0x0  }
0x18d: {  	[sflag:s23] =	ssyncadd.s32 $0xFFFFC000  }
0x18e: {  	[spmem:s4] =	stream.indirect.scatter.add.f32 [tilespmem:s19], [sflag:$0x4], $0x80, s7, s17, $0xb8;
	[tilespmem:$0x1C400] =	vst v63  }
0x18f: {  	_ =	swait.ge [sflag:s25], $0x4000  }
0x190: {  	[sflag:s25] =	ssyncset.done $0x0  }
0x191: {  	[sflag:s25] =	ssyncadd.s32 $0xFFFFC000  }
0x192: {  	[tilespmem:s19], [sflag:$0x2] =	stream.indirect.gather [hbm4b:s3+s17], $0x80, s8, s17, $0xb8;
	[tilespmem:$0x1C400] =	vst v63  }
0x193: {  	_ =	swait.ge [sflag:s20], $0x4000  }
0x194: {  	[sflag:s20] =	ssyncset.done $0x0  }
0x195: {  	[sflag:s20] =	ssyncadd.s32 $0xFFFFC000  }
0x196: {  	[spmem:s4] =	stream.indirect.scatter.add.f32 [tilespmem:s18], [sflag:$0x3], $0x80, s9, s17, $0xb8;
	[tilespmem:$0x1C400] =	vst v63  }
0x197: {  	_ =	swait.ge [sflag:s21], $0x4000  }
0x198: {  	[sflag:s21] =	ssyncset.done $0x0  }
0x199: {  	[sflag:s21] =	ssyncadd.s32 $0xFFFFC000  }
0x19a: {  	_ =	swait.ge [sflag:s23], $0x4000  }
0x19b: {  	[sflag:s23] =	ssyncset.done $0x0  }
0x19c: {  	[sflag:s23] =	ssyncadd.s32 $0xFFFFC000  }
0x19d: {  	[spmem:s4] =	stream.indirect.scatter.add.f32 [tilespmem:s19], [sflag:$0x4], $0x80, s11, s17, $0xb8;
	[tilespmem:$0x1C400] =	vst v63  }
0x19e: {  	_ =	swait.ge [sflag:s25], $0x4000  }
0x19f: {  	s10 =	simm.s32 $0x80;
	s6 =	simm.s32 $0x100;
	[sflag:s25] =	ssyncset.done $0x0  }
.LBB2_6:
0x1a0: {  	s22 =	sadd.s32 s10, s13  }
0x1a1: {  	[sflag:s25] =	ssyncadd.s32 $0xFFFFC000;
	s24 =	smov.u32 s6;
	s14 =	sadd.s32 $0x80, s6  }
0x1a2: {  	[tilespmem:s5], [sflag:$0x5] =	stream.linear.gather [hbm4b:s22+s5], $0x400, $0x38;
	[tilespmem:$0x1C400] =	vst v63  }
0x1a3: {  	s22 =	simm.s32 $0x100  }
0x1a4: {  	p1 =	sne.s32 s6, $0x980;
	_ =	swait.ge [sflag:s15], $0x400  }
0x1a5: {  	s6 =	sadd.s32 s10, s12;
	[sflag:s15] =	ssyncset.done $0x0  }
0x1a6: {  	s10 =	smov.u32 s24;
	s24 =	simm.s32 $0x480;
	[sflag:s15] =	ssyncadd.s32 $0xFFFFFC00  }
0x1a7: {  	[tilespmem:s16], [sflag:$0x5] =	stream.linear.gather [hbm4b:s6+s5], $0x400, $0x38;
	[tilespmem:$0x1C400] =	vst v63  }
0x1a8: {  	_ =	swait.ge [sflag:s15], $0x400  }
0x1a9: {  	[sflag:s15] =	ssyncset.done $0x0  }
0x1aa: {  	[sflag:s15] =	ssyncadd.s32 $0xFFFFFC00  }
0x1ab: {  	[tilespmem:s18], [sflag:$0x1] =	stream.indirect.gather [hbm4b:s3+s17], $0x80, s5, s17, $0xb8;
	[tilespmem:$0x1C400] =	vst v63  }
0x1ac: {  	_ = 	snop  }
0x1ad: {  	[tilespmem:s19], [sflag:$0x2] =	stream.indirect.gather [hbm4b:s3+s17], $0x80, s17, s17, $0xb8;
	[tilespmem:$0x1C400] =	vst v63  }
0x1ae: {  	_ =	swait.ge [sflag:s20], $0x4000  }
0x1af: {  	[sflag:s20] =	ssyncset.done $0x0  }
0x1b0: {  	[sflag:s20] =	ssyncadd.s32 $0xFFFFC000  }
0x1b1: {  	[spmem:s4] =	stream.indirect.scatter.add.f32 [tilespmem:s18], [sflag:$0x3], $0x80, s16, s17, $0xb8;
	[tilespmem:$0x1C400] =	vst v63  }
0x1b2: {  	_ =	swait.ge [sflag:s21], $0x4000  }
0x1b3: {  	[sflag:s21] =	ssyncset.done $0x0  }
0x1b4: {  	[sflag:s21] =	ssyncadd.s32 $0xFFFFC000  }
0x1b5: {  	[tilespmem:s18], [sflag:$0x1] =	stream.indirect.gather [hbm4b:s3+s17], $0x80, s22, s17, $0xb8;
	[tilespmem:$0x1C400] =	vst v63  }
0x1b6: {  	_ =	swait.ge [sflag:s23], $0x4000  }
0x1b7: {  	[sflag:s23] =	ssyncset.done $0x0  }
0x1b8: {  	[sflag:s23] =	ssyncadd.s32 $0xFFFFC000  }
0x1b9: {  	[spmem:s4] =	stream.indirect.scatter.add.f32 [tilespmem:s19], [sflag:$0x4], $0x80, s24, s17, $0xb8;
	[tilespmem:$0x1C400] =	vst v63  }
0x1ba: {  	_ =	swait.ge [sflag:s25], $0x4000  }
0x1bb: {  	[sflag:s25] =	ssyncset.done $0x0  }
0x1bc: {  	[sflag:s25] =	ssyncadd.s32 $0xFFFFC000  }
0x1bd: {  	[tilespmem:s19], [sflag:$0x2] =	stream.indirect.gather [hbm4b:s3+s17], $0x80, s26, s17, $0xb8;
	[tilespmem:$0x1C400] =	vst v63  }
0x1be: {  	_ =	swait.ge [sflag:s20], $0x4000  }
0x1bf: {  	[sflag:s20] =	ssyncset.done $0x0  }
0x1c0: {  	[sflag:s20] =	ssyncadd.s32 $0xFFFFC000  }
0x1c1: {  	[spmem:s4] =	stream.indirect.scatter.add.f32 [tilespmem:s18], [sflag:$0x3], $0x80, s28, s17, $0xb8;
	[tilespmem:$0x1C400] =	vst v63  }
0x1c2: {  	_ =	swait.ge [sflag:s21], $0x4000  }
0x1c3: {  	[sflag:s21] =	ssyncset.done $0x0  }
0x1c4: {  	[sflag:s21] =	ssyncadd.s32 $0xFFFFC000  }
0x1c5: {  	[tilespmem:s18], [sflag:$0x1] =	stream.indirect.gather [hbm4b:s3+s17], $0x80, s29, s17, $0xb8;
	[tilespmem:$0x1C400] =	vst v63  }
0x1c6: {  	_ =	swait.ge [sflag:s23], $0x4000  }
0x1c7: {  	[sflag:s23] =	ssyncset.done $0x0  }
0x1c8: {  	[sflag:s23] =	ssyncadd.s32 $0xFFFFC000  }
0x1c9: {  	[spmem:s4] =	stream.indirect.scatter.add.f32 [tilespmem:s19], [sflag:$0x4], $0x80, s30, s17, $0xb8;
	[tilespmem:$0x1C400] =	vst v63  }
0x1ca: {  	_ =	swait.ge [sflag:s25], $0x4000  }
0x1cb: {  	[sflag:s25] =	ssyncset.done $0x0  }
0x1cc: {  	[sflag:s25] =	ssyncadd.s32 $0xFFFFC000  }
0x1cd: {  	[tilespmem:s19], [sflag:$0x2] =	stream.indirect.gather [hbm4b:s3+s17], $0x80, s31, s17, $0xb8;
	[tilespmem:$0x1C400] =	vst v63  }
0x1ce: {  	_ =	swait.ge [sflag:s20], $0x4000  }
0x1cf: {  	[sflag:s20] =	ssyncset.done $0x0  }
0x1d0: {  	[sflag:s20] =	ssyncadd.s32 $0xFFFFC000  }
0x1d1: {  	[spmem:s4] =	stream.indirect.scatter.add.f32 [tilespmem:s18], [sflag:$0x3], $0x80, s0, s17, $0xb8;
	[tilespmem:$0x1C400] =	vst v63  }
0x1d2: {  	_ =	swait.ge [sflag:s21], $0x4000  }
0x1d3: {  	[sflag:s21] =	ssyncset.done $0x0  }
0x1d4: {  	[sflag:s21] =	ssyncadd.s32 $0xFFFFC000  }
0x1d5: {  	[tilespmem:s18], [sflag:$0x1] =	stream.indirect.gather [hbm4b:s3+s17], $0x80, s2, s17, $0xb8;
	[tilespmem:$0x1C400] =	vst v63  }
0x1d6: {  	_ =	swait.ge [sflag:s23], $0x4000  }
0x1d7: {  	[sflag:s23] =	ssyncset.done $0x0  }
0x1d8: {  	[sflag:s23] =	ssyncadd.s32 $0xFFFFC000  }
0x1d9: {  	[spmem:s4] =	stream.indirect.scatter.add.f32 [tilespmem:s19], [sflag:$0x4], $0x80, s7, s17, $0xb8;
	[tilespmem:$0x1C400] =	vst v63  }
0x1da: {  	_ =	swait.ge [sflag:s25], $0x4000  }
0x1db: {  	[sflag:s25] =	ssyncset.done $0x0  }
0x1dc: {  	[sflag:s25] =	ssyncadd.s32 $0xFFFFC000  }
0x1dd: {  	[tilespmem:s19], [sflag:$0x2] =	stream.indirect.gather [hbm4b:s3+s17], $0x80, s8, s17, $0xb8;
	[tilespmem:$0x1C400] =	vst v63  }
0x1de: {  	_ =	swait.ge [sflag:s20], $0x4000  }
0x1df: {  	[sflag:s20] =	ssyncset.done $0x0  }
0x1e0: {  	[sflag:s20] =	ssyncadd.s32 $0xFFFFC000  }
0x1e1: {  	[spmem:s4] =	stream.indirect.scatter.add.f32 [tilespmem:s18], [sflag:$0x3], $0x80, s9, s17, $0xb8;
	[tilespmem:$0x1C400] =	vst v63  }
0x1e2: {  	_ =	swait.ge [sflag:s21], $0x4000  }
0x1e3: {  	[sflag:s21] =	ssyncset.done $0x0  }
0x1e4: {  	[sflag:s21] =	ssyncadd.s32 $0xFFFFC000  }
0x1e5: {  	_ =	swait.ge [sflag:s23], $0x4000  }
.Ltmp5:
0x1e6: {  	[sflag:s23] =	ssyncset.done $0x0;
	(pc) =	sbr.rel @p1 .LBB2_6-.Ltmp5, $4  }
0x1e7: {  	[sflag:s23] =	ssyncadd.s32 $0xFFFFC000  }
0x1e8: {  	[spmem:s4] =	stream.indirect.scatter.add.f32 [tilespmem:s19], [sflag:$0x4], $0x80, s11, s17, $0xb8;
	[tilespmem:$0x1C400] =	vst v63  }
0x1e9: {  	_ =	swait.ge [sflag:s25], $0x4000  }
0x1ea: {  	s6 =	smov.u32 s14;
	[sflag:s25] =	ssyncset.done $0x0  }
.Ltmp6:
0x1eb: {  	_ = 	snop;
	(pc) =	sbr.rel .LBB2_7-.Ltmp6, $1  }
0x1ec: {  	_ =	sdelay $0x3  }
.LBB2_9:
0x1ed: {  	_ =	sfence.sel $0x180000  }
0x1ee: {  	[bflag:$0x0] =	sbarrier.arrive $0xFFFF  }
0x1ef: {  	_ =	strace $0x90000047  }
0x1f0: {  	s0 =	stileid.u32;
	[bflag:$0x2] =	sbarrier.arrive $0xFFFF  }
0x1f1: {  	p0 =	sne.s32 s0, $0x0;
	s0 =	rddreg [dreg:$0x4]  }
0x1f2: {  	s0 =	sadd.s32 @!p0 $0x100000, s0  }
0x1f3: {  	[sflag:s0] =	ssyncadd.tile.s32 @!p0 $0x1;
	_ =	shalt  }
.Lfunc_end2:
_tile_overlayer_lowered:
.L_overlay_start_2:
0x1f4: {  	(tag) =	ssettag $0x2  }
0x1f5: {  	s0 =	rddreg [dreg:$0x0];
	s2 =	stileid.u32  }
0x1f6: {  	s1 =	rddreg [dreg:$0x1];
	p0 =	sne.s32 s2, $0x0  }
0x1f7: {  	s3 =	rddreg [dreg:$0x2];
	[bflag:$0x3] =	sbarrier.arrive $0xFFFF;
	s2 =	simm.s32 @!p0 $0x1C05  }
0x1f8: {  	[timem:s3], [sflag:s2] =	dma.local @!p0 [hbm:s0], s1  }
0x1f9: {  	s0 =	simm.s32 @!p0 $0x5  }
0x1fa: {  	_ =	swait.ge @!p0 [sflag:s0], s1  }
0x1fb: {  	s1 =	ssub.s32 @!p0 $0x0, s1;
	[sflag:s0] =	ssyncset.done @!p0 $0x0  }
0x1fc: {  	[sflag:s0] =	ssyncadd.s32 @!p0 s1  }
0x1fd: {  	[bflag:$0x3] =	sbarrier.arrive $0xFFFF  }
0x1fe: {  	_ =	shalt  }

// kernel: kernel.13.cloned.1.call-start
scs
__scs_entry_jumppad:
0x0: {  	(pc) =	sbr.rel $0x88, $3  }
0x1: {  	(tag) =	ssettag $0x0;
	lr =	simm.s32 $0x1  }
0x2: {  	[smem:$0x3F87] =	sst lr;
	_ =	strace $0xD0000000  }
0x3: {  	_ = 	snop  }
0x4: {  	_ = 	snop  }
0x5: {  	_ = 	snop  }
0x6: {  	_ = 	snop  }
0x7: {  	_ = 	snop  }
__scs_overlays_trampoline_lowered:
0x8: {  	[smem:$0x3F96] =	sst s0  }
0x9: {  	[smem:$0x3F97] =	sst s1  }
0xa: {  	[smem:$0x3F98] =	sst s2  }
0xb: {  	[smem:$0x3F99] =	sst s3  }
0xc: {  	[smem:$0x3F9A] =	sst s4  }
0xd: {  	[smem:$0x3F9B] =	sst s5  }
0xe: {  	[smem:$0x3F9C] =	sst s6  }
0xf: {  	[smem:$0x3F9D] =	sst s7  }
0x10: {  	[smem:$0x3F9E] =	sst s8  }
0x11: {  	[smem:$0x3F9F] =	sst s9;
	s0 =	simm.s32 @!p0 $0x0  }
0x12: {  	s1 =	sld [smem:$0x3F85];
	s0 =	simm.s32 @p0 $0x1  }
0x13: {  	[smem:$0x3FA0] =	sst s0;
	s0 =	simm.s32 @!p1 $0x0  }
0x14: {  	s2 =	sld [smem:$0x3F84];
	s0 =	simm.s32 @p1 $0x1  }
0x15: {  	[smem:$0x3FA1] =	sst s0;
	s0 =	simm.s32 @!p2 $0x0  }
0x16: {  	s3 =	sld [smem:$0x3FDB];
	s0 =	simm.s32 @p2 $0x1  }
0x17: {  	s4 =	simm.s32 $0x1BF5;
	[smem:$0x3FA3] =	sst s0  }
0x18: {  	s0 =	sld [smem:$0x3F86];
	_ =	swait.ge [sflag:s4], $0x0  }
0x19: {  	s7 =	sld [smem:$0x3F87]  }
0x1a: {  	s8 =	sadd.s32 $0xFFFFE003, lr  }
0x1b: {  	s9 =	sadd.s32 $0xFFFFFEF7, lr;
	s5 =	simm.s32 $0xFFFFFFFF;
	p2 =	slt.u32 s8, $0xFFFFF086  }
0x1c: {  	p1 =	slt.u32 s9, $0xF7A;
	s5 =	simm.s32 @!p2 $0x0  }
0x1d: {  	s5 =	simm.s32 @p1 $0x1;
	p0 =	seq.s32 s7, s2  }
0x1e: {  	s7 =	smul.u32 @!p0 $0xF7A, s2;
	p2 =	seq.s32 @!p0 s5, $0x0  }
0x1f: {  	s9 =	smul.u32 $0xF7A, s1;
	s8 =	simm.s32 @!p0 $0x1BF5;
	p2 =	por !p2, p0  }
0x20: {  	[sflag:s8] =	ssyncset.s32 @!p0 $0xFFFFF086;
	s6 =	sadd.s32 @!p0 s3, s7;
	s7 =	simm.s32 @!p0 $0x108  }
0x21: {  	s3 =	sadd.s32 s3, s9;
	s6 =	sadd.s32 @!p0 $0x88, s6;
	s7 =	simm.s32 @p2 $0x1082  }
0x22: {  	[simem:s7], [sflag:s8] =	dma.local @!p0 [hbm:s6], $0xF7A  }
0x23: {  	s9 =	sor.u32 $0xD0000000, s2;
	s6 =	simm.s32 $0x108;
	_ =	swait.ge @!p0 [sflag:s8], $0x0  }
0x24: {  	s3 =	sadd.s32 $0x88, s3;
	s6 =	simm.s32 @!p1 $0x1082;
	[sflag:s4] =	ssyncset.s32 $0xFFFFF086  }
0x25: {  	[simem:s6], [sflag:s4] =	dma.local [hbm:s3], $0xF7A  }
0x26: {  	[smem:$0x3F87] =	sst s1;
	(tag) =	ssettag s2;
	_ =	strace s9  }
0x27: {  	s1 =	sld [smem:$0x3F97]  }
0x28: {  	s2 =	sld [smem:$0x3F98]  }
0x29: {  	s4 =	sld [smem:$0x3F9A]  }
0x2a: {  	p0 =	seq.s32 s5, $0x0;
	s5 =	sld [smem:$0x3F9B]  }
0x2b: {  	s6 =	sld [smem:$0x3F9C]  }
0x2c: {  	s7 =	sld [smem:$0x3F9D]  }
0x2d: {  	s3 =	simm.s32 $0x108;
	s8 =	sld [smem:$0x3F9E]  }
0x2e: {  	s3 =	simm.s32 @!p0 $0x1082;
	s9 =	sld [smem:$0x3F9F]  }
0x2f: {  	lr =	sadd.s32 s0, s3;
	s0 =	sld [smem:$0x3F96]  }
0x30: {  	s3 =	sld [smem:$0x3F99]  }
0x31: {  	[smem:$0x3FA2] =	sst s10  }
0x32: {  	s10 =	sld [smem:$0x3FA0];
	_ =	sdelay $0x3  }
0x33: {  	p0 =	seq.s32 s10, $0x1;
	s10 =	sld [smem:$0x3FA2];
	_ =	sdelay $0x3  }
0x34: {  	[smem:$0x3FA2] =	sst s10  }
0x35: {  	s10 =	sld [smem:$0x3FA1];
	_ =	sdelay $0x3  }
0x36: {  	p1 =	seq.s32 s10, $0x1;
	s10 =	sld [smem:$0x3FA2];
	_ =	sdelay $0x3  }
0x37: {  	[smem:$0x3FA2] =	sst s10  }
0x38: {  	s10 =	sld [smem:$0x3FA3]  }
0x39: {  	_ = 	snop;
	(pc) =	sbr.ind lr, $3  }
0x3a: {  	_ = 	snop  }
0x3b: {  	_ = 	snop  }
0x3c: {  	p2 =	seq.s32 s10, $0x1;
	s10 =	sld [smem:$0x3FA2]  }
0x3d: {  	_ =	shalt  }
0x3e: {  	_ =	shalt  }
0x3f: {  	_ =	shalt  }
0x40: {  	_ =	shalt  }
0x41: {  	_ =	shalt  }
0x42: {  	_ =	shalt  }
0x43: {  	_ =	shalt  }
0x44: {  	_ =	shalt  }
0x45: {  	_ =	shalt  }
0x46: {  	_ =	shalt  }
0x47: {  	_ =	shalt  }
0x48: {  	_ =	shalt  }
0x49: {  	_ =	shalt  }
0x4a: {  	_ =	shalt  }
0x4b: {  	_ =	shalt  }
0x4c: {  	_ =	shalt  }
0x4d: {  	_ =	shalt  }
0x4e: {  	_ =	shalt  }
0x4f: {  	_ =	shalt  }
0x50: {  	_ =	shalt  }
0x51: {  	_ =	shalt  }
0x52: {  	_ =	shalt  }
0x53: {  	_ =	shalt  }
0x54: {  	_ =	shalt  }
0x55: {  	_ =	shalt  }
0x56: {  	_ =	shalt  }
0x57: {  	_ =	shalt  }
0x58: {  	_ =	shalt  }
0x59: {  	_ =	shalt  }
0x5a: {  	_ =	shalt  }
0x5b: {  	_ =	shalt  }
0x5c: {  	_ =	shalt  }
0x5d: {  	_ =	shalt  }
0x5e: {  	_ =	shalt  }
0x5f: {  	_ =	shalt  }
0x60: {  	_ =	shalt  }
0x61: {  	_ =	shalt  }
0x62: {  	_ =	shalt  }
0x63: {  	_ =	shalt  }
0x64: {  	_ =	shalt  }
0x65: {  	_ =	shalt  }
0x66: {  	_ =	shalt  }
0x67: {  	_ =	shalt  }
0x68: {  	_ =	shalt  }
0x69: {  	_ =	shalt  }
0x6a: {  	_ =	shalt  }
0x6b: {  	_ =	shalt  }
0x6c: {  	_ =	shalt  }
0x6d: {  	_ =	shalt  }
0x6e: {  	_ =	shalt  }
0x6f: {  	_ =	shalt  }
0x70: {  	_ =	shalt  }
0x71: {  	_ =	shalt  }
0x72: {  	_ =	shalt  }
0x73: {  	_ =	shalt  }
0x74: {  	_ =	shalt  }
0x75: {  	_ =	shalt  }
0x76: {  	_ =	shalt  }
0x77: {  	_ =	shalt  }
0x78: {  	_ =	shalt  }
0x79: {  	_ =	shalt  }
0x7a: {  	_ =	shalt  }
0x7b: {  	_ =	shalt  }
0x7c: {  	_ =	shalt  }
0x7d: {  	_ =	shalt  }
0x7e: {  	_ =	shalt  }
0x7f: {  	_ =	shalt  }
0x80: {  	_ =	shalt  }
0x81: {  	_ =	shalt  }
0x82: {  	_ =	shalt  }
0x83: {  	_ =	shalt  }
0x84: {  	_ =	shalt  }
0x85: {  	_ =	shalt  }
0x86: {  	_ =	shalt  }
0x87: {  	_ =	shalt  }
.Lfunc_end0:
.L_simem_size_0:
called_computation.2_lowered:
.L_overlay_start_0:
0x88: {  	s2 =	sld [smem:$0x3FD9]  }
0x89: {  	s3 =	sld [smem:$0x3FFE];
	_ =	sdelay $0x1  }
0x8a: {  	s1 =	srdreg.scid  }
0x8b: {  	s0 =	sand.u32 $0x1, s1  }
0x8c: {  	s16 =	sshll.u32 s0, $0xA;
	s2 =	sadd.s32 s3, s2  }
0x8d: {  	s2 =	sadd.s32 s2, s16  }
0x8e: {  	[smem:$0x3FAE] =	sst s2  }
0x8f: {  	_ = 	snop  }
0x90: {  	(tm) =	ssettm $0x1  }
0x91: {  	s17 =	sld [smem:$0x3FFB];
	_ =	sdelay $0x3  }
0x92: {  	_ =	strace s17  }
0x93: {  	s2 =	sld [smem:$0x3FFC];
	_ =	sdelay $0x3  }
0x94: {  	_ =	strace s2  }
0x95: {  	s2 =	sld [smem:$0x3FFD];
	_ =	sdelay $0x3  }
0x96: {  	_ =	strace s2  }
0x97: {  	_ =	strace $0x8FFFFFFF  }
0x98: {  	s18 =	sld [smem:$0x3FDB];
	_ =	sdelay $0x1  }
0x99: {  	s19 =	simm.s32 $_scs_section_size  }
0x9a: {  	s4 =	simm.s32 $_size__tile_overlayer_lowered;
	s5 =	simm.s32 $_tile_overlayer_lowered  }
0x9b: {  	s22 =	simm.s32 $0x1BFF;
	s21 =	sshll.u32 s5, $0x1;
	s2 =	sadd.s32 s19, s18  }
0x9c: {  	s6 =	simm.s32 $0x0;
	s20 =	sshll.u32 s4, $0x1;
	s4 =	sadd.s32 s21, s2  }
0x9d: {  	[timem:s6], [sflag:s22] =	dma.local [hbm:s4], s20  }
0x9e: {  	_ =	swait.ge [sflag:s22], s20  }
0x9f: {  	s3 =	ssub.s32 $0x0, s20;
	[sflag:s22] =	ssyncset.done $0x0  }
0xa0: {  	[sflag:s22] =	ssyncadd.s32 s3;
	_ =	sdelay $0x1  }
0xa1: {  	s23 =	simm.s32 $0x1B8B  }
0xa2: {  	_ =	swait.ge [sflag:s23], $0x1  }
0xa3: {  	[sflag:s23] =	ssyncset.done $0x0  }
0xa4: {  	s25 =	simm.s32 $0x1B8E;
	s24 =	sld [smem:$0x3FFE];
	[sflag:s23] =	ssyncadd.s32 $0xFFFFFFFF  }
0xa5: {  	s26 =	simm.s32 $execute0_lowered;
	[smem:$0x3FD2] =	sst s25  }
0xa6: {  	s4 =	sshll.u32 s26, $0x1;
	_ =	strace $0x8000004C;
	[dreg:$0x1] =	wrdreg $0xFFFFFFFF  }
0xa7: {  	s28 =	simm.s32 $_size_execute0_lowered;
	s2 =	sadd.s32 s2, s4;
	[dreg:$0x0] =	wrdreg $0x0  }
0xa8: {  	s4 =	sshll.u32 s28, $0x1;
	[dreg:$0x2] =	wrdreg s2  }
0xa9: {  	[dreg:$0x3] =	wrdreg s4  }
0xaa: {  	[dreg:$0x4] =	wrdreg $0xC0  }
0xab: {  	_ =	task [dreg:s6], $0x5FFFF  }
0xac: {  	[dreg:$0x1] =	wrdreg $0xFFFFFFFF  }
0xad: {  	[dreg:$0x0] =	wrdreg $0x60  }
0xae: {  	[dreg:$0x2] =	wrdreg s24  }
0xaf: {  	[dreg:$0x3] =	wrdreg $0x88000  }
0xb0: {  	[dreg:$0x4] =	wrdreg $0x9  }
0xb1: {  	_ =	task.clear_ibuf [dreg:s6], $0x5FFFF;
	_ =	strace $0x9000004C  }
0xb2: {  	s29 =	simm.s32 $0x9;
	_ =	strace $0x8000004E  }
0xb3: {  	_ =	swait.ge [sflag:s29], $0x1  }
0xb4: {  	[sflag:s29] =	ssyncadd.s32 $0xFFFFFFFF  }
0xb5: {  	_ =	strace $0x9000004E  }
0xb6: {  	_ =	sfence  }
0xb7: {  	s30 =	sld [smem:$0x0];
	_ =	sdelay $0x2  }
0xb8: {  	s31 =	sshll.u32 s1, $0xD;
	s1 =	sshrl.u32 s1, $0x2  }
0xb9: {  	s3 =	sand.u32 $0x4000, s31;
	s1 =	sadd.s32 s1, s30  }
0xba: {  	s0 =	sor.u32 s3, s0;
	s1 =	sshll.u32 s1, $0x11  }
0xbb: {  	s0 =	sor.u32 s1, s0  }
0xbc: {  	s0 =	sadd.s32 $0x8F2B, s0  }
0xbd: {  	[sflag:s0] =	ssyncadd.remote.s32 $0x1  }
0xbe: {  	_ =	sfence.sel $0xFFFF  }
0xbf: {  	[dreg:$0x0] =	wrdreg $0xFFFFFFFF;
	(pc) =	sbr.abs _section_cstart, $3  }
0xc0: {  	[dreg:$0x1] =	wrdreg $0xFFFFFFFF  }
0xc1: {  	_ =	task.clear_ibuf [dreg:s6], $0x2FFFF;
	_ =	strace $0x9FFFFFFF  }
0xc2: {  	(tm) =	ssettm $0x7FFFFFFF  }
0xc3: {  	_ =	shalt  }
tec
execute0_lowered:
.L_overlay_start_1:
0x0: {  	(tag) =	ssettag $0x1  }
0x1: {  	s0 =	rddreg [dreg:$0x0]  }
0x2: {  	s2 =	rddreg [dreg:$0x1];
	s10 =	stileid.u32;
	s3 =	simm.s32 $0x0  }
0x3: {  	s5 =	srdreg.scid;
	s15 =	simm.s32 $0x5;
	s16 =	simm.s32 $0x400  }
0x4: {  	s17 =	simm.s32 $0x80;
	s18 =	simm.s32 $0x800;
	s19 =	simm.s32 $0x4800  }
0x5: {  	s20 =	simm.s32 $0x1;
	s21 =	simm.s32 $0x3;
	s22 =	simm.s32 $0x100  }
0x6: {  	s28 =	simm.s32 $0x500;
	s29 =	simm.s32 $0x200;
	s30 =	simm.s32 $0x580  }
0x7: {  	s31 =	simm.s32 $0x280;
	s11 =	simm.s32 $0x780;
	s14 =	simm.s32 $0x0  }
0x8: {  	s1 =	smul.u32 $0xA00, s10;
	[smem:$0x7FF] =	sst s3;
	s4 =	sadd.s32 $0x4BE00, s0  }
0x9: {  	s8 =	smul.u32 $0x2780, s10;
	s6 =	sadd.s32 $0xC1400, s0;
	s5 =	sand.u32 $0x1, s5  }
0xa: {  	s7 =	smul.u32 $0x4F000, s10;
	s9 =	sadd.s32 $0xE8600, s0;
	s25 =	sshll.u32 s10, $0x6  }
0xb: {  	_ =	strace $0x8000004D;
	[dreg:$0x4] =	wrdreg s9;
	s23 =	ssub.s32 $0x2, s5  }
0xc: {  	s26 =	sor.u32 $0x1C05, s25;
	p0 =	sne.s32 s5, $0x0;
	s25 =	simm.s32 $0x4  }
0xd: {  	s9 =	simm.s32 $0x700;
	s1 =	sadd.s32 s1, s0;
	[dreg:$0x3] =	wrdreg s8  }
0xe: {  	s8 =	sadd.s32 s8, s0;
	s0 =	sadd.s32 $0x15FA00, s0;
	s24 =	sshrl.u32 s23, $0x1  }
0xf: {  	s7 =	sshrl.u32 s7, $0x2;
	[dreg:$0x7] =	wrdreg s26;
	s26 =	simm.s32 $0x180  }
0x10: {  	[dreg:$0x5] =	wrdreg s0;
	s0 =	ssub.s32 s23, s24;
	s7 =	sadd.s32 s7, s2  }
.Ltmp0:
0x11: {  	s8 =	sadd.s32 $0x24600, s8;
	s12 =	sadd.s32 $0x10600, s1;
	(pc) =	sbr.rel .LBB2_1-.Ltmp0, $4  }
0x12: {  	s13 =	sadd.s32 $0x1A600, s1;
	s23 =	simm.s32 $0x2;
	s24 =	simm.s32 $0x480  }
0x13: {  	s1 =	simm.s32 $0x300;
	[dreg:$0x6] =	wrdreg s8;
	s0 =	smax.u32 s0, $0x1  }
0x14: {  	s10 =	sshrl.u32 s7, $0x3;
	s7 =	simm.s32 $0x680;
	[dreg:$0x8] =	wrdreg s0  }
0x15: {  	s8 =	simm.s32 $0x380;
	s0 =	simm.s32 $0x600;
	[dreg:$0x9] =	wrdreg s10  }
.LBB2_7:
0x16: {  	s5 =	sadd.s32 s10, s13;
	[sflag:s25] =	ssyncadd.s32 $0xFFFFC000  }
0x17: {  	[tilespmem:s3], [sflag:$0x5] =	stream.linear.gather [hbm4b:s5+s3], $0x400, $0x38;
	[tilespmem:$0x1C400] =	vst v63  }
0x18: {  	_ =	swait.ge [sflag:s15], $0x400  }
0x19: {  	[sflag:s15] =	ssyncset.done $0x0  }
0x1a: {  	s14 =	sadd.s32 s10, s12;
	[sflag:s15] =	ssyncadd.s32 $0xFFFFFC00  }
0x1b: {  	[tilespmem:s16], [sflag:$0x5] =	stream.linear.gather [hbm4b:s14+s3], $0x400, $0x38;
	[tilespmem:$0x1C400] =	vst v63  }
0x1c: {  	_ =	swait.ge [sflag:s15], $0x400  }
0x1d: {  	[sflag:s15] =	ssyncset.done $0x0  }
0x1e: {  	[sflag:s15] =	ssyncadd.s32 $0xFFFFFC00  }
0x1f: {  	[tilespmem:s18], [sflag:$0x1] =	stream.indirect.gather [hbm4b:s6+s17], $0x80, s3, s17, $0xb8;
	[tilespmem:$0x1C400] =	vst v63  }
0x20: {  	_ = 	snop  }
0x21: {  	[tilespmem:s19], [sflag:$0x2] =	stream.indirect.gather [hbm4b:s6+s17], $0x80, s17, s17, $0xb8;
	[tilespmem:$0x1C400] =	vst v63  }
0x22: {  	_ =	swait.ge [sflag:s20], $0x4000  }
0x23: {  	[sflag:s20] =	ssyncset.done $0x0  }
0x24: {  	[sflag:s20] =	ssyncadd.s32 $0xFFFFC000  }
0x25: {  	[spmem:s2] =	stream.indirect.scatter.add.f32 [tilespmem:s18], [sflag:$0x3], $0x80, s16, s17, $0xb8;
	[tilespmem:$0x1C400] =	vst v63  }
0x26: {  	_ =	swait.ge [sflag:s21], $0x4000  }
0x27: {  	[sflag:s21] =	ssyncset.done $0x0  }
0x28: {  	[sflag:s21] =	ssyncadd.s32 $0xFFFFC000  }
0x29: {  	[tilespmem:s18], [sflag:$0x1] =	stream.indirect.gather [hbm4b:s6+s17], $0x80, s22, s17, $0xb8;
	[tilespmem:$0x1C400] =	vst v63  }
0x2a: {  	_ =	swait.ge [sflag:s23], $0x4000  }
0x2b: {  	[sflag:s23] =	ssyncset.done $0x0  }
0x2c: {  	[sflag:s23] =	ssyncadd.s32 $0xFFFFC000  }
0x2d: {  	[spmem:s2] =	stream.indirect.scatter.add.f32 [tilespmem:s19], [sflag:$0x4], $0x80, s24, s17, $0xb8;
	[tilespmem:$0x1C400] =	vst v63  }
0x2e: {  	_ =	swait.ge [sflag:s25], $0x4000  }
0x2f: {  	[sflag:s25] =	ssyncset.done $0x0  }
0x30: {  	[sflag:s25] =	ssyncadd.s32 $0xFFFFC000  }
0x31: {  	[tilespmem:s19], [sflag:$0x2] =	stream.indirect.gather [hbm4b:s6+s17], $0x80, s26, s17, $0xb8;
	[tilespmem:$0x1C400] =	vst v63  }
0x32: {  	_ =	swait.ge [sflag:s20], $0x4000  }
0x33: {  	[sflag:s20] =	ssyncset.done $0x0  }
0x34: {  	[sflag:s20] =	ssyncadd.s32 $0xFFFFC000  }
0x35: {  	[spmem:s2] =	stream.indirect.scatter.add.f32 [tilespmem:s18], [sflag:$0x3], $0x80, s28, s17, $0xb8;
	[tilespmem:$0x1C400] =	vst v63  }
0x36: {  	_ =	swait.ge [sflag:s21], $0x4000  }
0x37: {  	[sflag:s21] =	ssyncset.done $0x0  }
0x38: {  	[sflag:s21] =	ssyncadd.s32 $0xFFFFC000  }
0x39: {  	[tilespmem:s18], [sflag:$0x1] =	stream.indirect.gather [hbm4b:s6+s17], $0x80, s29, s17, $0xb8;
	[tilespmem:$0x1C400] =	vst v63  }
0x3a: {  	_ =	swait.ge [sflag:s23], $0x4000  }
0x3b: {  	[sflag:s23] =	ssyncset.done $0x0  }
0x3c: {  	[sflag:s23] =	ssyncadd.s32 $0xFFFFC000  }
0x3d: {  	[spmem:s2] =	stream.indirect.scatter.add.f32 [tilespmem:s19], [sflag:$0x4], $0x80, s30, s17, $0xb8;
	[tilespmem:$0x1C400] =	vst v63  }
0x3e: {  	_ =	swait.ge [sflag:s25], $0x4000  }
0x3f: {  	[sflag:s25] =	ssyncset.done $0x0  }
0x40: {  	[sflag:s25] =	ssyncadd.s32 $0xFFFFC000  }
0x41: {  	[tilespmem:s19], [sflag:$0x2] =	stream.indirect.gather [hbm4b:s6+s17], $0x80, s31, s17, $0xb8;
	[tilespmem:$0x1C400] =	vst v63  }
0x42: {  	_ =	swait.ge [sflag:s20], $0x4000  }
0x43: {  	[sflag:s20] =	ssyncset.done $0x0  }
0x44: {  	[sflag:s20] =	ssyncadd.s32 $0xFFFFC000  }
0x45: {  	[spmem:s2] =	stream.indirect.scatter.add.f32 [tilespmem:s18], [sflag:$0x3], $0x80, s0, s17, $0xb8;
	[tilespmem:$0x1C400] =	vst v63  }
0x46: {  	_ =	swait.ge [sflag:s21], $0x4000  }
0x47: {  	[sflag:s21] =	ssyncset.done $0x0  }
0x48: {  	[sflag:s21] =	ssyncadd.s32 $0xFFFFC000  }
0x49: {  	[tilespmem:s18], [sflag:$0x1] =	stream.indirect.gather [hbm4b:s6+s17], $0x80, s1, s17, $0xb8;
	[tilespmem:$0x1C400] =	vst v63  }
0x4a: {  	_ =	swait.ge [sflag:s23], $0x4000  }
0x4b: {  	[sflag:s23] =	ssyncset.done $0x0  }
0x4c: {  	[sflag:s23] =	ssyncadd.s32 $0xFFFFC000  }
0x4d: {  	[spmem:s2] =	stream.indirect.scatter.add.f32 [tilespmem:s19], [sflag:$0x4], $0x80, s7, s17, $0xb8;
	[tilespmem:$0x1C400] =	vst v63  }
0x4e: {  	_ =	swait.ge [sflag:s25], $0x4000  }
0x4f: {  	[sflag:s25] =	ssyncset.done $0x0  }
0x50: {  	[sflag:s25] =	ssyncadd.s32 $0xFFFFC000  }
0x51: {  	[tilespmem:s19], [sflag:$0x2] =	stream.indirect.gather [hbm4b:s6+s17], $0x80, s8, s17, $0xb8;
	[tilespmem:$0x1C400] =	vst v63  }
0x52: {  	_ =	swait.ge [sflag:s20], $0x4000  }
0x53: {  	[sflag:s20] =	ssyncset.done $0x0  }
0x54: {  	[sflag:s20] =	ssyncadd.s32 $0xFFFFC000  }
0x55: {  	[spmem:s2] =	stream.indirect.scatter.add.f32 [tilespmem:s18], [sflag:$0x3], $0x80, s9, s17, $0xb8;
	[tilespmem:$0x1C400] =	vst v63  }
0x56: {  	_ =	swait.ge [sflag:s21], $0x4000  }
0x57: {  	[sflag:s21] =	ssyncset.done $0x0  }
0x58: {  	[sflag:s21] =	ssyncadd.s32 $0xFFFFC000  }
0x59: {  	_ =	swait.ge [sflag:s23], $0x4000  }
0x5a: {  	[sflag:s23] =	ssyncset.done $0x0  }
0x5b: {  	[sflag:s23] =	ssyncadd.s32 $0xFFFFC000  }
0x5c: {  	[spmem:s2] =	stream.indirect.scatter.add.f32 [tilespmem:s19], [sflag:$0x4], $0x80, s11, s17, $0xb8;
	[tilespmem:$0x1C400] =	vst v63  }
0x5d: {  	_ =	swait.ge [sflag:s25], $0x4000  }
0x5e: {  	[sflag:s25] =	ssyncset.done $0x0  }
0x5f: {  	s5 =	rddreg [dreg:$0x5];
	[sflag:s25] =	ssyncadd.s32 $0xFFFFC000  }
.LBB2_8:
0x60: {  	s10 =	rddreg [dreg:$0x3]  }
0x61: {  	s5 =	sadd.s32 s5, s10  }
0x62: {  	[dreg:$0xb] =	wrdreg s5  }
0x63: {  	[bflag:$0x0] =	sbarrier.arrive $0xFFFF  }
0x64: {  	s10 =	rddreg [dreg:$0xb]  }
0x65: {  	s5 =	rddreg [dreg:$0x9]  }
0x66: {  	s14 =	rddreg [dreg:$0x7]  }
0x67: {  	[hbm:s10], [sflag:s14] =	dma.local [spmem:s5], $0x2780  }
0x68: {  	s10 =	rddreg [dreg:$0x9];
	_ =	swait.ge [sflag:s15], $0x2780  }
0x69: {  	s5 =	rddreg [dreg:$0xa]  }
0x6a: {  	s14 =	sadd.s32 $0x1, s5;
	s5 =	rddreg [dreg:$0x8]  }
0x6b: {  	p1 =	sne.s32 s14, s5  }
.Ltmp1:
0x6c: {  	_ = 	snop;
	(pc) =	sbr.rel @!p1 .LBB2_9-.Ltmp1, $3  }
0x6d: {  	_ =	sdelay $0x1  }
0x6e: {  	[sflag:s15] =	ssyncset.done $0x0  }
0x6f: {  	[sflag:s15] =	ssyncadd.s32 $0xFFFFD880  }
.LBB2_1:
0x70: {  	[dreg:$0xa] =	wrdreg s14  }
0x71: {  	s5 =	rddreg [dreg:$0x6]  }
0x72: {  	s14 =	rddreg [dreg:$0x7]  }
0x73: {  	[spmem:s10], [sflag:s14] =	dma.local [hbm:s5], $0x2780  }
.Ltmp2:
0x74: {  	_ =	swait.ge [sflag:s15], $0x2780;
	(pc) =	sbr.rel @p0 .LBB2_5-.Ltmp2, $4  }
0x75: {  	[sflag:s15] =	ssyncset.done $0x0  }
0x76: {  	[sflag:s15] =	ssyncadd.s32 $0xFFFFD880  }
0x77: {  	[bflag:$0x0] =	sbarrier.arrive $0xFFFF  }
0x78: {  	s5 =	sadd.s32 $0x0, s13  }
0x79: {  	[tilespmem:s3], [sflag:$0x5] =	stream.linear.gather [hbm4b:s5+s3], $0x400, $0x38;
	[tilespmem:$0x1C400] =	vst v63  }
0x7a: {  	_ =	swait.ge [sflag:s15], $0x400  }
0x7b: {  	[sflag:s15] =	ssyncset.done $0x0  }
0x7c: {  	s14 =	sadd.s32 $0x0, s12;
	[sflag:s15] =	ssyncadd.s32 $0xFFFFFC00  }
0x7d: {  	[tilespmem:s16], [sflag:$0x5] =	stream.linear.gather [hbm4b:s14+s3], $0x400, $0x38;
	[tilespmem:$0x1C400] =	vst v63  }
0x7e: {  	_ =	swait.ge [sflag:s15], $0x400  }
0x7f: {  	[sflag:s15] =	ssyncset.done $0x0  }
0x80: {  	[sflag:s15] =	ssyncadd.s32 $0xFFFFFC00  }
0x81: {  	[tilespmem:s18], [sflag:$0x1] =	stream.indirect.gather [hbm4b:s4+s17], $0x80, s3, s17, $0xb8;
	[tilespmem:$0x1C400] =	vst v63  }
0x82: {  	_ = 	snop  }
0x83: {  	[tilespmem:s19], [sflag:$0x2] =	stream.indirect.gather [hbm4b:s4+s17], $0x80, s17, s17, $0xb8;
	[tilespmem:$0x1C400] =	vst v63  }
0x84: {  	_ =	swait.ge [sflag:s20], $0x4000  }
0x85: {  	[sflag:s20] =	ssyncset.done $0x0  }
0x86: {  	[sflag:s20] =	ssyncadd.s32 $0xFFFFC000  }
0x87: {  	[spmem:s2] =	stream.indirect.scatter.add.f32 [tilespmem:s18], [sflag:$0x3], $0x80, s16, s17, $0xb8;
	[tilespmem:$0x1C400] =	vst v63  }
0x88: {  	_ =	swait.ge [sflag:s21], $0x4000  }
0x89: {  	[sflag:s21] =	ssyncset.done $0x0  }
0x8a: {  	[sflag:s21] =	ssyncadd.s32 $0xFFFFC000  }
0x8b: {  	[tilespmem:s18], [sflag:$0x1] =	stream.indirect.gather [hbm4b:s4+s17], $0x80, s22, s17, $0xb8;
	[tilespmem:$0x1C400] =	vst v63  }
0x8c: {  	_ =	swait.ge [sflag:s23], $0x4000  }
0x8d: {  	[sflag:s23] =	ssyncset.done $0x0  }
0x8e: {  	[sflag:s23] =	ssyncadd.s32 $0xFFFFC000  }
0x8f: {  	[spmem:s2] =	stream.indirect.scatter.add.f32 [tilespmem:s19], [sflag:$0x4], $0x80, s24, s17, $0xb8;
	[tilespmem:$0x1C400] =	vst v63  }
0x90: {  	_ =	swait.ge [sflag:s25], $0x4000  }
0x91: {  	[sflag:s25] =	ssyncset.done $0x0  }
0x92: {  	[sflag:s25] =	ssyncadd.s32 $0xFFFFC000  }
0x93: {  	[tilespmem:s19], [sflag:$0x2] =	stream.indirect.gather [hbm4b:s4+s17], $0x80, s26, s17, $0xb8;
	[tilespmem:$0x1C400] =	vst v63  }
0x94: {  	_ =	swait.ge [sflag:s20], $0x4000  }
0x95: {  	[sflag:s20] =	ssyncset.done $0x0  }
0x96: {  	[sflag:s20] =	ssyncadd.s32 $0xFFFFC000  }
0x97: {  	[spmem:s2] =	stream.indirect.scatter.add.f32 [tilespmem:s18], [sflag:$0x3], $0x80, s28, s17, $0xb8;
	[tilespmem:$0x1C400] =	vst v63  }
0x98: {  	_ =	swait.ge [sflag:s21], $0x4000  }
0x99: {  	[sflag:s21] =	ssyncset.done $0x0  }
0x9a: {  	[sflag:s21] =	ssyncadd.s32 $0xFFFFC000  }
0x9b: {  	[tilespmem:s18], [sflag:$0x1] =	stream.indirect.gather [hbm4b:s4+s17], $0x80, s29, s17, $0xb8;
	[tilespmem:$0x1C400] =	vst v63  }
0x9c: {  	_ =	swait.ge [sflag:s23], $0x4000  }
0x9d: {  	[sflag:s23] =	ssyncset.done $0x0  }
0x9e: {  	[sflag:s23] =	ssyncadd.s32 $0xFFFFC000  }
0x9f: {  	[spmem:s2] =	stream.indirect.scatter.add.f32 [tilespmem:s19], [sflag:$0x4], $0x80, s30, s17, $0xb8;
	[tilespmem:$0x1C400] =	vst v63  }
0xa0: {  	_ =	swait.ge [sflag:s25], $0x4000  }
0xa1: {  	[sflag:s25] =	ssyncset.done $0x0  }
0xa2: {  	[sflag:s25] =	ssyncadd.s32 $0xFFFFC000  }
0xa3: {  	[tilespmem:s19], [sflag:$0x2] =	stream.indirect.gather [hbm4b:s4+s17], $0x80, s31, s17, $0xb8;
	[tilespmem:$0x1C400] =	vst v63  }
0xa4: {  	_ =	swait.ge [sflag:s20], $0x4000  }
0xa5: {  	[sflag:s20] =	ssyncset.done $0x0  }
0xa6: {  	[sflag:s20] =	ssyncadd.s32 $0xFFFFC000  }
0xa7: {  	[spmem:s2] =	stream.indirect.scatter.add.f32 [tilespmem:s18], [sflag:$0x3], $0x80, s0, s17, $0xb8;
	[tilespmem:$0x1C400] =	vst v63  }
0xa8: {  	_ =	swait.ge [sflag:s21], $0x4000  }
0xa9: {  	[sflag:s21] =	ssyncset.done $0x0  }
0xaa: {  	[sflag:s21] =	ssyncadd.s32 $0xFFFFC000  }
0xab: {  	[tilespmem:s18], [sflag:$0x1] =	stream.indirect.gather [hbm4b:s4+s17], $0x80, s1, s17, $0xb8;
	[tilespmem:$0x1C400] =	vst v63  }
0xac: {  	_ =	swait.ge [sflag:s23], $0x4000  }
0xad: {  	[sflag:s23] =	ssyncset.done $0x0  }
0xae: {  	[sflag:s23] =	ssyncadd.s32 $0xFFFFC000  }
0xaf: {  	[spmem:s2] =	stream.indirect.scatter.add.f32 [tilespmem:s19], [sflag:$0x4], $0x80, s7, s17, $0xb8;
	[tilespmem:$0x1C400] =	vst v63  }
0xb0: {  	_ =	swait.ge [sflag:s25], $0x4000  }
0xb1: {  	[sflag:s25] =	ssyncset.done $0x0  }
0xb2: {  	[sflag:s25] =	ssyncadd.s32 $0xFFFFC000  }
0xb3: {  	[tilespmem:s19], [sflag:$0x2] =	stream.indirect.gather [hbm4b:s4+s17], $0x80, s8, s17, $0xb8;
	[tilespmem:$0x1C400] =	vst v63  }
0xb4: {  	_ =	swait.ge [sflag:s20], $0x4000  }
0xb5: {  	[sflag:s20] =	ssyncset.done $0x0  }
0xb6: {  	[sflag:s20] =	ssyncadd.s32 $0xFFFFC000  }
0xb7: {  	[spmem:s2] =	stream.indirect.scatter.add.f32 [tilespmem:s18], [sflag:$0x3], $0x80, s9, s17, $0xb8;
	[tilespmem:$0x1C400] =	vst v63  }
0xb8: {  	_ =	swait.ge [sflag:s21], $0x4000  }
0xb9: {  	[sflag:s21] =	ssyncset.done $0x0  }
0xba: {  	[sflag:s21] =	ssyncadd.s32 $0xFFFFC000  }
0xbb: {  	_ =	swait.ge [sflag:s23], $0x4000  }
0xbc: {  	[sflag:s23] =	ssyncset.done $0x0  }
0xbd: {  	[sflag:s23] =	ssyncadd.s32 $0xFFFFC000  }
0xbe: {  	[spmem:s2] =	stream.indirect.scatter.add.f32 [tilespmem:s19], [sflag:$0x4], $0x80, s11, s17, $0xb8;
	[tilespmem:$0x1C400] =	vst v63  }
0xbf: {  	_ =	swait.ge [sflag:s25], $0x4000  }
0xc0: {  	s10 =	simm.s32 $0x80;
	s14 =	simm.s32 $0x100;
	[sflag:s25] =	ssyncset.done $0x0  }
.LBB2_3:
0xc1: {  	s22 =	sadd.s32 s10, s13  }
0xc2: {  	[sflag:s25] =	ssyncadd.s32 $0xFFFFC000;
	s24 =	smov.u32 s14;
	s5 =	sadd.s32 $0x80, s14  }
0xc3: {  	[tilespmem:s3], [sflag:$0x5] =	stream.linear.gather [hbm4b:s22+s3], $0x400, $0x38;
	[tilespmem:$0x1C400] =	vst v63  }
0xc4: {  	s22 =	simm.s32 $0x100  }
0xc5: {  	p1 =	seq.s32 s14, $0x980;
	_ =	swait.ge [sflag:s15], $0x400  }
0xc6: {  	s14 =	sadd.s32 s10, s12;
	[sflag:s15] =	ssyncset.done $0x0  }
0xc7: {  	s10 =	smov.u32 s24;
	s24 =	simm.s32 $0x480;
	[sflag:s15] =	ssyncadd.s32 $0xFFFFFC00  }
0xc8: {  	[tilespmem:s16], [sflag:$0x5] =	stream.linear.gather [hbm4b:s14+s3], $0x400, $0x38;
	[tilespmem:$0x1C400] =	vst v63  }
0xc9: {  	_ =	swait.ge [sflag:s15], $0x400  }
0xca: {  	[sflag:s15] =	ssyncset.done $0x0  }
0xcb: {  	[sflag:s15] =	ssyncadd.s32 $0xFFFFFC00  }
0xcc: {  	[tilespmem:s18], [sflag:$0x1] =	stream.indirect.gather [hbm4b:s4+s17], $0x80, s3, s17, $0xb8;
	[tilespmem:$0x1C400] =	vst v63  }
0xcd: {  	_ = 	snop  }
0xce: {  	[tilespmem:s19], [sflag:$0x2] =	stream.indirect.gather [hbm4b:s4+s17], $0x80, s17, s17, $0xb8;
	[tilespmem:$0x1C400] =	vst v63  }
0xcf: {  	_ =	swait.ge [sflag:s20], $0x4000  }
0xd0: {  	[sflag:s20] =	ssyncset.done $0x0  }
0xd1: {  	[sflag:s20] =	ssyncadd.s32 $0xFFFFC000  }
0xd2: {  	[spmem:s2] =	stream.indirect.scatter.add.f32 [tilespmem:s18], [sflag:$0x3], $0x80, s16, s17, $0xb8;
	[tilespmem:$0x1C400] =	vst v63  }
0xd3: {  	_ =	swait.ge [sflag:s21], $0x4000  }
0xd4: {  	[sflag:s21] =	ssyncset.done $0x0  }
0xd5: {  	[sflag:s21] =	ssyncadd.s32 $0xFFFFC000  }
0xd6: {  	[tilespmem:s18], [sflag:$0x1] =	stream.indirect.gather [hbm4b:s4+s17], $0x80, s22, s17, $0xb8;
	[tilespmem:$0x1C400] =	vst v63  }
0xd7: {  	_ =	swait.ge [sflag:s23], $0x4000  }
0xd8: {  	[sflag:s23] =	ssyncset.done $0x0  }
0xd9: {  	[sflag:s23] =	ssyncadd.s32 $0xFFFFC000  }
0xda: {  	[spmem:s2] =	stream.indirect.scatter.add.f32 [tilespmem:s19], [sflag:$0x4], $0x80, s24, s17, $0xb8;
	[tilespmem:$0x1C400] =	vst v63  }
0xdb: {  	_ =	swait.ge [sflag:s25], $0x4000  }
0xdc: {  	[sflag:s25] =	ssyncset.done $0x0  }
0xdd: {  	[sflag:s25] =	ssyncadd.s32 $0xFFFFC000  }
0xde: {  	[tilespmem:s19], [sflag:$0x2] =	stream.indirect.gather [hbm4b:s4+s17], $0x80, s26, s17, $0xb8;
	[tilespmem:$0x1C400] =	vst v63  }
0xdf: {  	_ =	swait.ge [sflag:s20], $0x4000  }
0xe0: {  	[sflag:s20] =	ssyncset.done $0x0  }
0xe1: {  	[sflag:s20] =	ssyncadd.s32 $0xFFFFC000  }
0xe2: {  	[spmem:s2] =	stream.indirect.scatter.add.f32 [tilespmem:s18], [sflag:$0x3], $0x80, s28, s17, $0xb8;
	[tilespmem:$0x1C400] =	vst v63  }
0xe3: {  	_ =	swait.ge [sflag:s21], $0x4000  }
0xe4: {  	[sflag:s21] =	ssyncset.done $0x0  }
0xe5: {  	[sflag:s21] =	ssyncadd.s32 $0xFFFFC000  }
0xe6: {  	[tilespmem:s18], [sflag:$0x1] =	stream.indirect.gather [hbm4b:s4+s17], $0x80, s29, s17, $0xb8;
	[tilespmem:$0x1C400] =	vst v63  }
0xe7: {  	_ =	swait.ge [sflag:s23], $0x4000  }
0xe8: {  	[sflag:s23] =	ssyncset.done $0x0  }
0xe9: {  	[sflag:s23] =	ssyncadd.s32 $0xFFFFC000  }
0xea: {  	[spmem:s2] =	stream.indirect.scatter.add.f32 [tilespmem:s19], [sflag:$0x4], $0x80, s30, s17, $0xb8;
	[tilespmem:$0x1C400] =	vst v63  }
0xeb: {  	_ =	swait.ge [sflag:s25], $0x4000  }
0xec: {  	[sflag:s25] =	ssyncset.done $0x0  }
0xed: {  	[sflag:s25] =	ssyncadd.s32 $0xFFFFC000  }
0xee: {  	[tilespmem:s19], [sflag:$0x2] =	stream.indirect.gather [hbm4b:s4+s17], $0x80, s31, s17, $0xb8;
	[tilespmem:$0x1C400] =	vst v63  }
0xef: {  	_ =	swait.ge [sflag:s20], $0x4000  }
0xf0: {  	[sflag:s20] =	ssyncset.done $0x0  }
0xf1: {  	[sflag:s20] =	ssyncadd.s32 $0xFFFFC000  }
0xf2: {  	[spmem:s2] =	stream.indirect.scatter.add.f32 [tilespmem:s18], [sflag:$0x3], $0x80, s0, s17, $0xb8;
	[tilespmem:$0x1C400] =	vst v63  }
0xf3: {  	_ =	swait.ge [sflag:s21], $0x4000  }
0xf4: {  	[sflag:s21] =	ssyncset.done $0x0  }
0xf5: {  	[sflag:s21] =	ssyncadd.s32 $0xFFFFC000  }
0xf6: {  	[tilespmem:s18], [sflag:$0x1] =	stream.indirect.gather [hbm4b:s4+s17], $0x80, s1, s17, $0xb8;
	[tilespmem:$0x1C400] =	vst v63  }
0xf7: {  	_ =	swait.ge [sflag:s23], $0x4000  }
0xf8: {  	[sflag:s23] =	ssyncset.done $0x0  }
0xf9: {  	[sflag:s23] =	ssyncadd.s32 $0xFFFFC000  }
0xfa: {  	[spmem:s2] =	stream.indirect.scatter.add.f32 [tilespmem:s19], [sflag:$0x4], $0x80, s7, s17, $0xb8;
	[tilespmem:$0x1C400] =	vst v63  }
0xfb: {  	_ =	swait.ge [sflag:s25], $0x4000  }
0xfc: {  	[sflag:s25] =	ssyncset.done $0x0  }
0xfd: {  	[sflag:s25] =	ssyncadd.s32 $0xFFFFC000  }
0xfe: {  	[tilespmem:s19], [sflag:$0x2] =	stream.indirect.gather [hbm4b:s4+s17], $0x80, s8, s17, $0xb8;
	[tilespmem:$0x1C400] =	vst v63  }
0xff: {  	_ =	swait.ge [sflag:s20], $0x4000  }
0x100: {  	[sflag:s20] =	ssyncset.done $0x0  }
0x101: {  	[sflag:s20] =	ssyncadd.s32 $0xFFFFC000  }
0x102: {  	[spmem:s2] =	stream.indirect.scatter.add.f32 [tilespmem:s18], [sflag:$0x3], $0x80, s9, s17, $0xb8;
	[tilespmem:$0x1C400] =	vst v63  }
0x103: {  	_ =	swait.ge [sflag:s21], $0x4000  }
0x104: {  	[sflag:s21] =	ssyncset.done $0x0  }
0x105: {  	[sflag:s21] =	ssyncadd.s32 $0xFFFFC000  }
0x106: {  	_ =	swait.ge [sflag:s23], $0x4000  }
.Ltmp3:
0x107: {  	[sflag:s23] =	ssyncset.done $0x0;
	(pc) =	sbr.rel @!p1 .LBB2_3-.Ltmp3, $4  }
0x108: {  	[sflag:s23] =	ssyncadd.s32 $0xFFFFC000  }
0x109: {  	[spmem:s2] =	stream.indirect.scatter.add.f32 [tilespmem:s19], [sflag:$0x4], $0x80, s11, s17, $0xb8;
	[tilespmem:$0x1C400] =	vst v63  }
0x10a: {  	_ =	swait.ge [sflag:s25], $0x4000  }
0x10b: {  	s14 =	smov.u32 s5;
	[sflag:s25] =	ssyncset.done $0x0  }
0x10c: {  	s5 =	sadd.s32 s10, s13;
	[sflag:s25] =	ssyncadd.s32 $0xFFFFC000  }
0x10d: {  	[tilespmem:s3], [sflag:$0x5] =	stream.linear.gather [hbm4b:s5+s3], $0x400, $0x38;
	[tilespmem:$0x1C400] =	vst v63  }
0x10e: {  	_ =	swait.ge [sflag:s15], $0x400  }
0x10f: {  	[sflag:s15] =	ssyncset.done $0x0  }
0x110: {  	s14 =	sadd.s32 s10, s12;
	[sflag:s15] =	ssyncadd.s32 $0xFFFFFC00  }
0x111: {  	[tilespmem:s16], [sflag:$0x5] =	stream.linear.gather [hbm4b:s14+s3], $0x400, $0x38;
	[tilespmem:$0x1C400] =	vst v63  }
0x112: {  	_ =	swait.ge [sflag:s15], $0x400  }
0x113: {  	[sflag:s15] =	ssyncset.done $0x0  }
0x114: {  	[sflag:s15] =	ssyncadd.s32 $0xFFFFFC00  }
0x115: {  	[tilespmem:s18], [sflag:$0x1] =	stream.indirect.gather [hbm4b:s4+s17], $0x80, s3, s17, $0xb8;
	[tilespmem:$0x1C400] =	vst v63  }
0x116: {  	_ = 	snop  }
0x117: {  	[tilespmem:s19], [sflag:$0x2] =	stream.indirect.gather [hbm4b:s4+s17], $0x80, s17, s17, $0xb8;
	[tilespmem:$0x1C400] =	vst v63  }
0x118: {  	_ =	swait.ge [sflag:s20], $0x4000  }
0x119: {  	[sflag:s20] =	ssyncset.done $0x0  }
0x11a: {  	[sflag:s20] =	ssyncadd.s32 $0xFFFFC000  }
0x11b: {  	[spmem:s2] =	stream.indirect.scatter.add.f32 [tilespmem:s18], [sflag:$0x3], $0x80, s16, s17, $0xb8;
	[tilespmem:$0x1C400] =	vst v63  }
0x11c: {  	_ =	swait.ge [sflag:s21], $0x4000  }
0x11d: {  	[sflag:s21] =	ssyncset.done $0x0  }
0x11e: {  	[sflag:s21] =	ssyncadd.s32 $0xFFFFC000  }
0x11f: {  	[tilespmem:s18], [sflag:$0x1] =	stream.indirect.gather [hbm4b:s4+s17], $0x80, s22, s17, $0xb8;
	[tilespmem:$0x1C400] =	vst v63  }
0x120: {  	_ =	swait.ge [sflag:s23], $0x4000  }
0x121: {  	[sflag:s23] =	ssyncset.done $0x0  }
0x122: {  	[sflag:s23] =	ssyncadd.s32 $0xFFFFC000  }
0x123: {  	[spmem:s2] =	stream.indirect.scatter.add.f32 [tilespmem:s19], [sflag:$0x4], $0x80, s24, s17, $0xb8;
	[tilespmem:$0x1C400] =	vst v63  }
0x124: {  	_ =	swait.ge [sflag:s25], $0x4000  }
0x125: {  	[sflag:s25] =	ssyncset.done $0x0  }
0x126: {  	[sflag:s25] =	ssyncadd.s32 $0xFFFFC000  }
0x127: {  	[tilespmem:s19], [sflag:$0x2] =	stream.indirect.gather [hbm4b:s4+s17], $0x80, s26, s17, $0xb8;
	[tilespmem:$0x1C400] =	vst v63  }
0x128: {  	_ =	swait.ge [sflag:s20], $0x4000  }
0x129: {  	[sflag:s20] =	ssyncset.done $0x0  }
0x12a: {  	[sflag:s20] =	ssyncadd.s32 $0xFFFFC000  }
0x12b: {  	[spmem:s2] =	stream.indirect.scatter.add.f32 [tilespmem:s18], [sflag:$0x3], $0x80, s28, s17, $0xb8;
	[tilespmem:$0x1C400] =	vst v63  }
0x12c: {  	_ =	swait.ge [sflag:s21], $0x4000  }
0x12d: {  	[sflag:s21] =	ssyncset.done $0x0  }
0x12e: {  	[sflag:s21] =	ssyncadd.s32 $0xFFFFC000  }
0x12f: {  	[tilespmem:s18], [sflag:$0x1] =	stream.indirect.gather [hbm4b:s4+s17], $0x80, s29, s17, $0xb8;
	[tilespmem:$0x1C400] =	vst v63  }
0x130: {  	_ =	swait.ge [sflag:s23], $0x4000  }
0x131: {  	[sflag:s23] =	ssyncset.done $0x0  }
0x132: {  	[sflag:s23] =	ssyncadd.s32 $0xFFFFC000  }
0x133: {  	[spmem:s2] =	stream.indirect.scatter.add.f32 [tilespmem:s19], [sflag:$0x4], $0x80, s30, s17, $0xb8;
	[tilespmem:$0x1C400] =	vst v63  }
0x134: {  	_ =	swait.ge [sflag:s25], $0x4000  }
0x135: {  	[sflag:s25] =	ssyncset.done $0x0  }
0x136: {  	[sflag:s25] =	ssyncadd.s32 $0xFFFFC000  }
0x137: {  	[tilespmem:s19], [sflag:$0x2] =	stream.indirect.gather [hbm4b:s4+s17], $0x80, s31, s17, $0xb8;
	[tilespmem:$0x1C400] =	vst v63  }
0x138: {  	_ =	swait.ge [sflag:s20], $0x4000  }
0x139: {  	[sflag:s20] =	ssyncset.done $0x0  }
0x13a: {  	[sflag:s20] =	ssyncadd.s32 $0xFFFFC000  }
0x13b: {  	[spmem:s2] =	stream.indirect.scatter.add.f32 [tilespmem:s18], [sflag:$0x3], $0x80, s0, s17, $0xb8;
	[tilespmem:$0x1C400] =	vst v63  }
0x13c: {  	_ =	swait.ge [sflag:s21], $0x4000  }
0x13d: {  	[sflag:s21] =	ssyncset.done $0x0  }
0x13e: {  	[sflag:s21] =	ssyncadd.s32 $0xFFFFC000  }
0x13f: {  	[tilespmem:s18], [sflag:$0x1] =	stream.indirect.gather [hbm4b:s4+s17], $0x80, s1, s17, $0xb8;
	[tilespmem:$0x1C400] =	vst v63  }
0x140: {  	_ =	swait.ge [sflag:s23], $0x4000  }
0x141: {  	[sflag:s23] =	ssyncset.done $0x0  }
0x142: {  	[sflag:s23] =	ssyncadd.s32 $0xFFFFC000  }
0x143: {  	[spmem:s2] =	stream.indirect.scatter.add.f32 [tilespmem:s19], [sflag:$0x4], $0x80, s7, s17, $0xb8;
	[tilespmem:$0x1C400] =	vst v63  }
0x144: {  	_ =	swait.ge [sflag:s25], $0x4000  }
0x145: {  	[sflag:s25] =	ssyncset.done $0x0  }
0x146: {  	[sflag:s25] =	ssyncadd.s32 $0xFFFFC000  }
0x147: {  	[tilespmem:s19], [sflag:$0x2] =	stream.indirect.gather [hbm4b:s4+s17], $0x80, s8, s17, $0xb8;
	[tilespmem:$0x1C400] =	vst v63  }
0x148: {  	_ =	swait.ge [sflag:s20], $0x4000  }
0x149: {  	[sflag:s20] =	ssyncset.done $0x0  }
0x14a: {  	[sflag:s20] =	ssyncadd.s32 $0xFFFFC000  }
0x14b: {  	[spmem:s2] =	stream.indirect.scatter.add.f32 [tilespmem:s18], [sflag:$0x3], $0x80, s9, s17, $0xb8;
	[tilespmem:$0x1C400] =	vst v63  }
0x14c: {  	_ =	swait.ge [sflag:s21], $0x4000  }
0x14d: {  	[sflag:s21] =	ssyncset.done $0x0  }
0x14e: {  	[sflag:s21] =	ssyncadd.s32 $0xFFFFC000  }
0x14f: {  	_ =	swait.ge [sflag:s23], $0x4000  }
0x150: {  	[sflag:s23] =	ssyncset.done $0x0  }
.Ltmp4:
0x151: {  	[sflag:s23] =	ssyncadd.s32 $0xFFFFC000;
	(pc) =	sbr.rel .LBB2_8-.Ltmp4, $4  }
0x152: {  	[spmem:s2] =	stream.indirect.scatter.add.f32 [tilespmem:s19], [sflag:$0x4], $0x80, s11, s17, $0xb8;
	[tilespmem:$0x1C400] =	vst v63  }
0x153: {  	_ =	swait.ge [sflag:s25], $0x4000  }
0x154: {  	[sflag:s25] =	ssyncset.done $0x0  }
0x155: {  	s5 =	rddreg [dreg:$0x4];
	[sflag:s25] =	ssyncadd.s32 $0xFFFFC000  }
.LBB2_5:
0x156: {  	[tilespmem:s3], [sflag:$0x5] =	stream.linear.gather [hbm4b:s5+s3], $0x400, $0x38;
	[tilespmem:$0x1C400] =	vst v63  }
0x157: {  	_ =	swait.ge [sflag:s15], $0x400  }
0x158: {  	[sflag:s15] =	ssyncset.done $0x0  }
0x159: {  	s14 =	sadd.s32 $0x0, s12;
	[sflag:s15] =	ssyncadd.s32 $0xFFFFFC00  }
0x15a: {  	[tilespmem:s16], [sflag:$0x5] =	stream.linear.gather [hbm4b:s14+s3], $0x400, $0x38;
	[tilespmem:$0x1C400] =	vst v63  }
0x15b: {  	_ =	swait.ge [sflag:s15], $0x400  }
0x15c: {  	[sflag:s15] =	ssyncset.done $0x0  }
0x15d: {  	[sflag:s15] =	ssyncadd.s32 $0xFFFFFC00  }
0x15e: {  	[tilespmem:s18], [sflag:$0x1] =	stream.indirect.gather [hbm4b:s6+s17], $0x80, s3, s17, $0xb8;
	[tilespmem:$0x1C400] =	vst v63  }
0x15f: {  	_ = 	snop  }
0x160: {  	[tilespmem:s19], [sflag:$0x2] =	stream.indirect.gather [hbm4b:s6+s17], $0x80, s17, s17, $0xb8;
	[tilespmem:$0x1C400] =	vst v63  }
0x161: {  	_ =	swait.ge [sflag:s20], $0x4000  }
0x162: {  	[sflag:s20] =	ssyncset.done $0x0  }
0x163: {  	[sflag:s20] =	ssyncadd.s32 $0xFFFFC000  }
0x164: {  	[spmem:s2] =	stream.indirect.scatter.add.f32 [tilespmem:s18], [sflag:$0x3], $0x80, s16, s17, $0xb8;
	[tilespmem:$0x1C400] =	vst v63  }
0x165: {  	_ =	swait.ge [sflag:s21], $0x4000  }
0x166: {  	[sflag:s21] =	ssyncset.done $0x0  }
0x167: {  	[sflag:s21] =	ssyncadd.s32 $0xFFFFC000  }
0x168: {  	[tilespmem:s18], [sflag:$0x1] =	stream.indirect.gather [hbm4b:s6+s17], $0x80, s22, s17, $0xb8;
	[tilespmem:$0x1C400] =	vst v63  }
0x169: {  	_ =	swait.ge [sflag:s23], $0x4000  }
0x16a: {  	[sflag:s23] =	ssyncset.done $0x0  }
0x16b: {  	[sflag:s23] =	ssyncadd.s32 $0xFFFFC000  }
0x16c: {  	[spmem:s2] =	stream.indirect.scatter.add.f32 [tilespmem:s19], [sflag:$0x4], $0x80, s24, s17, $0xb8;
	[tilespmem:$0x1C400] =	vst v63  }
0x16d: {  	_ =	swait.ge [sflag:s25], $0x4000  }
0x16e: {  	[sflag:s25] =	ssyncset.done $0x0  }
0x16f: {  	[sflag:s25] =	ssyncadd.s32 $0xFFFFC000  }
0x170: {  	[tilespmem:s19], [sflag:$0x2] =	stream.indirect.gather [hbm4b:s6+s17], $0x80, s26, s17, $0xb8;
	[tilespmem:$0x1C400] =	vst v63  }
0x171: {  	_ =	swait.ge [sflag:s20], $0x4000  }
0x172: {  	[sflag:s20] =	ssyncset.done $0x0  }
0x173: {  	[sflag:s20] =	ssyncadd.s32 $0xFFFFC000  }
0x174: {  	[spmem:s2] =	stream.indirect.scatter.add.f32 [tilespmem:s18], [sflag:$0x3], $0x80, s28, s17, $0xb8;
	[tilespmem:$0x1C400] =	vst v63  }
0x175: {  	_ =	swait.ge [sflag:s21], $0x4000  }
0x176: {  	[sflag:s21] =	ssyncset.done $0x0  }
0x177: {  	[sflag:s21] =	ssyncadd.s32 $0xFFFFC000  }
0x178: {  	[tilespmem:s18], [sflag:$0x1] =	stream.indirect.gather [hbm4b:s6+s17], $0x80, s29, s17, $0xb8;
	[tilespmem:$0x1C400] =	vst v63  }
0x179: {  	_ =	swait.ge [sflag:s23], $0x4000  }
0x17a: {  	[sflag:s23] =	ssyncset.done $0x0  }
0x17b: {  	[sflag:s23] =	ssyncadd.s32 $0xFFFFC000  }
0x17c: {  	[spmem:s2] =	stream.indirect.scatter.add.f32 [tilespmem:s19], [sflag:$0x4], $0x80, s30, s17, $0xb8;
	[tilespmem:$0x1C400] =	vst v63  }
0x17d: {  	_ =	swait.ge [sflag:s25], $0x4000  }
0x17e: {  	[sflag:s25] =	ssyncset.done $0x0  }
0x17f: {  	[sflag:s25] =	ssyncadd.s32 $0xFFFFC000  }
0x180: {  	[tilespmem:s19], [sflag:$0x2] =	stream.indirect.gather [hbm4b:s6+s17], $0x80, s31, s17, $0xb8;
	[tilespmem:$0x1C400] =	vst v63  }
0x181: {  	_ =	swait.ge [sflag:s20], $0x4000  }
0x182: {  	[sflag:s20] =	ssyncset.done $0x0  }
0x183: {  	[sflag:s20] =	ssyncadd.s32 $0xFFFFC000  }
0x184: {  	[spmem:s2] =	stream.indirect.scatter.add.f32 [tilespmem:s18], [sflag:$0x3], $0x80, s0, s17, $0xb8;
	[tilespmem:$0x1C400] =	vst v63  }
0x185: {  	_ =	swait.ge [sflag:s21], $0x4000  }
0x186: {  	[sflag:s21] =	ssyncset.done $0x0  }
0x187: {  	[sflag:s21] =	ssyncadd.s32 $0xFFFFC000  }
0x188: {  	[tilespmem:s18], [sflag:$0x1] =	stream.indirect.gather [hbm4b:s6+s17], $0x80, s1, s17, $0xb8;
	[tilespmem:$0x1C400] =	vst v63  }
0x189: {  	_ =	swait.ge [sflag:s23], $0x4000  }
0x18a: {  	[sflag:s23] =	ssyncset.done $0x0  }
0x18b: {  	[sflag:s23] =	ssyncadd.s32 $0xFFFFC000  }
0x18c: {  	[spmem:s2] =	stream.indirect.scatter.add.f32 [tilespmem:s19], [sflag:$0x4], $0x80, s7, s17, $0xb8;
	[tilespmem:$0x1C400] =	vst v63  }
0x18d: {  	_ =	swait.ge [sflag:s25], $0x4000  }
0x18e: {  	[sflag:s25] =	ssyncset.done $0x0  }
0x18f: {  	[sflag:s25] =	ssyncadd.s32 $0xFFFFC000  }
0x190: {  	[tilespmem:s19], [sflag:$0x2] =	stream.indirect.gather [hbm4b:s6+s17], $0x80, s8, s17, $0xb8;
	[tilespmem:$0x1C400] =	vst v63  }
0x191: {  	_ =	swait.ge [sflag:s20], $0x4000  }
0x192: {  	[sflag:s20] =	ssyncset.done $0x0  }
0x193: {  	[sflag:s20] =	ssyncadd.s32 $0xFFFFC000  }
0x194: {  	[spmem:s2] =	stream.indirect.scatter.add.f32 [tilespmem:s18], [sflag:$0x3], $0x80, s9, s17, $0xb8;
	[tilespmem:$0x1C400] =	vst v63  }
0x195: {  	_ =	swait.ge [sflag:s21], $0x4000  }
0x196: {  	[sflag:s21] =	ssyncset.done $0x0  }
0x197: {  	[sflag:s21] =	ssyncadd.s32 $0xFFFFC000  }
0x198: {  	_ =	swait.ge [sflag:s23], $0x4000  }
0x199: {  	[sflag:s23] =	ssyncset.done $0x0  }
0x19a: {  	[sflag:s23] =	ssyncadd.s32 $0xFFFFC000  }
0x19b: {  	[spmem:s2] =	stream.indirect.scatter.add.f32 [tilespmem:s19], [sflag:$0x4], $0x80, s11, s17, $0xb8;
	[tilespmem:$0x1C400] =	vst v63  }
0x19c: {  	_ =	swait.ge [sflag:s25], $0x4000  }
0x19d: {  	s10 =	simm.s32 $0x80;
	s5 =	simm.s32 $0x100;
	[sflag:s25] =	ssyncset.done $0x0  }
.LBB2_6:
0x19e: {  	s22 =	sadd.s32 s10, s13  }
0x19f: {  	[sflag:s25] =	ssyncadd.s32 $0xFFFFC000;
	s24 =	smov.u32 s5;
	s14 =	sadd.s32 $0x80, s5  }
0x1a0: {  	[tilespmem:s3], [sflag:$0x5] =	stream.linear.gather [hbm4b:s22+s3], $0x400, $0x38;
	[tilespmem:$0x1C400] =	vst v63  }
0x1a1: {  	s22 =	simm.s32 $0x100  }
0x1a2: {  	p1 =	sne.s32 s5, $0x980;
	_ =	swait.ge [sflag:s15], $0x400  }
0x1a3: {  	s5 =	sadd.s32 s10, s12;
	[sflag:s15] =	ssyncset.done $0x0  }
0x1a4: {  	s10 =	smov.u32 s24;
	s24 =	simm.s32 $0x480;
	[sflag:s15] =	ssyncadd.s32 $0xFFFFFC00  }
0x1a5: {  	[tilespmem:s16], [sflag:$0x5] =	stream.linear.gather [hbm4b:s5+s3], $0x400, $0x38;
	[tilespmem:$0x1C400] =	vst v63  }
0x1a6: {  	_ =	swait.ge [sflag:s15], $0x400  }
0x1a7: {  	[sflag:s15] =	ssyncset.done $0x0  }
0x1a8: {  	[sflag:s15] =	ssyncadd.s32 $0xFFFFFC00  }
0x1a9: {  	[tilespmem:s18], [sflag:$0x1] =	stream.indirect.gather [hbm4b:s6+s17], $0x80, s3, s17, $0xb8;
	[tilespmem:$0x1C400] =	vst v63  }
0x1aa: {  	_ = 	snop  }
0x1ab: {  	[tilespmem:s19], [sflag:$0x2] =	stream.indirect.gather [hbm4b:s6+s17], $0x80, s17, s17, $0xb8;
	[tilespmem:$0x1C400] =	vst v63  }
0x1ac: {  	_ =	swait.ge [sflag:s20], $0x4000  }
0x1ad: {  	[sflag:s20] =	ssyncset.done $0x0  }
0x1ae: {  	[sflag:s20] =	ssyncadd.s32 $0xFFFFC000  }
0x1af: {  	[spmem:s2] =	stream.indirect.scatter.add.f32 [tilespmem:s18], [sflag:$0x3], $0x80, s16, s17, $0xb8;
	[tilespmem:$0x1C400] =	vst v63  }
0x1b0: {  	_ =	swait.ge [sflag:s21], $0x4000  }
0x1b1: {  	[sflag:s21] =	ssyncset.done $0x0  }
0x1b2: {  	[sflag:s21] =	ssyncadd.s32 $0xFFFFC000  }
0x1b3: {  	[tilespmem:s18], [sflag:$0x1] =	stream.indirect.gather [hbm4b:s6+s17], $0x80, s22, s17, $0xb8;
	[tilespmem:$0x1C400] =	vst v63  }
0x1b4: {  	_ =	swait.ge [sflag:s23], $0x4000  }
0x1b5: {  	[sflag:s23] =	ssyncset.done $0x0  }
0x1b6: {  	[sflag:s23] =	ssyncadd.s32 $0xFFFFC000  }
0x1b7: {  	[spmem:s2] =	stream.indirect.scatter.add.f32 [tilespmem:s19], [sflag:$0x4], $0x80, s24, s17, $0xb8;
	[tilespmem:$0x1C400] =	vst v63  }
0x1b8: {  	_ =	swait.ge [sflag:s25], $0x4000  }
0x1b9: {  	[sflag:s25] =	ssyncset.done $0x0  }
0x1ba: {  	[sflag:s25] =	ssyncadd.s32 $0xFFFFC000  }
0x1bb: {  	[tilespmem:s19], [sflag:$0x2] =	stream.indirect.gather [hbm4b:s6+s17], $0x80, s26, s17, $0xb8;
	[tilespmem:$0x1C400] =	vst v63  }
0x1bc: {  	_ =	swait.ge [sflag:s20], $0x4000  }
0x1bd: {  	[sflag:s20] =	ssyncset.done $0x0  }
0x1be: {  	[sflag:s20] =	ssyncadd.s32 $0xFFFFC000  }
0x1bf: {  	[spmem:s2] =	stream.indirect.scatter.add.f32 [tilespmem:s18], [sflag:$0x3], $0x80, s28, s17, $0xb8;
	[tilespmem:$0x1C400] =	vst v63  }
0x1c0: {  	_ =	swait.ge [sflag:s21], $0x4000  }
0x1c1: {  	[sflag:s21] =	ssyncset.done $0x0  }
0x1c2: {  	[sflag:s21] =	ssyncadd.s32 $0xFFFFC000  }
0x1c3: {  	[tilespmem:s18], [sflag:$0x1] =	stream.indirect.gather [hbm4b:s6+s17], $0x80, s29, s17, $0xb8;
	[tilespmem:$0x1C400] =	vst v63  }
0x1c4: {  	_ =	swait.ge [sflag:s23], $0x4000  }
0x1c5: {  	[sflag:s23] =	ssyncset.done $0x0  }
0x1c6: {  	[sflag:s23] =	ssyncadd.s32 $0xFFFFC000  }
0x1c7: {  	[spmem:s2] =	stream.indirect.scatter.add.f32 [tilespmem:s19], [sflag:$0x4], $0x80, s30, s17, $0xb8;
	[tilespmem:$0x1C400] =	vst v63  }
0x1c8: {  	_ =	swait.ge [sflag:s25], $0x4000  }
0x1c9: {  	[sflag:s25] =	ssyncset.done $0x0  }
0x1ca: {  	[sflag:s25] =	ssyncadd.s32 $0xFFFFC000  }
0x1cb: {  	[tilespmem:s19], [sflag:$0x2] =	stream.indirect.gather [hbm4b:s6+s17], $0x80, s31, s17, $0xb8;
	[tilespmem:$0x1C400] =	vst v63  }
0x1cc: {  	_ =	swait.ge [sflag:s20], $0x4000  }
0x1cd: {  	[sflag:s20] =	ssyncset.done $0x0  }
0x1ce: {  	[sflag:s20] =	ssyncadd.s32 $0xFFFFC000  }
0x1cf: {  	[spmem:s2] =	stream.indirect.scatter.add.f32 [tilespmem:s18], [sflag:$0x3], $0x80, s0, s17, $0xb8;
	[tilespmem:$0x1C400] =	vst v63  }
0x1d0: {  	_ =	swait.ge [sflag:s21], $0x4000  }
0x1d1: {  	[sflag:s21] =	ssyncset.done $0x0  }
0x1d2: {  	[sflag:s21] =	ssyncadd.s32 $0xFFFFC000  }
0x1d3: {  	[tilespmem:s18], [sflag:$0x1] =	stream.indirect.gather [hbm4b:s6+s17], $0x80, s1, s17, $0xb8;
	[tilespmem:$0x1C400] =	vst v63  }
0x1d4: {  	_ =	swait.ge [sflag:s23], $0x4000  }
0x1d5: {  	[sflag:s23] =	ssyncset.done $0x0  }
0x1d6: {  	[sflag:s23] =	ssyncadd.s32 $0xFFFFC000  }
0x1d7: {  	[spmem:s2] =	stream.indirect.scatter.add.f32 [tilespmem:s19], [sflag:$0x4], $0x80, s7, s17, $0xb8;
	[tilespmem:$0x1C400] =	vst v63  }
0x1d8: {  	_ =	swait.ge [sflag:s25], $0x4000  }
0x1d9: {  	[sflag:s25] =	ssyncset.done $0x0  }
0x1da: {  	[sflag:s25] =	ssyncadd.s32 $0xFFFFC000  }
0x1db: {  	[tilespmem:s19], [sflag:$0x2] =	stream.indirect.gather [hbm4b:s6+s17], $0x80, s8, s17, $0xb8;
	[tilespmem:$0x1C400] =	vst v63  }
0x1dc: {  	_ =	swait.ge [sflag:s20], $0x4000  }
0x1dd: {  	[sflag:s20] =	ssyncset.done $0x0  }
0x1de: {  	[sflag:s20] =	ssyncadd.s32 $0xFFFFC000  }
0x1df: {  	[spmem:s2] =	stream.indirect.scatter.add.f32 [tilespmem:s18], [sflag:$0x3], $0x80, s9, s17, $0xb8;
	[tilespmem:$0x1C400] =	vst v63  }
0x1e0: {  	_ =	swait.ge [sflag:s21], $0x4000  }
0x1e1: {  	[sflag:s21] =	ssyncset.done $0x0  }
0x1e2: {  	[sflag:s21] =	ssyncadd.s32 $0xFFFFC000  }
0x1e3: {  	_ =	swait.ge [sflag:s23], $0x4000  }
.Ltmp5:
0x1e4: {  	[sflag:s23] =	ssyncset.done $0x0;
	(pc) =	sbr.rel @p1 .LBB2_6-.Ltmp5, $4  }
0x1e5: {  	[sflag:s23] =	ssyncadd.s32 $0xFFFFC000  }
0x1e6: {  	[spmem:s2] =	stream.indirect.scatter.add.f32 [tilespmem:s19], [sflag:$0x4], $0x80, s11, s17, $0xb8;
	[tilespmem:$0x1C400] =	vst v63  }
0x1e7: {  	_ =	swait.ge [sflag:s25], $0x4000  }
0x1e8: {  	s5 =	smov.u32 s14;
	[sflag:s25] =	ssyncset.done $0x0  }
.Ltmp6:
0x1e9: {  	_ = 	snop;
	(pc) =	sbr.rel .LBB2_7-.Ltmp6, $1  }
0x1ea: {  	_ =	sdelay $0x3  }
.LBB2_9:
0x1eb: {  	_ =	sfence.sel $0x180000  }
0x1ec: {  	[bflag:$0x0] =	sbarrier.arrive $0xFFFF  }
0x1ed: {  	_ =	strace $0x9000004D  }
0x1ee: {  	s0 =	stileid.u32;
	[bflag:$0x2] =	sbarrier.arrive $0xFFFF  }
0x1ef: {  	p0 =	sne.s32 s0, $0x0;
	s0 =	rddreg [dreg:$0x2]  }
0x1f0: {  	s0 =	sadd.s32 @!p0 $0x100000, s0  }
0x1f1: {  	[sflag:s0] =	ssyncadd.tile.s32 @!p0 $0x1;
	_ =	shalt  }
.Lfunc_end2:
_tile_overlayer_lowered:
.L_overlay_start_2:
0x1f2: {  	(tag) =	ssettag $0x2  }
0x1f3: {  	s0 =	rddreg [dreg:$0x0];
	s2 =	stileid.u32  }
0x1f4: {  	s1 =	rddreg [dreg:$0x1];
	p0 =	sne.s32 s2, $0x0  }
0x1f5: {  	s3 =	rddreg [dreg:$0x2];
	[bflag:$0x3] =	sbarrier.arrive $0xFFFF;
	s2 =	simm.s32 @!p0 $0x1C05  }
0x1f6: {  	[timem:s3], [sflag:s2] =	dma.local @!p0 [hbm:s0], s1  }
0x1f7: {  	s0 =	simm.s32 @!p0 $0x5  }
0x1f8: {  	_ =	swait.ge @!p0 [sflag:s0], s1  }
0x1f9: {  	s1 =	ssub.s32 @!p0 $0x0, s1;
	[sflag:s0] =	ssyncset.done @!p0 $0x0  }
0x1fa: {  	[sflag:s0] =	ssyncadd.s32 @!p0 s1  }
0x1fb: {  	[bflag:$0x3] =	sbarrier.arrive $0xFFFF  }
0x1fc: {  	_ =	shalt  }

// kernel: kernel.7.cloned.1.call-start
scs
__scs_entry_jumppad:
0x0: {  	(pc) =	sbr.rel $0x88, $3  }
0x1: {  	(tag) =	ssettag $0x0;
	lr =	simm.s32 $0x1  }
0x2: {  	[smem:$0x3F87] =	sst lr;
	_ =	strace $0xD0000000  }
0x3: {  	_ = 	snop  }
0x4: {  	_ = 	snop  }
0x5: {  	_ = 	snop  }
0x6: {  	_ = 	snop  }
0x7: {  	_ = 	snop  }
__scs_overlays_trampoline_lowered:
0x8: {  	[smem:$0x3F96] =	sst s0  }
0x9: {  	[smem:$0x3F97] =	sst s1  }
0xa: {  	[smem:$0x3F98] =	sst s2  }
0xb: {  	[smem:$0x3F99] =	sst s3  }
0xc: {  	[smem:$0x3F9A] =	sst s4  }
0xd: {  	[smem:$0x3F9B] =	sst s5  }
0xe: {  	[smem:$0x3F9C] =	sst s6  }
0xf: {  	[smem:$0x3F9D] =	sst s7  }
0x10: {  	[smem:$0x3F9E] =	sst s8  }
0x11: {  	[smem:$0x3F9F] =	sst s9;
	s0 =	simm.s32 @!p0 $0x0  }
0x12: {  	s1 =	sld [smem:$0x3F85];
	s0 =	simm.s32 @p0 $0x1  }
0x13: {  	[smem:$0x3FA0] =	sst s0;
	s0 =	simm.s32 @!p1 $0x0  }
0x14: {  	s2 =	sld [smem:$0x3F84];
	s0 =	simm.s32 @p1 $0x1  }
0x15: {  	[smem:$0x3FA1] =	sst s0;
	s0 =	simm.s32 @!p2 $0x0  }
0x16: {  	s3 =	sld [smem:$0x3FDB];
	s0 =	simm.s32 @p2 $0x1  }
0x17: {  	s4 =	simm.s32 $0x1BF5;
	[smem:$0x3FA3] =	sst s0  }
0x18: {  	s0 =	sld [smem:$0x3F86];
	_ =	swait.ge [sflag:s4], $0x0  }
0x19: {  	s7 =	sld [smem:$0x3F87]  }
0x1a: {  	s8 =	sadd.s32 $0xFFFFE003, lr  }
0x1b: {  	s9 =	sadd.s32 $0xFFFFFEF7, lr;
	s5 =	simm.s32 $0xFFFFFFFF;
	p2 =	slt.u32 s8, $0xFFFFF086  }
0x1c: {  	p1 =	slt.u32 s9, $0xF7A;
	s5 =	simm.s32 @!p2 $0x0  }
0x1d: {  	s5 =	simm.s32 @p1 $0x1;
	p0 =	seq.s32 s7, s2  }
0x1e: {  	s7 =	smul.u32 @!p0 $0xF7A, s2;
	p2 =	seq.s32 @!p0 s5, $0x0  }
0x1f: {  	s9 =	smul.u32 $0xF7A, s1;
	s8 =	simm.s32 @!p0 $0x1BF5;
	p2 =	por !p2, p0  }
0x20: {  	[sflag:s8] =	ssyncset.s32 @!p0 $0xFFFFF086;
	s6 =	sadd.s32 @!p0 s3, s7;
	s7 =	simm.s32 @!p0 $0x108  }
0x21: {  	s3 =	sadd.s32 s3, s9;
	s6 =	sadd.s32 @!p0 $0x88, s6;
	s7 =	simm.s32 @p2 $0x1082  }
0x22: {  	[simem:s7], [sflag:s8] =	dma.local @!p0 [hbm:s6], $0xF7A  }
0x23: {  	s9 =	sor.u32 $0xD0000000, s2;
	s6 =	simm.s32 $0x108;
	_ =	swait.ge @!p0 [sflag:s8], $0x0  }
0x24: {  	s3 =	sadd.s32 $0x88, s3;
	s6 =	simm.s32 @!p1 $0x1082;
	[sflag:s4] =	ssyncset.s32 $0xFFFFF086  }
0x25: {  	[simem:s6], [sflag:s4] =	dma.local [hbm:s3], $0xF7A  }
0x26: {  	[smem:$0x3F87] =	sst s1;
	(tag) =	ssettag s2;
	_ =	strace s9  }
0x27: {  	s1 =	sld [smem:$0x3F97]  }
0x28: {  	s2 =	sld [smem:$0x3F98]  }
0x29: {  	s4 =	sld [smem:$0x3F9A]  }
0x2a: {  	p0 =	seq.s32 s5, $0x0;
	s5 =	sld [smem:$0x3F9B]  }
0x2b: {  	s6 =	sld [smem:$0x3F9C]  }
0x2c: {  	s7 =	sld [smem:$0x3F9D]  }
0x2d: {  	s3 =	simm.s32 $0x108;
	s8 =	sld [smem:$0x3F9E]  }
0x2e: {  	s3 =	simm.s32 @!p0 $0x1082;
	s9 =	sld [smem:$0x3F9F]  }
0x2f: {  	lr =	sadd.s32 s0, s3;
	s0 =	sld [smem:$0x3F96]  }
0x30: {  	s3 =	sld [smem:$0x3F99]  }
0x31: {  	[smem:$0x3FA2] =	sst s10  }
0x32: {  	s10 =	sld [smem:$0x3FA0];
	_ =	sdelay $0x3  }
0x33: {  	p0 =	seq.s32 s10, $0x1;
	s10 =	sld [smem:$0x3FA2];
	_ =	sdelay $0x3  }
0x34: {  	[smem:$0x3FA2] =	sst s10  }
0x35: {  	s10 =	sld [smem:$0x3FA1];
	_ =	sdelay $0x3  }
0x36: {  	p1 =	seq.s32 s10, $0x1;
	s10 =	sld [smem:$0x3FA2];
	_ =	sdelay $0x3  }
0x37: {  	[smem:$0x3FA2] =	sst s10  }
0x38: {  	s10 =	sld [smem:$0x3FA3]  }
0x39: {  	_ = 	snop;
	(pc) =	sbr.ind lr, $3  }
0x3a: {  	_ = 	snop  }
0x3b: {  	_ = 	snop  }
0x3c: {  	p2 =	seq.s32 s10, $0x1;
	s10 =	sld [smem:$0x3FA2]  }
0x3d: {  	_ =	shalt  }
0x3e: {  	_ =	shalt  }
0x3f: {  	_ =	shalt  }
0x40: {  	_ =	shalt  }
0x41: {  	_ =	shalt  }
0x42: {  	_ =	shalt  }
0x43: {  	_ =	shalt  }
0x44: {  	_ =	shalt  }
0x45: {  	_ =	shalt  }
0x46: {  	_ =	shalt  }
0x47: {  	_ =	shalt  }
0x48: {  	_ =	shalt  }
0x49: {  	_ =	shalt  }
0x4a: {  	_ =	shalt  }
0x4b: {  	_ =	shalt  }
0x4c: {  	_ =	shalt  }
0x4d: {  	_ =	shalt  }
0x4e: {  	_ =	shalt  }
0x4f: {  	_ =	shalt  }
0x50: {  	_ =	shalt  }
0x51: {  	_ =	shalt  }
0x52: {  	_ =	shalt  }
0x53: {  	_ =	shalt  }
0x54: {  	_ =	shalt  }
0x55: {  	_ =	shalt  }
0x56: {  	_ =	shalt  }
0x57: {  	_ =	shalt  }
0x58: {  	_ =	shalt  }
0x59: {  	_ =	shalt  }
0x5a: {  	_ =	shalt  }
0x5b: {  	_ =	shalt  }
0x5c: {  	_ =	shalt  }
0x5d: {  	_ =	shalt  }
0x5e: {  	_ =	shalt  }
0x5f: {  	_ =	shalt  }
0x60: {  	_ =	shalt  }
0x61: {  	_ =	shalt  }
0x62: {  	_ =	shalt  }
0x63: {  	_ =	shalt  }
0x64: {  	_ =	shalt  }
0x65: {  	_ =	shalt  }
0x66: {  	_ =	shalt  }
0x67: {  	_ =	shalt  }
0x68: {  	_ =	shalt  }
0x69: {  	_ =	shalt  }
0x6a: {  	_ =	shalt  }
0x6b: {  	_ =	shalt  }
0x6c: {  	_ =	shalt  }
0x6d: {  	_ =	shalt  }
0x6e: {  	_ =	shalt  }
0x6f: {  	_ =	shalt  }
0x70: {  	_ =	shalt  }
0x71: {  	_ =	shalt  }
0x72: {  	_ =	shalt  }
0x73: {  	_ =	shalt  }
0x74: {  	_ =	shalt  }
0x75: {  	_ =	shalt  }
0x76: {  	_ =	shalt  }
0x77: {  	_ =	shalt  }
0x78: {  	_ =	shalt  }
0x79: {  	_ =	shalt  }
0x7a: {  	_ =	shalt  }
0x7b: {  	_ =	shalt  }
0x7c: {  	_ =	shalt  }
0x7d: {  	_ =	shalt  }
0x7e: {  	_ =	shalt  }
0x7f: {  	_ =	shalt  }
0x80: {  	_ =	shalt  }
0x81: {  	_ =	shalt  }
0x82: {  	_ =	shalt  }
0x83: {  	_ =	shalt  }
0x84: {  	_ =	shalt  }
0x85: {  	_ =	shalt  }
0x86: {  	_ =	shalt  }
0x87: {  	_ =	shalt  }
.Lfunc_end0:
.L_simem_size_0:
called_computation_lowered:
.L_overlay_start_0:
0x88: {  	s2 =	sld [smem:$0x3FD9]  }
0x89: {  	s3 =	sld [smem:$0x3FFE];
	_ =	sdelay $0x1  }
0x8a: {  	s1 =	srdreg.scid  }
0x8b: {  	s0 =	sand.u32 $0x1, s1  }
0x8c: {  	s17 =	sshll.u32 s0, $0xA;
	s2 =	sadd.s32 s3, s2  }
0x8d: {  	s2 =	sadd.s32 s2, s17  }
0x8e: {  	[smem:$0x3FAE] =	sst s2  }
0x8f: {  	_ = 	snop  }
0x90: {  	(tm) =	ssettm $0x1  }
0x91: {  	s18 =	sld [smem:$0x3FFB];
	_ =	sdelay $0x3  }
0x92: {  	_ =	strace s18  }
0x93: {  	s2 =	sld [smem:$0x3FFC];
	_ =	sdelay $0x3  }
0x94: {  	_ =	strace s2  }
0x95: {  	s2 =	sld [smem:$0x3FFD];
	_ =	sdelay $0x3  }
0x96: {  	_ =	strace s2  }
0x97: {  	_ =	strace $0x8FFFFFFF  }
0x98: {  	s19 =	sld [smem:$0x3FDB];
	_ =	sdelay $0x1  }
0x99: {  	s20 =	simm.s32 $_scs_section_size  }
0x9a: {  	s4 =	simm.s32 $_size__tile_overlayer_lowered;
	s5 =	simm.s32 $_tile_overlayer_lowered  }
0x9b: {  	s6 =	simm.s32 $0x1BFF;
	s21 =	sshll.u32 s5, $0x1;
	s3 =	sadd.s32 s20, s19  }
0x9c: {  	s22 =	simm.s32 $0x0;
	s4 =	sshll.u32 s4, $0x1;
	s5 =	sadd.s32 s21, s3  }
0x9d: {  	[timem:s22], [sflag:s6] =	dma.local [hbm:s5], s4  }
0x9e: {  	_ =	swait.ge [sflag:s6], s4  }
0x9f: {  	s4 =	ssub.s32 $0x0, s4;
	[sflag:s6] =	ssyncset.done $0x0  }
0xa0: {  	[sflag:s6] =	ssyncadd.s32 s4;
	_ =	sdelay $0x1  }
0xa1: {  	s23 =	simm.s32 $0x1B8B  }
0xa2: {  	_ =	swait.ge [sflag:s23], $0x1  }
0xa3: {  	[sflag:s23] =	ssyncset.done $0x0  }
0xa4: {  	[sflag:s23] =	ssyncadd.s32 $0xFFFFFFFF  }
0xa5: {  	s4 =	sld [smem:$0x0]  }
0xa6: {  	s5 =	sand.u32 $0xFFFFFFFE, s1  }
0xa7: {  	p0 =	sne.s32 s1, s5  }
0xa8: {  	s5 =	sshll.u32 @p0 s5, $0xE  }
0xa9: {  	s5 =	sadd.s32 @p0 $0x11B8D, s5;
	s6 =	sshll.u32 @p0 s4, $0x11  }
0xaa: {  	s5 =	sor.u32 @p0 s6, s5  }
0xab: {  	[sflag:s5] =	ssyncadd.remote.s32 @p0 $0x1;
	_ =	sdelay $0x1  }
0xac: {  	s5 =	simm.s32 @p0 $0x1B8D  }
0xad: {  	_ =	swait.eq @p0 [sflag:s5], $0x1  }
0xae: {  	[sflag:s5] =	ssyncadd.s32 @p0 $0xFFFFFFFF  }
0xaf: {  	s6 =	sshll.u32 @!p0 s1, $0xE  }
0xb0: {  	s6 =	sor.u32 @!p0 $0x4000, s6;
	s5 =	simm.s32 @!p0 $0x1B8D  }
0xb1: {  	s4 =	sshll.u32 @!p0 s4, $0x11;
	s6 =	sadd.s32 @!p0 $0x11B8D, s6;
	_ =	swait.eq @!p0 [sflag:s5], $0x1  }
0xb2: {  	s4 =	sor.u32 @!p0 s4, s6;
	[sflag:s5] =	ssyncadd.s32 @!p0 $0xFFFFFFFF  }
0xb3: {  	s25 =	simm.s32 $0x1B8E;
	s24 =	sld [smem:$0x3FFE];
	[sflag:s4] =	ssyncadd.remote.s32 @!p0 $0x1  }
0xb4: {  	s26 =	simm.s32 $execute0_lowered;
	[smem:$0x3FD2] =	sst s25  }
0xb5: {  	s5 =	sshll.u32 s26, $0x1;
	_ =	strace $0x80000049;
	[dreg:$0x1] =	wrdreg $0xFFFFFFFF  }
0xb6: {  	s28 =	simm.s32 $_size_execute0_lowered;
	s3 =	sadd.s32 s3, s5;
	[dreg:$0x0] =	wrdreg $0x0  }
0xb7: {  	s5 =	sshll.u32 s28, $0x1;
	[dreg:$0x2] =	wrdreg s3  }
0xb8: {  	[dreg:$0x3] =	wrdreg s5  }
0xb9: {  	[dreg:$0x4] =	wrdreg $0xC0  }
0xba: {  	_ =	task [dreg:s22], $0x5FFFF  }
0xbb: {  	[dreg:$0x1] =	wrdreg $0xFFFFFFFF  }
0xbc: {  	[dreg:$0x0] =	wrdreg $0x60  }
0xbd: {  	[dreg:$0x2] =	wrdreg s24  }
0xbe: {  	[dreg:$0x3] =	wrdreg $0x40800  }
0xbf: {  	[dreg:$0x4] =	wrdreg $0x9  }
0xc0: {  	_ =	task.clear_ibuf [dreg:s22], $0x5FFFF;
	_ =	strace $0x90000049  }
0xc1: {  	s29 =	simm.s32 $0x9;
	_ =	strace $0x8000004B  }
0xc2: {  	_ =	swait.ge [sflag:s29], $0x1  }
0xc3: {  	[sflag:s29] =	ssyncadd.s32 $0xFFFFFFFF  }
0xc4: {  	_ =	strace $0x9000004B  }
0xc5: {  	_ =	sfence  }
0xc6: {  	s30 =	sld [smem:$0x0];
	_ =	sdelay $0x2  }
0xc7: {  	s31 =	sshll.u32 s1, $0xD;
	s1 =	sshrl.u32 s1, $0x2  }
0xc8: {  	s4 =	sand.u32 $0x4000, s31;
	s1 =	sadd.s32 s1, s30  }
0xc9: {  	s0 =	sor.u32 s4, s0;
	s1 =	sshll.u32 s1, $0x11  }
0xca: {  	s0 =	sor.u32 s1, s0  }
0xcb: {  	s0 =	sadd.s32 $0x8F2B, s0  }
0xcc: {  	[sflag:s0] =	ssyncadd.remote.s32 $0x1  }
0xcd: {  	_ =	sfence.sel $0xFFFF  }
0xce: {  	[dreg:$0x0] =	wrdreg $0xFFFFFFFF;
	(pc) =	sbr.abs _section_cstart, $3  }
0xcf: {  	[dreg:$0x1] =	wrdreg $0xFFFFFFFF  }
0xd0: {  	_ =	task.clear_ibuf [dreg:s22], $0x2FFFF;
	_ =	strace $0x9FFFFFFF  }
0xd1: {  	(tm) =	ssettm $0x7FFFFFFF  }
tec
execute0_lowered:
.L_overlay_start_1:
0x0: {  	(tag) =	ssettag $0x1  }
0x1: {  	s4 =	rddreg [dreg:$0x0]  }
0x2: {  	s2 =	rddreg [dreg:$0x1]  }
0x3: {  	s1 =	stileid.u32;
	s0 =	rddreg [dreg:$0x2];
	s3 =	simm.s32 $0x0  }
0x4: {  	s7 =	srdreg.scid;
	s13 =	simm.s32 $0xC2E00;
	s5 =	smul.u32 $0xA00, s1  }
0x5: {  	s6 =	smul.u32 $0x2780, s1;
	[smem:$0x7FF] =	sst s3;
	s7 =	sand.u32 $0x1, s7  }
0x6: {  	s8 =	smul.u32 $0x4F000, s1;
	s30 =	sshll.u32 s1, $0x6;
	_ =	strace $0x8000004A  }
0x7: {  	s28 =	ssub.s32 $0x2, s7;
	s31 =	smul.u32 $0x500, s7;
	p0 =	seq.s32 s7, $0x1  }
0x8: {  	s9 =	sadd.s32 s5, s4;
	s10 =	sadd.s32 s6, s4;
	s29 =	sshrl.u32 s28, $0x1  }
0x9: {  	s8 =	sshrl.u32 s8, $0x2;
	s4 =	sadd.s32 $0x9AE00, s4;
	s6 =	sor.u32 $0x1C01, s30  }
0xa: {  	s13 =	simm.s32 @!p0 $0x9B600;
	s11 =	ssub.s32 s28, s29;
	s12 =	sadd.s32 s8, s2  }
0xb: {  	s5 =	sadd.s32 $0x24600, s10;
	s9 =	sadd.s32 s31, s9;
	s8 =	sadd.s32 s13, s10  }
0xc: {  	s13 =	simm.s32 $0x0;
	s7 =	smax.u32 s11, $0x1;
	s9 =	sadd.s32 $0x6600, s9  }
0xd: {  	s10 =	sshrl.u32 s12, $0x3;
	s11 =	simm.s32 $0x1;
	s12 =	simm.s32 $0x80  }
.LBB2_1:
0xe: {  	[spmem:s10], [sflag:s6] =	dma.local [hbm:s5], $0x2780  }
0xf: {  	_ =	swait.ge [sflag:s11], $0x2780  }
0x10: {  	[sflag:s11] =	ssyncset.done $0x0  }
0x11: {  	[sflag:s11] =	ssyncadd.s32 $0xFFFFD880  }
0x12: {  	[tilespmem:s12], [sflag:$0x1] =	stream.linear.gather [hbm4b:s4+s3], $0x4000, $0x38;
	[tilespmem:$0x17C80] =	vst v63  }
0x13: {  	_ =	swait.ge [sflag:s11], $0x4000  }
0x14: {  	[sflag:s11] =	ssyncset.done $0x0  }
0x15: {  	[sflag:s11] =	ssyncadd.s32 $0xFFFFC000  }
0x16: {  	s14 =	sadd.s32 $0x0, s9;
	[bflag:$0x0] =	sbarrier.arrive $0xFFFF  }
0x17: {  	[tilespmem:s3], [sflag:$0x1] =	stream.linear.gather [hbm4b:s14+s3], $0x80, $0x38;
	[tilespmem:$0x17C80] =	vst v63  }
0x18: {  	_ =	swait.ge [sflag:s11], $0x80  }
0x19: {  	[sflag:s11] =	ssyncset.done $0x0  }
0x1a: {  	[sflag:s11] =	ssyncadd.s32 $0xFFFFFF80  }
0x1b: {  	[spmem:s2] =	stream.indirect.scatter.add.f32 [tilespmem:s12], [sflag:$0x1], $0x80, s3, s12, $0xb8;
	[tilespmem:$0x17C80] =	vst v63  }
0x1c: {  	_ =	swait.ge [sflag:s11], $0x4000  }
0x1d: {  	s15 =	simm.s32 $0x20;
	s14 =	simm.s32 $0x10;
	[sflag:s11] =	ssyncset.done $0x0  }
.LBB2_2:
0x1e: {  	s16 =	sadd.s32 s14, s9  }
0x1f: {  	[sflag:s11] =	ssyncadd.s32 $0xFFFFC000;
	s14 =	smov.u32 s15;
	s17 =	sadd.s32 $0x10, s15  }
0x20: {  	[tilespmem:s3], [sflag:$0x1] =	stream.linear.gather [hbm4b:s16+s3], $0x80, $0x38;
	[tilespmem:$0x17C80] =	vst v63  }
0x21: {  	p0 =	sne.s32 s15, $0x4F0;
	_ =	swait.ge [sflag:s11], $0x80  }
.Ltmp0:
0x22: {  	[sflag:s11] =	ssyncset.done $0x0;
	(pc) =	sbr.rel @p0 .LBB2_2-.Ltmp0, $4  }
0x23: {  	[sflag:s11] =	ssyncadd.s32 $0xFFFFFF80  }
0x24: {  	[spmem:s2] =	stream.indirect.scatter.add.f32 [tilespmem:s12], [sflag:$0x1], $0x80, s3, s12, $0xb8;
	[tilespmem:$0x17C80] =	vst v63  }
0x25: {  	_ =	swait.ge [sflag:s11], $0x4000  }
0x26: {  	s15 =	smov.u32 s17;
	[sflag:s11] =	ssyncset.done $0x0  }
0x27: {  	s14 =	sadd.s32 s14, s9;
	[sflag:s11] =	ssyncadd.s32 $0xFFFFC000  }
0x28: {  	[tilespmem:s3], [sflag:$0x1] =	stream.linear.gather [hbm4b:s14+s3], $0x80, $0x38;
	[tilespmem:$0x17C80] =	vst v63  }
0x29: {  	_ =	swait.ge [sflag:s11], $0x80  }
0x2a: {  	[sflag:s11] =	ssyncset.done $0x0  }
0x2b: {  	[sflag:s11] =	ssyncadd.s32 $0xFFFFFF80  }
0x2c: {  	[spmem:s2] =	stream.indirect.scatter.add.f32 [tilespmem:s12], [sflag:$0x1], $0x80, s3, s12, $0xb8;
	[tilespmem:$0x17C80] =	vst v63  }
0x2d: {  	_ =	swait.ge [sflag:s11], $0x4000  }
0x2e: {  	s13 =	sadd.s32 $0x1, s13;
	[sflag:s11] =	ssyncset.done $0x0  }
0x2f: {  	p0 =	sne.s32 s13, s7;
	[sflag:s11] =	ssyncadd.s32 $0xFFFFC000  }
.Ltmp1:
0x30: {  	[bflag:$0x0] =	sbarrier.arrive $0xFFFF;
	(pc) =	sbr.rel @p0 .LBB2_1-.Ltmp1, $4  }
0x31: {  	[hbm:s8], [sflag:s6] =	dma.local [spmem:s10], $0x2780  }
0x32: {  	_ =	swait.ge [sflag:s11], $0x2780  }
0x33: {  	[sflag:s11] =	ssyncset.done $0x0  }
0x34: {  	[sflag:s11] =	ssyncadd.s32 $0xFFFFD880  }
0x35: {  	_ =	sfence.sel $0x180000  }
0x36: {  	[bflag:$0x0] =	sbarrier.arrive $0xFFFF  }
0x37: {  	p0 =	sne.s32 s1, $0x0;
	_ =	strace $0x9000004A  }
0x38: {  	s0 =	sadd.s32 @!p0 $0x100000, s0;
	[bflag:$0x2] =	sbarrier.arrive $0xFFFF  }
0x39: {  	[sflag:s0] =	ssyncadd.tile.s32 @!p0 $0x1;
	_ =	shalt  }
.Lfunc_end2:
_tile_overlayer_lowered:
.L_overlay_start_2:
0x3a: {  	(tag) =	ssettag $0x2  }
0x3b: {  	s0 =	rddreg [dreg:$0x0];
	s2 =	stileid.u32  }
0x3c: {  	s1 =	rddreg [dreg:$0x1];
	p0 =	sne.s32 s2, $0x0  }
0x3d: {  	s3 =	rddreg [dreg:$0x2];
	[bflag:$0x3] =	sbarrier.arrive $0xFFFF;
	s2 =	simm.s32 @!p0 $0x1C01  }
0x3e: {  	[timem:s3], [sflag:s2] =	dma.local @!p0 [hbm:s0], s1  }
0x3f: {  	s0 =	simm.s32 @!p0 $0x1  }
0x40: {  	_ =	swait.ge @!p0 [sflag:s0], s1  }
0x41: {  	s1 =	ssub.s32 @!p0 $0x0, s1;
	[sflag:s0] =	ssyncset.done @!p0 $0x0  }
0x42: {  	[sflag:s0] =	ssyncadd.s32 @!p0 s1  }
0x43: {  	[bflag:$0x3] =	sbarrier.arrive $0xFFFF  }
0x44: {  	_ =	shalt  }

</sc_bundles>
